<compile_context>
chip_gen: v7x
topology: tpu7x:2x2x1
jax: 0.10.2.dev20260603
libtpu: 0.0.44.dev20260713+nightly
codegen_flags: <defaults>
</compile_context>

<pallas_src>
import functools

import jax
import jax.numpy as jnp
from jax import lax
from jax.experimental import pallas as pl
from jax.experimental.pallas import tpu as pltpu
from jax.experimental.pallas import tpu_sc as plsc

N_TRAIN = 100000
D = 128
RES = 2048
Q = 16
M = 32
ALPHA = 0.1

NC = 2
NS = 16
NW = NC * NS
STRIDE = 3120
RPW = 3200
CH = 160
NCHUNK = RPW // CH
GPC = CH // 16

SROW = 8
SCOL = N_TRAIN // SROW
BIG = 3.0e38
IBIG = 2**31 - 1


def _sc_dist(x_hbm, q2b_hbm, d_hbm, buf_a, buf_b, qb_ref, dbuf_ref,
             sem_a, sem_b, sem_q, sem_d):
    wid = lax.axis_index("s") * NC + lax.axis_index("c")
    base = jnp.where(wid == NW - 1, N_TRAIN - RPW, wid * STRIDE)

    pltpu.make_async_copy(q2b_hbm, qb_ref, sem_q).start()

    def copy(ci, buf, sem):
        return pltpu.make_async_copy(
            x_hbm.at[pl.ds((base + ci * CH) * D, CH * D)], buf, sem)

    copy(0, buf_a, sem_a).start()
    pltpu.make_async_copy(q2b_hbm, qb_ref, sem_q).wait()

    lanes = lax.iota(jnp.int32, 16)
    q2 = [qb_ref[pl.ds(16 * kk, 16)] for kk in range(8)]

    def do_chunk(ci, buf):
        def g_body(g, carry):
            dv = jnp.zeros((16,), jnp.float32)
            rb = g * (16 * D)
            for rr in range(16):
                acc = None
                for kk in range(8):
                    xv = buf[pl.ds(rb + rr * D + kk * 16, 16)]
                    t = xv * (xv - q2[kk])
                    acc = t if acc is None else acc + t
                s = jnp.sum(acc)
                dv = jnp.where(lanes == rr, s, dv)
            dbuf_ref[pl.ds(ci * CH + g * 16, 16)] = dv
            return carry

        lax.fori_loop(0, GPC, g_body, 0)

    def pair(i0, carry):
        ci = 2 * i0
        copy(ci, buf_a, sem_a).wait()
        copy(ci + 1, buf_b, sem_b).start()
        do_chunk(ci, buf_a)
        copy(ci + 1, buf_b, sem_b).wait()

        @pl.when(ci + 2 < NCHUNK)
        def _():
            copy(ci + 2, buf_a, sem_a).start()

        do_chunk(ci + 1, buf_b)
        return carry

    lax.fori_loop(0, NCHUNK // 2, pair, 0)

    pltpu.make_async_copy(dbuf_ref, d_hbm.at[pl.ds(base, RPW)], sem_d).start()
    pltpu.make_async_copy(dbuf_ref, d_hbm.at[pl.ds(base, RPW)], sem_d).wait()


def _tc_finish(d_in, newx_ref, b0_ref, cw_ref, x_any, y_any,
               out_ref, s_ref, xm_ref, ym_ref, idx_ref, sem_x, sem_y):
    hi = lax.Precision.HIGHEST

    s_ref[...] = d_in[...]
    rows = lax.broadcasted_iota(jnp.int32, (SROW, SCOL), 0)
    cols = lax.broadcasted_iota(jnp.int32, (SROW, SCOL), 1)
    flat = rows * SCOL + cols

    def select(t, carry):
        s = s_ref[...]
        m = jnp.min(s)
        fi = jnp.min(jnp.where(s == m, flat, IBIG))
        s_ref[...] = jnp.where(flat == fi, BIG, s)
        idx_ref[t] = fi
        return carry

    lax.fori_loop(0, M, select, 0, unroll=False)

    def fire(t, carry):
        r = idx_ref[t]
        pltpu.make_async_copy(
            x_any.at[pl.ds(r, 1)], xm_ref.at[pl.ds(t, 1)], sem_x).start()
        pltpu.make_async_copy(
            y_any.at[pl.ds(r, 1)], ym_ref.at[pl.ds(t, 1)], sem_y).start()
        return carry

    def drain(t, carry):
        r = idx_ref[t]
        pltpu.make_async_copy(
            x_any.at[pl.ds(r, 1)], xm_ref.at[pl.ds(t, 1)], sem_x).wait()
        pltpu.make_async_copy(
            y_any.at[pl.ds(r, 1)], ym_ref.at[pl.ds(t, 1)], sem_y).wait()
        return carry

    lax.fori_loop(0, M, fire, 0, unroll=False)
    lax.fori_loop(0, M, drain, 0, unroll=False)

    xm = xm_ref[...]
    ym = ym_ref[...]
    nx = newx_ref[...]
    b0 = b0_ref[...]
    cw = cw_ref[...]

    def act(z):
        return (jnp.exp(-z * z) + jnp.maximum(z, 0.0) + jnp.tanh(z)) / 3.0

    zm = b0 + lax.dot_general(cw, xm, (((1,), (1,)), ((), ())), precision=hi)
    zq = b0 + lax.dot_general(cw, nx, (((1,), (1,)), ((), ())), precision=hi)
    f = act(zm)
    hn = act(zq)

    xmean = jnp.mean(f, axis=1, keepdims=True)
    fc = f - xmean
    ymean = jnp.mean(ym, axis=0, keepdims=True)
    yc = ym - ymean

    g = lax.dot_general(fc, fc, (((0,), (0,)), ((), ())), precision=hi)
    ri = lax.broadcasted_iota(jnp.int32, (M, M), 0)
    ci = lax.broadcasted_iota(jnp.int32, (M, M), 1)
    g = g + jnp.where(ri == ci, jnp.float32(ALPHA), 0.0)

    W = M + D + M
    aug = jnp.concatenate(
        [g, yc, jnp.where(ri == ci, 1.0, 0.0).astype(jnp.float32)], axis=1)
    arow = lax.broadcasted_iota(jnp.int32, (M, W), 0)
    acol = lax.broadcasted_iota(jnp.int32, (M, W), 1)

    def gj(kk, m_):
        p = jnp.sum(jnp.where((arow == kk) & (acol == kk), m_, 0.0))
        colk = jnp.sum(jnp.where(acol == kk, m_, 0.0), axis=1, keepdims=True)
        rowk = jnp.sum(jnp.where(arow == kk, m_, 0.0), axis=0,
                       keepdims=True) / p
        m_ = m_ - colk * rowk
        return jnp.where(arow == kk, rowk, m_)

    aug = lax.fori_loop(0, M, gj, aug)
    beta = aug[:, M:M + D]
    ginv = aug[:, M + D:]
    resid = yc - lax.dot_general(g, beta, (((1,), (0,)), ((), ())),
                                 precision=hi)
    beta = beta + lax.dot_general(ginv, resid, (((1,), (0,)), ((), ())),
                                  precision=hi)

    u = lax.dot_general(hn, fc, (((0,), (0,)), ((), ())), precision=hi)
    v = lax.dot_general(xmean, fc, (((0,), (0,)), ((), ())), precision=hi)
    pred = lax.dot_general(u - v, beta, (((1,), (0,)), ((), ())),
                           precision=hi)
    out_ref[...] = pred + ymean


def kernel(x, y, new_x, bias, C, k):
    del k

    q2b = 2.0 * new_x[0]
    b0 = bias + C[:, 0:1]
    cw = C[:, 1:]

    mesh = plsc.VectorSubcoreMesh(core_axis_name="c", subcore_axis_name="s")
    sc_dist = functools.partial(
        pl.kernel,
        mesh=mesh,
        compiler_params=pltpu.CompilerParams(needs_layout_passes=False),
        out_type=jax.ShapeDtypeStruct((N_TRAIN,), jnp.float32),
        scratch_types=[
            pltpu.VMEM((CH * D,), jnp.float32),
            pltpu.VMEM((CH * D,), jnp.float32),
            pltpu.VMEM((D,), jnp.float32),
            pltpu.VMEM((RPW,), jnp.float32),
            pltpu.SemaphoreType.DMA,
            pltpu.SemaphoreType.DMA,
            pltpu.SemaphoreType.DMA,
            pltpu.SemaphoreType.DMA,
        ],
    )(_sc_dist)
    d = sc_dist(x.reshape(-1), q2b)

    pred = pl.pallas_call(
        _tc_finish,
        in_specs=[
            pl.BlockSpec((SROW, SCOL), lambda: (0, 0)),
            pl.BlockSpec((Q, D), lambda: (0, 0)),
            pl.BlockSpec((RES, 1), lambda: (0, 0)),
            pl.BlockSpec((RES, D), lambda: (0, 0)),
            pl.BlockSpec(memory_space=pl.ANY),
            pl.BlockSpec(memory_space=pl.ANY),
        ],
        out_specs=pl.BlockSpec((Q, D), lambda: (0, 0)),
        out_shape=jax.ShapeDtypeStruct((Q, D), jnp.float32),
        scratch_shapes=[
            pltpu.VMEM((SROW, SCOL), jnp.float32),
            pltpu.VMEM((M, D), jnp.float32),
            pltpu.VMEM((M, D), jnp.float32),
            pltpu.SMEM((M,), jnp.int32),
            pltpu.SemaphoreType.DMA,
            pltpu.SemaphoreType.DMA,
        ],
    )(d.reshape(SROW, SCOL), new_x, b0, cw, x, y)

    return pred

# --- scband reference (transcript-rebuilt; emitter-appended) ---
"""Pipeline reference for scband-elm-base-71356586655776 (READ-ONLY COPY).

The authoritative reference and input builder live on the scoring server;
editing this copy changes nothing except your own understanding.
"""

import jax, jax.numpy as jnp
import numpy as np

D = 128
N_TRAIN = 100000
Q = 16
RES = 2048
M_NEIGH = 32
ALPHA = 0.1


def setup_inputs(seed: int = 0) -> dict:
    key = jax.random.key(seed)
    k1, k2, k3, k4, k5 = jax.random.split(key, 5)
    x = jax.random.normal(k1, (N_TRAIN, D), dtype=jnp.float32)
    y = jax.random.normal(k2, (N_TRAIN, D), dtype=jnp.float32)
    new_x = jax.random.normal(k3, (Q, D), dtype=jnp.float32)
    bias = jax.random.uniform(k4, (RES, 1), minval=-1.0, maxval=1.0, dtype=jnp.float32)
    C = jax.random.uniform(k5, (RES, D + 1), minval=-1.0, maxval=1.0, dtype=jnp.float32)
    return {"x": x, "y": y, "new_x": new_x, "bias": bias, "C": C, "k": M_NEIGH}


def _poly(a):
    # PolynomialFeatures(degree=1): [1, x_1, ..., x_d]
    return jnp.concatenate([jnp.ones((a.shape[0], 1), dtype=a.dtype), a], axis=1)


def _act(z):
    # mean of radbas, relu, tanh
    return (jnp.exp(-z ** 2) + jax.nn.relu(z) + jnp.tanh(z)) / 3.0


def reference(x, y, new_x, bias, C, k):
    # bias = M*R*bias then overwritten by self.bias in original; C scaled by R=1
    # sqeuclidean cdist(new_x, x), row 0 used for neighbor selection
    d2 = (new_x ** 2).sum(axis=1)[:, None] + (x ** 2).sum(axis=1)[None, :] - 2.0 * (new_x @ x.T)
    s_idx = jnp.argsort(d2[0, :])
    xm = x[s_idx[:M_NEIGH], :]
    ym = y[s_idx[:M_NEIGH], :]
    # random-feature map for queries
    newX = _poly(new_x)
    H_new = _act(bias + C @ newX.T)  # [RES, Q]
    # fit ridge on m nearest neighbors (sklearn Ridge with intercept)
    Xf = _act(bias + C @ _poly(xm).T).T  # [m, RES]
    X_mean = Xf.mean(axis=0)
    y_mean = ym.mean(axis=0)
    Xc = Xf - X_mean
    yc = ym - y_mean
    A = Xc.T @ Xc + ALPHA * jnp.eye(RES, dtype=Xf.dtype)
    w = jnp.linalg.solve(A, Xc.T @ yc)  # [RES, d_out]
    intercept = y_mean - X_mean @ w
    pred = H_new.T @ w + intercept  # [Q, d_out]
    return jnp.squeeze(pred)

if __name__ == "__main__":
    import jax
    _d = setup_inputs()
    print(jax.jit(kernel)(*tuple(_d.values())))

</pallas_src>

<mosaic_0001>
#map = affine_map<(d0, d1) -> (0)>
module attributes {stable_mosaic.version = 14 : i64} {
  func.func @_sc_dist(%arg0: i32, %arg1: i32, %arg2: memref<12800000xf32, #tpu.memory_space<hbm>>, %arg3: memref<128xf32, #tpu.memory_space<hbm>>, %arg4: memref<100000xf32, #tpu.memory_space<hbm>>, %arg5: memref<20480xf32, #tpu.memory_space<vmem>>, %arg6: memref<20480xf32, #tpu.memory_space<vmem>>, %arg7: memref<128xf32, #tpu.memory_space<vmem>>, %arg8: memref<3200xf32, #tpu.memory_space<vmem>>, %arg9: memref<!tpu.dma_semaphore, #tpu.memory_space<semaphore_mem>>, %arg10: memref<!tpu.dma_semaphore, #tpu.memory_space<semaphore_mem>>, %arg11: memref<!tpu.dma_semaphore, #tpu.memory_space<semaphore_mem>>, %arg12: memref<!tpu.dma_semaphore, #tpu.memory_space<semaphore_mem>>) attributes {dimension_semantics = [#tpu.dimension_semantics<core_parallel>, #tpu.dimension_semantics<subcore_parallel>], iteration_bounds = array<i64: 2, 16>, scalar_prefetch = 0 : i64, scratch_operands = 8 : i64, tpu.core_type = #tpu.core_type<sc_vector_subcore>, window_params = [{transform_indices = #map}, {transform_indices = #map}, {transform_indices = #map}]} {
    %mul3A = arith.constant 2 : i32
    %mul3A_0 = arith.muli %arg1, %mul3A : i32
    %add3A = arith.addi %mul3A_0, %arg0 : i32
    %eq3A = arith.constant 31 : i32
    %eq3A_1 = arith.cmpi eq, %add3A, %eq3A : i32
    %mul3A_2 = arith.constant 3120 : i32
    %mul3A_3 = arith.muli %add3A, %mul3A_2 : i32
    %jit3A = arith.constant 96800 : i32
    %select_n3A = arith.select %eq3A_1, %jit3A, %mul3A_3 : i32
    tpu.enqueue_dma source(%arg3 : memref<128xf32, #tpu.memory_space<hbm>>) target(%arg7 : memref<128xf32, #tpu.memory_space<vmem>>) target_semaphore(%arg11 : memref<!tpu.dma_semaphore, #tpu.memory_space<semaphore_mem>>)
    %add3A_4 = arith.constant 0 : i32
    %add3A_5 = arith.addi %select_n3A, %add3A_4 : i32
    %mul3A_6 = arith.constant 128 : i32
    %mul3A_7 = arith.muli %add3A_5, %mul3A_6 : i32
    %dma_start3A = tpu.memref_slice %arg2[%mul3A_7] : memref<12800000xf32, #tpu.memory_space<hbm>> -> memref<20480xf32, #tpu.memory_space<hbm>>
    %dma_start3A_8 = tpu.memref_slice %arg2[%mul3A_7] : memref<12800000xf32, #tpu.memory_space<hbm>> -> memref<20480xf32, #tpu.memory_space<hbm>>
    tpu.enqueue_dma source(%dma_start3A_8 : memref<20480xf32, #tpu.memory_space<hbm>>) target(%arg5 : memref<20480xf32, #tpu.memory_space<vmem>>) target_semaphore(%arg9 : memref<!tpu.dma_semaphore, #tpu.memory_space<semaphore_mem>>)
    tpu.wait_dma2 semaphore(%arg11 : memref<!tpu.dma_semaphore, #tpu.memory_space<semaphore_mem>>) src(%arg3 : memref<128xf32, #tpu.memory_space<hbm>>) dst(%arg7 : memref<128xf32, #tpu.memory_space<vmem>>)
    %iota3A = tpu.iota {dimensions = array<i32: 0>} : vector<16xi32>
    %get3A = arith.constant 0 : index
    %get3A_9 = tpu.vector_load %arg7[%get3A] {strides = array<i32>} : memref<128xf32, #tpu.memory_space<vmem>>, vector<16xf32>,
    %get3A_10 = arith.constant 16 : index
    %get3A_11 = tpu.vector_load %arg7[%get3A_10] {strides = array<i32>} : memref<128xf32, #tpu.memory_space<vmem>>, vector<16xf32>,
    %get3A_12 = arith.constant 32 : index
    %get3A_13 = tpu.vector_load %arg7[%get3A_12] {strides = array<i32>} : memref<128xf32, #tpu.memory_space<vmem>>, vector<16xf32>,
    %get3A_14 = arith.constant 48 : index
    %get3A_15 = tpu.vector_load %arg7[%get3A_14] {strides = array<i32>} : memref<128xf32, #tpu.memory_space<vmem>>, vector<16xf32>,
    %get3A_16 = arith.constant 64 : index
    %get3A_17 = tpu.vector_load %arg7[%get3A_16] {strides = array<i32>} : memref<128xf32, #tpu.memory_space<vmem>>, vector<16xf32>,
    %get3A_18 = arith.constant 80 : index
    %get3A_19 = tpu.vector_load %arg7[%get3A_18] {strides = array<i32>} : memref<128xf32, #tpu.memory_space<vmem>>, vector<16xf32>,
    %get3A_20 = arith.constant 96 : index
    %get3A_21 = tpu.vector_load %arg7[%get3A_20] {strides = array<i32>} : memref<128xf32, #tpu.memory_space<vmem>>, vector<16xf32>,
    %get3A_22 = arith.constant 112 : index
    %get3A_23 = tpu.vector_load %arg7[%get3A_22] {strides = array<i32>} : memref<128xf32, #tpu.memory_space<vmem>>, vector<16xf32>,
    %scan3A = arith.constant 0 : i32
    %scan3A_24 = arith.constant 0 : i32
    %scan3A_25 = arith.constant 10 : i32
    %scan3A_26 = arith.addi %scan3A_24, %scan3A_25 : i32
    %scan3A_27 = arith.constant 1 : i32
    scf.for %scan3A_32 = %scan3A_24 to %scan3A_26 step %scan3A_27  : i32 {
      %mul3A_33 = arith.constant 2 : i32
      %mul3A_34 = arith.muli %mul3A_33, %scan3A_32 : i32
      %mul3A_35 = arith.constant 160 : i32
      %mul3A_36 = arith.muli %mul3A_34, %mul3A_35 : i32
      %add3A_37 = arith.addi %select_n3A, %mul3A_36 : i32
      %mul3A_38 = arith.constant 128 : i32
      %mul3A_39 = arith.muli %add3A_37, %mul3A_38 : i32
      %dma_wait3A_40 = tpu.memref_slice %arg2[%mul3A_39] : memref<12800000xf32, #tpu.memory_space<hbm>> -> memref<20480xf32, #tpu.memory_space<hbm>>
      %dma_wait3A_41 = tpu.memref_slice %arg2[%mul3A_39] : memref<12800000xf32, #tpu.memory_space<hbm>> -> memref<20480xf32, #tpu.memory_space<hbm>>
      tpu.wait_dma2 semaphore(%arg9 : memref<!tpu.dma_semaphore, #tpu.memory_space<semaphore_mem>>) src(%dma_wait3A_41 : memref<20480xf32, #tpu.memory_space<hbm>>) dst(%arg5 : memref<20480xf32, #tpu.memory_space<vmem>>)
      %add3A_42 = arith.constant 1 : i32
      %add3A_43 = arith.addi %mul3A_34, %add3A_42 : i32
      %mul3A_44 = arith.constant 160 : i32
      %mul3A_45 = arith.muli %add3A_43, %mul3A_44 : i32
      %add3A_46 = arith.addi %select_n3A, %mul3A_45 : i32
      %mul3A_47 = arith.constant 128 : i32
      %mul3A_48 = arith.muli %add3A_46, %mul3A_47 : i32
      %dma_start3A_49 = tpu.memref_slice %arg2[%mul3A_48] : memref<12800000xf32, #tpu.memory_space<hbm>> -> memref<20480xf32, #tpu.memory_space<hbm>>
      %dma_start3A_50 = tpu.memref_slice %arg2[%mul3A_48] : memref<12800000xf32, #tpu.memory_space<hbm>> -> memref<20480xf32, #tpu.memory_space<hbm>>
      tpu.enqueue_dma source(%dma_start3A_50 : memref<20480xf32, #tpu.memory_space<hbm>>) target(%arg6 : memref<20480xf32, #tpu.memory_space<vmem>>) target_semaphore(%arg10 : memref<!tpu.dma_semaphore, #tpu.memory_space<semaphore_mem>>)
      %scan3A_51 = arith.constant 0 : i32
      %scan3A_52 = arith.constant 0 : i32
      %scan3A_53 = arith.constant 10 : i32
      %scan3A_54 = arith.addi %scan3A_52, %scan3A_53 : i32
      %scan3A_55 = arith.constant 1 : i32
      scf.for %scan3A_78 = %scan3A_52 to %scan3A_54 step %scan3A_55  : i32 {
        %broadcast_in_dim3A = arith.constant 0.000000e+00 : f32
        %broadcast_in_dim3A_79 = vector.broadcast %broadcast_in_dim3A : f32 to vector<16xf32>
        %mul3A_80 = arith.constant 2048 : i32
        %mul3A_81 = arith.muli %scan3A_78, %mul3A_80 : i32
        %add3A_82 = arith.constant 0 : i32
        %add3A_83 = arith.addi %mul3A_81, %add3A_82 : i32
        %add3A_84 = arith.constant 0 : i32
        %add3A_85 = arith.addi %add3A_83, %add3A_84 : i32
        %get3A_86 = arith.index_cast %add3A_85 : i32 to index
        %get3A_87 = tpu.vector_load %arg5[%get3A_86] {strides = array<i32>} : memref<20480xf32, #tpu.memory_space<vmem>>, vector<16xf32>,
        %sub3A = arith.subf %get3A_87, %get3A_9 : vector<16xf32>
        %mul3A_88 = arith.mulf %get3A_87, %sub3A : vector<16xf32>
        %add3A_89 = arith.constant 0 : i32
        %add3A_90 = arith.addi %mul3A_81, %add3A_89 : i32
        %add3A_91 = arith.constant 16 : i32
        %add3A_92 = arith.addi %add3A_90, %add3A_91 : i32
        %get3A_93 = arith.index_cast %add3A_92 : i32 to index
        %get3A_94 = tpu.vector_load %arg5[%get3A_93] {strides = array<i32>} : memref<20480xf32, #tpu.memory_space<vmem>>, vector<16xf32>,
        %sub3A_95 = arith.subf %get3A_94, %get3A_11 : vector<16xf32>
        %mul3A_96 = arith.mulf %get3A_94, %sub3A_95 : vector<16xf32>
        %add3A_97 = arith.addf %mul3A_88, %mul3A_96 : vector<16xf32>
        %add3A_98 = arith.constant 0 : i32
        %add3A_99 = arith.addi %mul3A_81, %add3A_98 : i32
        %add3A_100 = arith.constant 32 : i32
        %add3A_101 = arith.addi %add3A_99, %add3A_100 : i32
        %get3A_102 = arith.index_cast %add3A_101 : i32 to index
        %get3A_103 = tpu.vector_load %arg5[%get3A_102] {strides = array<i32>} : memref<20480xf32, #tpu.memory_space<vmem>>, vector<16xf32>,
        %sub3A_104 = arith.subf %get3A_103, %get3A_13 : vector<16xf32>
        %mul3A_105 = arith.mulf %get3A_103, %sub3A_104 : vector<16xf32>
        %add3A_106 = arith.addf %add3A_97, %mul3A_105 : vector<16xf32>
        %add3A_107 = arith.constant 0 : i32
        %add3A_108 = arith.addi %mul3A_81, %add3A_107 : i32
        %add3A_109 = arith.constant 48 : i32
        %add3A_110 = arith.addi %add3A_108, %add3A_109 : i32
        %get3A_111 = arith.index_cast %add3A_110 : i32 to index
        %get3A_112 = tpu.vector_load %arg5[%get3A_111] {strides = array<i32>} : memref<20480xf32, #tpu.memory_space<vmem>>, vector<16xf32>,
        %sub3A_113 = arith.subf %get3A_112, %get3A_15 : vector<16xf32>
        %mul3A_114 = arith.mulf %get3A_112, %sub3A_113 : vector<16xf32>
        %add3A_115 = arith.addf %add3A_106, %mul3A_114 : vector<16xf32>
        %add3A_116 = arith.constant 0 : i32
        %add3A_117 = arith.addi %mul3A_81, %add3A_116 : i32
        %add3A_118 = arith.constant 64 : i32
        %add3A_119 = arith.addi %add3A_117, %add3A_118 : i32
        %get3A_120 = arith.index_cast %add3A_119 : i32 to index
        %get3A_121 = tpu.vector_load %arg5[%get3A_120] {strides = array<i32>} : memref<20480xf32, #tpu.memory_space<vmem>>, vector<16xf32>,
        %sub3A_122 = arith.subf %get3A_121, %get3A_17 : vector<16xf32>
        %mul3A_123 = arith.mulf %get3A_121, %sub3A_122 : vector<16xf32>
        %add3A_124 = arith.addf %add3A_115, %mul3A_123 : vector<16xf32>
        %add3A_125 = arith.constant 0 : i32
        %add3A_126 = arith.addi %mul3A_81, %add3A_125 : i32
        %add3A_127 = arith.constant 80 : i32
        %add3A_128 = arith.addi %add3A_126, %add3A_127 : i32
        %get3A_129 = arith.index_cast %add3A_128 : i32 to index
        %get3A_130 = tpu.vector_load %arg5[%get3A_129] {strides = array<i32>} : memref<20480xf32, #tpu.memory_space<vmem>>, vector<16xf32>,
        %sub3A_131 = arith.subf %get3A_130, %get3A_19 : vector<16xf32>
        %mul3A_132 = arith.mulf %get3A_130, %sub3A_131 : vector<16xf32>
        %add3A_133 = arith.addf %add3A_124, %mul3A_132 : vector<16xf32>
        %add3A_134 = arith.constant 0 : i32
        %add3A_135 = arith.addi %mul3A_81, %add3A_134 : i32
        %add3A_136 = arith.constant 96 : i32
        %add3A_137 = arith.addi %add3A_135, %add3A_136 : i32
        %get3A_138 = arith.index_cast %add3A_137 : i32 to index
        %get3A_139 = tpu.vector_load %arg5[%get3A_138] {strides = array<i32>} : memref<20480xf32, #tpu.memory_space<vmem>>, vector<16xf32>,
        %sub3A_140 = arith.subf %get3A_139, %get3A_21 : vector<16xf32>
        %mul3A_141 = arith.mulf %get3A_139, %sub3A_140 : vector<16xf32>
        %add3A_142 = arith.addf %add3A_133, %mul3A_141 : vector<16xf32>
        %add3A_143 = arith.constant 0 : i32
        %add3A_144 = arith.addi %mul3A_81, %add3A_143 : i32
        %add3A_145 = arith.constant 112 : i32
        %add3A_146 = arith.addi %add3A_144, %add3A_145 : i32
        %get3A_147 = arith.index_cast %add3A_146 : i32 to index
        %get3A_148 = tpu.vector_load %arg5[%get3A_147] {strides = array<i32>} : memref<20480xf32, #tpu.memory_space<vmem>>, vector<16xf32>,
        %sub3A_149 = arith.subf %get3A_148, %get3A_23 : vector<16xf32>
        %mul3A_150 = arith.mulf %get3A_148, %sub3A_149 : vector<16xf32>
        %add3A_151 = arith.addf %add3A_142, %mul3A_150 : vector<16xf32>
        %reduce_sum3A = arith.constant true
        %reduce_sum3A_152 = vector.broadcast %reduce_sum3A : i1 to vector<16xi1>
        %reduce_sum3A_153 = tpu.scan <sum>, %add3A_151 masked %reduce_sum3A_152 : vector<16xf32>, vector<16xi1> -> vector<16xf32>
        %reduce_sum3A_154 = vector.extract %reduce_sum3A_153[15] : f32 from vector<16xf32>
        %eq3A_155 = arith.constant 0 : i32
        %eq3A_156 = vector.broadcast %eq3A_155 : i32 to vector<16xi32>
        %eq3A_157 = arith.cmpi eq, %iota3A, %eq3A_156 : vector<16xi32>
        %broadcast_in_dim3A_158 = vector.broadcast %reduce_sum3A_154 : f32 to vector<16xf32>
        %select_n3A_159 = arith.select %eq3A_157, %broadcast_in_dim3A_158, %broadcast_in_dim3A_79 : vector<16xi1>, vector<16xf32>
        %add3A_160 = arith.constant 128 : i32
        %add3A_161 = arith.addi %mul3A_81, %add3A_160 : i32
        %add3A_162 = arith.constant 0 : i32
        %add3A_163 = arith.addi %add3A_161, %add3A_162 : i32
        %get3A_164 = arith.index_cast %add3A_163 : i32 to index
        %get3A_165 = tpu.vector_load %arg5[%get3A_164] {strides = array<i32>} : memref<20480xf32, #tpu.memory_space<vmem>>, vector<16xf32>,
        %sub3A_166 = arith.subf %get3A_165, %get3A_9 : vector<16xf32>
        %mul3A_167 = arith.mulf %get3A_165, %sub3A_166 : vector<16xf32>
        %add3A_168 = arith.constant 128 : i32
        %add3A_169 = arith.addi %mul3A_81, %add3A_168 : i32
        %add3A_170 = arith.constant 16 : i32
        %add3A_171 = arith.addi %add3A_169, %add3A_170 : i32
        %get3A_172 = arith.index_cast %add3A_171 : i32 to index
        %get3A_173 = tpu.vector_load %arg5[%get3A_172] {strides = array<i32>} : memref<20480xf32, #tpu.memory_space<vmem>>, vector<16xf32>,
        %sub3A_174 = arith.subf %get3A_173, %get3A_11 : vector<16xf32>
        %mul3A_175 = arith.mulf %get3A_173, %sub3A_174 : vector<16xf32>
        %add3A_176 = arith.addf %mul3A_167, %mul3A_175 : vector<16xf32>
        %add3A_177 = arith.constant 128 : i32
        %add3A_178 = arith.addi %mul3A_81, %add3A_177 : i32
        %add3A_179 = arith.constant 32 : i32
        %add3A_180 = arith.addi %add3A_178, %add3A_179 : i32
        %get3A_181 = arith.index_cast %add3A_180 : i32 to index
        %get3A_182 = tpu.vector_load %arg5[%get3A_181] {strides = array<i32>} : memref<20480xf32, #tpu.memory_space<vmem>>, vector<16xf32>,
        %sub3A_183 = arith.subf %get3A_182, %get3A_13 : vector<16xf32>
        %mul3A_184 = arith.mulf %get3A_182, %sub3A_183 : vector<16xf32>
        %add3A_185 = arith.addf %add3A_176, %mul3A_184 : vector<16xf32>
        %add3A_186 = arith.constant 128 : i32
        %add3A_187 = arith.addi %mul3A_81, %add3A_186 : i32
        %add3A_188 = arith.constant 48 : i32
        %add3A_189 = arith.addi %add3A_187, %add3A_188 : i32
        %get3A_190 = arith.index_cast %add3A_189 : i32 to index
        %get3A_191 = tpu.vector_load %arg5[%get3A_190] {strides = array<i32>} : memref<20480xf32, #tpu.memory_space<vmem>>, vector<16xf32>,
        %sub3A_192 = arith.subf %get3A_191, %get3A_15 : vector<16xf32>
        %mul3A_193 = arith.mulf %get3A_191, %sub3A_192 : vector<16xf32>
        %add3A_194 = arith.addf %add3A_185, %mul3A_193 : vector<16xf32>
        %add3A_195 = arith.constant 128 : i32
        %add3A_196 = arith.addi %mul3A_81, %add3A_195 : i32
        %add3A_197 = arith.constant 64 : i32
        %add3A_198 = arith.addi %add3A_196, %add3A_197 : i32
        %get3A_199 = arith.index_cast %add3A_198 : i32 to index
        %get3A_200 = tpu.vector_load %arg5[%get3A_199] {strides = array<i32>} : memref<20480xf32, #tpu.memory_space<vmem>>, vector<16xf32>,
        %sub3A_201 = arith.subf %get3A_200, %get3A_17 : vector<16xf32>
        %mul3A_202 = arith.mulf %get3A_200, %sub3A_201 : vector<16xf32>
        %add3A_203 = arith.addf %add3A_194, %mul3A_202 : vector<16xf32>
        %add3A_204 = arith.constant 128 : i32
        %add3A_205 = arith.addi %mul3A_81, %add3A_204 : i32
        %add3A_206 = arith.constant 80 : i32
        %add3A_207 = arith.addi %add3A_205, %add3A_206 : i32
        %get3A_208 = arith.index_cast %add3A_207 : i32 to index
        %get3A_209 = tpu.vector_load %arg5[%get3A_208] {strides = array<i32>} : memref<20480xf32, #tpu.memory_space<vmem>>, vector<16xf32>,
        %sub3A_210 = arith.subf %get3A_209, %get3A_19 : vector<16xf32>
        %mul3A_211 = arith.mulf %get3A_209, %sub3A_210 : vector<16xf32>
        %add3A_212 = arith.addf %add3A_203, %mul3A_211 : vector<16xf32>
        %add3A_213 = arith.constant 128 : i32
        %add3A_214 = arith.addi %mul3A_81, %add3A_213 : i32
        %add3A_215 = arith.constant 96 : i32
        %add3A_216 = arith.addi %add3A_214, %add3A_215 : i32
        %get3A_217 = arith.index_cast %add3A_216 : i32 to index
        %get3A_218 = tpu.vector_load %arg5[%get3A_217] {strides = array<i32>} : memref<20480xf32, #tpu.memory_space<vmem>>, vector<16xf32>,
        %sub3A_219 = arith.subf %get3A_218, %get3A_21 : vector<16xf32>
        %mul3A_220 = arith.mulf %get3A_218, %sub3A_219 : vector<16xf32>
        %add3A_221 = arith.addf %add3A_212, %mul3A_220 : vector<16xf32>
        %add3A_222 = arith.constant 128 : i32
        %add3A_223 = arith.addi %mul3A_81, %add3A_222 : i32
        %add3A_224 = arith.constant 112 : i32
        %add3A_225 = arith.addi %add3A_223, %add3A_224 : i32
        %get3A_226 = arith.index_cast %add3A_225 : i32 to index
        %get3A_227 = tpu.vector_load %arg5[%get3A_226] {strides = array<i32>} : memref<20480xf32, #tpu.memory_space<vmem>>, vector<16xf32>,
        %sub3A_228 = arith.subf %get3A_227, %get3A_23 : vector<16xf32>
        %mul3A_229 = arith.mulf %get3A_227, %sub3A_228 : vector<16xf32>
        %add3A_230 = arith.addf %add3A_221, %mul3A_229 : vector<16xf32>
        %reduce_sum3A_231 = arith.constant true
        %reduce_sum3A_232 = vector.broadcast %reduce_sum3A_231 : i1 to vector<16xi1>
        %reduce_sum3A_233 = tpu.scan <sum>, %add3A_230 masked %reduce_sum3A_232 : vector<16xf32>, vector<16xi1> -> vector<16xf32>
        %reduce_sum3A_234 = vector.extract %reduce_sum3A_233[15] : f32 from vector<16xf32>
        %eq3A_235 = arith.constant 1 : i32
        %eq3A_236 = vector.broadcast %eq3A_235 : i32 to vector<16xi32>
        %eq3A_237 = arith.cmpi eq, %iota3A, %eq3A_236 : vector<16xi32>
        %broadcast_in_dim3A_238 = vector.broadcast %reduce_sum3A_234 : f32 to vector<16xf32>
        %select_n3A_239 = arith.select %eq3A_237, %broadcast_in_dim3A_238, %select_n3A_159 : vector<16xi1>, vector<16xf32>
        %add3A_240 = arith.constant 256 : i32
        %add3A_241 = arith.addi %mul3A_81, %add3A_240 : i32
        %add3A_242 = arith.constant 0 : i32
        %add3A_243 = arith.addi %add3A_241, %add3A_242 : i32
        %get3A_244 = arith.index_cast %add3A_243 : i32 to index
        %get3A_245 = tpu.vector_load %arg5[%get3A_244] {strides = array<i32>} : memref<20480xf32, #tpu.memory_space<vmem>>, vector<16xf32>,
        %sub3A_246 = arith.subf %get3A_245, %get3A_9 : vector<16xf32>
        %mul3A_247 = arith.mulf %get3A_245, %sub3A_246 : vector<16xf32>
        %add3A_248 = arith.constant 256 : i32
        %add3A_249 = arith.addi %mul3A_81, %add3A_248 : i32
        %add3A_250 = arith.constant 16 : i32
        %add3A_251 = arith.addi %add3A_249, %add3A_250 : i32
        %get3A_252 = arith.index_cast %add3A_251 : i32 to index
        %get3A_253 = tpu.vector_load %arg5[%get3A_252] {strides = array<i32>} : memref<20480xf32, #tpu.memory_space<vmem>>, vector<16xf32>,
        %sub3A_254 = arith.subf %get3A_253, %get3A_11 : vector<16xf32>
        %mul3A_255 = arith.mulf %get3A_253, %sub3A_254 : vector<16xf32>
        %add3A_256 = arith.addf %mul3A_247, %mul3A_255 : vector<16xf32>
        %add3A_257 = arith.constant 256 : i32
        %add3A_258 = arith.addi %mul3A_81, %add3A_257 : i32
        %add3A_259 = arith.constant 32 : i32
        %add3A_260 = arith.addi %add3A_258, %add3A_259 : i32
        %get3A_261 = arith.index_cast %add3A_260 : i32 to index
        %get3A_262 = tpu.vector_load %arg5[%get3A_261] {strides = array<i32>} : memref<20480xf32, #tpu.memory_space<vmem>>, vector<16xf32>,
        %sub3A_263 = arith.subf %get3A_262, %get3A_13 : vector<16xf32>
        %mul3A_264 = arith.mulf %get3A_262, %sub3A_263 : vector<16xf32>
        %add3A_265 = arith.addf %add3A_256, %mul3A_264 : vector<16xf32>
        %add3A_266 = arith.constant 256 : i32
        %add3A_267 = arith.addi %mul3A_81, %add3A_266 : i32
        %add3A_268 = arith.constant 48 : i32
        %add3A_269 = arith.addi %add3A_267, %add3A_268 : i32
        %get3A_270 = arith.index_cast %add3A_269 : i32 to index
        %get3A_271 = tpu.vector_load %arg5[%get3A_270] {strides = array<i32>} : memref<20480xf32, #tpu.memory_space<vmem>>, vector<16xf32>,
        %sub3A_272 = arith.subf %get3A_271, %get3A_15 : vector<16xf32>
        %mul3A_273 = arith.mulf %get3A_271, %sub3A_272 : vector<16xf32>
        %add3A_274 = arith.addf %add3A_265, %mul3A_273 : vector<16xf32>
        %add3A_275 = arith.constant 256 : i32
        %add3A_276 = arith.addi %mul3A_81, %add3A_275 : i32
        %add3A_277 = arith.constant 64 : i32
        %add3A_278 = arith.addi %add3A_276, %add3A_277 : i32
        %get3A_279 = arith.index_cast %add3A_278 : i32 to index
        %get3A_280 = tpu.vector_load %arg5[%get3A_279] {strides = array<i32>} : memref<20480xf32, #tpu.memory_space<vmem>>, vector<16xf32>,
        %sub3A_281 = arith.subf %get3A_280, %get3A_17 : vector<16xf32>
        %mul3A_282 = arith.mulf %get3A_280, %sub3A_281 : vector<16xf32>
        %add3A_283 = arith.addf %add3A_274, %mul3A_282 : vector<16xf32>
        %add3A_284 = arith.constant 256 : i32
        %add3A_285 = arith.addi %mul3A_81, %add3A_284 : i32
        %add3A_286 = arith.constant 80 : i32
        %add3A_287 = arith.addi %add3A_285, %add3A_286 : i32
        %get3A_288 = arith.index_cast %add3A_287 : i32 to index
        %get3A_289 = tpu.vector_load %arg5[%get3A_288] {strides = array<i32>} : memref<20480xf32, #tpu.memory_space<vmem>>, vector<16xf32>,
        %sub3A_290 = arith.subf %get3A_289, %get3A_19 : vector<16xf32>
        %mul3A_291 = arith.mulf %get3A_289, %sub3A_290 : vector<16xf32>
        %add3A_292 = arith.addf %add3A_283, %mul3A_291 : vector<16xf32>
        %add3A_293 = arith.constant 256 : i32
        %add3A_294 = arith.addi %mul3A_81, %add3A_293 : i32
        %add3A_295 = arith.constant 96 : i32
        %add3A_296 = arith.addi %add3A_294, %add3A_295 : i32
        %get3A_297 = arith.index_cast %add3A_296 : i32 to index
        %get3A_298 = tpu.vector_load %arg5[%get3A_297] {strides = array<i32>} : memref<20480xf32, #tpu.memory_space<vmem>>, vector<16xf32>,
        %sub3A_299 = arith.subf %get3A_298, %get3A_21 : vector<16xf32>
        %mul3A_300 = arith.mulf %get3A_298, %sub3A_299 : vector<16xf32>
        %add3A_301 = arith.addf %add3A_292, %mul3A_300 : vector<16xf32>
        %add3A_302 = arith.constant 256 : i32
        %add3A_303 = arith.addi %mul3A_81, %add3A_302 : i32
        %add3A_304 = arith.constant 112 : i32
        %add3A_305 = arith.addi %add3A_303, %add3A_304 : i32
        %get3A_306 = arith.index_cast %add3A_305 : i32 to index
        %get3A_307 = tpu.vector_load %arg5[%get3A_306] {strides = array<i32>} : memref<20480xf32, #tpu.memory_space<vmem>>, vector<16xf32>,
        %sub3A_308 = arith.subf %get3A_307, %get3A_23 : vector<16xf32>
        %mul3A_309 = arith.mulf %get3A_307, %sub3A_308 : vector<16xf32>
        %add3A_310 = arith.addf %add3A_301, %mul3A_309 : vector<16xf32>
        %reduce_sum3A_311 = arith.constant true
        %reduce_sum3A_312 = vector.broadcast %reduce_sum3A_311 : i1 to vector<16xi1>
        %reduce_sum3A_313 = tpu.scan <sum>, %add3A_310 masked %reduce_sum3A_312 : vector<16xf32>, vector<16xi1> -> vector<16xf32>
        %reduce_sum3A_314 = vector.extract %reduce_sum3A_313[15] : f32 from vector<16xf32>
        %eq3A_315 = arith.constant 2 : i32
        %eq3A_316 = vector.broadcast %eq3A_315 : i32 to vector<16xi32>
        %eq3A_317 = arith.cmpi eq, %iota3A, %eq3A_316 : vector<16xi32>
        %broadcast_in_dim3A_318 = vector.broadcast %reduce_sum3A_314 : f32 to vector<16xf32>
        %select_n3A_319 = arith.select %eq3A_317, %broadcast_in_dim3A_318, %select_n3A_239 : vector<16xi1>, vector<16xf32>
        %add3A_320 = arith.constant 384 : i32
        %add3A_321 = arith.addi %mul3A_81, %add3A_320 : i32
        %add3A_322 = arith.constant 0 : i32
        %add3A_323 = arith.addi %add3A_321, %add3A_322 : i32
        %get3A_324 = arith.index_cast %add3A_323 : i32 to index
        %get3A_325 = tpu.vector_load %arg5[%get3A_324] {strides = array<i32>} : memref<20480xf32, #tpu.memory_space<vmem>>, vector<16xf32>,
        %sub3A_326 = arith.subf %get3A_325, %get3A_9 : vector<16xf32>
        %mul3A_327 = arith.mulf %get3A_325, %sub3A_326 : vector<16xf32>
        %add3A_328 = arith.constant 384 : i32
        %add3A_329 = arith.addi %mul3A_81, %add3A_328 : i32
        %add3A_330 = arith.constant 16 : i32
        %add3A_331 = arith.addi %add3A_329, %add3A_330 : i32
        %get3A_332 = arith.index_cast %add3A_331 : i32 to index
        %get3A_333 = tpu.vector_load %arg5[%get3A_332] {strides = array<i32>} : memref<20480xf32, #tpu.memory_space<vmem>>, vector<16xf32>,
        %sub3A_334 = arith.subf %get3A_333, %get3A_11 : vector<16xf32>
        %mul3A_335 = arith.mulf %get3A_333, %sub3A_334 : vector<16xf32>
        %add3A_336 = arith.addf %mul3A_327, %mul3A_335 : vector<16xf32>
        %add3A_337 = arith.constant 384 : i32
        %add3A_338 = arith.addi %mul3A_81, %add3A_337 : i32
        %add3A_339 = arith.constant 32 : i32
        %add3A_340 = arith.addi %add3A_338, %add3A_339 : i32
        %get3A_341 = arith.index_cast %add3A_340 : i32 to index
        %get3A_342 = tpu.vector_load %arg5[%get3A_341] {strides = array<i32>} : memref<20480xf32, #tpu.memory_space<vmem>>, vector<16xf32>,
        %sub3A_343 = arith.subf %get3A_342, %get3A_13 : vector<16xf32>
        %mul3A_344 = arith.mulf %get3A_342, %sub3A_343 : vector<16xf32>
        %add3A_345 = arith.addf %add3A_336, %mul3A_344 : vector<16xf32>
        %add3A_346 = arith.constant 384 : i32
        %add3A_347 = arith.addi %mul3A_81, %add3A_346 : i32
        %add3A_348 = arith.constant 48 : i32
        %add3A_349 = arith.addi %add3A_347, %add3A_348 : i32
        %get3A_350 = arith.index_cast %add3A_349 : i32 to index
        %get3A_351 = tpu.vector_load %arg5[%get3A_350] {strides = array<i32>} : memref<20480xf32, #tpu.memory_space<vmem>>, vector<16xf32>,
        %sub3A_352 = arith.subf %get3A_351, %get3A_15 : vector<16xf32>
        %mul3A_353 = arith.mulf %get3A_351, %sub3A_352 : vector<16xf32>
        %add3A_354 = arith.addf %add3A_345, %mul3A_353 : vector<16xf32>
        %add3A_355 = arith.constant 384 : i32
        %add3A_356 = arith.addi %mul3A_81, %add3A_355 : i32
        %add3A_357 = arith.constant 64 : i32
        %add3A_358 = arith.addi %add3A_356, %add3A_357 : i32
        %get3A_359 = arith.index_cast %add3A_358 : i32 to index
        %get3A_360 = tpu.vector_load %arg5[%get3A_359] {strides = array<i32>} : memref<20480xf32, #tpu.memory_space<vmem>>, vector<16xf32>,
        %sub3A_361 = arith.subf %get3A_360, %get3A_17 : vector<16xf32>
        %mul3A_362 = arith.mulf %get3A_360, %sub3A_361 : vector<16xf32>
        %add3A_363 = arith.addf %add3A_354, %mul3A_362 : vector<16xf32>
        %add3A_364 = arith.constant 384 : i32
        %add3A_365 = arith.addi %mul3A_81, %add3A_364 : i32
        %add3A_366 = arith.constant 80 : i32
        %add3A_367 = arith.addi %add3A_365, %add3A_366 : i32
        %get3A_368 = arith.index_cast %add3A_367 : i32 to index
        %get3A_369 = tpu.vector_load %arg5[%get3A_368] {strides = array<i32>} : memref<20480xf32, #tpu.memory_space<vmem>>, vector<16xf32>,
        %sub3A_370 = arith.subf %get3A_369, %get3A_19 : vector<16xf32>
        %mul3A_371 = arith.mulf %get3A_369, %sub3A_370 : vector<16xf32>
        %add3A_372 = arith.addf %add3A_363, %mul3A_371 : vector<16xf32>
        %add3A_373 = arith.constant 384 : i32
        %add3A_374 = arith.addi %mul3A_81, %add3A_373 : i32
        %add3A_375 = arith.constant 96 : i32
        %add3A_376 = arith.addi %add3A_374, %add3A_375 : i32
        %get3A_377 = arith.index_cast %add3A_376 : i32 to index
        %get3A_378 = tpu.vector_load %arg5[%get3A_377] {strides = array<i32>} : memref<20480xf32, #tpu.memory_space<vmem>>, vector<16xf32>,
        %sub3A_379 = arith.subf %get3A_378, %get3A_21 : vector<16xf32>
        %mul3A_380 = arith.mulf %get3A_378, %sub3A_379 : vector<16xf32>
        %add3A_381 = arith.addf %add3A_372, %mul3A_380 : vector<16xf32>
        %add3A_382 = arith.constant 384 : i32
        %add3A_383 = arith.addi %mul3A_81, %add3A_382 : i32
        %add3A_384 = arith.constant 112 : i32
        %add3A_385 = arith.addi %add3A_383, %add3A_384 : i32
        %get3A_386 = arith.index_cast %add3A_385 : i32 to index
        %get3A_387 = tpu.vector_load %arg5[%get3A_386] {strides = array<i32>} : memref<20480xf32, #tpu.memory_space<vmem>>, vector<16xf32>,
        %sub3A_388 = arith.subf %get3A_387, %get3A_23 : vector<16xf32>
        %mul3A_389 = arith.mulf %get3A_387, %sub3A_388 : vector<16xf32>
        %add3A_390 = arith.addf %add3A_381, %mul3A_389 : vector<16xf32>
        %reduce_sum3A_391 = arith.constant true
        %reduce_sum3A_392 = vector.broadcast %reduce_sum3A_391 : i1 to vector<16xi1>
        %reduce_sum3A_393 = tpu.scan <sum>, %add3A_390 masked %reduce_sum3A_392 : vector<16xf32>, vector<16xi1> -> vector<16xf32>
        %reduce_sum3A_394 = vector.extract %reduce_sum3A_393[15] : f32 from vector<16xf32>
        %eq3A_395 = arith.constant 3 : i32
        %eq3A_396 = vector.broadcast %eq3A_395 : i32 to vector<16xi32>
        %eq3A_397 = arith.cmpi eq, %iota3A, %eq3A_396 : vector<16xi32>
        %broadcast_in_dim3A_398 = vector.broadcast %reduce_sum3A_394 : f32 to vector<16xf32>
        %select_n3A_399 = arith.select %eq3A_397, %broadcast_in_dim3A_398, %select_n3A_319 : vector<16xi1>, vector<16xf32>
        %add3A_400 = arith.constant 512 : i32
        %add3A_401 = arith.addi %mul3A_81, %add3A_400 : i32
        %add3A_402 = arith.constant 0 : i32
        %add3A_403 = arith.addi %add3A_401, %add3A_402 : i32
        %get3A_404 = arith.index_cast %add3A_403 : i32 to index
        %get3A_405 = tpu.vector_load %arg5[%get3A_404] {strides = array<i32>} : memref<20480xf32, #tpu.memory_space<vmem>>, vector<16xf32>,
        %sub3A_406 = arith.subf %get3A_405, %get3A_9 : vector<16xf32>
        %mul3A_407 = arith.mulf %get3A_405, %sub3A_406 : vector<16xf32>
        %add3A_408 = arith.constant 512 : i32
        %add3A_409 = arith.addi %mul3A_81, %add3A_408 : i32
        %add3A_410 = arith.constant 16 : i32
        %add3A_411 = arith.addi %add3A_409, %add3A_410 : i32
        %get3A_412 = arith.index_cast %add3A_411 : i32 to index
        %get3A_413 = tpu.vector_load %arg5[%get3A_412] {strides = array<i32>} : memref<20480xf32, #tpu.memory_space<vmem>>, vector<16xf32>,
        %sub3A_414 = arith.subf %get3A_413, %get3A_11 : vector<16xf32>
        %mul3A_415 = arith.mulf %get3A_413, %sub3A_414 : vector<16xf32>
        %add3A_416 = arith.addf %mul3A_407, %mul3A_415 : vector<16xf32>
        %add3A_417 = arith.constant 512 : i32
        %add3A_418 = arith.addi %mul3A_81, %add3A_417 : i32
        %add3A_419 = arith.constant 32 : i32
        %add3A_420 = arith.addi %add3A_418, %add3A_419 : i32
        %get3A_421 = arith.index_cast %add3A_420 : i32 to index
        %get3A_422 = tpu.vector_load %arg5[%get3A_421] {strides = array<i32>} : memref<20480xf32, #tpu.memory_space<vmem>>, vector<16xf32>,
        %sub3A_423 = arith.subf %get3A_422, %get3A_13 : vector<16xf32>
        %mul3A_424 = arith.mulf %get3A_422, %sub3A_423 : vector<16xf32>
        %add3A_425 = arith.addf %add3A_416, %mul3A_424 : vector<16xf32>
        %add3A_426 = arith.constant 512 : i32
        %add3A_427 = arith.addi %mul3A_81, %add3A_426 : i32
        %add3A_428 = arith.constant 48 : i32
        %add3A_429 = arith.addi %add3A_427, %add3A_428 : i32
        %get3A_430 = arith.index_cast %add3A_429 : i32 to index
        %get3A_431 = tpu.vector_load %arg5[%get3A_430] {strides = array<i32>} : memref<20480xf32, #tpu.memory_space<vmem>>, vector<16xf32>,
        %sub3A_432 = arith.subf %get3A_431, %get3A_15 : vector<16xf32>
        %mul3A_433 = arith.mulf %get3A_431, %sub3A_432 : vector<16xf32>
        %add3A_434 = arith.addf %add3A_425, %mul3A_433 : vector<16xf32>
        %add3A_435 = arith.constant 512 : i32
        %add3A_436 = arith.addi %mul3A_81, %add3A_435 : i32
        %add3A_437 = arith.constant 64 : i32
        %add3A_438 = arith.addi %add3A_436, %add3A_437 : i32
        %get3A_439 = arith.index_cast %add3A_438 : i32 to index
        %get3A_440 = tpu.vector_load %arg5[%get3A_439] {strides = array<i32>} : memref<20480xf32, #tpu.memory_space<vmem>>, vector<16xf32>,
        %sub3A_441 = arith.subf %get3A_440, %get3A_17 : vector<16xf32>
        %mul3A_442 = arith.mulf %get3A_440, %sub3A_441 : vector<16xf32>
        %add3A_443 = arith.addf %add3A_434, %mul3A_442 : vector<16xf32>
        %add3A_444 = arith.constant 512 : i32
        %add3A_445 = arith.addi %mul3A_81, %add3A_444 : i32
        %add3A_446 = arith.constant 80 : i32
        %add3A_447 = arith.addi %add3A_445, %add3A_446 : i32
        %get3A_448 = arith.index_cast %add3A_447 : i32 to index
        %get3A_449 = tpu.vector_load %arg5[%get3A_448] {strides = array<i32>} : memref<20480xf32, #tpu.memory_space<vmem>>, vector<16xf32>,
        %sub3A_450 = arith.subf %get3A_449, %get3A_19 : vector<16xf32>
        %mul3A_451 = arith.mulf %get3A_449, %sub3A_450 : vector<16xf32>
        %add3A_452 = arith.addf %add3A_443, %mul3A_451 : vector<16xf32>
        %add3A_453 = arith.constant 512 : i32
        %add3A_454 = arith.addi %mul3A_81, %add3A_453 : i32
        %add3A_455 = arith.constant 96 : i32
        %add3A_456 = arith.addi %add3A_454, %add3A_455 : i32
        %get3A_457 = arith.index_cast %add3A_456 : i32 to index
        %get3A_458 = tpu.vector_load %arg5[%get3A_457] {strides = array<i32>} : memref<20480xf32, #tpu.memory_space<vmem>>, vector<16xf32>,
        %sub3A_459 = arith.subf %get3A_458, %get3A_21 : vector<16xf32>
        %mul3A_460 = arith.mulf %get3A_458, %sub3A_459 : vector<16xf32>
        %add3A_461 = arith.addf %add3A_452, %mul3A_460 : vector<16xf32>
        %add3A_462 = arith.constant 512 : i32
        %add3A_463 = arith.addi %mul3A_81, %add3A_462 : i32
        %add3A_464 = arith.constant 112 : i32
        %add3A_465 = arith.addi %add3A_463, %add3A_464 : i32
        %get3A_466 = arith.index_cast %add3A_465 : i32 to index
        %get3A_467 = tpu.vector_load %arg5[%get3A_466] {strides = array<i32>} : memref<20480xf32, #tpu.memory_space<vmem>>, vector<16xf32>,
        %sub3A_468 = arith.subf %get3A_467, %get3A_23 : vector<16xf32>
        %mul3A_469 = arith.mulf %get3A_467, %sub3A_468 : vector<16xf32>
        %add3A_470 = arith.addf %add3A_461, %mul3A_469 : vector<16xf32>
        %reduce_sum3A_471 = arith.constant true
        %reduce_sum3A_472 = vector.broadcast %reduce_sum3A_471 : i1 to vector<16xi1>
        %reduce_sum3A_473 = tpu.scan <sum>, %add3A_470 masked %reduce_sum3A_472 : vector<16xf32>, vector<16xi1> -> vector<16xf32>
        %reduce_sum3A_474 = vector.extract %reduce_sum3A_473[15] : f32 from vector<16xf32>
        %eq3A_475 = arith.constant 4 : i32
        %eq3A_476 = vector.broadcast %eq3A_475 : i32 to vector<16xi32>
        %eq3A_477 = arith.cmpi eq, %iota3A, %eq3A_476 : vector<16xi32>
        %broadcast_in_dim3A_478 = vector.broadcast %reduce_sum3A_474 : f32 to vector<16xf32>
        %select_n3A_479 = arith.select %eq3A_477, %broadcast_in_dim3A_478, %select_n3A_399 : vector<16xi1>, vector<16xf32>
        %add3A_480 = arith.constant 640 : i32
        %add3A_481 = arith.addi %mul3A_81, %add3A_480 : i32
        %add3A_482 = arith.constant 0 : i32
        %add3A_483 = arith.addi %add3A_481, %add3A_482 : i32
        %get3A_484 = arith.index_cast %add3A_483 : i32 to index
        %get3A_485 = tpu.vector_load %arg5[%get3A_484] {strides = array<i32>} : memref<20480xf32, #tpu.memory_space<vmem>>, vector<16xf32>,
        %sub3A_486 = arith.subf %get3A_485, %get3A_9 : vector<16xf32>
        %mul3A_487 = arith.mulf %get3A_485, %sub3A_486 : vector<16xf32>
        %add3A_488 = arith.constant 640 : i32
        %add3A_489 = arith.addi %mul3A_81, %add3A_488 : i32
        %add3A_490 = arith.constant 16 : i32
        %add3A_491 = arith.addi %add3A_489, %add3A_490 : i32
        %get3A_492 = arith.index_cast %add3A_491 : i32 to index
        %get3A_493 = tpu.vector_load %arg5[%get3A_492] {strides = array<i32>} : memref<20480xf32, #tpu.memory_space<vmem>>, vector<16xf32>,
        %sub3A_494 = arith.subf %get3A_493, %get3A_11 : vector<16xf32>
        %mul3A_495 = arith.mulf %get3A_493, %sub3A_494 : vector<16xf32>
        %add3A_496 = arith.addf %mul3A_487, %mul3A_495 : vector<16xf32>
        %add3A_497 = arith.constant 640 : i32
        %add3A_498 = arith.addi %mul3A_81, %add3A_497 : i32
        %add3A_499 = arith.constant 32 : i32
        %add3A_500 = arith.addi %add3A_498, %add3A_499 : i32
        %get3A_501 = arith.index_cast %add3A_500 : i32 to index
        %get3A_502 = tpu.vector_load %arg5[%get3A_501] {strides = array<i32>} : memref<20480xf32, #tpu.memory_space<vmem>>, vector<16xf32>,
        %sub3A_503 = arith.subf %get3A_502, %get3A_13 : vector<16xf32>
        %mul3A_504 = arith.mulf %get3A_502, %sub3A_503 : vector<16xf32>
        %add3A_505 = arith.addf %add3A_496, %mul3A_504 : vector<16xf32>
        %add3A_506 = arith.constant 640 : i32
        %add3A_507 = arith.addi %mul3A_81, %add3A_506 : i32
        %add3A_508 = arith.constant 48 : i32
        %add3A_509 = arith.addi %add3A_507, %add3A_508 : i32
        %get3A_510 = arith.index_cast %add3A_509 : i32 to index
        %get3A_511 = tpu.vector_load %arg5[%get3A_510] {strides = array<i32>} : memref<20480xf32, #tpu.memory_space<vmem>>, vector<16xf32>,
        %sub3A_512 = arith.subf %get3A_511, %get3A_15 : vector<16xf32>
        %mul3A_513 = arith.mulf %get3A_511, %sub3A_512 : vector<16xf32>
        %add3A_514 = arith.addf %add3A_505, %mul3A_513 : vector<16xf32>
        %add3A_515 = arith.constant 640 : i32
        %add3A_516 = arith.addi %mul3A_81, %add3A_515 : i32
        %add3A_517 = arith.constant 64 : i32
        %add3A_518 = arith.addi %add3A_516, %add3A_517 : i32
        %get3A_519 = arith.index_cast %add3A_518 : i32 to index
        %get3A_520 = tpu.vector_load %arg5[%get3A_519] {strides = array<i32>} : memref<20480xf32, #tpu.memory_space<vmem>>, vector<16xf32>,
        %sub3A_521 = arith.subf %get3A_520, %get3A_17 : vector<16xf32>
        %mul3A_522 = arith.mulf %get3A_520, %sub3A_521 : vector<16xf32>
        %add3A_523 = arith.addf %add3A_514, %mul3A_522 : vector<16xf32>
        %add3A_524 = arith.constant 640 : i32
        %add3A_525 = arith.addi %mul3A_81, %add3A_524 : i32
        %add3A_526 = arith.constant 80 : i32
        %add3A_527 = arith.addi %add3A_525, %add3A_526 : i32
        %get3A_528 = arith.index_cast %add3A_527 : i32 to index
        %get3A_529 = tpu.vector_load %arg5[%get3A_528] {strides = array<i32>} : memref<20480xf32, #tpu.memory_space<vmem>>, vector<16xf32>,
        %sub3A_530 = arith.subf %get3A_529, %get3A_19 : vector<16xf32>
        %mul3A_531 = arith.mulf %get3A_529, %sub3A_530 : vector<16xf32>
        %add3A_532 = arith.addf %add3A_523, %mul3A_531 : vector<16xf32>
        %add3A_533 = arith.constant 640 : i32
        %add3A_534 = arith.addi %mul3A_81, %add3A_533 : i32
        %add3A_535 = arith.constant 96 : i32
        %add3A_536 = arith.addi %add3A_534, %add3A_535 : i32
        %get3A_537 = arith.index_cast %add3A_536 : i32 to index
        %get3A_538 = tpu.vector_load %arg5[%get3A_537] {strides = array<i32>} : memref<20480xf32, #tpu.memory_space<vmem>>, vector<16xf32>,
        %sub3A_539 = arith.subf %get3A_538, %get3A_21 : vector<16xf32>
        %mul3A_540 = arith.mulf %get3A_538, %sub3A_539 : vector<16xf32>
        %add3A_541 = arith.addf %add3A_532, %mul3A_540 : vector<16xf32>
        %add3A_542 = arith.constant 640 : i32
        %add3A_543 = arith.addi %mul3A_81, %add3A_542 : i32
        %add3A_544 = arith.constant 112 : i32
        %add3A_545 = arith.addi %add3A_543, %add3A_544 : i32
        %get3A_546 = arith.index_cast %add3A_545 : i32 to index
        %get3A_547 = tpu.vector_load %arg5[%get3A_546] {strides = array<i32>} : memref<20480xf32, #tpu.memory_space<vmem>>, vector<16xf32>,
        %sub3A_548 = arith.subf %get3A_547, %get3A_23 : vector<16xf32>
        %mul3A_549 = arith.mulf %get3A_547, %sub3A_548 : vector<16xf32>
        %add3A_550 = arith.addf %add3A_541, %mul3A_549 : vector<16xf32>
        %reduce_sum3A_551 = arith.constant true
        %reduce_sum3A_552 = vector.broadcast %reduce_sum3A_551 : i1 to vector<16xi1>
        %reduce_sum3A_553 = tpu.scan <sum>, %add3A_550 masked %reduce_sum3A_552 : vector<16xf32>, vector<16xi1> -> vector<16xf32>
        %reduce_sum3A_554 = vector.extract %reduce_sum3A_553[15] : f32 from vector<16xf32>
        %eq3A_555 = arith.constant 5 : i32
        %eq3A_556 = vector.broadcast %eq3A_555 : i32 to vector<16xi32>
        %eq3A_557 = arith.cmpi eq, %iota3A, %eq3A_556 : vector<16xi32>
        %broadcast_in_dim3A_558 = vector.broadcast %reduce_sum3A_554 : f32 to vector<16xf32>
        %select_n3A_559 = arith.select %eq3A_557, %broadcast_in_dim3A_558, %select_n3A_479 : vector<16xi1>, vector<16xf32>
        %add3A_560 = arith.constant 768 : i32
        %add3A_561 = arith.addi %mul3A_81, %add3A_560 : i32
        %add3A_562 = arith.constant 0 : i32
        %add3A_563 = arith.addi %add3A_561, %add3A_562 : i32
        %get3A_564 = arith.index_cast %add3A_563 : i32 to index
        %get3A_565 = tpu.vector_load %arg5[%get3A_564] {strides = array<i32>} : memref<20480xf32, #tpu.memory_space<vmem>>, vector<16xf32>,
        %sub3A_566 = arith.subf %get3A_565, %get3A_9 : vector<16xf32>
        %mul3A_567 = arith.mulf %get3A_565, %sub3A_566 : vector<16xf32>
        %add3A_568 = arith.constant 768 : i32
        %add3A_569 = arith.addi %mul3A_81, %add3A_568 : i32
        %add3A_570 = arith.constant 16 : i32
        %add3A_571 = arith.addi %add3A_569, %add3A_570 : i32
        %get3A_572 = arith.index_cast %add3A_571 : i32 to index
        %get3A_573 = tpu.vector_load %arg5[%get3A_572] {strides = array<i32>} : memref<20480xf32, #tpu.memory_space<vmem>>, vector<16xf32>,
        %sub3A_574 = arith.subf %get3A_573, %get3A_11 : vector<16xf32>
        %mul3A_575 = arith.mulf %get3A_573, %sub3A_574 : vector<16xf32>
        %add3A_576 = arith.addf %mul3A_567, %mul3A_575 : vector<16xf32>
        %add3A_577 = arith.constant 768 : i32
        %add3A_578 = arith.addi %mul3A_81, %add3A_577 : i32
        %add3A_579 = arith.constant 32 : i32
        %add3A_580 = arith.addi %add3A_578, %add3A_579 : i32
        %get3A_581 = arith.index_cast %add3A_580 : i32 to index
        %get3A_582 = tpu.vector_load %arg5[%get3A_581] {strides = array<i32>} : memref<20480xf32, #tpu.memory_space<vmem>>, vector<16xf32>,
        %sub3A_583 = arith.subf %get3A_582, %get3A_13 : vector<16xf32>
        %mul3A_584 = arith.mulf %get3A_582, %sub3A_583 : vector<16xf32>
        %add3A_585 = arith.addf %add3A_576, %mul3A_584 : vector<16xf32>
        %add3A_586 = arith.constant 768 : i32
        %add3A_587 = arith.addi %mul3A_81, %add3A_586 : i32
        %add3A_588 = arith.constant 48 : i32
        %add3A_589 = arith.addi %add3A_587, %add3A_588 : i32
        %get3A_590 = arith.index_cast %add3A_589 : i32 to index
        %get3A_591 = tpu.vector_load %arg5[%get3A_590] {strides = array<i32>} : memref<20480xf32, #tpu.memory_space<vmem>>, vector<16xf32>,
        %sub3A_592 = arith.subf %get3A_591, %get3A_15 : vector<16xf32>
        %mul3A_593 = arith.mulf %get3A_591, %sub3A_592 : vector<16xf32>
        %add3A_594 = arith.addf %add3A_585, %mul3A_593 : vector<16xf32>
        %add3A_595 = arith.constant 768 : i32
        %add3A_596 = arith.addi %mul3A_81, %add3A_595 : i32
        %add3A_597 = arith.constant 64 : i32
        %add3A_598 = arith.addi %add3A_596, %add3A_597 : i32
        %get3A_599 = arith.index_cast %add3A_598 : i32 to index
        %get3A_600 = tpu.vector_load %arg5[%get3A_599] {strides = array<i32>} : memref<20480xf32, #tpu.memory_space<vmem>>, vector<16xf32>,
        %sub3A_601 = arith.subf %get3A_600, %get3A_17 : vector<16xf32>
        %mul3A_602 = arith.mulf %get3A_600, %sub3A_601 : vector<16xf32>
        %add3A_603 = arith.addf %add3A_594, %mul3A_602 : vector<16xf32>
        %add3A_604 = arith.constant 768 : i32
        %add3A_605 = arith.addi %mul3A_81, %add3A_604 : i32
        %add3A_606 = arith.constant 80 : i32
        %add3A_607 = arith.addi %add3A_605, %add3A_606 : i32
        %get3A_608 = arith.index_cast %add3A_607 : i32 to index
        %get3A_609 = tpu.vector_load %arg5[%get3A_608] {strides = array<i32>} : memref<20480xf32, #tpu.memory_space<vmem>>, vector<16xf32>,
        %sub3A_610 = arith.subf %get3A_609, %get3A_19 : vector<16xf32>
        %mul3A_611 = arith.mulf %get3A_609, %sub3A_610 : vector<16xf32>
        %add3A_612 = arith.addf %add3A_603, %mul3A_611 : vector<16xf32>
        %add3A_613 = arith.constant 768 : i32
        %add3A_614 = arith.addi %mul3A_81, %add3A_613 : i32
        %add3A_615 = arith.constant 96 : i32
        %add3A_616 = arith.addi %add3A_614, %add3A_615 : i32
        %get3A_617 = arith.index_cast %add3A_616 : i32 to index
        %get3A_618 = tpu.vector_load %arg5[%get3A_617] {strides = array<i32>} : memref<20480xf32, #tpu.memory_space<vmem>>, vector<16xf32>,
        %sub3A_619 = arith.subf %get3A_618, %get3A_21 : vector<16xf32>
        %mul3A_620 = arith.mulf %get3A_618, %sub3A_619 : vector<16xf32>
        %add3A_621 = arith.addf %add3A_612, %mul3A_620 : vector<16xf32>
        %add3A_622 = arith.constant 768 : i32
        %add3A_623 = arith.addi %mul3A_81, %add3A_622 : i32
        %add3A_624 = arith.constant 112 : i32
        %add3A_625 = arith.addi %add3A_623, %add3A_624 : i32
        %get3A_626 = arith.index_cast %add3A_625 : i32 to index
        %get3A_627 = tpu.vector_load %arg5[%get3A_626] {strides = array<i32>} : memref<20480xf32, #tpu.memory_space<vmem>>, vector<16xf32>,
        %sub3A_628 = arith.subf %get3A_627, %get3A_23 : vector<16xf32>
        %mul3A_629 = arith.mulf %get3A_627, %sub3A_628 : vector<16xf32>
        %add3A_630 = arith.addf %add3A_621, %mul3A_629 : vector<16xf32>
        %reduce_sum3A_631 = arith.constant true
        %reduce_sum3A_632 = vector.broadcast %reduce_sum3A_631 : i1 to vector<16xi1>
        %reduce_sum3A_633 = tpu.scan <sum>, %add3A_630 masked %reduce_sum3A_632 : vector<16xf32>, vector<16xi1> -> vector<16xf32>
        %reduce_sum3A_634 = vector.extract %reduce_sum3A_633[15] : f32 from vector<16xf32>
        %eq3A_635 = arith.constant 6 : i32
        %eq3A_636 = vector.broadcast %eq3A_635 : i32 to vector<16xi32>
        %eq3A_637 = arith.cmpi eq, %iota3A, %eq3A_636 : vector<16xi32>
        %broadcast_in_dim3A_638 = vector.broadcast %reduce_sum3A_634 : f32 to vector<16xf32>
        %select_n3A_639 = arith.select %eq3A_637, %broadcast_in_dim3A_638, %select_n3A_559 : vector<16xi1>, vector<16xf32>
        %add3A_640 = arith.constant 896 : i32
        %add3A_641 = arith.addi %mul3A_81, %add3A_640 : i32
        %add3A_642 = arith.constant 0 : i32
        %add3A_643 = arith.addi %add3A_641, %add3A_642 : i32
        %get3A_644 = arith.index_cast %add3A_643 : i32 to index
        %get3A_645 = tpu.vector_load %arg5[%get3A_644] {strides = array<i32>} : memref<20480xf32, #tpu.memory_space<vmem>>, vector<16xf32>,
        %sub3A_646 = arith.subf %get3A_645, %get3A_9 : vector<16xf32>
        %mul3A_647 = arith.mulf %get3A_645, %sub3A_646 : vector<16xf32>
        %add3A_648 = arith.constant 896 : i32
        %add3A_649 = arith.addi %mul3A_81, %add3A_648 : i32
        %add3A_650 = arith.constant 16 : i32
        %add3A_651 = arith.addi %add3A_649, %add3A_650 : i32
        %get3A_652 = arith.index_cast %add3A_651 : i32 to index
        %get3A_653 = tpu.vector_load %arg5[%get3A_652] {strides = array<i32>} : memref<20480xf32, #tpu.memory_space<vmem>>, vector<16xf32>,
        %sub3A_654 = arith.subf %get3A_653, %get3A_11 : vector<16xf32>
        %mul3A_655 = arith.mulf %get3A_653, %sub3A_654 : vector<16xf32>
        %add3A_656 = arith.addf %mul3A_647, %mul3A_655 : vector<16xf32>
        %add3A_657 = arith.constant 896 : i32
        %add3A_658 = arith.addi %mul3A_81, %add3A_657 : i32
        %add3A_659 = arith.constant 32 : i32
        %add3A_660 = arith.addi %add3A_658, %add3A_659 : i32
        %get3A_661 = arith.index_cast %add3A_660 : i32 to index
        %get3A_662 = tpu.vector_load %arg5[%get3A_661] {strides = array<i32>} : memref<20480xf32, #tpu.memory_space<vmem>>, vector<16xf32>,
        %sub3A_663 = arith.subf %get3A_662, %get3A_13 : vector<16xf32>
        %mul3A_664 = arith.mulf %get3A_662, %sub3A_663 : vector<16xf32>
        %add3A_665 = arith.addf %add3A_656, %mul3A_664 : vector<16xf32>
        %add3A_666 = arith.constant 896 : i32
        %add3A_667 = arith.addi %mul3A_81, %add3A_666 : i32
        %add3A_668 = arith.constant 48 : i32
        %add3A_669 = arith.addi %add3A_667, %add3A_668 : i32
        %get3A_670 = arith.index_cast %add3A_669 : i32 to index
        %get3A_671 = tpu.vector_load %arg5[%get3A_670] {strides = array<i32>} : memref<20480xf32, #tpu.memory_space<vmem>>, vector<16xf32>,
        %sub3A_672 = arith.subf %get3A_671, %get3A_15 : vector<16xf32>
        %mul3A_673 = arith.mulf %get3A_671, %sub3A_672 : vector<16xf32>
        %add3A_674 = arith.addf %add3A_665, %mul3A_673 : vector<16xf32>
        %add3A_675 = arith.constant 896 : i32
        %add3A_676 = arith.addi %mul3A_81, %add3A_675 : i32
        %add3A_677 = arith.constant 64 : i32
        %add3A_678 = arith.addi %add3A_676, %add3A_677 : i32
        %get3A_679 = arith.index_cast %add3A_678 : i32 to index
        %get3A_680 = tpu.vector_load %arg5[%get3A_679] {strides = array<i32>} : memref<20480xf32, #tpu.memory_space<vmem>>, vector<16xf32>,
        %sub3A_681 = arith.subf %get3A_680, %get3A_17 : vector<16xf32>
        %mul3A_682 = arith.mulf %get3A_680, %sub3A_681 : vector<16xf32>
        %add3A_683 = arith.addf %add3A_674, %mul3A_682 : vector<16xf32>
        %add3A_684 = arith.constant 896 : i32
        %add3A_685 = arith.addi %mul3A_81, %add3A_684 : i32
        %add3A_686 = arith.constant 80 : i32
        %add3A_687 = arith.addi %add3A_685, %add3A_686 : i32
        %get3A_688 = arith.index_cast %add3A_687 : i32 to index
        %get3A_689 = tpu.vector_load %arg5[%get3A_688] {strides = array<i32>} : memref<20480xf32, #tpu.memory_space<vmem>>, vector<16xf32>,
        %sub3A_690 = arith.subf %get3A_689, %get3A_19 : vector<16xf32>
        %mul3A_691 = arith.mulf %get3A_689, %sub3A_690 : vector<16xf32>
        %add3A_692 = arith.addf %add3A_683, %mul3A_691 : vector<16xf32>
        %add3A_693 = arith.constant 896 : i32
        %add3A_694 = arith.addi %mul3A_81, %add3A_693 : i32
        %add3A_695 = arith.constant 96 : i32
        %add3A_696 = arith.addi %add3A_694, %add3A_695 : i32
        %get3A_697 = arith.index_cast %add3A_696 : i32 to index
        %get3A_698 = tpu.vector_load %arg5[%get3A_697] {strides = array<i32>} : memref<20480xf32, #tpu.memory_space<vmem>>, vector<16xf32>,
        %sub3A_699 = arith.subf %get3A_698, %get3A_21 : vector<16xf32>
        %mul3A_700 = arith.mulf %get3A_698, %sub3A_699 : vector<16xf32>
        %add3A_701 = arith.addf %add3A_692, %mul3A_700 : vector<16xf32>
        %add3A_702 = arith.constant 896 : i32
        %add3A_703 = arith.addi %mul3A_81, %add3A_702 : i32
        %add3A_704 = arith.constant 112 : i32
        %add3A_705 = arith.addi %add3A_703, %add3A_704 : i32
        %get3A_706 = arith.index_cast %add3A_705 : i32 to index
        %get3A_707 = tpu.vector_load %arg5[%get3A_706] {strides = array<i32>} : memref<20480xf32, #tpu.memory_space<vmem>>, vector<16xf32>,
        %sub3A_708 = arith.subf %get3A_707, %get3A_23 : vector<16xf32>
        %mul3A_709 = arith.mulf %get3A_707, %sub3A_708 : vector<16xf32>
        %add3A_710 = arith.addf %add3A_701, %mul3A_709 : vector<16xf32>
        %reduce_sum3A_711 = arith.constant true
        %reduce_sum3A_712 = vector.broadcast %reduce_sum3A_711 : i1 to vector<16xi1>
        %reduce_sum3A_713 = tpu.scan <sum>, %add3A_710 masked %reduce_sum3A_712 : vector<16xf32>, vector<16xi1> -> vector<16xf32>
        %reduce_sum3A_714 = vector.extract %reduce_sum3A_713[15] : f32 from vector<16xf32>
        %eq3A_715 = arith.constant 7 : i32
        %eq3A_716 = vector.broadcast %eq3A_715 : i32 to vector<16xi32>
        %eq3A_717 = arith.cmpi eq, %iota3A, %eq3A_716 : vector<16xi32>
        %broadcast_in_dim3A_718 = vector.broadcast %reduce_sum3A_714 : f32 to vector<16xf32>
        %select_n3A_719 = arith.select %eq3A_717, %broadcast_in_dim3A_718, %select_n3A_639 : vector<16xi1>, vector<16xf32>
        %add3A_720 = arith.constant 1024 : i32
        %add3A_721 = arith.addi %mul3A_81, %add3A_720 : i32
        %add3A_722 = arith.constant 0 : i32
        %add3A_723 = arith.addi %add3A_721, %add3A_722 : i32
        %get3A_724 = arith.index_cast %add3A_723 : i32 to index
        %get3A_725 = tpu.vector_load %arg5[%get3A_724] {strides = array<i32>} : memref<20480xf32, #tpu.memory_space<vmem>>, vector<16xf32>,
        %sub3A_726 = arith.subf %get3A_725, %get3A_9 : vector<16xf32>
        %mul3A_727 = arith.mulf %get3A_725, %sub3A_726 : vector<16xf32>
        %add3A_728 = arith.constant 1024 : i32
        %add3A_729 = arith.addi %mul3A_81, %add3A_728 : i32
        %add3A_730 = arith.constant 16 : i32
        %add3A_731 = arith.addi %add3A_729, %add3A_730 : i32
        %get3A_732 = arith.index_cast %add3A_731 : i32 to index
        %get3A_733 = tpu.vector_load %arg5[%get3A_732] {strides = array<i32>} : memref<20480xf32, #tpu.memory_space<vmem>>, vector<16xf32>,
        %sub3A_734 = arith.subf %get3A_733, %get3A_11 : vector<16xf32>
        %mul3A_735 = arith.mulf %get3A_733, %sub3A_734 : vector<16xf32>
        %add3A_736 = arith.addf %mul3A_727, %mul3A_735 : vector<16xf32>
        %add3A_737 = arith.constant 1024 : i32
        %add3A_738 = arith.addi %mul3A_81, %add3A_737 : i32
        %add3A_739 = arith.constant 32 : i32
        %add3A_740 = arith.addi %add3A_738, %add3A_739 : i32
        %get3A_741 = arith.index_cast %add3A_740 : i32 to index
        %get3A_742 = tpu.vector_load %arg5[%get3A_741] {strides = array<i32>} : memref<20480xf32, #tpu.memory_space<vmem>>, vector<16xf32>,
        %sub3A_743 = arith.subf %get3A_742, %get3A_13 : vector<16xf32>
        %mul3A_744 = arith.mulf %get3A_742, %sub3A_743 : vector<16xf32>
        %add3A_745 = arith.addf %add3A_736, %mul3A_744 : vector<16xf32>
        %add3A_746 = arith.constant 1024 : i32
        %add3A_747 = arith.addi %mul3A_81, %add3A_746 : i32
        %add3A_748 = arith.constant 48 : i32
        %add3A_749 = arith.addi %add3A_747, %add3A_748 : i32
        %get3A_750 = arith.index_cast %add3A_749 : i32 to index
        %get3A_751 = tpu.vector_load %arg5[%get3A_750] {strides = array<i32>} : memref<20480xf32, #tpu.memory_space<vmem>>, vector<16xf32>,
        %sub3A_752 = arith.subf %get3A_751, %get3A_15 : vector<16xf32>
        %mul3A_753 = arith.mulf %get3A_751, %sub3A_752 : vector<16xf32>
        %add3A_754 = arith.addf %add3A_745, %mul3A_753 : vector<16xf32>
        %add3A_755 = arith.constant 1024 : i32
        %add3A_756 = arith.addi %mul3A_81, %add3A_755 : i32
        %add3A_757 = arith.constant 64 : i32
        %add3A_758 = arith.addi %add3A_756, %add3A_757 : i32
        %get3A_759 = arith.index_cast %add3A_758 : i32 to index
        %get3A_760 = tpu.vector_load %arg5[%get3A_759] {strides = array<i32>} : memref<20480xf32, #tpu.memory_space<vmem>>, vector<16xf32>,
        %sub3A_761 = arith.subf %get3A_760, %get3A_17 : vector<16xf32>
        %mul3A_762 = arith.mulf %get3A_760, %sub3A_761 : vector<16xf32>
        %add3A_763 = arith.addf %add3A_754, %mul3A_762 : vector<16xf32>
        %add3A_764 = arith.constant 1024 : i32
        %add3A_765 = arith.addi %mul3A_81, %add3A_764 : i32
        %add3A_766 = arith.constant 80 : i32
        %add3A_767 = arith.addi %add3A_765, %add3A_766 : i32
        %get3A_768 = arith.index_cast %add3A_767 : i32 to index
        %get3A_769 = tpu.vector_load %arg5[%get3A_768] {strides = array<i32>} : memref<20480xf32, #tpu.memory_space<vmem>>, vector<16xf32>,
        %sub3A_770 = arith.subf %get3A_769, %get3A_19 : vector<16xf32>
        %mul3A_771 = arith.mulf %get3A_769, %sub3A_770 : vector<16xf32>
        %add3A_772 = arith.addf %add3A_763, %mul3A_771 : vector<16xf32>
        %add3A_773 = arith.constant 1024 : i32
        %add3A_774 = arith.addi %mul3A_81, %add3A_773 : i32
        %add3A_775 = arith.constant 96 : i32
        %add3A_776 = arith.addi %add3A_774, %add3A_775 : i32
        %get3A_777 = arith.index_cast %add3A_776 : i32 to index
        %get3A_778 = tpu.vector_load %arg5[%get3A_777] {strides = array<i32>} : memref<20480xf32, #tpu.memory_space<vmem>>, vector<16xf32>,
        %sub3A_779 = arith.subf %get3A_778, %get3A_21 : vector<16xf32>
        %mul3A_780 = arith.mulf %get3A_778, %sub3A_779 : vector<16xf32>
        %add3A_781 = arith.addf %add3A_772, %mul3A_780 : vector<16xf32>
        %add3A_782 = arith.constant 1024 : i32
        %add3A_783 = arith.addi %mul3A_81, %add3A_782 : i32
        %add3A_784 = arith.constant 112 : i32
        %add3A_785 = arith.addi %add3A_783, %add3A_784 : i32
        %get3A_786 = arith.index_cast %add3A_785 : i32 to index
        %get3A_787 = tpu.vector_load %arg5[%get3A_786] {strides = array<i32>} : memref<20480xf32, #tpu.memory_space<vmem>>, vector<16xf32>,
        %sub3A_788 = arith.subf %get3A_787, %get3A_23 : vector<16xf32>
        %mul3A_789 = arith.mulf %get3A_787, %sub3A_788 : vector<16xf32>
        %add3A_790 = arith.addf %add3A_781, %mul3A_789 : vector<16xf32>
        %reduce_sum3A_791 = arith.constant true
        %reduce_sum3A_792 = vector.broadcast %reduce_sum3A_791 : i1 to vector<16xi1>
        %reduce_sum3A_793 = tpu.scan <sum>, %add3A_790 masked %reduce_sum3A_792 : vector<16xf32>, vector<16xi1> -> vector<16xf32>
        %reduce_sum3A_794 = vector.extract %reduce_sum3A_793[15] : f32 from vector<16xf32>
        %eq3A_795 = arith.constant 8 : i32
        %eq3A_796 = vector.broadcast %eq3A_795 : i32 to vector<16xi32>
        %eq3A_797 = arith.cmpi eq, %iota3A, %eq3A_796 : vector<16xi32>
        %broadcast_in_dim3A_798 = vector.broadcast %reduce_sum3A_794 : f32 to vector<16xf32>
        %select_n3A_799 = arith.select %eq3A_797, %broadcast_in_dim3A_798, %select_n3A_719 : vector<16xi1>, vector<16xf32>
        %add3A_800 = arith.constant 1152 : i32
        %add3A_801 = arith.addi %mul3A_81, %add3A_800 : i32
        %add3A_802 = arith.constant 0 : i32
        %add3A_803 = arith.addi %add3A_801, %add3A_802 : i32
        %get3A_804 = arith.index_cast %add3A_803 : i32 to index
        %get3A_805 = tpu.vector_load %arg5[%get3A_804] {strides = array<i32>} : memref<20480xf32, #tpu.memory_space<vmem>>, vector<16xf32>,
        %sub3A_806 = arith.subf %get3A_805, %get3A_9 : vector<16xf32>
        %mul3A_807 = arith.mulf %get3A_805, %sub3A_806 : vector<16xf32>
        %add3A_808 = arith.constant 1152 : i32
        %add3A_809 = arith.addi %mul3A_81, %add3A_808 : i32
        %add3A_810 = arith.constant 16 : i32
        %add3A_811 = arith.addi %add3A_809, %add3A_810 : i32
        %get3A_812 = arith.index_cast %add3A_811 : i32 to index
        %get3A_813 = tpu.vector_load %arg5[%get3A_812] {strides = array<i32>} : memref<20480xf32, #tpu.memory_space<vmem>>, vector<16xf32>,
        %sub3A_814 = arith.subf %get3A_813, %get3A_11 : vector<16xf32>
        %mul3A_815 = arith.mulf %get3A_813, %sub3A_814 : vector<16xf32>
        %add3A_816 = arith.addf %mul3A_807, %mul3A_815 : vector<16xf32>
        %add3A_817 = arith.constant 1152 : i32
        %add3A_818 = arith.addi %mul3A_81, %add3A_817 : i32
        %add3A_819 = arith.constant 32 : i32
        %add3A_820 = arith.addi %add3A_818, %add3A_819 : i32
        %get3A_821 = arith.index_cast %add3A_820 : i32 to index
        %get3A_822 = tpu.vector_load %arg5[%get3A_821] {strides = array<i32>} : memref<20480xf32, #tpu.memory_space<vmem>>, vector<16xf32>,
        %sub3A_823 = arith.subf %get3A_822, %get3A_13 : vector<16xf32>
        %mul3A_824 = arith.mulf %get3A_822, %sub3A_823 : vector<16xf32>
        %add3A_825 = arith.addf %add3A_816, %mul3A_824 : vector<16xf32>
        %add3A_826 = arith.constant 1152 : i32
        %add3A_827 = arith.addi %mul3A_81, %add3A_826 : i32
        %add3A_828 = arith.constant 48 : i32
        %add3A_829 = arith.addi %add3A_827, %add3A_828 : i32
        %get3A_830 = arith.index_cast %add3A_829 : i32 to index
        %get3A_831 = tpu.vector_load %arg5[%get3A_830] {strides = array<i32>} : memref<20480xf32, #tpu.memory_space<vmem>>, vector<16xf32>,
        %sub3A_832 = arith.subf %get3A_831, %get3A_15 : vector<16xf32>
        %mul3A_833 = arith.mulf %get3A_831, %sub3A_832 : vector<16xf32>
        %add3A_834 = arith.addf %add3A_825, %mul3A_833 : vector<16xf32>
        %add3A_835 = arith.constant 1152 : i32
        %add3A_836 = arith.addi %mul3A_81, %add3A_835 : i32
        %add3A_837 = arith.constant 64 : i32
        %add3A_838 = arith.addi %add3A_836, %add3A_837 : i32
        %get3A_839 = arith.index_cast %add3A_838 : i32 to index
        %get3A_840 = tpu.vector_load %arg5[%get3A_839] {strides = array<i32>} : memref<20480xf32, #tpu.memory_space<vmem>>, vector<16xf32>,
        %sub3A_841 = arith.subf %get3A_840, %get3A_17 : vector<16xf32>
        %mul3A_842 = arith.mulf %get3A_840, %sub3A_841 : vector<16xf32>
        %add3A_843 = arith.addf %add3A_834, %mul3A_842 : vector<16xf32>
        %add3A_844 = arith.constant 1152 : i32
        %add3A_845 = arith.addi %mul3A_81, %add3A_844 : i32
        %add3A_846 = arith.constant 80 : i32
        %add3A_847 = arith.addi %add3A_845, %add3A_846 : i32
        %get3A_848 = arith.index_cast %add3A_847 : i32 to index
        %get3A_849 = tpu.vector_load %arg5[%get3A_848] {strides = array<i32>} : memref<20480xf32, #tpu.memory_space<vmem>>, vector<16xf32>,
        %sub3A_850 = arith.subf %get3A_849, %get3A_19 : vector<16xf32>
        %mul3A_851 = arith.mulf %get3A_849, %sub3A_850 : vector<16xf32>
        %add3A_852 = arith.addf %add3A_843, %mul3A_851 : vector<16xf32>
        %add3A_853 = arith.constant 1152 : i32
        %add3A_854 = arith.addi %mul3A_81, %add3A_853 : i32
        %add3A_855 = arith.constant 96 : i32
        %add3A_856 = arith.addi %add3A_854, %add3A_855 : i32
        %get3A_857 = arith.index_cast %add3A_856 : i32 to index
        %get3A_858 = tpu.vector_load %arg5[%get3A_857] {strides = array<i32>} : memref<20480xf32, #tpu.memory_space<vmem>>, vector<16xf32>,
        %sub3A_859 = arith.subf %get3A_858, %get3A_21 : vector<16xf32>
        %mul3A_860 = arith.mulf %get3A_858, %sub3A_859 : vector<16xf32>
        %add3A_861 = arith.addf %add3A_852, %mul3A_860 : vector<16xf32>
        %add3A_862 = arith.constant 1152 : i32
        %add3A_863 = arith.addi %mul3A_81, %add3A_862 : i32
        %add3A_864 = arith.constant 112 : i32
        %add3A_865 = arith.addi %add3A_863, %add3A_864 : i32
        %get3A_866 = arith.index_cast %add3A_865 : i32 to index
        %get3A_867 = tpu.vector_load %arg5[%get3A_866] {strides = array<i32>} : memref<20480xf32, #tpu.memory_space<vmem>>, vector<16xf32>,
        %sub3A_868 = arith.subf %get3A_867, %get3A_23 : vector<16xf32>
        %mul3A_869 = arith.mulf %get3A_867, %sub3A_868 : vector<16xf32>
        %add3A_870 = arith.addf %add3A_861, %mul3A_869 : vector<16xf32>
        %reduce_sum3A_871 = arith.constant true
        %reduce_sum3A_872 = vector.broadcast %reduce_sum3A_871 : i1 to vector<16xi1>
        %reduce_sum3A_873 = tpu.scan <sum>, %add3A_870 masked %reduce_sum3A_872 : vector<16xf32>, vector<16xi1> -> vector<16xf32>
        %reduce_sum3A_874 = vector.extract %reduce_sum3A_873[15] : f32 from vector<16xf32>
        %eq3A_875 = arith.constant 9 : i32
        %eq3A_876 = vector.broadcast %eq3A_875 : i32 to vector<16xi32>
        %eq3A_877 = arith.cmpi eq, %iota3A, %eq3A_876 : vector<16xi32>
        %broadcast_in_dim3A_878 = vector.broadcast %reduce_sum3A_874 : f32 to vector<16xf32>
        %select_n3A_879 = arith.select %eq3A_877, %broadcast_in_dim3A_878, %select_n3A_799 : vector<16xi1>, vector<16xf32>
        %add3A_880 = arith.constant 1280 : i32
        %add3A_881 = arith.addi %mul3A_81, %add3A_880 : i32
        %add3A_882 = arith.constant 0 : i32
        %add3A_883 = arith.addi %add3A_881, %add3A_882 : i32
        %get3A_884 = arith.index_cast %add3A_883 : i32 to index
        %get3A_885 = tpu.vector_load %arg5[%get3A_884] {strides = array<i32>} : memref<20480xf32, #tpu.memory_space<vmem>>, vector<16xf32>,
        %sub3A_886 = arith.subf %get3A_885, %get3A_9 : vector<16xf32>
        %mul3A_887 = arith.mulf %get3A_885, %sub3A_886 : vector<16xf32>
        %add3A_888 = arith.constant 1280 : i32
        %add3A_889 = arith.addi %mul3A_81, %add3A_888 : i32
        %add3A_890 = arith.constant 16 : i32
        %add3A_891 = arith.addi %add3A_889, %add3A_890 : i32
        %get3A_892 = arith.index_cast %add3A_891 : i32 to index
        %get3A_893 = tpu.vector_load %arg5[%get3A_892] {strides = array<i32>} : memref<20480xf32, #tpu.memory_space<vmem>>, vector<16xf32>,
        %sub3A_894 = arith.subf %get3A_893, %get3A_11 : vector<16xf32>
        %mul3A_895 = arith.mulf %get3A_893, %sub3A_894 : vector<16xf32>
        %add3A_896 = arith.addf %mul3A_887, %mul3A_895 : vector<16xf32>
        %add3A_897 = arith.constant 1280 : i32
        %add3A_898 = arith.addi %mul3A_81, %add3A_897 : i32
        %add3A_899 = arith.constant 32 : i32
        %add3A_900 = arith.addi %add3A_898, %add3A_899 : i32
        %get3A_901 = arith.index_cast %add3A_900 : i32 to index
        %get3A_902 = tpu.vector_load %arg5[%get3A_901] {strides = array<i32>} : memref<20480xf32, #tpu.memory_space<vmem>>, vector<16xf32>,
        %sub3A_903 = arith.subf %get3A_902, %get3A_13 : vector<16xf32>
        %mul3A_904 = arith.mulf %get3A_902, %sub3A_903 : vector<16xf32>
        %add3A_905 = arith.addf %add3A_896, %mul3A_904 : vector<16xf32>
        %add3A_906 = arith.constant 1280 : i32
        %add3A_907 = arith.addi %mul3A_81, %add3A_906 : i32
        %add3A_908 = arith.constant 48 : i32
        %add3A_909 = arith.addi %add3A_907, %add3A_908 : i32
        %get3A_910 = arith.index_cast %add3A_909 : i32 to index
        %get3A_911 = tpu.vector_load %arg5[%get3A_910] {strides = array<i32>} : memref<20480xf32, #tpu.memory_space<vmem>>, vector<16xf32>,
        %sub3A_912 = arith.subf %get3A_911, %get3A_15 : vector<16xf32>
        %mul3A_913 = arith.mulf %get3A_911, %sub3A_912 : vector<16xf32>
        %add3A_914 = arith.addf %add3A_905, %mul3A_913 : vector<16xf32>
        %add3A_915 = arith.constant 1280 : i32
        %add3A_916 = arith.addi %mul3A_81, %add3A_915 : i32
        %add3A_917 = arith.constant 64 : i32
        %add3A_918 = arith.addi %add3A_916, %add3A_917 : i32
        %get3A_919 = arith.index_cast %add3A_918 : i32 to index
        %get3A_920 = tpu.vector_load %arg5[%get3A_919] {strides = array<i32>} : memref<20480xf32, #tpu.memory_space<vmem>>, vector<16xf32>,
        %sub3A_921 = arith.subf %get3A_920, %get3A_17 : vector<16xf32>
        %mul3A_922 = arith.mulf %get3A_920, %sub3A_921 : vector<16xf32>
        %add3A_923 = arith.addf %add3A_914, %mul3A_922 : vector<16xf32>
        %add3A_924 = arith.constant 1280 : i32
        %add3A_925 = arith.addi %mul3A_81, %add3A_924 : i32
        %add3A_926 = arith.constant 80 : i32
        %add3A_927 = arith.addi %add3A_925, %add3A_926 : i32
        %get3A_928 = arith.index_cast %add3A_927 : i32 to index
        %get3A_929 = tpu.vector_load %arg5[%get3A_928] {strides = array<i32>} : memref<20480xf32, #tpu.memory_space<vmem>>, vector<16xf32>,
        %sub3A_930 = arith.subf %get3A_929, %get3A_19 : vector<16xf32>
        %mul3A_931 = arith.mulf %get3A_929, %sub3A_930 : vector<16xf32>
        %add3A_932 = arith.addf %add3A_923, %mul3A_931 : vector<16xf32>
        %add3A_933 = arith.constant 1280 : i32
        %add3A_934 = arith.addi %mul3A_81, %add3A_933 : i32
        %add3A_935 = arith.constant 96 : i32
        %add3A_936 = arith.addi %add3A_934, %add3A_935 : i32
        %get3A_937 = arith.index_cast %add3A_936 : i32 to index
        %get3A_938 = tpu.vector_load %arg5[%get3A_937] {strides = array<i32>} : memref<20480xf32, #tpu.memory_space<vmem>>, vector<16xf32>,
        %sub3A_939 = arith.subf %get3A_938, %get3A_21 : vector<16xf32>
        %mul3A_940 = arith.mulf %get3A_938, %sub3A_939 : vector<16xf32>
        %add3A_941 = arith.addf %add3A_932, %mul3A_940 : vector<16xf32>
        %add3A_942 = arith.constant 1280 : i32
        %add3A_943 = arith.addi %mul3A_81, %add3A_942 : i32
        %add3A_944 = arith.constant 112 : i32
        %add3A_945 = arith.addi %add3A_943, %add3A_944 : i32
        %get3A_946 = arith.index_cast %add3A_945 : i32 to index
        %get3A_947 = tpu.vector_load %arg5[%get3A_946] {strides = array<i32>} : memref<20480xf32, #tpu.memory_space<vmem>>, vector<16xf32>,
        %sub3A_948 = arith.subf %get3A_947, %get3A_23 : vector<16xf32>
        %mul3A_949 = arith.mulf %get3A_947, %sub3A_948 : vector<16xf32>
        %add3A_950 = arith.addf %add3A_941, %mul3A_949 : vector<16xf32>
        %reduce_sum3A_951 = arith.constant true
        %reduce_sum3A_952 = vector.broadcast %reduce_sum3A_951 : i1 to vector<16xi1>
        %reduce_sum3A_953 = tpu.scan <sum>, %add3A_950 masked %reduce_sum3A_952 : vector<16xf32>, vector<16xi1> -> vector<16xf32>
        %reduce_sum3A_954 = vector.extract %reduce_sum3A_953[15] : f32 from vector<16xf32>
        %eq3A_955 = arith.constant 10 : i32
        %eq3A_956 = vector.broadcast %eq3A_955 : i32 to vector<16xi32>
        %eq3A_957 = arith.cmpi eq, %iota3A, %eq3A_956 : vector<16xi32>
        %broadcast_in_dim3A_958 = vector.broadcast %reduce_sum3A_954 : f32 to vector<16xf32>
        %select_n3A_959 = arith.select %eq3A_957, %broadcast_in_dim3A_958, %select_n3A_879 : vector<16xi1>, vector<16xf32>
        %add3A_960 = arith.constant 1408 : i32
        %add3A_961 = arith.addi %mul3A_81, %add3A_960 : i32
        %add3A_962 = arith.constant 0 : i32
        %add3A_963 = arith.addi %add3A_961, %add3A_962 : i32
        %get3A_964 = arith.index_cast %add3A_963 : i32 to index
        %get3A_965 = tpu.vector_load %arg5[%get3A_964] {strides = array<i32>} : memref<20480xf32, #tpu.memory_space<vmem>>, vector<16xf32>,
        %sub3A_966 = arith.subf %get3A_965, %get3A_9 : vector<16xf32>
        %mul3A_967 = arith.mulf %get3A_965, %sub3A_966 : vector<16xf32>
        %add3A_968 = arith.constant 1408 : i32
        %add3A_969 = arith.addi %mul3A_81, %add3A_968 : i32
        %add3A_970 = arith.constant 16 : i32
        %add3A_971 = arith.addi %add3A_969, %add3A_970 : i32
        %get3A_972 = arith.index_cast %add3A_971 : i32 to index
        %get3A_973 = tpu.vector_load %arg5[%get3A_972] {strides = array<i32>} : memref<20480xf32, #tpu.memory_space<vmem>>, vector<16xf32>,
        %sub3A_974 = arith.subf %get3A_973, %get3A_11 : vector<16xf32>
        %mul3A_975 = arith.mulf %get3A_973, %sub3A_974 : vector<16xf32>
        %add3A_976 = arith.addf %mul3A_967, %mul3A_975 : vector<16xf32>
        %add3A_977 = arith.constant 1408 : i32
        %add3A_978 = arith.addi %mul3A_81, %add3A_977 : i32
        %add3A_979 = arith.constant 32 : i32
        %add3A_980 = arith.addi %add3A_978, %add3A_979 : i32
        %get3A_981 = arith.index_cast %add3A_980 : i32 to index
        %get3A_982 = tpu.vector_load %arg5[%get3A_981] {strides = array<i32>} : memref<20480xf32, #tpu.memory_space<vmem>>, vector<16xf32>,
        %sub3A_983 = arith.subf %get3A_982, %get3A_13 : vector<16xf32>
        %mul3A_984 = arith.mulf %get3A_982, %sub3A_983 : vector<16xf32>
        %add3A_985 = arith.addf %add3A_976, %mul3A_984 : vector<16xf32>
        %add3A_986 = arith.constant 1408 : i32
        %add3A_987 = arith.addi %mul3A_81, %add3A_986 : i32
        %add3A_988 = arith.constant 48 : i32
        %add3A_989 = arith.addi %add3A_987, %add3A_988 : i32
        %get3A_990 = arith.index_cast %add3A_989 : i32 to index
        %get3A_991 = tpu.vector_load %arg5[%get3A_990] {strides = array<i32>} : memref<20480xf32, #tpu.memory_space<vmem>>, vector<16xf32>,
        %sub3A_992 = arith.subf %get3A_991, %get3A_15 : vector<16xf32>
        %mul3A_993 = arith.mulf %get3A_991, %sub3A_992 : vector<16xf32>
        %add3A_994 = arith.addf %add3A_985, %mul3A_993 : vector<16xf32>
        %add3A_995 = arith.constant 1408 : i32
        %add3A_996 = arith.addi %mul3A_81, %add3A_995 : i32
        %add3A_997 = arith.constant 64 : i32
        %add3A_998 = arith.addi %add3A_996, %add3A_997 : i32
        %get3A_999 = arith.index_cast %add3A_998 : i32 to index
        %get3A_1000 = tpu.vector_load %arg5[%get3A_999] {strides = array<i32>} : memref<20480xf32, #tpu.memory_space<vmem>>, vector<16xf32>,
        %sub3A_1001 = arith.subf %get3A_1000, %get3A_17 : vector<16xf32>
        %mul3A_1002 = arith.mulf %get3A_1000, %sub3A_1001 : vector<16xf32>
        %add3A_1003 = arith.addf %add3A_994, %mul3A_1002 : vector<16xf32>
        %add3A_1004 = arith.constant 1408 : i32
        %add3A_1005 = arith.addi %mul3A_81, %add3A_1004 : i32
        %add3A_1006 = arith.constant 80 : i32
        %add3A_1007 = arith.addi %add3A_1005, %add3A_1006 : i32
        %get3A_1008 = arith.index_cast %add3A_1007 : i32 to index
        %get3A_1009 = tpu.vector_load %arg5[%get3A_1008] {strides = array<i32>} : memref<20480xf32, #tpu.memory_space<vmem>>, vector<16xf32>,
        %sub3A_1010 = arith.subf %get3A_1009, %get3A_19 : vector<16xf32>
        %mul3A_1011 = arith.mulf %get3A_1009, %sub3A_1010 : vector<16xf32>
        %add3A_1012 = arith.addf %add3A_1003, %mul3A_1011 : vector<16xf32>
        %add3A_1013 = arith.constant 1408 : i32
        %add3A_1014 = arith.addi %mul3A_81, %add3A_1013 : i32
        %add3A_1015 = arith.constant 96 : i32
        %add3A_1016 = arith.addi %add3A_1014, %add3A_1015 : i32
        %get3A_1017 = arith.index_cast %add3A_1016 : i32 to index
        %get3A_1018 = tpu.vector_load %arg5[%get3A_1017] {strides = array<i32>} : memref<20480xf32, #tpu.memory_space<vmem>>, vector<16xf32>,
        %sub3A_1019 = arith.subf %get3A_1018, %get3A_21 : vector<16xf32>
        %mul3A_1020 = arith.mulf %get3A_1018, %sub3A_1019 : vector<16xf32>
        %add3A_1021 = arith.addf %add3A_1012, %mul3A_1020 : vector<16xf32>
        %add3A_1022 = arith.constant 1408 : i32
        %add3A_1023 = arith.addi %mul3A_81, %add3A_1022 : i32
        %add3A_1024 = arith.constant 112 : i32
        %add3A_1025 = arith.addi %add3A_1023, %add3A_1024 : i32
        %get3A_1026 = arith.index_cast %add3A_1025 : i32 to index
        %get3A_1027 = tpu.vector_load %arg5[%get3A_1026] {strides = array<i32>} : memref<20480xf32, #tpu.memory_space<vmem>>, vector<16xf32>,
        %sub3A_1028 = arith.subf %get3A_1027, %get3A_23 : vector<16xf32>
        %mul3A_1029 = arith.mulf %get3A_1027, %sub3A_1028 : vector<16xf32>
        %add3A_1030 = arith.addf %add3A_1021, %mul3A_1029 : vector<16xf32>
        %reduce_sum3A_1031 = arith.constant true
        %reduce_sum3A_1032 = vector.broadcast %reduce_sum3A_1031 : i1 to vector<16xi1>
        %reduce_sum3A_1033 = tpu.scan <sum>, %add3A_1030 masked %reduce_sum3A_1032 : vector<16xf32>, vector<16xi1> -> vector<16xf32>
        %reduce_sum3A_1034 = vector.extract %reduce_sum3A_1033[15] : f32 from vector<16xf32>
        %eq3A_1035 = arith.constant 11 : i32
        %eq3A_1036 = vector.broadcast %eq3A_1035 : i32 to vector<16xi32>
        %eq3A_1037 = arith.cmpi eq, %iota3A, %eq3A_1036 : vector<16xi32>
        %broadcast_in_dim3A_1038 = vector.broadcast %reduce_sum3A_1034 : f32 to vector<16xf32>
        %select_n3A_1039 = arith.select %eq3A_1037, %broadcast_in_dim3A_1038, %select_n3A_959 : vector<16xi1>, vector<16xf32>
        %add3A_1040 = arith.constant 1536 : i32
        %add3A_1041 = arith.addi %mul3A_81, %add3A_1040 : i32
        %add3A_1042 = arith.constant 0 : i32
        %add3A_1043 = arith.addi %add3A_1041, %add3A_1042 : i32
        %get3A_1044 = arith.index_cast %add3A_1043 : i32 to index
        %get3A_1045 = tpu.vector_load %arg5[%get3A_1044] {strides = array<i32>} : memref<20480xf32, #tpu.memory_space<vmem>>, vector<16xf32>,
        %sub3A_1046 = arith.subf %get3A_1045, %get3A_9 : vector<16xf32>
        %mul3A_1047 = arith.mulf %get3A_1045, %sub3A_1046 : vector<16xf32>
        %add3A_1048 = arith.constant 1536 : i32
        %add3A_1049 = arith.addi %mul3A_81, %add3A_1048 : i32
        %add3A_1050 = arith.constant 16 : i32
        %add3A_1051 = arith.addi %add3A_1049, %add3A_1050 : i32
        %get3A_1052 = arith.index_cast %add3A_1051 : i32 to index
        %get3A_1053 = tpu.vector_load %arg5[%get3A_1052] {strides = array<i32>} : memref<20480xf32, #tpu.memory_space<vmem>>, vector<16xf32>,
        %sub3A_1054 = arith.subf %get3A_1053, %get3A_11 : vector<16xf32>
        %mul3A_1055 = arith.mulf %get3A_1053, %sub3A_1054 : vector<16xf32>
        %add3A_1056 = arith.addf %mul3A_1047, %mul3A_1055 : vector<16xf32>
        %add3A_1057 = arith.constant 1536 : i32
        %add3A_1058 = arith.addi %mul3A_81, %add3A_1057 : i32
        %add3A_1059 = arith.constant 32 : i32
        %add3A_1060 = arith.addi %add3A_1058, %add3A_1059 : i32
        %get3A_1061 = arith.index_cast %add3A_1060 : i32 to index
        %get3A_1062 = tpu.vector_load %arg5[%get3A_1061] {strides = array<i32>} : memref<20480xf32, #tpu.memory_space<vmem>>, vector<16xf32>,
        %sub3A_1063 = arith.subf %get3A_1062, %get3A_13 : vector<16xf32>
        %mul3A_1064 = arith.mulf %get3A_1062, %sub3A_1063 : vector<16xf32>
        %add3A_1065 = arith.addf %add3A_1056, %mul3A_1064 : vector<16xf32>
        %add3A_1066 = arith.constant 1536 : i32
        %add3A_1067 = arith.addi %mul3A_81, %add3A_1066 : i32
        %add3A_1068 = arith.constant 48 : i32
        %add3A_1069 = arith.addi %add3A_1067, %add3A_1068 : i32
        %get3A_1070 = arith.index_cast %add3A_1069 : i32 to index
        %get3A_1071 = tpu.vector_load %arg5[%get3A_1070] {strides = array<i32>} : memref<20480xf32, #tpu.memory_space<vmem>>, vector<16xf32>,
        %sub3A_1072 = arith.subf %get3A_1071, %get3A_15 : vector<16xf32>
        %mul3A_1073 = arith.mulf %get3A_1071, %sub3A_1072 : vector<16xf32>
        %add3A_1074 = arith.addf %add3A_1065, %mul3A_1073 : vector<16xf32>
        %add3A_1075 = arith.constant 1536 : i32
        %add3A_1076 = arith.addi %mul3A_81, %add3A_1075 : i32
        %add3A_1077 = arith.constant 64 : i32
        %add3A_1078 = arith.addi %add3A_1076, %add3A_1077 : i32
        %get3A_1079 = arith.index_cast %add3A_1078 : i32 to index
        %get3A_1080 = tpu.vector_load %arg5[%get3A_1079] {strides = array<i32>} : memref<20480xf32, #tpu.memory_space<vmem>>, vector<16xf32>,
        %sub3A_1081 = arith.subf %get3A_1080, %get3A_17 : vector<16xf32>
        %mul3A_1082 = arith.mulf %get3A_1080, %sub3A_1081 : vector<16xf32>
        %add3A_1083 = arith.addf %add3A_1074, %mul3A_1082 : vector<16xf32>
        %add3A_1084 = arith.constant 1536 : i32
        %add3A_1085 = arith.addi %mul3A_81, %add3A_1084 : i32
        %add3A_1086 = arith.constant 80 : i32
        %add3A_1087 = arith.addi %add3A_1085, %add3A_1086 : i32
        %get3A_1088 = arith.index_cast %add3A_1087 : i32 to index
        %get3A_1089 = tpu.vector_load %arg5[%get3A_1088] {strides = array<i32>} : memref<20480xf32, #tpu.memory_space<vmem>>, vector<16xf32>,
        %sub3A_1090 = arith.subf %get3A_1089, %get3A_19 : vector<16xf32>
        %mul3A_1091 = arith.mulf %get3A_1089, %sub3A_1090 : vector<16xf32>
        %add3A_1092 = arith.addf %add3A_1083, %mul3A_1091 : vector<16xf32>
        %add3A_1093 = arith.constant 1536 : i32
        %add3A_1094 = arith.addi %mul3A_81, %add3A_1093 : i32
        %add3A_1095 = arith.constant 96 : i32
        %add3A_1096 = arith.addi %add3A_1094, %add3A_1095 : i32
        %get3A_1097 = arith.index_cast %add3A_1096 : i32 to index
        %get3A_1098 = tpu.vector_load %arg5[%get3A_1097] {strides = array<i32>} : memref<20480xf32, #tpu.memory_space<vmem>>, vector<16xf32>,
        %sub3A_1099 = arith.subf %get3A_1098, %get3A_21 : vector<16xf32>
        %mul3A_1100 = arith.mulf %get3A_1098, %sub3A_1099 : vector<16xf32>
        %add3A_1101 = arith.addf %add3A_1092, %mul3A_1100 : vector<16xf32>
        %add3A_1102 = arith.constant 1536 : i32
        %add3A_1103 = arith.addi %mul3A_81, %add3A_1102 : i32
        %add3A_1104 = arith.constant 112 : i32
        %add3A_1105 = arith.addi %add3A_1103, %add3A_1104 : i32
        %get3A_1106 = arith.index_cast %add3A_1105 : i32 to index
        %get3A_1107 = tpu.vector_load %arg5[%get3A_1106] {strides = array<i32>} : memref<20480xf32, #tpu.memory_space<vmem>>, vector<16xf32>,
        %sub3A_1108 = arith.subf %get3A_1107, %get3A_23 : vector<16xf32>
        %mul3A_1109 = arith.mulf %get3A_1107, %sub3A_1108 : vector<16xf32>
        %add3A_1110 = arith.addf %add3A_1101, %mul3A_1109 : vector<16xf32>
        %reduce_sum3A_1111 = arith.constant true
        %reduce_sum3A_1112 = vector.broadcast %reduce_sum3A_1111 : i1 to vector<16xi1>
        %reduce_sum3A_1113 = tpu.scan <sum>, %add3A_1110 masked %reduce_sum3A_1112 : vector<16xf32>, vector<16xi1> -> vector<16xf32>
        %reduce_sum3A_1114 = vector.extract %reduce_sum3A_1113[15] : f32 from vector<16xf32>
        %eq3A_1115 = arith.constant 12 : i32
        %eq3A_1116 = vector.broadcast %eq3A_1115 : i32 to vector<16xi32>
        %eq3A_1117 = arith.cmpi eq, %iota3A, %eq3A_1116 : vector<16xi32>
        %broadcast_in_dim3A_1118 = vector.broadcast %reduce_sum3A_1114 : f32 to vector<16xf32>
        %select_n3A_1119 = arith.select %eq3A_1117, %broadcast_in_dim3A_1118, %select_n3A_1039 : vector<16xi1>, vector<16xf32>
        %add3A_1120 = arith.constant 1664 : i32
        %add3A_1121 = arith.addi %mul3A_81, %add3A_1120 : i32
        %add3A_1122 = arith.constant 0 : i32
        %add3A_1123 = arith.addi %add3A_1121, %add3A_1122 : i32
        %get3A_1124 = arith.index_cast %add3A_1123 : i32 to index
        %get3A_1125 = tpu.vector_load %arg5[%get3A_1124] {strides = array<i32>} : memref<20480xf32, #tpu.memory_space<vmem>>, vector<16xf32>,
        %sub3A_1126 = arith.subf %get3A_1125, %get3A_9 : vector<16xf32>
        %mul3A_1127 = arith.mulf %get3A_1125, %sub3A_1126 : vector<16xf32>
        %add3A_1128 = arith.constant 1664 : i32
        %add3A_1129 = arith.addi %mul3A_81, %add3A_1128 : i32
        %add3A_1130 = arith.constant 16 : i32
        %add3A_1131 = arith.addi %add3A_1129, %add3A_1130 : i32
        %get3A_1132 = arith.index_cast %add3A_1131 : i32 to index
        %get3A_1133 = tpu.vector_load %arg5[%get3A_1132] {strides = array<i32>} : memref<20480xf32, #tpu.memory_space<vmem>>, vector<16xf32>,
        %sub3A_1134 = arith.subf %get3A_1133, %get3A_11 : vector<16xf32>
        %mul3A_1135 = arith.mulf %get3A_1133, %sub3A_1134 : vector<16xf32>
        %add3A_1136 = arith.addf %mul3A_1127, %mul3A_1135 : vector<16xf32>
        %add3A_1137 = arith.constant 1664 : i32
        %add3A_1138 = arith.addi %mul3A_81, %add3A_1137 : i32
        %add3A_1139 = arith.constant 32 : i32
        %add3A_1140 = arith.addi %add3A_1138, %add3A_1139 : i32
        %get3A_1141 = arith.index_cast %add3A_1140 : i32 to index
        %get3A_1142 = tpu.vector_load %arg5[%get3A_1141] {strides = array<i32>} : memref<20480xf32, #tpu.memory_space<vmem>>, vector<16xf32>,
        %sub3A_1143 = arith.subf %get3A_1142, %get3A_13 : vector<16xf32>
        %mul3A_1144 = arith.mulf %get3A_1142, %sub3A_1143 : vector<16xf32>
        %add3A_1145 = arith.addf %add3A_1136, %mul3A_1144 : vector<16xf32>
        %add3A_1146 = arith.constant 1664 : i32
        %add3A_1147 = arith.addi %mul3A_81, %add3A_1146 : i32
        %add3A_1148 = arith.constant 48 : i32
        %add3A_1149 = arith.addi %add3A_1147, %add3A_1148 : i32
        %get3A_1150 = arith.index_cast %add3A_1149 : i32 to index
        %get3A_1151 = tpu.vector_load %arg5[%get3A_1150] {strides = array<i32>} : memref<20480xf32, #tpu.memory_space<vmem>>, vector<16xf32>,
        %sub3A_1152 = arith.subf %get3A_1151, %get3A_15 : vector<16xf32>
        %mul3A_1153 = arith.mulf %get3A_1151, %sub3A_1152 : vector<16xf32>
        %add3A_1154 = arith.addf %add3A_1145, %mul3A_1153 : vector<16xf32>
        %add3A_1155 = arith.constant 1664 : i32
        %add3A_1156 = arith.addi %mul3A_81, %add3A_1155 : i32
        %add3A_1157 = arith.constant 64 : i32
        %add3A_1158 = arith.addi %add3A_1156, %add3A_1157 : i32
        %get3A_1159 = arith.index_cast %add3A_1158 : i32 to index
        %get3A_1160 = tpu.vector_load %arg5[%get3A_1159] {strides = array<i32>} : memref<20480xf32, #tpu.memory_space<vmem>>, vector<16xf32>,
        %sub3A_1161 = arith.subf %get3A_1160, %get3A_17 : vector<16xf32>
        %mul3A_1162 = arith.mulf %get3A_1160, %sub3A_1161 : vector<16xf32>
        %add3A_1163 = arith.addf %add3A_1154, %mul3A_1162 : vector<16xf32>
        %add3A_1164 = arith.constant 1664 : i32
        %add3A_1165 = arith.addi %mul3A_81, %add3A_1164 : i32
        %add3A_1166 = arith.constant 80 : i32
        %add3A_1167 = arith.addi %add3A_1165, %add3A_1166 : i32
        %get3A_1168 = arith.index_cast %add3A_1167 : i32 to index
        %get3A_1169 = tpu.vector_load %arg5[%get3A_1168] {strides = array<i32>} : memref<20480xf32, #tpu.memory_space<vmem>>, vector<16xf32>,
        %sub3A_1170 = arith.subf %get3A_1169, %get3A_19 : vector<16xf32>
        %mul3A_1171 = arith.mulf %get3A_1169, %sub3A_1170 : vector<16xf32>
        %add3A_1172 = arith.addf %add3A_1163, %mul3A_1171 : vector<16xf32>
        %add3A_1173 = arith.constant 1664 : i32
        %add3A_1174 = arith.addi %mul3A_81, %add3A_1173 : i32
        %add3A_1175 = arith.constant 96 : i32
        %add3A_1176 = arith.addi %add3A_1174, %add3A_1175 : i32
        %get3A_1177 = arith.index_cast %add3A_1176 : i32 to index
        %get3A_1178 = tpu.vector_load %arg5[%get3A_1177] {strides = array<i32>} : memref<20480xf32, #tpu.memory_space<vmem>>, vector<16xf32>,
        %sub3A_1179 = arith.subf %get3A_1178, %get3A_21 : vector<16xf32>
        %mul3A_1180 = arith.mulf %get3A_1178, %sub3A_1179 : vector<16xf32>
        %add3A_1181 = arith.addf %add3A_1172, %mul3A_1180 : vector<16xf32>
        %add3A_1182 = arith.constant 1664 : i32
        %add3A_1183 = arith.addi %mul3A_81, %add3A_1182 : i32
        %add3A_1184 = arith.constant 112 : i32
        %add3A_1185 = arith.addi %add3A_1183, %add3A_1184 : i32
        %get3A_1186 = arith.index_cast %add3A_1185 : i32 to index
        %get3A_1187 = tpu.vector_load %arg5[%get3A_1186] {strides = array<i32>} : memref<20480xf32, #tpu.memory_space<vmem>>, vector<16xf32>,
        %sub3A_1188 = arith.subf %get3A_1187, %get3A_23 : vector<16xf32>
        %mul3A_1189 = arith.mulf %get3A_1187, %sub3A_1188 : vector<16xf32>
        %add3A_1190 = arith.addf %add3A_1181, %mul3A_1189 : vector<16xf32>
        %reduce_sum3A_1191 = arith.constant true
        %reduce_sum3A_1192 = vector.broadcast %reduce_sum3A_1191 : i1 to vector<16xi1>
        %reduce_sum3A_1193 = tpu.scan <sum>, %add3A_1190 masked %reduce_sum3A_1192 : vector<16xf32>, vector<16xi1> -> vector<16xf32>
        %reduce_sum3A_1194 = vector.extract %reduce_sum3A_1193[15] : f32 from vector<16xf32>
        %eq3A_1195 = arith.constant 13 : i32
        %eq3A_1196 = vector.broadcast %eq3A_1195 : i32 to vector<16xi32>
        %eq3A_1197 = arith.cmpi eq, %iota3A, %eq3A_1196 : vector<16xi32>
        %broadcast_in_dim3A_1198 = vector.broadcast %reduce_sum3A_1194 : f32 to vector<16xf32>
        %select_n3A_1199 = arith.select %eq3A_1197, %broadcast_in_dim3A_1198, %select_n3A_1119 : vector<16xi1>, vector<16xf32>
        %add3A_1200 = arith.constant 1792 : i32
        %add3A_1201 = arith.addi %mul3A_81, %add3A_1200 : i32
        %add3A_1202 = arith.constant 0 : i32
        %add3A_1203 = arith.addi %add3A_1201, %add3A_1202 : i32
        %get3A_1204 = arith.index_cast %add3A_1203 : i32 to index
        %get3A_1205 = tpu.vector_load %arg5[%get3A_1204] {strides = array<i32>} : memref<20480xf32, #tpu.memory_space<vmem>>, vector<16xf32>,
        %sub3A_1206 = arith.subf %get3A_1205, %get3A_9 : vector<16xf32>
        %mul3A_1207 = arith.mulf %get3A_1205, %sub3A_1206 : vector<16xf32>
        %add3A_1208 = arith.constant 1792 : i32
        %add3A_1209 = arith.addi %mul3A_81, %add3A_1208 : i32
        %add3A_1210 = arith.constant 16 : i32
        %add3A_1211 = arith.addi %add3A_1209, %add3A_1210 : i32
        %get3A_1212 = arith.index_cast %add3A_1211 : i32 to index
        %get3A_1213 = tpu.vector_load %arg5[%get3A_1212] {strides = array<i32>} : memref<20480xf32, #tpu.memory_space<vmem>>, vector<16xf32>,
        %sub3A_1214 = arith.subf %get3A_1213, %get3A_11 : vector<16xf32>
        %mul3A_1215 = arith.mulf %get3A_1213, %sub3A_1214 : vector<16xf32>
        %add3A_1216 = arith.addf %mul3A_1207, %mul3A_1215 : vector<16xf32>
        %add3A_1217 = arith.constant 1792 : i32
        %add3A_1218 = arith.addi %mul3A_81, %add3A_1217 : i32
        %add3A_1219 = arith.constant 32 : i32
        %add3A_1220 = arith.addi %add3A_1218, %add3A_1219 : i32
        %get3A_1221 = arith.index_cast %add3A_1220 : i32 to index
        %get3A_1222 = tpu.vector_load %arg5[%get3A_1221] {strides = array<i32>} : memref<20480xf32, #tpu.memory_space<vmem>>, vector<16xf32>,
        %sub3A_1223 = arith.subf %get3A_1222, %get3A_13 : vector<16xf32>
        %mul3A_1224 = arith.mulf %get3A_1222, %sub3A_1223 : vector<16xf32>
        %add3A_1225 = arith.addf %add3A_1216, %mul3A_1224 : vector<16xf32>
        %add3A_1226 = arith.constant 1792 : i32
        %add3A_1227 = arith.addi %mul3A_81, %add3A_1226 : i32
        %add3A_1228 = arith.constant 48 : i32
        %add3A_1229 = arith.addi %add3A_1227, %add3A_1228 : i32
        %get3A_1230 = arith.index_cast %add3A_1229 : i32 to index
        %get3A_1231 = tpu.vector_load %arg5[%get3A_1230] {strides = array<i32>} : memref<20480xf32, #tpu.memory_space<vmem>>, vector<16xf32>,
        %sub3A_1232 = arith.subf %get3A_1231, %get3A_15 : vector<16xf32>
        %mul3A_1233 = arith.mulf %get3A_1231, %sub3A_1232 : vector<16xf32>
        %add3A_1234 = arith.addf %add3A_1225, %mul3A_1233 : vector<16xf32>
        %add3A_1235 = arith.constant 1792 : i32
        %add3A_1236 = arith.addi %mul3A_81, %add3A_1235 : i32
        %add3A_1237 = arith.constant 64 : i32
        %add3A_1238 = arith.addi %add3A_1236, %add3A_1237 : i32
        %get3A_1239 = arith.index_cast %add3A_1238 : i32 to index
        %get3A_1240 = tpu.vector_load %arg5[%get3A_1239] {strides = array<i32>} : memref<20480xf32, #tpu.memory_space<vmem>>, vector<16xf32>,
        %sub3A_1241 = arith.subf %get3A_1240, %get3A_17 : vector<16xf32>
        %mul3A_1242 = arith.mulf %get3A_1240, %sub3A_1241 : vector<16xf32>
        %add3A_1243 = arith.addf %add3A_1234, %mul3A_1242 : vector<16xf32>
        %add3A_1244 = arith.constant 1792 : i32
        %add3A_1245 = arith.addi %mul3A_81, %add3A_1244 : i32
        %add3A_1246 = arith.constant 80 : i32
        %add3A_1247 = arith.addi %add3A_1245, %add3A_1246 : i32
        %get3A_1248 = arith.index_cast %add3A_1247 : i32 to index
        %get3A_1249 = tpu.vector_load %arg5[%get3A_1248] {strides = array<i32>} : memref<20480xf32, #tpu.memory_space<vmem>>, vector<16xf32>,
        %sub3A_1250 = arith.subf %get3A_1249, %get3A_19 : vector<16xf32>
        %mul3A_1251 = arith.mulf %get3A_1249, %sub3A_1250 : vector<16xf32>
        %add3A_1252 = arith.addf %add3A_1243, %mul3A_1251 : vector<16xf32>
        %add3A_1253 = arith.constant 1792 : i32
        %add3A_1254 = arith.addi %mul3A_81, %add3A_1253 : i32
        %add3A_1255 = arith.constant 96 : i32
        %add3A_1256 = arith.addi %add3A_1254, %add3A_1255 : i32
        %get3A_1257 = arith.index_cast %add3A_1256 : i32 to index
        %get3A_1258 = tpu.vector_load %arg5[%get3A_1257] {strides = array<i32>} : memref<20480xf32, #tpu.memory_space<vmem>>, vector<16xf32>,
        %sub3A_1259 = arith.subf %get3A_1258, %get3A_21 : vector<16xf32>
        %mul3A_1260 = arith.mulf %get3A_1258, %sub3A_1259 : vector<16xf32>
        %add3A_1261 = arith.addf %add3A_1252, %mul3A_1260 : vector<16xf32>
        %add3A_1262 = arith.constant 1792 : i32
        %add3A_1263 = arith.addi %mul3A_81, %add3A_1262 : i32
        %add3A_1264 = arith.constant 112 : i32
        %add3A_1265 = arith.addi %add3A_1263, %add3A_1264 : i32
        %get3A_1266 = arith.index_cast %add3A_1265 : i32 to index
        %get3A_1267 = tpu.vector_load %arg5[%get3A_1266] {strides = array<i32>} : memref<20480xf32, #tpu.memory_space<vmem>>, vector<16xf32>,
        %sub3A_1268 = arith.subf %get3A_1267, %get3A_23 : vector<16xf32>
        %mul3A_1269 = arith.mulf %get3A_1267, %sub3A_1268 : vector<16xf32>
        %add3A_1270 = arith.addf %add3A_1261, %mul3A_1269 : vector<16xf32>
        %reduce_sum3A_1271 = arith.constant true
        %reduce_sum3A_1272 = vector.broadcast %reduce_sum3A_1271 : i1 to vector<16xi1>
        %reduce_sum3A_1273 = tpu.scan <sum>, %add3A_1270 masked %reduce_sum3A_1272 : vector<16xf32>, vector<16xi1> -> vector<16xf32>
        %reduce_sum3A_1274 = vector.extract %reduce_sum3A_1273[15] : f32 from vector<16xf32>
        %eq3A_1275 = arith.constant 14 : i32
        %eq3A_1276 = vector.broadcast %eq3A_1275 : i32 to vector<16xi32>
        %eq3A_1277 = arith.cmpi eq, %iota3A, %eq3A_1276 : vector<16xi32>
        %broadcast_in_dim3A_1278 = vector.broadcast %reduce_sum3A_1274 : f32 to vector<16xf32>
        %select_n3A_1279 = arith.select %eq3A_1277, %broadcast_in_dim3A_1278, %select_n3A_1199 : vector<16xi1>, vector<16xf32>
        %add3A_1280 = arith.constant 1920 : i32
        %add3A_1281 = arith.addi %mul3A_81, %add3A_1280 : i32
        %add3A_1282 = arith.constant 0 : i32
        %add3A_1283 = arith.addi %add3A_1281, %add3A_1282 : i32
        %get3A_1284 = arith.index_cast %add3A_1283 : i32 to index
        %get3A_1285 = tpu.vector_load %arg5[%get3A_1284] {strides = array<i32>} : memref<20480xf32, #tpu.memory_space<vmem>>, vector<16xf32>,
        %sub3A_1286 = arith.subf %get3A_1285, %get3A_9 : vector<16xf32>
        %mul3A_1287 = arith.mulf %get3A_1285, %sub3A_1286 : vector<16xf32>
        %add3A_1288 = arith.constant 1920 : i32
        %add3A_1289 = arith.addi %mul3A_81, %add3A_1288 : i32
        %add3A_1290 = arith.constant 16 : i32
        %add3A_1291 = arith.addi %add3A_1289, %add3A_1290 : i32
        %get3A_1292 = arith.index_cast %add3A_1291 : i32 to index
        %get3A_1293 = tpu.vector_load %arg5[%get3A_1292] {strides = array<i32>} : memref<20480xf32, #tpu.memory_space<vmem>>, vector<16xf32>,
        %sub3A_1294 = arith.subf %get3A_1293, %get3A_11 : vector<16xf32>
        %mul3A_1295 = arith.mulf %get3A_1293, %sub3A_1294 : vector<16xf32>
        %add3A_1296 = arith.addf %mul3A_1287, %mul3A_1295 : vector<16xf32>
        %add3A_1297 = arith.constant 1920 : i32
        %add3A_1298 = arith.addi %mul3A_81, %add3A_1297 : i32
        %add3A_1299 = arith.constant 32 : i32
        %add3A_1300 = arith.addi %add3A_1298, %add3A_1299 : i32
        %get3A_1301 = arith.index_cast %add3A_1300 : i32 to index
        %get3A_1302 = tpu.vector_load %arg5[%get3A_1301] {strides = array<i32>} : memref<20480xf32, #tpu.memory_space<vmem>>, vector<16xf32>,
        %sub3A_1303 = arith.subf %get3A_1302, %get3A_13 : vector<16xf32>
        %mul3A_1304 = arith.mulf %get3A_1302, %sub3A_1303 : vector<16xf32>
        %add3A_1305 = arith.addf %add3A_1296, %mul3A_1304 : vector<16xf32>
        %add3A_1306 = arith.constant 1920 : i32
        %add3A_1307 = arith.addi %mul3A_81, %add3A_1306 : i32
        %add3A_1308 = arith.constant 48 : i32
        %add3A_1309 = arith.addi %add3A_1307, %add3A_1308 : i32
        %get3A_1310 = arith.index_cast %add3A_1309 : i32 to index
        %get3A_1311 = tpu.vector_load %arg5[%get3A_1310] {strides = array<i32>} : memref<20480xf32, #tpu.memory_space<vmem>>, vector<16xf32>,
        %sub3A_1312 = arith.subf %get3A_1311, %get3A_15 : vector<16xf32>
        %mul3A_1313 = arith.mulf %get3A_1311, %sub3A_1312 : vector<16xf32>
        %add3A_1314 = arith.addf %add3A_1305, %mul3A_1313 : vector<16xf32>
        %add3A_1315 = arith.constant 1920 : i32
        %add3A_1316 = arith.addi %mul3A_81, %add3A_1315 : i32
        %add3A_1317 = arith.constant 64 : i32
        %add3A_1318 = arith.addi %add3A_1316, %add3A_1317 : i32
        %get3A_1319 = arith.index_cast %add3A_1318 : i32 to index
        %get3A_1320 = tpu.vector_load %arg5[%get3A_1319] {strides = array<i32>} : memref<20480xf32, #tpu.memory_space<vmem>>, vector<16xf32>,
        %sub3A_1321 = arith.subf %get3A_1320, %get3A_17 : vector<16xf32>
        %mul3A_1322 = arith.mulf %get3A_1320, %sub3A_1321 : vector<16xf32>
        %add3A_1323 = arith.addf %add3A_1314, %mul3A_1322 : vector<16xf32>
        %add3A_1324 = arith.constant 1920 : i32
        %add3A_1325 = arith.addi %mul3A_81, %add3A_1324 : i32
        %add3A_1326 = arith.constant 80 : i32
        %add3A_1327 = arith.addi %add3A_1325, %add3A_1326 : i32
        %get3A_1328 = arith.index_cast %add3A_1327 : i32 to index
        %get3A_1329 = tpu.vector_load %arg5[%get3A_1328] {strides = array<i32>} : memref<20480xf32, #tpu.memory_space<vmem>>, vector<16xf32>,
        %sub3A_1330 = arith.subf %get3A_1329, %get3A_19 : vector<16xf32>
        %mul3A_1331 = arith.mulf %get3A_1329, %sub3A_1330 : vector<16xf32>
        %add3A_1332 = arith.addf %add3A_1323, %mul3A_1331 : vector<16xf32>
        %add3A_1333 = arith.constant 1920 : i32
        %add3A_1334 = arith.addi %mul3A_81, %add3A_1333 : i32
        %add3A_1335 = arith.constant 96 : i32
        %add3A_1336 = arith.addi %add3A_1334, %add3A_1335 : i32
        %get3A_1337 = arith.index_cast %add3A_1336 : i32 to index
        %get3A_1338 = tpu.vector_load %arg5[%get3A_1337] {strides = array<i32>} : memref<20480xf32, #tpu.memory_space<vmem>>, vector<16xf32>,
        %sub3A_1339 = arith.subf %get3A_1338, %get3A_21 : vector<16xf32>
        %mul3A_1340 = arith.mulf %get3A_1338, %sub3A_1339 : vector<16xf32>
        %add3A_1341 = arith.addf %add3A_1332, %mul3A_1340 : vector<16xf32>
        %add3A_1342 = arith.constant 1920 : i32
        %add3A_1343 = arith.addi %mul3A_81, %add3A_1342 : i32
        %add3A_1344 = arith.constant 112 : i32
        %add3A_1345 = arith.addi %add3A_1343, %add3A_1344 : i32
        %get3A_1346 = arith.index_cast %add3A_1345 : i32 to index
        %get3A_1347 = tpu.vector_load %arg5[%get3A_1346] {strides = array<i32>} : memref<20480xf32, #tpu.memory_space<vmem>>, vector<16xf32>,
        %sub3A_1348 = arith.subf %get3A_1347, %get3A_23 : vector<16xf32>
        %mul3A_1349 = arith.mulf %get3A_1347, %sub3A_1348 : vector<16xf32>
        %add3A_1350 = arith.addf %add3A_1341, %mul3A_1349 : vector<16xf32>
        %reduce_sum3A_1351 = arith.constant true
        %reduce_sum3A_1352 = vector.broadcast %reduce_sum3A_1351 : i1 to vector<16xi1>
        %reduce_sum3A_1353 = tpu.scan <sum>, %add3A_1350 masked %reduce_sum3A_1352 : vector<16xf32>, vector<16xi1> -> vector<16xf32>
        %reduce_sum3A_1354 = vector.extract %reduce_sum3A_1353[15] : f32 from vector<16xf32>
        %eq3A_1355 = arith.constant 15 : i32
        %eq3A_1356 = vector.broadcast %eq3A_1355 : i32 to vector<16xi32>
        %eq3A_1357 = arith.cmpi eq, %iota3A, %eq3A_1356 : vector<16xi32>
        %broadcast_in_dim3A_1358 = vector.broadcast %reduce_sum3A_1354 : f32 to vector<16xf32>
        %select_n3A_1359 = arith.select %eq3A_1357, %broadcast_in_dim3A_1358, %select_n3A_1279 : vector<16xi1>, vector<16xf32>
        %mul3A_1360 = arith.constant 160 : i32
        %mul3A_1361 = arith.muli %mul3A_34, %mul3A_1360 : i32
        %mul3A_1362 = arith.constant 16 : i32
        %mul3A_1363 = arith.muli %scan3A_78, %mul3A_1362 : i32
        %add3A_1364 = arith.addi %mul3A_1361, %mul3A_1363 : i32
        %swap3A = arith.index_cast %add3A_1364 : i32 to index
        %swap3A_1365 = tpu.vector_load %arg8[%swap3A] {strides = array<i32>} : memref<3200xf32, #tpu.memory_space<vmem>>, vector<16xf32>,
        tpu.vector_store %arg8[%swap3A], %select_n3A_1359 {strides = array<i32>} : memref<3200xf32, #tpu.memory_space<vmem>>, vector<16xf32>,
      }
      %scan3A_56 = arith.constant 10 : i32
      %add3A_57 = arith.constant 1 : i32
      %add3A_58 = arith.addi %mul3A_34, %add3A_57 : i32
      %mul3A_59 = arith.constant 160 : i32
      %mul3A_60 = arith.muli %add3A_58, %mul3A_59 : i32
      %add3A_61 = arith.addi %select_n3A, %mul3A_60 : i32
      %mul3A_62 = arith.constant 128 : i32
      %mul3A_63 = arith.muli %add3A_61, %mul3A_62 : i32
      %dma_wait3A_64 = tpu.memref_slice %arg2[%mul3A_63] : memref<12800000xf32, #tpu.memory_space<hbm>> -> memref<20480xf32, #tpu.memory_space<hbm>>
      %dma_wait3A_65 = tpu.memref_slice %arg2[%mul3A_63] : memref<12800000xf32, #tpu.memory_space<hbm>> -> memref<20480xf32, #tpu.memory_space<hbm>>
      tpu.wait_dma2 semaphore(%arg10 : memref<!tpu.dma_semaphore, #tpu.memory_space<semaphore_mem>>) src(%dma_wait3A_65 : memref<20480xf32, #tpu.memory_space<hbm>>) dst(%arg6 : memref<20480xf32, #tpu.memory_space<vmem>>)
      %add3A_66 = arith.constant 2 : i32
      %add3A_67 = arith.addi %mul3A_34, %add3A_66 : i32
      %lt3A = arith.constant 20 : i32
      %lt3A_68 = arith.cmpi slt, %add3A_67, %lt3A : i32
      %convert_element_type3A = arith.extui %lt3A_68 : i1 to i32
      %cond3A = arith.constant 0 : i32
      %cond3A_69 = arith.cmpi ne, %convert_element_type3A, %cond3A : i32
      scf.if %cond3A_69 {
        %add3A_78 = arith.constant 2 : i32
        %add3A_79 = arith.addi %mul3A_34, %add3A_78 : i32
        %mul3A_80 = arith.constant 160 : i32
        %mul3A_81 = arith.muli %add3A_79, %mul3A_80 : i32
        %add3A_82 = arith.addi %select_n3A, %mul3A_81 : i32
        %mul3A_83 = arith.constant 128 : i32
        %mul3A_84 = arith.muli %add3A_82, %mul3A_83 : i32
        %dma_start3A_85 = tpu.memref_slice %arg2[%mul3A_84] : memref<12800000xf32, #tpu.memory_space<hbm>> -> memref<20480xf32, #tpu.memory_space<hbm>>
        %dma_start3A_86 = tpu.memref_slice %arg2[%mul3A_84] : memref<12800000xf32, #tpu.memory_space<hbm>> -> memref<20480xf32, #tpu.memory_space<hbm>>
        tpu.enqueue_dma source(%dma_start3A_86 : memref<20480xf32, #tpu.memory_space<hbm>>) target(%arg5 : memref<20480xf32, #tpu.memory_space<vmem>>) target_semaphore(%arg9 : memref<!tpu.dma_semaphore, #tpu.memory_space<semaphore_mem>>)
      } else {
      }
      %add3A_70 = arith.constant 1 : i32
      %add3A_71 = arith.addi %mul3A_34, %add3A_70 : i32
      %scan3A_72 = arith.constant 0 : i32
      %scan3A_73 = arith.constant 0 : i32
      %scan3A_74 = arith.constant 10 : i32
      %scan3A_75 = arith.addi %scan3A_73, %scan3A_74 : i32
      %scan3A_76 = arith.constant 1 : i32
      scf.for %scan3A_78 = %scan3A_73 to %scan3A_75 step %scan3A_76  : i32 {
        %broadcast_in_dim3A = arith.constant 0.000000e+00 : f32
        %broadcast_in_dim3A_79 = vector.broadcast %broadcast_in_dim3A : f32 to vector<16xf32>
        %mul3A_80 = arith.constant 2048 : i32
        %mul3A_81 = arith.muli %scan3A_78, %mul3A_80 : i32
        %add3A_82 = arith.constant 0 : i32
        %add3A_83 = arith.addi %mul3A_81, %add3A_82 : i32
        %add3A_84 = arith.constant 0 : i32
        %add3A_85 = arith.addi %add3A_83, %add3A_84 : i32
        %get3A_86 = arith.index_cast %add3A_85 : i32 to index
        %get3A_87 = tpu.vector_load %arg6[%get3A_86] {strides = array<i32>} : memref<20480xf32, #tpu.memory_space<vmem>>, vector<16xf32>,
        %sub3A = arith.subf %get3A_87, %get3A_9 : vector<16xf32>
        %mul3A_88 = arith.mulf %get3A_87, %sub3A : vector<16xf32>
        %add3A_89 = arith.constant 0 : i32
        %add3A_90 = arith.addi %mul3A_81, %add3A_89 : i32
        %add3A_91 = arith.constant 16 : i32
        %add3A_92 = arith.addi %add3A_90, %add3A_91 : i32
        %get3A_93 = arith.index_cast %add3A_92 : i32 to index
        %get3A_94 = tpu.vector_load %arg6[%get3A_93] {strides = array<i32>} : memref<20480xf32, #tpu.memory_space<vmem>>, vector<16xf32>,
        %sub3A_95 = arith.subf %get3A_94, %get3A_11 : vector<16xf32>
        %mul3A_96 = arith.mulf %get3A_94, %sub3A_95 : vector<16xf32>
        %add3A_97 = arith.addf %mul3A_88, %mul3A_96 : vector<16xf32>
        %add3A_98 = arith.constant 0 : i32
        %add3A_99 = arith.addi %mul3A_81, %add3A_98 : i32
        %add3A_100 = arith.constant 32 : i32
        %add3A_101 = arith.addi %add3A_99, %add3A_100 : i32
        %get3A_102 = arith.index_cast %add3A_101 : i32 to index
        %get3A_103 = tpu.vector_load %arg6[%get3A_102] {strides = array<i32>} : memref<20480xf32, #tpu.memory_space<vmem>>, vector<16xf32>,
        %sub3A_104 = arith.subf %get3A_103, %get3A_13 : vector<16xf32>
        %mul3A_105 = arith.mulf %get3A_103, %sub3A_104 : vector<16xf32>
        %add3A_106 = arith.addf %add3A_97, %mul3A_105 : vector<16xf32>
        %add3A_107 = arith.constant 0 : i32
        %add3A_108 = arith.addi %mul3A_81, %add3A_107 : i32
        %add3A_109 = arith.constant 48 : i32
        %add3A_110 = arith.addi %add3A_108, %add3A_109 : i32
        %get3A_111 = arith.index_cast %add3A_110 : i32 to index
        %get3A_112 = tpu.vector_load %arg6[%get3A_111] {strides = array<i32>} : memref<20480xf32, #tpu.memory_space<vmem>>, vector<16xf32>,
        %sub3A_113 = arith.subf %get3A_112, %get3A_15 : vector<16xf32>
        %mul3A_114 = arith.mulf %get3A_112, %sub3A_113 : vector<16xf32>
        %add3A_115 = arith.addf %add3A_106, %mul3A_114 : vector<16xf32>
        %add3A_116 = arith.constant 0 : i32
        %add3A_117 = arith.addi %mul3A_81, %add3A_116 : i32
        %add3A_118 = arith.constant 64 : i32
        %add3A_119 = arith.addi %add3A_117, %add3A_118 : i32
        %get3A_120 = arith.index_cast %add3A_119 : i32 to index
        %get3A_121 = tpu.vector_load %arg6[%get3A_120] {strides = array<i32>} : memref<20480xf32, #tpu.memory_space<vmem>>, vector<16xf32>,
        %sub3A_122 = arith.subf %get3A_121, %get3A_17 : vector<16xf32>
        %mul3A_123 = arith.mulf %get3A_121, %sub3A_122 : vector<16xf32>
        %add3A_124 = arith.addf %add3A_115, %mul3A_123 : vector<16xf32>
        %add3A_125 = arith.constant 0 : i32
        %add3A_126 = arith.addi %mul3A_81, %add3A_125 : i32
        %add3A_127 = arith.constant 80 : i32
        %add3A_128 = arith.addi %add3A_126, %add3A_127 : i32
        %get3A_129 = arith.index_cast %add3A_128 : i32 to index
        %get3A_130 = tpu.vector_load %arg6[%get3A_129] {strides = array<i32>} : memref<20480xf32, #tpu.memory_space<vmem>>, vector<16xf32>,
        %sub3A_131 = arith.subf %get3A_130, %get3A_19 : vector<16xf32>
        %mul3A_132 = arith.mulf %get3A_130, %sub3A_131 : vector<16xf32>
        %add3A_133 = arith.addf %add3A_124, %mul3A_132 : vector<16xf32>
        %add3A_134 = arith.constant 0 : i32
        %add3A_135 = arith.addi %mul3A_81, %add3A_134 : i32
        %add3A_136 = arith.constant 96 : i32
        %add3A_137 = arith.addi %add3A_135, %add3A_136 : i32
        %get3A_138 = arith.index_cast %add3A_137 : i32 to index
        %get3A_139 = tpu.vector_load %arg6[%get3A_138] {strides = array<i32>} : memref<20480xf32, #tpu.memory_space<vmem>>, vector<16xf32>,
        %sub3A_140 = arith.subf %get3A_139, %get3A_21 : vector<16xf32>
        %mul3A_141 = arith.mulf %get3A_139, %sub3A_140 : vector<16xf32>
        %add3A_142 = arith.addf %add3A_133, %mul3A_141 : vector<16xf32>
        %add3A_143 = arith.constant 0 : i32
        %add3A_144 = arith.addi %mul3A_81, %add3A_143 : i32
        %add3A_145 = arith.constant 112 : i32
        %add3A_146 = arith.addi %add3A_144, %add3A_145 : i32
        %get3A_147 = arith.index_cast %add3A_146 : i32 to index
        %get3A_148 = tpu.vector_load %arg6[%get3A_147] {strides = array<i32>} : memref<20480xf32, #tpu.memory_space<vmem>>, vector<16xf32>,
        %sub3A_149 = arith.subf %get3A_148, %get3A_23 : vector<16xf32>
        %mul3A_150 = arith.mulf %get3A_148, %sub3A_149 : vector<16xf32>
        %add3A_151 = arith.addf %add3A_142, %mul3A_150 : vector<16xf32>
        %reduce_sum3A = arith.constant true
        %reduce_sum3A_152 = vector.broadcast %reduce_sum3A : i1 to vector<16xi1>
        %reduce_sum3A_153 = tpu.scan <sum>, %add3A_151 masked %reduce_sum3A_152 : vector<16xf32>, vector<16xi1> -> vector<16xf32>
        %reduce_sum3A_154 = vector.extract %reduce_sum3A_153[15] : f32 from vector<16xf32>
        %eq3A_155 = arith.constant 0 : i32
        %eq3A_156 = vector.broadcast %eq3A_155 : i32 to vector<16xi32>
        %eq3A_157 = arith.cmpi eq, %iota3A, %eq3A_156 : vector<16xi32>
        %broadcast_in_dim3A_158 = vector.broadcast %reduce_sum3A_154 : f32 to vector<16xf32>
        %select_n3A_159 = arith.select %eq3A_157, %broadcast_in_dim3A_158, %broadcast_in_dim3A_79 : vector<16xi1>, vector<16xf32>
        %add3A_160 = arith.constant 128 : i32
        %add3A_161 = arith.addi %mul3A_81, %add3A_160 : i32
        %add3A_162 = arith.constant 0 : i32
        %add3A_163 = arith.addi %add3A_161, %add3A_162 : i32
        %get3A_164 = arith.index_cast %add3A_163 : i32 to index
        %get3A_165 = tpu.vector_load %arg6[%get3A_164] {strides = array<i32>} : memref<20480xf32, #tpu.memory_space<vmem>>, vector<16xf32>,
        %sub3A_166 = arith.subf %get3A_165, %get3A_9 : vector<16xf32>
        %mul3A_167 = arith.mulf %get3A_165, %sub3A_166 : vector<16xf32>
        %add3A_168 = arith.constant 128 : i32
        %add3A_169 = arith.addi %mul3A_81, %add3A_168 : i32
        %add3A_170 = arith.constant 16 : i32
        %add3A_171 = arith.addi %add3A_169, %add3A_170 : i32
        %get3A_172 = arith.index_cast %add3A_171 : i32 to index
        %get3A_173 = tpu.vector_load %arg6[%get3A_172] {strides = array<i32>} : memref<20480xf32, #tpu.memory_space<vmem>>, vector<16xf32>,
        %sub3A_174 = arith.subf %get3A_173, %get3A_11 : vector<16xf32>
        %mul3A_175 = arith.mulf %get3A_173, %sub3A_174 : vector<16xf32>
        %add3A_176 = arith.addf %mul3A_167, %mul3A_175 : vector<16xf32>
        %add3A_177 = arith.constant 128 : i32
        %add3A_178 = arith.addi %mul3A_81, %add3A_177 : i32
        %add3A_179 = arith.constant 32 : i32
        %add3A_180 = arith.addi %add3A_178, %add3A_179 : i32
        %get3A_181 = arith.index_cast %add3A_180 : i32 to index
        %get3A_182 = tpu.vector_load %arg6[%get3A_181] {strides = array<i32>} : memref<20480xf32, #tpu.memory_space<vmem>>, vector<16xf32>,
        %sub3A_183 = arith.subf %get3A_182, %get3A_13 : vector<16xf32>
        %mul3A_184 = arith.mulf %get3A_182, %sub3A_183 : vector<16xf32>
        %add3A_185 = arith.addf %add3A_176, %mul3A_184 : vector<16xf32>
        %add3A_186 = arith.constant 128 : i32
        %add3A_187 = arith.addi %mul3A_81, %add3A_186 : i32
        %add3A_188 = arith.constant 48 : i32
        %add3A_189 = arith.addi %add3A_187, %add3A_188 : i32
        %get3A_190 = arith.index_cast %add3A_189 : i32 to index
        %get3A_191 = tpu.vector_load %arg6[%get3A_190] {strides = array<i32>} : memref<20480xf32, #tpu.memory_space<vmem>>, vector<16xf32>,
        %sub3A_192 = arith.subf %get3A_191, %get3A_15 : vector<16xf32>
        %mul3A_193 = arith.mulf %get3A_191, %sub3A_192 : vector<16xf32>
        %add3A_194 = arith.addf %add3A_185, %mul3A_193 : vector<16xf32>
        %add3A_195 = arith.constant 128 : i32
        %add3A_196 = arith.addi %mul3A_81, %add3A_195 : i32
        %add3A_197 = arith.constant 64 : i32
        %add3A_198 = arith.addi %add3A_196, %add3A_197 : i32
        %get3A_199 = arith.index_cast %add3A_198 : i32 to index
        %get3A_200 = tpu.vector_load %arg6[%get3A_199] {strides = array<i32>} : memref<20480xf32, #tpu.memory_space<vmem>>, vector<16xf32>,
        %sub3A_201 = arith.subf %get3A_200, %get3A_17 : vector<16xf32>
        %mul3A_202 = arith.mulf %get3A_200, %sub3A_201 : vector<16xf32>
        %add3A_203 = arith.addf %add3A_194, %mul3A_202 : vector<16xf32>
        %add3A_204 = arith.constant 128 : i32
        %add3A_205 = arith.addi %mul3A_81, %add3A_204 : i32
        %add3A_206 = arith.constant 80 : i32
        %add3A_207 = arith.addi %add3A_205, %add3A_206 : i32
        %get3A_208 = arith.index_cast %add3A_207 : i32 to index
        %get3A_209 = tpu.vector_load %arg6[%get3A_208] {strides = array<i32>} : memref<20480xf32, #tpu.memory_space<vmem>>, vector<16xf32>,
        %sub3A_210 = arith.subf %get3A_209, %get3A_19 : vector<16xf32>
        %mul3A_211 = arith.mulf %get3A_209, %sub3A_210 : vector<16xf32>
        %add3A_212 = arith.addf %add3A_203, %mul3A_211 : vector<16xf32>
        %add3A_213 = arith.constant 128 : i32
        %add3A_214 = arith.addi %mul3A_81, %add3A_213 : i32
        %add3A_215 = arith.constant 96 : i32
        %add3A_216 = arith.addi %add3A_214, %add3A_215 : i32
        %get3A_217 = arith.index_cast %add3A_216 : i32 to index
        %get3A_218 = tpu.vector_load %arg6[%get3A_217] {strides = array<i32>} : memref<20480xf32, #tpu.memory_space<vmem>>, vector<16xf32>,
        %sub3A_219 = arith.subf %get3A_218, %get3A_21 : vector<16xf32>
        %mul3A_220 = arith.mulf %get3A_218, %sub3A_219 : vector<16xf32>
        %add3A_221 = arith.addf %add3A_212, %mul3A_220 : vector<16xf32>
        %add3A_222 = arith.constant 128 : i32
        %add3A_223 = arith.addi %mul3A_81, %add3A_222 : i32
        %add3A_224 = arith.constant 112 : i32
        %add3A_225 = arith.addi %add3A_223, %add3A_224 : i32
        %get3A_226 = arith.index_cast %add3A_225 : i32 to index
        %get3A_227 = tpu.vector_load %arg6[%get3A_226] {strides = array<i32>} : memref<20480xf32, #tpu.memory_space<vmem>>, vector<16xf32>,
        %sub3A_228 = arith.subf %get3A_227, %get3A_23 : vector<16xf32>
        %mul3A_229 = arith.mulf %get3A_227, %sub3A_228 : vector<16xf32>
        %add3A_230 = arith.addf %add3A_221, %mul3A_229 : vector<16xf32>
        %reduce_sum3A_231 = arith.constant true
        %reduce_sum3A_232 = vector.broadcast %reduce_sum3A_231 : i1 to vector<16xi1>
        %reduce_sum3A_233 = tpu.scan <sum>, %add3A_230 masked %reduce_sum3A_232 : vector<16xf32>, vector<16xi1> -> vector<16xf32>
        %reduce_sum3A_234 = vector.extract %reduce_sum3A_233[15] : f32 from vector<16xf32>
        %eq3A_235 = arith.constant 1 : i32
        %eq3A_236 = vector.broadcast %eq3A_235 : i32 to vector<16xi32>
        %eq3A_237 = arith.cmpi eq, %iota3A, %eq3A_236 : vector<16xi32>
        %broadcast_in_dim3A_238 = vector.broadcast %reduce_sum3A_234 : f32 to vector<16xf32>
        %select_n3A_239 = arith.select %eq3A_237, %broadcast_in_dim3A_238, %select_n3A_159 : vector<16xi1>, vector<16xf32>
        %add3A_240 = arith.constant 256 : i32
        %add3A_241 = arith.addi %mul3A_81, %add3A_240 : i32
        %add3A_242 = arith.constant 0 : i32
        %add3A_243 = arith.addi %add3A_241, %add3A_242 : i32
        %get3A_244 = arith.index_cast %add3A_243 : i32 to index
        %get3A_245 = tpu.vector_load %arg6[%get3A_244] {strides = array<i32>} : memref<20480xf32, #tpu.memory_space<vmem>>, vector<16xf32>,
        %sub3A_246 = arith.subf %get3A_245, %get3A_9 : vector<16xf32>
        %mul3A_247 = arith.mulf %get3A_245, %sub3A_246 : vector<16xf32>
        %add3A_248 = arith.constant 256 : i32
        %add3A_249 = arith.addi %mul3A_81, %add3A_248 : i32
        %add3A_250 = arith.constant 16 : i32
        %add3A_251 = arith.addi %add3A_249, %add3A_250 : i32
        %get3A_252 = arith.index_cast %add3A_251 : i32 to index
        %get3A_253 = tpu.vector_load %arg6[%get3A_252] {strides = array<i32>} : memref<20480xf32, #tpu.memory_space<vmem>>, vector<16xf32>,
        %sub3A_254 = arith.subf %get3A_253, %get3A_11 : vector<16xf32>
        %mul3A_255 = arith.mulf %get3A_253, %sub3A_254 : vector<16xf32>
        %add3A_256 = arith.addf %mul3A_247, %mul3A_255 : vector<16xf32>
        %add3A_257 = arith.constant 256 : i32
        %add3A_258 = arith.addi %mul3A_81, %add3A_257 : i32
        %add3A_259 = arith.constant 32 : i32
        %add3A_260 = arith.addi %add3A_258, %add3A_259 : i32
        %get3A_261 = arith.index_cast %add3A_260 : i32 to index
        %get3A_262 = tpu.vector_load %arg6[%get3A_261] {strides = array<i32>} : memref<20480xf32, #tpu.memory_space<vmem>>, vector<16xf32>,
        %sub3A_263 = arith.subf %get3A_262, %get3A_13 : vector<16xf32>
        %mul3A_264 = arith.mulf %get3A_262, %sub3A_263 : vector<16xf32>
        %add3A_265 = arith.addf %add3A_256, %mul3A_264 : vector<16xf32>
        %add3A_266 = arith.constant 256 : i32
        %add3A_267 = arith.addi %mul3A_81, %add3A_266 : i32
        %add3A_268 = arith.constant 48 : i32
        %add3A_269 = arith.addi %add3A_267, %add3A_268 : i32
        %get3A_270 = arith.index_cast %add3A_269 : i32 to index
        %get3A_271 = tpu.vector_load %arg6[%get3A_270] {strides = array<i32>} : memref<20480xf32, #tpu.memory_space<vmem>>, vector<16xf32>,
        %sub3A_272 = arith.subf %get3A_271, %get3A_15 : vector<16xf32>
        %mul3A_273 = arith.mulf %get3A_271, %sub3A_272 : vector<16xf32>
        %add3A_274 = arith.addf %add3A_265, %mul3A_273 : vector<16xf32>
        %add3A_275 = arith.constant 256 : i32
        %add3A_276 = arith.addi %mul3A_81, %add3A_275 : i32
        %add3A_277 = arith.constant 64 : i32
        %add3A_278 = arith.addi %add3A_276, %add3A_277 : i32
        %get3A_279 = arith.index_cast %add3A_278 : i32 to index
        %get3A_280 = tpu.vector_load %arg6[%get3A_279] {strides = array<i32>} : memref<20480xf32, #tpu.memory_space<vmem>>, vector<16xf32>,
        %sub3A_281 = arith.subf %get3A_280, %get3A_17 : vector<16xf32>
        %mul3A_282 = arith.mulf %get3A_280, %sub3A_281 : vector<16xf32>
        %add3A_283 = arith.addf %add3A_274, %mul3A_282 : vector<16xf32>
        %add3A_284 = arith.constant 256 : i32
        %add3A_285 = arith.addi %mul3A_81, %add3A_284 : i32
        %add3A_286 = arith.constant 80 : i32
        %add3A_287 = arith.addi %add3A_285, %add3A_286 : i32
        %get3A_288 = arith.index_cast %add3A_287 : i32 to index
        %get3A_289 = tpu.vector_load %arg6[%get3A_288] {strides = array<i32>} : memref<20480xf32, #tpu.memory_space<vmem>>, vector<16xf32>,
        %sub3A_290 = arith.subf %get3A_289, %get3A_19 : vector<16xf32>
        %mul3A_291 = arith.mulf %get3A_289, %sub3A_290 : vector<16xf32>
        %add3A_292 = arith.addf %add3A_283, %mul3A_291 : vector<16xf32>
        %add3A_293 = arith.constant 256 : i32
        %add3A_294 = arith.addi %mul3A_81, %add3A_293 : i32
        %add3A_295 = arith.constant 96 : i32
        %add3A_296 = arith.addi %add3A_294, %add3A_295 : i32
        %get3A_297 = arith.index_cast %add3A_296 : i32 to index
        %get3A_298 = tpu.vector_load %arg6[%get3A_297] {strides = array<i32>} : memref<20480xf32, #tpu.memory_space<vmem>>, vector<16xf32>,
        %sub3A_299 = arith.subf %get3A_298, %get3A_21 : vector<16xf32>
        %mul3A_300 = arith.mulf %get3A_298, %sub3A_299 : vector<16xf32>
        %add3A_301 = arith.addf %add3A_292, %mul3A_300 : vector<16xf32>
        %add3A_302 = arith.constant 256 : i32
        %add3A_303 = arith.addi %mul3A_81, %add3A_302 : i32
        %add3A_304 = arith.constant 112 : i32
        %add3A_305 = arith.addi %add3A_303, %add3A_304 : i32
        %get3A_306 = arith.index_cast %add3A_305 : i32 to index
        %get3A_307 = tpu.vector_load %arg6[%get3A_306] {strides = array<i32>} : memref<20480xf32, #tpu.memory_space<vmem>>, vector<16xf32>,
        %sub3A_308 = arith.subf %get3A_307, %get3A_23 : vector<16xf32>
        %mul3A_309 = arith.mulf %get3A_307, %sub3A_308 : vector<16xf32>
        %add3A_310 = arith.addf %add3A_301, %mul3A_309 : vector<16xf32>
        %reduce_sum3A_311 = arith.constant true
        %reduce_sum3A_312 = vector.broadcast %reduce_sum3A_311 : i1 to vector<16xi1>
        %reduce_sum3A_313 = tpu.scan <sum>, %add3A_310 masked %reduce_sum3A_312 : vector<16xf32>, vector<16xi1> -> vector<16xf32>
        %reduce_sum3A_314 = vector.extract %reduce_sum3A_313[15] : f32 from vector<16xf32>
        %eq3A_315 = arith.constant 2 : i32
        %eq3A_316 = vector.broadcast %eq3A_315 : i32 to vector<16xi32>
        %eq3A_317 = arith.cmpi eq, %iota3A, %eq3A_316 : vector<16xi32>
        %broadcast_in_dim3A_318 = vector.broadcast %reduce_sum3A_314 : f32 to vector<16xf32>
        %select_n3A_319 = arith.select %eq3A_317, %broadcast_in_dim3A_318, %select_n3A_239 : vector<16xi1>, vector<16xf32>
        %add3A_320 = arith.constant 384 : i32
        %add3A_321 = arith.addi %mul3A_81, %add3A_320 : i32
        %add3A_322 = arith.constant 0 : i32
        %add3A_323 = arith.addi %add3A_321, %add3A_322 : i32
        %get3A_324 = arith.index_cast %add3A_323 : i32 to index
        %get3A_325 = tpu.vector_load %arg6[%get3A_324] {strides = array<i32>} : memref<20480xf32, #tpu.memory_space<vmem>>, vector<16xf32>,
        %sub3A_326 = arith.subf %get3A_325, %get3A_9 : vector<16xf32>
        %mul3A_327 = arith.mulf %get3A_325, %sub3A_326 : vector<16xf32>
        %add3A_328 = arith.constant 384 : i32
        %add3A_329 = arith.addi %mul3A_81, %add3A_328 : i32
        %add3A_330 = arith.constant 16 : i32
        %add3A_331 = arith.addi %add3A_329, %add3A_330 : i32
        %get3A_332 = arith.index_cast %add3A_331 : i32 to index
        %get3A_333 = tpu.vector_load %arg6[%get3A_332] {strides = array<i32>} : memref<20480xf32, #tpu.memory_space<vmem>>, vector<16xf32>,
        %sub3A_334 = arith.subf %get3A_333, %get3A_11 : vector<16xf32>
        %mul3A_335 = arith.mulf %get3A_333, %sub3A_334 : vector<16xf32>
        %add3A_336 = arith.addf %mul3A_327, %mul3A_335 : vector<16xf32>
        %add3A_337 = arith.constant 384 : i32
        %add3A_338 = arith.addi %mul3A_81, %add3A_337 : i32
        %add3A_339 = arith.constant 32 : i32
        %add3A_340 = arith.addi %add3A_338, %add3A_339 : i32
        %get3A_341 = arith.index_cast %add3A_340 : i32 to index
        %get3A_342 = tpu.vector_load %arg6[%get3A_341] {strides = array<i32>} : memref<20480xf32, #tpu.memory_space<vmem>>, vector<16xf32>,
        %sub3A_343 = arith.subf %get3A_342, %get3A_13 : vector<16xf32>
        %mul3A_344 = arith.mulf %get3A_342, %sub3A_343 : vector<16xf32>
        %add3A_345 = arith.addf %add3A_336, %mul3A_344 : vector<16xf32>
        %add3A_346 = arith.constant 384 : i32
        %add3A_347 = arith.addi %mul3A_81, %add3A_346 : i32
        %add3A_348 = arith.constant 48 : i32
        %add3A_349 = arith.addi %add3A_347, %add3A_348 : i32
        %get3A_350 = arith.index_cast %add3A_349 : i32 to index
        %get3A_351 = tpu.vector_load %arg6[%get3A_350] {strides = array<i32>} : memref<20480xf32, #tpu.memory_space<vmem>>, vector<16xf32>,
        %sub3A_352 = arith.subf %get3A_351, %get3A_15 : vector<16xf32>
        %mul3A_353 = arith.mulf %get3A_351, %sub3A_352 : vector<16xf32>
        %add3A_354 = arith.addf %add3A_345, %mul3A_353 : vector<16xf32>
        %add3A_355 = arith.constant 384 : i32
        %add3A_356 = arith.addi %mul3A_81, %add3A_355 : i32
        %add3A_357 = arith.constant 64 : i32
        %add3A_358 = arith.addi %add3A_356, %add3A_357 : i32
        %get3A_359 = arith.index_cast %add3A_358 : i32 to index
        %get3A_360 = tpu.vector_load %arg6[%get3A_359] {strides = array<i32>} : memref<20480xf32, #tpu.memory_space<vmem>>, vector<16xf32>,
        %sub3A_361 = arith.subf %get3A_360, %get3A_17 : vector<16xf32>
        %mul3A_362 = arith.mulf %get3A_360, %sub3A_361 : vector<16xf32>
        %add3A_363 = arith.addf %add3A_354, %mul3A_362 : vector<16xf32>
        %add3A_364 = arith.constant 384 : i32
        %add3A_365 = arith.addi %mul3A_81, %add3A_364 : i32
        %add3A_366 = arith.constant 80 : i32
        %add3A_367 = arith.addi %add3A_365, %add3A_366 : i32
        %get3A_368 = arith.index_cast %add3A_367 : i32 to index
        %get3A_369 = tpu.vector_load %arg6[%get3A_368] {strides = array<i32>} : memref<20480xf32, #tpu.memory_space<vmem>>, vector<16xf32>,
        %sub3A_370 = arith.subf %get3A_369, %get3A_19 : vector<16xf32>
        %mul3A_371 = arith.mulf %get3A_369, %sub3A_370 : vector<16xf32>
        %add3A_372 = arith.addf %add3A_363, %mul3A_371 : vector<16xf32>
        %add3A_373 = arith.constant 384 : i32
        %add3A_374 = arith.addi %mul3A_81, %add3A_373 : i32
        %add3A_375 = arith.constant 96 : i32
        %add3A_376 = arith.addi %add3A_374, %add3A_375 : i32
        %get3A_377 = arith.index_cast %add3A_376 : i32 to index
        %get3A_378 = tpu.vector_load %arg6[%get3A_377] {strides = array<i32>} : memref<20480xf32, #tpu.memory_space<vmem>>, vector<16xf32>,
        %sub3A_379 = arith.subf %get3A_378, %get3A_21 : vector<16xf32>
        %mul3A_380 = arith.mulf %get3A_378, %sub3A_379 : vector<16xf32>
        %add3A_381 = arith.addf %add3A_372, %mul3A_380 : vector<16xf32>
        %add3A_382 = arith.constant 384 : i32
        %add3A_383 = arith.addi %mul3A_81, %add3A_382 : i32
        %add3A_384 = arith.constant 112 : i32
        %add3A_385 = arith.addi %add3A_383, %add3A_384 : i32
        %get3A_386 = arith.index_cast %add3A_385 : i32 to index
        %get3A_387 = tpu.vector_load %arg6[%get3A_386] {strides = array<i32>} : memref<20480xf32, #tpu.memory_space<vmem>>, vector<16xf32>,
        %sub3A_388 = arith.subf %get3A_387, %get3A_23 : vector<16xf32>
        %mul3A_389 = arith.mulf %get3A_387, %sub3A_388 : vector<16xf32>
        %add3A_390 = arith.addf %add3A_381, %mul3A_389 : vector<16xf32>
        %reduce_sum3A_391 = arith.constant true
        %reduce_sum3A_392 = vector.broadcast %reduce_sum3A_391 : i1 to vector<16xi1>
        %reduce_sum3A_393 = tpu.scan <sum>, %add3A_390 masked %reduce_sum3A_392 : vector<16xf32>, vector<16xi1> -> vector<16xf32>
        %reduce_sum3A_394 = vector.extract %reduce_sum3A_393[15] : f32 from vector<16xf32>
        %eq3A_395 = arith.constant 3 : i32
        %eq3A_396 = vector.broadcast %eq3A_395 : i32 to vector<16xi32>
        %eq3A_397 = arith.cmpi eq, %iota3A, %eq3A_396 : vector<16xi32>
        %broadcast_in_dim3A_398 = vector.broadcast %reduce_sum3A_394 : f32 to vector<16xf32>
        %select_n3A_399 = arith.select %eq3A_397, %broadcast_in_dim3A_398, %select_n3A_319 : vector<16xi1>, vector<16xf32>
        %add3A_400 = arith.constant 512 : i32
        %add3A_401 = arith.addi %mul3A_81, %add3A_400 : i32
        %add3A_402 = arith.constant 0 : i32
        %add3A_403 = arith.addi %add3A_401, %add3A_402 : i32
        %get3A_404 = arith.index_cast %add3A_403 : i32 to index
        %get3A_405 = tpu.vector_load %arg6[%get3A_404] {strides = array<i32>} : memref<20480xf32, #tpu.memory_space<vmem>>, vector<16xf32>,
        %sub3A_406 = arith.subf %get3A_405, %get3A_9 : vector<16xf32>
        %mul3A_407 = arith.mulf %get3A_405, %sub3A_406 : vector<16xf32>
        %add3A_408 = arith.constant 512 : i32
        %add3A_409 = arith.addi %mul3A_81, %add3A_408 : i32
        %add3A_410 = arith.constant 16 : i32
        %add3A_411 = arith.addi %add3A_409, %add3A_410 : i32
        %get3A_412 = arith.index_cast %add3A_411 : i32 to index
        %get3A_413 = tpu.vector_load %arg6[%get3A_412] {strides = array<i32>} : memref<20480xf32, #tpu.memory_space<vmem>>, vector<16xf32>,
        %sub3A_414 = arith.subf %get3A_413, %get3A_11 : vector<16xf32>
        %mul3A_415 = arith.mulf %get3A_413, %sub3A_414 : vector<16xf32>
        %add3A_416 = arith.addf %mul3A_407, %mul3A_415 : vector<16xf32>
        %add3A_417 = arith.constant 512 : i32
        %add3A_418 = arith.addi %mul3A_81, %add3A_417 : i32
        %add3A_419 = arith.constant 32 : i32
        %add3A_420 = arith.addi %add3A_418, %add3A_419 : i32
        %get3A_421 = arith.index_cast %add3A_420 : i32 to index
        %get3A_422 = tpu.vector_load %arg6[%get3A_421] {strides = array<i32>} : memref<20480xf32, #tpu.memory_space<vmem>>, vector<16xf32>,
        %sub3A_423 = arith.subf %get3A_422, %get3A_13 : vector<16xf32>
        %mul3A_424 = arith.mulf %get3A_422, %sub3A_423 : vector<16xf32>
        %add3A_425 = arith.addf %add3A_416, %mul3A_424 : vector<16xf32>
        %add3A_426 = arith.constant 512 : i32
        %add3A_427 = arith.addi %mul3A_81, %add3A_426 : i32
        %add3A_428 = arith.constant 48 : i32
        %add3A_429 = arith.addi %add3A_427, %add3A_428 : i32
        %get3A_430 = arith.index_cast %add3A_429 : i32 to index
        %get3A_431 = tpu.vector_load %arg6[%get3A_430] {strides = array<i32>} : memref<20480xf32, #tpu.memory_space<vmem>>, vector<16xf32>,
        %sub3A_432 = arith.subf %get3A_431, %get3A_15 : vector<16xf32>
        %mul3A_433 = arith.mulf %get3A_431, %sub3A_432 : vector<16xf32>
        %add3A_434 = arith.addf %add3A_425, %mul3A_433 : vector<16xf32>
        %add3A_435 = arith.constant 512 : i32
        %add3A_436 = arith.addi %mul3A_81, %add3A_435 : i32
        %add3A_437 = arith.constant 64 : i32
        %add3A_438 = arith.addi %add3A_436, %add3A_437 : i32
        %get3A_439 = arith.index_cast %add3A_438 : i32 to index
        %get3A_440 = tpu.vector_load %arg6[%get3A_439] {strides = array<i32>} : memref<20480xf32, #tpu.memory_space<vmem>>, vector<16xf32>,
        %sub3A_441 = arith.subf %get3A_440, %get3A_17 : vector<16xf32>
        %mul3A_442 = arith.mulf %get3A_440, %sub3A_441 : vector<16xf32>
        %add3A_443 = arith.addf %add3A_434, %mul3A_442 : vector<16xf32>
        %add3A_444 = arith.constant 512 : i32
        %add3A_445 = arith.addi %mul3A_81, %add3A_444 : i32
        %add3A_446 = arith.constant 80 : i32
        %add3A_447 = arith.addi %add3A_445, %add3A_446 : i32
        %get3A_448 = arith.index_cast %add3A_447 : i32 to index
        %get3A_449 = tpu.vector_load %arg6[%get3A_448] {strides = array<i32>} : memref<20480xf32, #tpu.memory_space<vmem>>, vector<16xf32>,
        %sub3A_450 = arith.subf %get3A_449, %get3A_19 : vector<16xf32>
        %mul3A_451 = arith.mulf %get3A_449, %sub3A_450 : vector<16xf32>
        %add3A_452 = arith.addf %add3A_443, %mul3A_451 : vector<16xf32>
        %add3A_453 = arith.constant 512 : i32
        %add3A_454 = arith.addi %mul3A_81, %add3A_453 : i32
        %add3A_455 = arith.constant 96 : i32
        %add3A_456 = arith.addi %add3A_454, %add3A_455 : i32
        %get3A_457 = arith.index_cast %add3A_456 : i32 to index
        %get3A_458 = tpu.vector_load %arg6[%get3A_457] {strides = array<i32>} : memref<20480xf32, #tpu.memory_space<vmem>>, vector<16xf32>,
        %sub3A_459 = arith.subf %get3A_458, %get3A_21 : vector<16xf32>
        %mul3A_460 = arith.mulf %get3A_458, %sub3A_459 : vector<16xf32>
        %add3A_461 = arith.addf %add3A_452, %mul3A_460 : vector<16xf32>
        %add3A_462 = arith.constant 512 : i32
        %add3A_463 = arith.addi %mul3A_81, %add3A_462 : i32
        %add3A_464 = arith.constant 112 : i32
        %add3A_465 = arith.addi %add3A_463, %add3A_464 : i32
        %get3A_466 = arith.index_cast %add3A_465 : i32 to index
        %get3A_467 = tpu.vector_load %arg6[%get3A_466] {strides = array<i32>} : memref<20480xf32, #tpu.memory_space<vmem>>, vector<16xf32>,
        %sub3A_468 = arith.subf %get3A_467, %get3A_23 : vector<16xf32>
        %mul3A_469 = arith.mulf %get3A_467, %sub3A_468 : vector<16xf32>
        %add3A_470 = arith.addf %add3A_461, %mul3A_469 : vector<16xf32>
        %reduce_sum3A_471 = arith.constant true
        %reduce_sum3A_472 = vector.broadcast %reduce_sum3A_471 : i1 to vector<16xi1>
        %reduce_sum3A_473 = tpu.scan <sum>, %add3A_470 masked %reduce_sum3A_472 : vector<16xf32>, vector<16xi1> -> vector<16xf32>
        %reduce_sum3A_474 = vector.extract %reduce_sum3A_473[15] : f32 from vector<16xf32>
        %eq3A_475 = arith.constant 4 : i32
        %eq3A_476 = vector.broadcast %eq3A_475 : i32 to vector<16xi32>
        %eq3A_477 = arith.cmpi eq, %iota3A, %eq3A_476 : vector<16xi32>
        %broadcast_in_dim3A_478 = vector.broadcast %reduce_sum3A_474 : f32 to vector<16xf32>
        %select_n3A_479 = arith.select %eq3A_477, %broadcast_in_dim3A_478, %select_n3A_399 : vector<16xi1>, vector<16xf32>
        %add3A_480 = arith.constant 640 : i32
        %add3A_481 = arith.addi %mul3A_81, %add3A_480 : i32
        %add3A_482 = arith.constant 0 : i32
        %add3A_483 = arith.addi %add3A_481, %add3A_482 : i32
        %get3A_484 = arith.index_cast %add3A_483 : i32 to index
        %get3A_485 = tpu.vector_load %arg6[%get3A_484] {strides = array<i32>} : memref<20480xf32, #tpu.memory_space<vmem>>, vector<16xf32>,
        %sub3A_486 = arith.subf %get3A_485, %get3A_9 : vector<16xf32>
        %mul3A_487 = arith.mulf %get3A_485, %sub3A_486 : vector<16xf32>
        %add3A_488 = arith.constant 640 : i32
        %add3A_489 = arith.addi %mul3A_81, %add3A_488 : i32
        %add3A_490 = arith.constant 16 : i32
        %add3A_491 = arith.addi %add3A_489, %add3A_490 : i32
        %get3A_492 = arith.index_cast %add3A_491 : i32 to index
        %get3A_493 = tpu.vector_load %arg6[%get3A_492] {strides = array<i32>} : memref<20480xf32, #tpu.memory_space<vmem>>, vector<16xf32>,
        %sub3A_494 = arith.subf %get3A_493, %get3A_11 : vector<16xf32>
        %mul3A_495 = arith.mulf %get3A_493, %sub3A_494 : vector<16xf32>
        %add3A_496 = arith.addf %mul3A_487, %mul3A_495 : vector<16xf32>
        %add3A_497 = arith.constant 640 : i32
        %add3A_498 = arith.addi %mul3A_81, %add3A_497 : i32
        %add3A_499 = arith.constant 32 : i32
        %add3A_500 = arith.addi %add3A_498, %add3A_499 : i32
        %get3A_501 = arith.index_cast %add3A_500 : i32 to index
        %get3A_502 = tpu.vector_load %arg6[%get3A_501] {strides = array<i32>} : memref<20480xf32, #tpu.memory_space<vmem>>, vector<16xf32>,
        %sub3A_503 = arith.subf %get3A_502, %get3A_13 : vector<16xf32>
        %mul3A_504 = arith.mulf %get3A_502, %sub3A_503 : vector<16xf32>
        %add3A_505 = arith.addf %add3A_496, %mul3A_504 : vector<16xf32>
        %add3A_506 = arith.constant 640 : i32
        %add3A_507 = arith.addi %mul3A_81, %add3A_506 : i32
        %add3A_508 = arith.constant 48 : i32
        %add3A_509 = arith.addi %add3A_507, %add3A_508 : i32
        %get3A_510 = arith.index_cast %add3A_509 : i32 to index
        %get3A_511 = tpu.vector_load %arg6[%get3A_510] {strides = array<i32>} : memref<20480xf32, #tpu.memory_space<vmem>>, vector<16xf32>,
        %sub3A_512 = arith.subf %get3A_511, %get3A_15 : vector<16xf32>
        %mul3A_513 = arith.mulf %get3A_511, %sub3A_512 : vector<16xf32>
        %add3A_514 = arith.addf %add3A_505, %mul3A_513 : vector<16xf32>
        %add3A_515 = arith.constant 640 : i32
        %add3A_516 = arith.addi %mul3A_81, %add3A_515 : i32
        %add3A_517 = arith.constant 64 : i32
        %add3A_518 = arith.addi %add3A_516, %add3A_517 : i32
        %get3A_519 = arith.index_cast %add3A_518 : i32 to index
        %get3A_520 = tpu.vector_load %arg6[%get3A_519] {strides = array<i32>} : memref<20480xf32, #tpu.memory_space<vmem>>, vector<16xf32>,
        %sub3A_521 = arith.subf %get3A_520, %get3A_17 : vector<16xf32>
        %mul3A_522 = arith.mulf %get3A_520, %sub3A_521 : vector<16xf32>
        %add3A_523 = arith.addf %add3A_514, %mul3A_522 : vector<16xf32>
        %add3A_524 = arith.constant 640 : i32
        %add3A_525 = arith.addi %mul3A_81, %add3A_524 : i32
        %add3A_526 = arith.constant 80 : i32
        %add3A_527 = arith.addi %add3A_525, %add3A_526 : i32
        %get3A_528 = arith.index_cast %add3A_527 : i32 to index
        %get3A_529 = tpu.vector_load %arg6[%get3A_528] {strides = array<i32>} : memref<20480xf32, #tpu.memory_space<vmem>>, vector<16xf32>,
        %sub3A_530 = arith.subf %get3A_529, %get3A_19 : vector<16xf32>
        %mul3A_531 = arith.mulf %get3A_529, %sub3A_530 : vector<16xf32>
        %add3A_532 = arith.addf %add3A_523, %mul3A_531 : vector<16xf32>
        %add3A_533 = arith.constant 640 : i32
        %add3A_534 = arith.addi %mul3A_81, %add3A_533 : i32
        %add3A_535 = arith.constant 96 : i32
        %add3A_536 = arith.addi %add3A_534, %add3A_535 : i32
        %get3A_537 = arith.index_cast %add3A_536 : i32 to index
        %get3A_538 = tpu.vector_load %arg6[%get3A_537] {strides = array<i32>} : memref<20480xf32, #tpu.memory_space<vmem>>, vector<16xf32>,
        %sub3A_539 = arith.subf %get3A_538, %get3A_21 : vector<16xf32>
        %mul3A_540 = arith.mulf %get3A_538, %sub3A_539 : vector<16xf32>
        %add3A_541 = arith.addf %add3A_532, %mul3A_540 : vector<16xf32>
        %add3A_542 = arith.constant 640 : i32
        %add3A_543 = arith.addi %mul3A_81, %add3A_542 : i32
        %add3A_544 = arith.constant 112 : i32
        %add3A_545 = arith.addi %add3A_543, %add3A_544 : i32
        %get3A_546 = arith.index_cast %add3A_545 : i32 to index
        %get3A_547 = tpu.vector_load %arg6[%get3A_546] {strides = array<i32>} : memref<20480xf32, #tpu.memory_space<vmem>>, vector<16xf32>,
        %sub3A_548 = arith.subf %get3A_547, %get3A_23 : vector<16xf32>
        %mul3A_549 = arith.mulf %get3A_547, %sub3A_548 : vector<16xf32>
        %add3A_550 = arith.addf %add3A_541, %mul3A_549 : vector<16xf32>
        %reduce_sum3A_551 = arith.constant true
        %reduce_sum3A_552 = vector.broadcast %reduce_sum3A_551 : i1 to vector<16xi1>
        %reduce_sum3A_553 = tpu.scan <sum>, %add3A_550 masked %reduce_sum3A_552 : vector<16xf32>, vector<16xi1> -> vector<16xf32>
        %reduce_sum3A_554 = vector.extract %reduce_sum3A_553[15] : f32 from vector<16xf32>
        %eq3A_555 = arith.constant 5 : i32
        %eq3A_556 = vector.broadcast %eq3A_555 : i32 to vector<16xi32>
        %eq3A_557 = arith.cmpi eq, %iota3A, %eq3A_556 : vector<16xi32>
        %broadcast_in_dim3A_558 = vector.broadcast %reduce_sum3A_554 : f32 to vector<16xf32>
        %select_n3A_559 = arith.select %eq3A_557, %broadcast_in_dim3A_558, %select_n3A_479 : vector<16xi1>, vector<16xf32>
        %add3A_560 = arith.constant 768 : i32
        %add3A_561 = arith.addi %mul3A_81, %add3A_560 : i32
        %add3A_562 = arith.constant 0 : i32
        %add3A_563 = arith.addi %add3A_561, %add3A_562 : i32
        %get3A_564 = arith.index_cast %add3A_563 : i32 to index
        %get3A_565 = tpu.vector_load %arg6[%get3A_564] {strides = array<i32>} : memref<20480xf32, #tpu.memory_space<vmem>>, vector<16xf32>,
        %sub3A_566 = arith.subf %get3A_565, %get3A_9 : vector<16xf32>
        %mul3A_567 = arith.mulf %get3A_565, %sub3A_566 : vector<16xf32>
        %add3A_568 = arith.constant 768 : i32
        %add3A_569 = arith.addi %mul3A_81, %add3A_568 : i32
        %add3A_570 = arith.constant 16 : i32
        %add3A_571 = arith.addi %add3A_569, %add3A_570 : i32
        %get3A_572 = arith.index_cast %add3A_571 : i32 to index
        %get3A_573 = tpu.vector_load %arg6[%get3A_572] {strides = array<i32>} : memref<20480xf32, #tpu.memory_space<vmem>>, vector<16xf32>,
        %sub3A_574 = arith.subf %get3A_573, %get3A_11 : vector<16xf32>
        %mul3A_575 = arith.mulf %get3A_573, %sub3A_574 : vector<16xf32>
        %add3A_576 = arith.addf %mul3A_567, %mul3A_575 : vector<16xf32>
        %add3A_577 = arith.constant 768 : i32
        %add3A_578 = arith.addi %mul3A_81, %add3A_577 : i32
        %add3A_579 = arith.constant 32 : i32
        %add3A_580 = arith.addi %add3A_578, %add3A_579 : i32
        %get3A_581 = arith.index_cast %add3A_580 : i32 to index
        %get3A_582 = tpu.vector_load %arg6[%get3A_581] {strides = array<i32>} : memref<20480xf32, #tpu.memory_space<vmem>>, vector<16xf32>,
        %sub3A_583 = arith.subf %get3A_582, %get3A_13 : vector<16xf32>
        %mul3A_584 = arith.mulf %get3A_582, %sub3A_583 : vector<16xf32>
        %add3A_585 = arith.addf %add3A_576, %mul3A_584 : vector<16xf32>
        %add3A_586 = arith.constant 768 : i32
        %add3A_587 = arith.addi %mul3A_81, %add3A_586 : i32
        %add3A_588 = arith.constant 48 : i32
        %add3A_589 = arith.addi %add3A_587, %add3A_588 : i32
        %get3A_590 = arith.index_cast %add3A_589 : i32 to index
        %get3A_591 = tpu.vector_load %arg6[%get3A_590] {strides = array<i32>} : memref<20480xf32, #tpu.memory_space<vmem>>, vector<16xf32>,
        %sub3A_592 = arith.subf %get3A_591, %get3A_15 : vector<16xf32>
        %mul3A_593 = arith.mulf %get3A_591, %sub3A_592 : vector<16xf32>
        %add3A_594 = arith.addf %add3A_585, %mul3A_593 : vector<16xf32>
        %add3A_595 = arith.constant 768 : i32
        %add3A_596 = arith.addi %mul3A_81, %add3A_595 : i32
        %add3A_597 = arith.constant 64 : i32
        %add3A_598 = arith.addi %add3A_596, %add3A_597 : i32
        %get3A_599 = arith.index_cast %add3A_598 : i32 to index
        %get3A_600 = tpu.vector_load %arg6[%get3A_599] {strides = array<i32>} : memref<20480xf32, #tpu.memory_space<vmem>>, vector<16xf32>,
        %sub3A_601 = arith.subf %get3A_600, %get3A_17 : vector<16xf32>
        %mul3A_602 = arith.mulf %get3A_600, %sub3A_601 : vector<16xf32>
        %add3A_603 = arith.addf %add3A_594, %mul3A_602 : vector<16xf32>
        %add3A_604 = arith.constant 768 : i32
        %add3A_605 = arith.addi %mul3A_81, %add3A_604 : i32
        %add3A_606 = arith.constant 80 : i32
        %add3A_607 = arith.addi %add3A_605, %add3A_606 : i32
        %get3A_608 = arith.index_cast %add3A_607 : i32 to index
        %get3A_609 = tpu.vector_load %arg6[%get3A_608] {strides = array<i32>} : memref<20480xf32, #tpu.memory_space<vmem>>, vector<16xf32>,
        %sub3A_610 = arith.subf %get3A_609, %get3A_19 : vector<16xf32>
        %mul3A_611 = arith.mulf %get3A_609, %sub3A_610 : vector<16xf32>
        %add3A_612 = arith.addf %add3A_603, %mul3A_611 : vector<16xf32>
        %add3A_613 = arith.constant 768 : i32
        %add3A_614 = arith.addi %mul3A_81, %add3A_613 : i32
        %add3A_615 = arith.constant 96 : i32
        %add3A_616 = arith.addi %add3A_614, %add3A_615 : i32
        %get3A_617 = arith.index_cast %add3A_616 : i32 to index
        %get3A_618 = tpu.vector_load %arg6[%get3A_617] {strides = array<i32>} : memref<20480xf32, #tpu.memory_space<vmem>>, vector<16xf32>,
        %sub3A_619 = arith.subf %get3A_618, %get3A_21 : vector<16xf32>
        %mul3A_620 = arith.mulf %get3A_618, %sub3A_619 : vector<16xf32>
        %add3A_621 = arith.addf %add3A_612, %mul3A_620 : vector<16xf32>
        %add3A_622 = arith.constant 768 : i32
        %add3A_623 = arith.addi %mul3A_81, %add3A_622 : i32
        %add3A_624 = arith.constant 112 : i32
        %add3A_625 = arith.addi %add3A_623, %add3A_624 : i32
        %get3A_626 = arith.index_cast %add3A_625 : i32 to index
        %get3A_627 = tpu.vector_load %arg6[%get3A_626] {strides = array<i32>} : memref<20480xf32, #tpu.memory_space<vmem>>, vector<16xf32>,
        %sub3A_628 = arith.subf %get3A_627, %get3A_23 : vector<16xf32>
        %mul3A_629 = arith.mulf %get3A_627, %sub3A_628 : vector<16xf32>
        %add3A_630 = arith.addf %add3A_621, %mul3A_629 : vector<16xf32>
        %reduce_sum3A_631 = arith.constant true
        %reduce_sum3A_632 = vector.broadcast %reduce_sum3A_631 : i1 to vector<16xi1>
        %reduce_sum3A_633 = tpu.scan <sum>, %add3A_630 masked %reduce_sum3A_632 : vector<16xf32>, vector<16xi1> -> vector<16xf32>
        %reduce_sum3A_634 = vector.extract %reduce_sum3A_633[15] : f32 from vector<16xf32>
        %eq3A_635 = arith.constant 6 : i32
        %eq3A_636 = vector.broadcast %eq3A_635 : i32 to vector<16xi32>
        %eq3A_637 = arith.cmpi eq, %iota3A, %eq3A_636 : vector<16xi32>
        %broadcast_in_dim3A_638 = vector.broadcast %reduce_sum3A_634 : f32 to vector<16xf32>
        %select_n3A_639 = arith.select %eq3A_637, %broadcast_in_dim3A_638, %select_n3A_559 : vector<16xi1>, vector<16xf32>
        %add3A_640 = arith.constant 896 : i32
        %add3A_641 = arith.addi %mul3A_81, %add3A_640 : i32
        %add3A_642 = arith.constant 0 : i32
        %add3A_643 = arith.addi %add3A_641, %add3A_642 : i32
        %get3A_644 = arith.index_cast %add3A_643 : i32 to index
        %get3A_645 = tpu.vector_load %arg6[%get3A_644] {strides = array<i32>} : memref<20480xf32, #tpu.memory_space<vmem>>, vector<16xf32>,
        %sub3A_646 = arith.subf %get3A_645, %get3A_9 : vector<16xf32>
        %mul3A_647 = arith.mulf %get3A_645, %sub3A_646 : vector<16xf32>
        %add3A_648 = arith.constant 896 : i32
        %add3A_649 = arith.addi %mul3A_81, %add3A_648 : i32
        %add3A_650 = arith.constant 16 : i32
        %add3A_651 = arith.addi %add3A_649, %add3A_650 : i32
        %get3A_652 = arith.index_cast %add3A_651 : i32 to index
        %get3A_653 = tpu.vector_load %arg6[%get3A_652] {strides = array<i32>} : memref<20480xf32, #tpu.memory_space<vmem>>, vector<16xf32>,
        %sub3A_654 = arith.subf %get3A_653, %get3A_11 : vector<16xf32>
        %mul3A_655 = arith.mulf %get3A_653, %sub3A_654 : vector<16xf32>
        %add3A_656 = arith.addf %mul3A_647, %mul3A_655 : vector<16xf32>
        %add3A_657 = arith.constant 896 : i32
        %add3A_658 = arith.addi %mul3A_81, %add3A_657 : i32
        %add3A_659 = arith.constant 32 : i32
        %add3A_660 = arith.addi %add3A_658, %add3A_659 : i32
        %get3A_661 = arith.index_cast %add3A_660 : i32 to index
        %get3A_662 = tpu.vector_load %arg6[%get3A_661] {strides = array<i32>} : memref<20480xf32, #tpu.memory_space<vmem>>, vector<16xf32>,
        %sub3A_663 = arith.subf %get3A_662, %get3A_13 : vector<16xf32>
        %mul3A_664 = arith.mulf %get3A_662, %sub3A_663 : vector<16xf32>
        %add3A_665 = arith.addf %add3A_656, %mul3A_664 : vector<16xf32>
        %add3A_666 = arith.constant 896 : i32
        %add3A_667 = arith.addi %mul3A_81, %add3A_666 : i32
        %add3A_668 = arith.constant 48 : i32
        %add3A_669 = arith.addi %add3A_667, %add3A_668 : i32
        %get3A_670 = arith.index_cast %add3A_669 : i32 to index
        %get3A_671 = tpu.vector_load %arg6[%get3A_670] {strides = array<i32>} : memref<20480xf32, #tpu.memory_space<vmem>>, vector<16xf32>,
        %sub3A_672 = arith.subf %get3A_671, %get3A_15 : vector<16xf32>
        %mul3A_673 = arith.mulf %get3A_671, %sub3A_672 : vector<16xf32>
        %add3A_674 = arith.addf %add3A_665, %mul3A_673 : vector<16xf32>
        %add3A_675 = arith.constant 896 : i32
        %add3A_676 = arith.addi %mul3A_81, %add3A_675 : i32
        %add3A_677 = arith.constant 64 : i32
        %add3A_678 = arith.addi %add3A_676, %add3A_677 : i32
        %get3A_679 = arith.index_cast %add3A_678 : i32 to index
        %get3A_680 = tpu.vector_load %arg6[%get3A_679] {strides = array<i32>} : memref<20480xf32, #tpu.memory_space<vmem>>, vector<16xf32>,
        %sub3A_681 = arith.subf %get3A_680, %get3A_17 : vector<16xf32>
        %mul3A_682 = arith.mulf %get3A_680, %sub3A_681 : vector<16xf32>
        %add3A_683 = arith.addf %add3A_674, %mul3A_682 : vector<16xf32>
        %add3A_684 = arith.constant 896 : i32
        %add3A_685 = arith.addi %mul3A_81, %add3A_684 : i32
        %add3A_686 = arith.constant 80 : i32
        %add3A_687 = arith.addi %add3A_685, %add3A_686 : i32
        %get3A_688 = arith.index_cast %add3A_687 : i32 to index
        %get3A_689 = tpu.vector_load %arg6[%get3A_688] {strides = array<i32>} : memref<20480xf32, #tpu.memory_space<vmem>>, vector<16xf32>,
        %sub3A_690 = arith.subf %get3A_689, %get3A_19 : vector<16xf32>
        %mul3A_691 = arith.mulf %get3A_689, %sub3A_690 : vector<16xf32>
        %add3A_692 = arith.addf %add3A_683, %mul3A_691 : vector<16xf32>
        %add3A_693 = arith.constant 896 : i32
        %add3A_694 = arith.addi %mul3A_81, %add3A_693 : i32
        %add3A_695 = arith.constant 96 : i32
        %add3A_696 = arith.addi %add3A_694, %add3A_695 : i32
        %get3A_697 = arith.index_cast %add3A_696 : i32 to index
        %get3A_698 = tpu.vector_load %arg6[%get3A_697] {strides = array<i32>} : memref<20480xf32, #tpu.memory_space<vmem>>, vector<16xf32>,
        %sub3A_699 = arith.subf %get3A_698, %get3A_21 : vector<16xf32>
        %mul3A_700 = arith.mulf %get3A_698, %sub3A_699 : vector<16xf32>
        %add3A_701 = arith.addf %add3A_692, %mul3A_700 : vector<16xf32>
        %add3A_702 = arith.constant 896 : i32
        %add3A_703 = arith.addi %mul3A_81, %add3A_702 : i32
        %add3A_704 = arith.constant 112 : i32
        %add3A_705 = arith.addi %add3A_703, %add3A_704 : i32
        %get3A_706 = arith.index_cast %add3A_705 : i32 to index
        %get3A_707 = tpu.vector_load %arg6[%get3A_706] {strides = array<i32>} : memref<20480xf32, #tpu.memory_space<vmem>>, vector<16xf32>,
        %sub3A_708 = arith.subf %get3A_707, %get3A_23 : vector<16xf32>
        %mul3A_709 = arith.mulf %get3A_707, %sub3A_708 : vector<16xf32>
        %add3A_710 = arith.addf %add3A_701, %mul3A_709 : vector<16xf32>
        %reduce_sum3A_711 = arith.constant true
        %reduce_sum3A_712 = vector.broadcast %reduce_sum3A_711 : i1 to vector<16xi1>
        %reduce_sum3A_713 = tpu.scan <sum>, %add3A_710 masked %reduce_sum3A_712 : vector<16xf32>, vector<16xi1> -> vector<16xf32>
        %reduce_sum3A_714 = vector.extract %reduce_sum3A_713[15] : f32 from vector<16xf32>
        %eq3A_715 = arith.constant 7 : i32
        %eq3A_716 = vector.broadcast %eq3A_715 : i32 to vector<16xi32>
        %eq3A_717 = arith.cmpi eq, %iota3A, %eq3A_716 : vector<16xi32>
        %broadcast_in_dim3A_718 = vector.broadcast %reduce_sum3A_714 : f32 to vector<16xf32>
        %select_n3A_719 = arith.select %eq3A_717, %broadcast_in_dim3A_718, %select_n3A_639 : vector<16xi1>, vector<16xf32>
        %add3A_720 = arith.constant 1024 : i32
        %add3A_721 = arith.addi %mul3A_81, %add3A_720 : i32
        %add3A_722 = arith.constant 0 : i32
        %add3A_723 = arith.addi %add3A_721, %add3A_722 : i32
        %get3A_724 = arith.index_cast %add3A_723 : i32 to index
        %get3A_725 = tpu.vector_load %arg6[%get3A_724] {strides = array<i32>} : memref<20480xf32, #tpu.memory_space<vmem>>, vector<16xf32>,
        %sub3A_726 = arith.subf %get3A_725, %get3A_9 : vector<16xf32>
        %mul3A_727 = arith.mulf %get3A_725, %sub3A_726 : vector<16xf32>
        %add3A_728 = arith.constant 1024 : i32
        %add3A_729 = arith.addi %mul3A_81, %add3A_728 : i32
        %add3A_730 = arith.constant 16 : i32
        %add3A_731 = arith.addi %add3A_729, %add3A_730 : i32
        %get3A_732 = arith.index_cast %add3A_731 : i32 to index
        %get3A_733 = tpu.vector_load %arg6[%get3A_732] {strides = array<i32>} : memref<20480xf32, #tpu.memory_space<vmem>>, vector<16xf32>,
        %sub3A_734 = arith.subf %get3A_733, %get3A_11 : vector<16xf32>
        %mul3A_735 = arith.mulf %get3A_733, %sub3A_734 : vector<16xf32>
        %add3A_736 = arith.addf %mul3A_727, %mul3A_735 : vector<16xf32>
        %add3A_737 = arith.constant 1024 : i32
        %add3A_738 = arith.addi %mul3A_81, %add3A_737 : i32
        %add3A_739 = arith.constant 32 : i32
        %add3A_740 = arith.addi %add3A_738, %add3A_739 : i32
        %get3A_741 = arith.index_cast %add3A_740 : i32 to index
        %get3A_742 = tpu.vector_load %arg6[%get3A_741] {strides = array<i32>} : memref<20480xf32, #tpu.memory_space<vmem>>, vector<16xf32>,
        %sub3A_743 = arith.subf %get3A_742, %get3A_13 : vector<16xf32>
        %mul3A_744 = arith.mulf %get3A_742, %sub3A_743 : vector<16xf32>
        %add3A_745 = arith.addf %add3A_736, %mul3A_744 : vector<16xf32>
        %add3A_746 = arith.constant 1024 : i32
        %add3A_747 = arith.addi %mul3A_81, %add3A_746 : i32
        %add3A_748 = arith.constant 48 : i32
        %add3A_749 = arith.addi %add3A_747, %add3A_748 : i32
        %get3A_750 = arith.index_cast %add3A_749 : i32 to index
        %get3A_751 = tpu.vector_load %arg6[%get3A_750] {strides = array<i32>} : memref<20480xf32, #tpu.memory_space<vmem>>, vector<16xf32>,
        %sub3A_752 = arith.subf %get3A_751, %get3A_15 : vector<16xf32>
        %mul3A_753 = arith.mulf %get3A_751, %sub3A_752 : vector<16xf32>
        %add3A_754 = arith.addf %add3A_745, %mul3A_753 : vector<16xf32>
        %add3A_755 = arith.constant 1024 : i32
        %add3A_756 = arith.addi %mul3A_81, %add3A_755 : i32
        %add3A_757 = arith.constant 64 : i32
        %add3A_758 = arith.addi %add3A_756, %add3A_757 : i32
        %get3A_759 = arith.index_cast %add3A_758 : i32 to index
        %get3A_760 = tpu.vector_load %arg6[%get3A_759] {strides = array<i32>} : memref<20480xf32, #tpu.memory_space<vmem>>, vector<16xf32>,
        %sub3A_761 = arith.subf %get3A_760, %get3A_17 : vector<16xf32>
        %mul3A_762 = arith.mulf %get3A_760, %sub3A_761 : vector<16xf32>
        %add3A_763 = arith.addf %add3A_754, %mul3A_762 : vector<16xf32>
        %add3A_764 = arith.constant 1024 : i32
        %add3A_765 = arith.addi %mul3A_81, %add3A_764 : i32
        %add3A_766 = arith.constant 80 : i32
        %add3A_767 = arith.addi %add3A_765, %add3A_766 : i32
        %get3A_768 = arith.index_cast %add3A_767 : i32 to index
        %get3A_769 = tpu.vector_load %arg6[%get3A_768] {strides = array<i32>} : memref<20480xf32, #tpu.memory_space<vmem>>, vector<16xf32>,
        %sub3A_770 = arith.subf %get3A_769, %get3A_19 : vector<16xf32>
        %mul3A_771 = arith.mulf %get3A_769, %sub3A_770 : vector<16xf32>
        %add3A_772 = arith.addf %add3A_763, %mul3A_771 : vector<16xf32>
        %add3A_773 = arith.constant 1024 : i32
        %add3A_774 = arith.addi %mul3A_81, %add3A_773 : i32
        %add3A_775 = arith.constant 96 : i32
        %add3A_776 = arith.addi %add3A_774, %add3A_775 : i32
        %get3A_777 = arith.index_cast %add3A_776 : i32 to index
        %get3A_778 = tpu.vector_load %arg6[%get3A_777] {strides = array<i32>} : memref<20480xf32, #tpu.memory_space<vmem>>, vector<16xf32>,
        %sub3A_779 = arith.subf %get3A_778, %get3A_21 : vector<16xf32>
        %mul3A_780 = arith.mulf %get3A_778, %sub3A_779 : vector<16xf32>
        %add3A_781 = arith.addf %add3A_772, %mul3A_780 : vector<16xf32>
        %add3A_782 = arith.constant 1024 : i32
        %add3A_783 = arith.addi %mul3A_81, %add3A_782 : i32
        %add3A_784 = arith.constant 112 : i32
        %add3A_785 = arith.addi %add3A_783, %add3A_784 : i32
        %get3A_786 = arith.index_cast %add3A_785 : i32 to index
        %get3A_787 = tpu.vector_load %arg6[%get3A_786] {strides = array<i32>} : memref<20480xf32, #tpu.memory_space<vmem>>, vector<16xf32>,
        %sub3A_788 = arith.subf %get3A_787, %get3A_23 : vector<16xf32>
        %mul3A_789 = arith.mulf %get3A_787, %sub3A_788 : vector<16xf32>
        %add3A_790 = arith.addf %add3A_781, %mul3A_789 : vector<16xf32>
        %reduce_sum3A_791 = arith.constant true
        %reduce_sum3A_792 = vector.broadcast %reduce_sum3A_791 : i1 to vector<16xi1>
        %reduce_sum3A_793 = tpu.scan <sum>, %add3A_790 masked %reduce_sum3A_792 : vector<16xf32>, vector<16xi1> -> vector<16xf32>
        %reduce_sum3A_794 = vector.extract %reduce_sum3A_793[15] : f32 from vector<16xf32>
        %eq3A_795 = arith.constant 8 : i32
        %eq3A_796 = vector.broadcast %eq3A_795 : i32 to vector<16xi32>
        %eq3A_797 = arith.cmpi eq, %iota3A, %eq3A_796 : vector<16xi32>
        %broadcast_in_dim3A_798 = vector.broadcast %reduce_sum3A_794 : f32 to vector<16xf32>
        %select_n3A_799 = arith.select %eq3A_797, %broadcast_in_dim3A_798, %select_n3A_719 : vector<16xi1>, vector<16xf32>
        %add3A_800 = arith.constant 1152 : i32
        %add3A_801 = arith.addi %mul3A_81, %add3A_800 : i32
        %add3A_802 = arith.constant 0 : i32
        %add3A_803 = arith.addi %add3A_801, %add3A_802 : i32
        %get3A_804 = arith.index_cast %add3A_803 : i32 to index
        %get3A_805 = tpu.vector_load %arg6[%get3A_804] {strides = array<i32>} : memref<20480xf32, #tpu.memory_space<vmem>>, vector<16xf32>,
        %sub3A_806 = arith.subf %get3A_805, %get3A_9 : vector<16xf32>
        %mul3A_807 = arith.mulf %get3A_805, %sub3A_806 : vector<16xf32>
        %add3A_808 = arith.constant 1152 : i32
        %add3A_809 = arith.addi %mul3A_81, %add3A_808 : i32
        %add3A_810 = arith.constant 16 : i32
        %add3A_811 = arith.addi %add3A_809, %add3A_810 : i32
        %get3A_812 = arith.index_cast %add3A_811 : i32 to index
        %get3A_813 = tpu.vector_load %arg6[%get3A_812] {strides = array<i32>} : memref<20480xf32, #tpu.memory_space<vmem>>, vector<16xf32>,
        %sub3A_814 = arith.subf %get3A_813, %get3A_11 : vector<16xf32>
        %mul3A_815 = arith.mulf %get3A_813, %sub3A_814 : vector<16xf32>
        %add3A_816 = arith.addf %mul3A_807, %mul3A_815 : vector<16xf32>
        %add3A_817 = arith.constant 1152 : i32
        %add3A_818 = arith.addi %mul3A_81, %add3A_817 : i32
        %add3A_819 = arith.constant 32 : i32
        %add3A_820 = arith.addi %add3A_818, %add3A_819 : i32
        %get3A_821 = arith.index_cast %add3A_820 : i32 to index
        %get3A_822 = tpu.vector_load %arg6[%get3A_821] {strides = array<i32>} : memref<20480xf32, #tpu.memory_space<vmem>>, vector<16xf32>,
        %sub3A_823 = arith.subf %get3A_822, %get3A_13 : vector<16xf32>
        %mul3A_824 = arith.mulf %get3A_822, %sub3A_823 : vector<16xf32>
        %add3A_825 = arith.addf %add3A_816, %mul3A_824 : vector<16xf32>
        %add3A_826 = arith.constant 1152 : i32
        %add3A_827 = arith.addi %mul3A_81, %add3A_826 : i32
        %add3A_828 = arith.constant 48 : i32
        %add3A_829 = arith.addi %add3A_827, %add3A_828 : i32
        %get3A_830 = arith.index_cast %add3A_829 : i32 to index
        %get3A_831 = tpu.vector_load %arg6[%get3A_830] {strides = array<i32>} : memref<20480xf32, #tpu.memory_space<vmem>>, vector<16xf32>,
        %sub3A_832 = arith.subf %get3A_831, %get3A_15 : vector<16xf32>
        %mul3A_833 = arith.mulf %get3A_831, %sub3A_832 : vector<16xf32>
        %add3A_834 = arith.addf %add3A_825, %mul3A_833 : vector<16xf32>
        %add3A_835 = arith.constant 1152 : i32
        %add3A_836 = arith.addi %mul3A_81, %add3A_835 : i32
        %add3A_837 = arith.constant 64 : i32
        %add3A_838 = arith.addi %add3A_836, %add3A_837 : i32
        %get3A_839 = arith.index_cast %add3A_838 : i32 to index
        %get3A_840 = tpu.vector_load %arg6[%get3A_839] {strides = array<i32>} : memref<20480xf32, #tpu.memory_space<vmem>>, vector<16xf32>,
        %sub3A_841 = arith.subf %get3A_840, %get3A_17 : vector<16xf32>
        %mul3A_842 = arith.mulf %get3A_840, %sub3A_841 : vector<16xf32>
        %add3A_843 = arith.addf %add3A_834, %mul3A_842 : vector<16xf32>
        %add3A_844 = arith.constant 1152 : i32
        %add3A_845 = arith.addi %mul3A_81, %add3A_844 : i32
        %add3A_846 = arith.constant 80 : i32
        %add3A_847 = arith.addi %add3A_845, %add3A_846 : i32
        %get3A_848 = arith.index_cast %add3A_847 : i32 to index
        %get3A_849 = tpu.vector_load %arg6[%get3A_848] {strides = array<i32>} : memref<20480xf32, #tpu.memory_space<vmem>>, vector<16xf32>,
        %sub3A_850 = arith.subf %get3A_849, %get3A_19 : vector<16xf32>
        %mul3A_851 = arith.mulf %get3A_849, %sub3A_850 : vector<16xf32>
        %add3A_852 = arith.addf %add3A_843, %mul3A_851 : vector<16xf32>
        %add3A_853 = arith.constant 1152 : i32
        %add3A_854 = arith.addi %mul3A_81, %add3A_853 : i32
        %add3A_855 = arith.constant 96 : i32
        %add3A_856 = arith.addi %add3A_854, %add3A_855 : i32
        %get3A_857 = arith.index_cast %add3A_856 : i32 to index
        %get3A_858 = tpu.vector_load %arg6[%get3A_857] {strides = array<i32>} : memref<20480xf32, #tpu.memory_space<vmem>>, vector<16xf32>,
        %sub3A_859 = arith.subf %get3A_858, %get3A_21 : vector<16xf32>
        %mul3A_860 = arith.mulf %get3A_858, %sub3A_859 : vector<16xf32>
        %add3A_861 = arith.addf %add3A_852, %mul3A_860 : vector<16xf32>
        %add3A_862 = arith.constant 1152 : i32
        %add3A_863 = arith.addi %mul3A_81, %add3A_862 : i32
        %add3A_864 = arith.constant 112 : i32
        %add3A_865 = arith.addi %add3A_863, %add3A_864 : i32
        %get3A_866 = arith.index_cast %add3A_865 : i32 to index
        %get3A_867 = tpu.vector_load %arg6[%get3A_866] {strides = array<i32>} : memref<20480xf32, #tpu.memory_space<vmem>>, vector<16xf32>,
        %sub3A_868 = arith.subf %get3A_867, %get3A_23 : vector<16xf32>
        %mul3A_869 = arith.mulf %get3A_867, %sub3A_868 : vector<16xf32>
        %add3A_870 = arith.addf %add3A_861, %mul3A_869 : vector<16xf32>
        %reduce_sum3A_871 = arith.constant true
        %reduce_sum3A_872 = vector.broadcast %reduce_sum3A_871 : i1 to vector<16xi1>
        %reduce_sum3A_873 = tpu.scan <sum>, %add3A_870 masked %reduce_sum3A_872 : vector<16xf32>, vector<16xi1> -> vector<16xf32>
        %reduce_sum3A_874 = vector.extract %reduce_sum3A_873[15] : f32 from vector<16xf32>
        %eq3A_875 = arith.constant 9 : i32
        %eq3A_876 = vector.broadcast %eq3A_875 : i32 to vector<16xi32>
        %eq3A_877 = arith.cmpi eq, %iota3A, %eq3A_876 : vector<16xi32>
        %broadcast_in_dim3A_878 = vector.broadcast %reduce_sum3A_874 : f32 to vector<16xf32>
        %select_n3A_879 = arith.select %eq3A_877, %broadcast_in_dim3A_878, %select_n3A_799 : vector<16xi1>, vector<16xf32>
        %add3A_880 = arith.constant 1280 : i32
        %add3A_881 = arith.addi %mul3A_81, %add3A_880 : i32
        %add3A_882 = arith.constant 0 : i32
        %add3A_883 = arith.addi %add3A_881, %add3A_882 : i32
        %get3A_884 = arith.index_cast %add3A_883 : i32 to index
        %get3A_885 = tpu.vector_load %arg6[%get3A_884] {strides = array<i32>} : memref<20480xf32, #tpu.memory_space<vmem>>, vector<16xf32>,
        %sub3A_886 = arith.subf %get3A_885, %get3A_9 : vector<16xf32>
        %mul3A_887 = arith.mulf %get3A_885, %sub3A_886 : vector<16xf32>
        %add3A_888 = arith.constant 1280 : i32
        %add3A_889 = arith.addi %mul3A_81, %add3A_888 : i32
        %add3A_890 = arith.constant 16 : i32
        %add3A_891 = arith.addi %add3A_889, %add3A_890 : i32
        %get3A_892 = arith.index_cast %add3A_891 : i32 to index
        %get3A_893 = tpu.vector_load %arg6[%get3A_892] {strides = array<i32>} : memref<20480xf32, #tpu.memory_space<vmem>>, vector<16xf32>,
        %sub3A_894 = arith.subf %get3A_893, %get3A_11 : vector<16xf32>
        %mul3A_895 = arith.mulf %get3A_893, %sub3A_894 : vector<16xf32>
        %add3A_896 = arith.addf %mul3A_887, %mul3A_895 : vector<16xf32>
        %add3A_897 = arith.constant 1280 : i32
        %add3A_898 = arith.addi %mul3A_81, %add3A_897 : i32
        %add3A_899 = arith.constant 32 : i32
        %add3A_900 = arith.addi %add3A_898, %add3A_899 : i32
        %get3A_901 = arith.index_cast %add3A_900 : i32 to index
        %get3A_902 = tpu.vector_load %arg6[%get3A_901] {strides = array<i32>} : memref<20480xf32, #tpu.memory_space<vmem>>, vector<16xf32>,
        %sub3A_903 = arith.subf %get3A_902, %get3A_13 : vector<16xf32>
        %mul3A_904 = arith.mulf %get3A_902, %sub3A_903 : vector<16xf32>
        %add3A_905 = arith.addf %add3A_896, %mul3A_904 : vector<16xf32>
        %add3A_906 = arith.constant 1280 : i32
        %add3A_907 = arith.addi %mul3A_81, %add3A_906 : i32
        %add3A_908 = arith.constant 48 : i32
        %add3A_909 = arith.addi %add3A_907, %add3A_908 : i32
        %get3A_910 = arith.index_cast %add3A_909 : i32 to index
        %get3A_911 = tpu.vector_load %arg6[%get3A_910] {strides = array<i32>} : memref<20480xf32, #tpu.memory_space<vmem>>, vector<16xf32>,
        %sub3A_912 = arith.subf %get3A_911, %get3A_15 : vector<16xf32>
        %mul3A_913 = arith.mulf %get3A_911, %sub3A_912 : vector<16xf32>
        %add3A_914 = arith.addf %add3A_905, %mul3A_913 : vector<16xf32>
        %add3A_915 = arith.constant 1280 : i32
        %add3A_916 = arith.addi %mul3A_81, %add3A_915 : i32
        %add3A_917 = arith.constant 64 : i32
        %add3A_918 = arith.addi %add3A_916, %add3A_917 : i32
        %get3A_919 = arith.index_cast %add3A_918 : i32 to index
        %get3A_920 = tpu.vector_load %arg6[%get3A_919] {strides = array<i32>} : memref<20480xf32, #tpu.memory_space<vmem>>, vector<16xf32>,
        %sub3A_921 = arith.subf %get3A_920, %get3A_17 : vector<16xf32>
        %mul3A_922 = arith.mulf %get3A_920, %sub3A_921 : vector<16xf32>
        %add3A_923 = arith.addf %add3A_914, %mul3A_922 : vector<16xf32>
        %add3A_924 = arith.constant 1280 : i32
        %add3A_925 = arith.addi %mul3A_81, %add3A_924 : i32
        %add3A_926 = arith.constant 80 : i32
        %add3A_927 = arith.addi %add3A_925, %add3A_926 : i32
        %get3A_928 = arith.index_cast %add3A_927 : i32 to index
        %get3A_929 = tpu.vector_load %arg6[%get3A_928] {strides = array<i32>} : memref<20480xf32, #tpu.memory_space<vmem>>, vector<16xf32>,
        %sub3A_930 = arith.subf %get3A_929, %get3A_19 : vector<16xf32>
        %mul3A_931 = arith.mulf %get3A_929, %sub3A_930 : vector<16xf32>
        %add3A_932 = arith.addf %add3A_923, %mul3A_931 : vector<16xf32>
        %add3A_933 = arith.constant 1280 : i32
        %add3A_934 = arith.addi %mul3A_81, %add3A_933 : i32
        %add3A_935 = arith.constant 96 : i32
        %add3A_936 = arith.addi %add3A_934, %add3A_935 : i32
        %get3A_937 = arith.index_cast %add3A_936 : i32 to index
        %get3A_938 = tpu.vector_load %arg6[%get3A_937] {strides = array<i32>} : memref<20480xf32, #tpu.memory_space<vmem>>, vector<16xf32>,
        %sub3A_939 = arith.subf %get3A_938, %get3A_21 : vector<16xf32>
        %mul3A_940 = arith.mulf %get3A_938, %sub3A_939 : vector<16xf32>
        %add3A_941 = arith.addf %add3A_932, %mul3A_940 : vector<16xf32>
        %add3A_942 = arith.constant 1280 : i32
        %add3A_943 = arith.addi %mul3A_81, %add3A_942 : i32
        %add3A_944 = arith.constant 112 : i32
        %add3A_945 = arith.addi %add3A_943, %add3A_944 : i32
        %get3A_946 = arith.index_cast %add3A_945 : i32 to index
        %get3A_947 = tpu.vector_load %arg6[%get3A_946] {strides = array<i32>} : memref<20480xf32, #tpu.memory_space<vmem>>, vector<16xf32>,
        %sub3A_948 = arith.subf %get3A_947, %get3A_23 : vector<16xf32>
        %mul3A_949 = arith.mulf %get3A_947, %sub3A_948 : vector<16xf32>
        %add3A_950 = arith.addf %add3A_941, %mul3A_949 : vector<16xf32>
        %reduce_sum3A_951 = arith.constant true
        %reduce_sum3A_952 = vector.broadcast %reduce_sum3A_951 : i1 to vector<16xi1>
        %reduce_sum3A_953 = tpu.scan <sum>, %add3A_950 masked %reduce_sum3A_952 : vector<16xf32>, vector<16xi1> -> vector<16xf32>
        %reduce_sum3A_954 = vector.extract %reduce_sum3A_953[15] : f32 from vector<16xf32>
        %eq3A_955 = arith.constant 10 : i32
        %eq3A_956 = vector.broadcast %eq3A_955 : i32 to vector<16xi32>
        %eq3A_957 = arith.cmpi eq, %iota3A, %eq3A_956 : vector<16xi32>
        %broadcast_in_dim3A_958 = vector.broadcast %reduce_sum3A_954 : f32 to vector<16xf32>
        %select_n3A_959 = arith.select %eq3A_957, %broadcast_in_dim3A_958, %select_n3A_879 : vector<16xi1>, vector<16xf32>
        %add3A_960 = arith.constant 1408 : i32
        %add3A_961 = arith.addi %mul3A_81, %add3A_960 : i32
        %add3A_962 = arith.constant 0 : i32
        %add3A_963 = arith.addi %add3A_961, %add3A_962 : i32
        %get3A_964 = arith.index_cast %add3A_963 : i32 to index
        %get3A_965 = tpu.vector_load %arg6[%get3A_964] {strides = array<i32>} : memref<20480xf32, #tpu.memory_space<vmem>>, vector<16xf32>,
        %sub3A_966 = arith.subf %get3A_965, %get3A_9 : vector<16xf32>
        %mul3A_967 = arith.mulf %get3A_965, %sub3A_966 : vector<16xf32>
        %add3A_968 = arith.constant 1408 : i32
        %add3A_969 = arith.addi %mul3A_81, %add3A_968 : i32
        %add3A_970 = arith.constant 16 : i32
        %add3A_971 = arith.addi %add3A_969, %add3A_970 : i32
        %get3A_972 = arith.index_cast %add3A_971 : i32 to index
        %get3A_973 = tpu.vector_load %arg6[%get3A_972] {strides = array<i32>} : memref<20480xf32, #tpu.memory_space<vmem>>, vector<16xf32>,
        %sub3A_974 = arith.subf %get3A_973, %get3A_11 : vector<16xf32>
        %mul3A_975 = arith.mulf %get3A_973, %sub3A_974 : vector<16xf32>
        %add3A_976 = arith.addf %mul3A_967, %mul3A_975 : vector<16xf32>
        %add3A_977 = arith.constant 1408 : i32
        %add3A_978 = arith.addi %mul3A_81, %add3A_977 : i32
        %add3A_979 = arith.constant 32 : i32
        %add3A_980 = arith.addi %add3A_978, %add3A_979 : i32
        %get3A_981 = arith.index_cast %add3A_980 : i32 to index
        %get3A_982 = tpu.vector_load %arg6[%get3A_981] {strides = array<i32>} : memref<20480xf32, #tpu.memory_space<vmem>>, vector<16xf32>,
        %sub3A_983 = arith.subf %get3A_982, %get3A_13 : vector<16xf32>
        %mul3A_984 = arith.mulf %get3A_982, %sub3A_983 : vector<16xf32>
        %add3A_985 = arith.addf %add3A_976, %mul3A_984 : vector<16xf32>
        %add3A_986 = arith.constant 1408 : i32
        %add3A_987 = arith.addi %mul3A_81, %add3A_986 : i32
        %add3A_988 = arith.constant 48 : i32
        %add3A_989 = arith.addi %add3A_987, %add3A_988 : i32
        %get3A_990 = arith.index_cast %add3A_989 : i32 to index
        %get3A_991 = tpu.vector_load %arg6[%get3A_990] {strides = array<i32>} : memref<20480xf32, #tpu.memory_space<vmem>>, vector<16xf32>,
        %sub3A_992 = arith.subf %get3A_991, %get3A_15 : vector<16xf32>
        %mul3A_993 = arith.mulf %get3A_991, %sub3A_992 : vector<16xf32>
        %add3A_994 = arith.addf %add3A_985, %mul3A_993 : vector<16xf32>
        %add3A_995 = arith.constant 1408 : i32
        %add3A_996 = arith.addi %mul3A_81, %add3A_995 : i32
        %add3A_997 = arith.constant 64 : i32
        %add3A_998 = arith.addi %add3A_996, %add3A_997 : i32
        %get3A_999 = arith.index_cast %add3A_998 : i32 to index
        %get3A_1000 = tpu.vector_load %arg6[%get3A_999] {strides = array<i32>} : memref<20480xf32, #tpu.memory_space<vmem>>, vector<16xf32>,
        %sub3A_1001 = arith.subf %get3A_1000, %get3A_17 : vector<16xf32>
        %mul3A_1002 = arith.mulf %get3A_1000, %sub3A_1001 : vector<16xf32>
        %add3A_1003 = arith.addf %add3A_994, %mul3A_1002 : vector<16xf32>
        %add3A_1004 = arith.constant 1408 : i32
        %add3A_1005 = arith.addi %mul3A_81, %add3A_1004 : i32
        %add3A_1006 = arith.constant 80 : i32
        %add3A_1007 = arith.addi %add3A_1005, %add3A_1006 : i32
        %get3A_1008 = arith.index_cast %add3A_1007 : i32 to index
        %get3A_1009 = tpu.vector_load %arg6[%get3A_1008] {strides = array<i32>} : memref<20480xf32, #tpu.memory_space<vmem>>, vector<16xf32>,
        %sub3A_1010 = arith.subf %get3A_1009, %get3A_19 : vector<16xf32>
        %mul3A_1011 = arith.mulf %get3A_1009, %sub3A_1010 : vector<16xf32>
        %add3A_1012 = arith.addf %add3A_1003, %mul3A_1011 : vector<16xf32>
        %add3A_1013 = arith.constant 1408 : i32
        %add3A_1014 = arith.addi %mul3A_81, %add3A_1013 : i32
        %add3A_1015 = arith.constant 96 : i32
        %add3A_1016 = arith.addi %add3A_1014, %add3A_1015 : i32
        %get3A_1017 = arith.index_cast %add3A_1016 : i32 to index
        %get3A_1018 = tpu.vector_load %arg6[%get3A_1017] {strides = array<i32>} : memref<20480xf32, #tpu.memory_space<vmem>>, vector<16xf32>,
        %sub3A_1019 = arith.subf %get3A_1018, %get3A_21 : vector<16xf32>
        %mul3A_1020 = arith.mulf %get3A_1018, %sub3A_1019 : vector<16xf32>
        %add3A_1021 = arith.addf %add3A_1012, %mul3A_1020 : vector<16xf32>
        %add3A_1022 = arith.constant 1408 : i32
        %add3A_1023 = arith.addi %mul3A_81, %add3A_1022 : i32
        %add3A_1024 = arith.constant 112 : i32
        %add3A_1025 = arith.addi %add3A_1023, %add3A_1024 : i32
        %get3A_1026 = arith.index_cast %add3A_1025 : i32 to index
        %get3A_1027 = tpu.vector_load %arg6[%get3A_1026] {strides = array<i32>} : memref<20480xf32, #tpu.memory_space<vmem>>, vector<16xf32>,
        %sub3A_1028 = arith.subf %get3A_1027, %get3A_23 : vector<16xf32>
        %mul3A_1029 = arith.mulf %get3A_1027, %sub3A_1028 : vector<16xf32>
        %add3A_1030 = arith.addf %add3A_1021, %mul3A_1029 : vector<16xf32>
        %reduce_sum3A_1031 = arith.constant true
        %reduce_sum3A_1032 = vector.broadcast %reduce_sum3A_1031 : i1 to vector<16xi1>
        %reduce_sum3A_1033 = tpu.scan <sum>, %add3A_1030 masked %reduce_sum3A_1032 : vector<16xf32>, vector<16xi1> -> vector<16xf32>
        %reduce_sum3A_1034 = vector.extract %reduce_sum3A_1033[15] : f32 from vector<16xf32>
        %eq3A_1035 = arith.constant 11 : i32
        %eq3A_1036 = vector.broadcast %eq3A_1035 : i32 to vector<16xi32>
        %eq3A_1037 = arith.cmpi eq, %iota3A, %eq3A_1036 : vector<16xi32>
        %broadcast_in_dim3A_1038 = vector.broadcast %reduce_sum3A_1034 : f32 to vector<16xf32>
        %select_n3A_1039 = arith.select %eq3A_1037, %broadcast_in_dim3A_1038, %select_n3A_959 : vector<16xi1>, vector<16xf32>
        %add3A_1040 = arith.constant 1536 : i32
        %add3A_1041 = arith.addi %mul3A_81, %add3A_1040 : i32
        %add3A_1042 = arith.constant 0 : i32
        %add3A_1043 = arith.addi %add3A_1041, %add3A_1042 : i32
        %get3A_1044 = arith.index_cast %add3A_1043 : i32 to index
        %get3A_1045 = tpu.vector_load %arg6[%get3A_1044] {strides = array<i32>} : memref<20480xf32, #tpu.memory_space<vmem>>, vector<16xf32>,
        %sub3A_1046 = arith.subf %get3A_1045, %get3A_9 : vector<16xf32>
        %mul3A_1047 = arith.mulf %get3A_1045, %sub3A_1046 : vector<16xf32>
        %add3A_1048 = arith.constant 1536 : i32
        %add3A_1049 = arith.addi %mul3A_81, %add3A_1048 : i32
        %add3A_1050 = arith.constant 16 : i32
        %add3A_1051 = arith.addi %add3A_1049, %add3A_1050 : i32
        %get3A_1052 = arith.index_cast %add3A_1051 : i32 to index
        %get3A_1053 = tpu.vector_load %arg6[%get3A_1052] {strides = array<i32>} : memref<20480xf32, #tpu.memory_space<vmem>>, vector<16xf32>,
        %sub3A_1054 = arith.subf %get3A_1053, %get3A_11 : vector<16xf32>
        %mul3A_1055 = arith.mulf %get3A_1053, %sub3A_1054 : vector<16xf32>
        %add3A_1056 = arith.addf %mul3A_1047, %mul3A_1055 : vector<16xf32>
        %add3A_1057 = arith.constant 1536 : i32
        %add3A_1058 = arith.addi %mul3A_81, %add3A_1057 : i32
        %add3A_1059 = arith.constant 32 : i32
        %add3A_1060 = arith.addi %add3A_1058, %add3A_1059 : i32
        %get3A_1061 = arith.index_cast %add3A_1060 : i32 to index
        %get3A_1062 = tpu.vector_load %arg6[%get3A_1061] {strides = array<i32>} : memref<20480xf32, #tpu.memory_space<vmem>>, vector<16xf32>,
        %sub3A_1063 = arith.subf %get3A_1062, %get3A_13 : vector<16xf32>
        %mul3A_1064 = arith.mulf %get3A_1062, %sub3A_1063 : vector<16xf32>
        %add3A_1065 = arith.addf %add3A_1056, %mul3A_1064 : vector<16xf32>
        %add3A_1066 = arith.constant 1536 : i32
        %add3A_1067 = arith.addi %mul3A_81, %add3A_1066 : i32
        %add3A_1068 = arith.constant 48 : i32
        %add3A_1069 = arith.addi %add3A_1067, %add3A_1068 : i32
        %get3A_1070 = arith.index_cast %add3A_1069 : i32 to index
        %get3A_1071 = tpu.vector_load %arg6[%get3A_1070] {strides = array<i32>} : memref<20480xf32, #tpu.memory_space<vmem>>, vector<16xf32>,
        %sub3A_1072 = arith.subf %get3A_1071, %get3A_15 : vector<16xf32>
        %mul3A_1073 = arith.mulf %get3A_1071, %sub3A_1072 : vector<16xf32>
        %add3A_1074 = arith.addf %add3A_1065, %mul3A_1073 : vector<16xf32>
        %add3A_1075 = arith.constant 1536 : i32
        %add3A_1076 = arith.addi %mul3A_81, %add3A_1075 : i32
        %add3A_1077 = arith.constant 64 : i32
        %add3A_1078 = arith.addi %add3A_1076, %add3A_1077 : i32
        %get3A_1079 = arith.index_cast %add3A_1078 : i32 to index
        %get3A_1080 = tpu.vector_load %arg6[%get3A_1079] {strides = array<i32>} : memref<20480xf32, #tpu.memory_space<vmem>>, vector<16xf32>,
        %sub3A_1081 = arith.subf %get3A_1080, %get3A_17 : vector<16xf32>
        %mul3A_1082 = arith.mulf %get3A_1080, %sub3A_1081 : vector<16xf32>
        %add3A_1083 = arith.addf %add3A_1074, %mul3A_1082 : vector<16xf32>
        %add3A_1084 = arith.constant 1536 : i32
        %add3A_1085 = arith.addi %mul3A_81, %add3A_1084 : i32
        %add3A_1086 = arith.constant 80 : i32
        %add3A_1087 = arith.addi %add3A_1085, %add3A_1086 : i32
        %get3A_1088 = arith.index_cast %add3A_1087 : i32 to index
        %get3A_1089 = tpu.vector_load %arg6[%get3A_1088] {strides = array<i32>} : memref<20480xf32, #tpu.memory_space<vmem>>, vector<16xf32>,
        %sub3A_1090 = arith.subf %get3A_1089, %get3A_19 : vector<16xf32>
        %mul3A_1091 = arith.mulf %get3A_1089, %sub3A_1090 : vector<16xf32>
        %add3A_1092 = arith.addf %add3A_1083, %mul3A_1091 : vector<16xf32>
        %add3A_1093 = arith.constant 1536 : i32
        %add3A_1094 = arith.addi %mul3A_81, %add3A_1093 : i32
        %add3A_1095 = arith.constant 96 : i32
        %add3A_1096 = arith.addi %add3A_1094, %add3A_1095 : i32
        %get3A_1097 = arith.index_cast %add3A_1096 : i32 to index
        %get3A_1098 = tpu.vector_load %arg6[%get3A_1097] {strides = array<i32>} : memref<20480xf32, #tpu.memory_space<vmem>>, vector<16xf32>,
        %sub3A_1099 = arith.subf %get3A_1098, %get3A_21 : vector<16xf32>
        %mul3A_1100 = arith.mulf %get3A_1098, %sub3A_1099 : vector<16xf32>
        %add3A_1101 = arith.addf %add3A_1092, %mul3A_1100 : vector<16xf32>
        %add3A_1102 = arith.constant 1536 : i32
        %add3A_1103 = arith.addi %mul3A_81, %add3A_1102 : i32
        %add3A_1104 = arith.constant 112 : i32
        %add3A_1105 = arith.addi %add3A_1103, %add3A_1104 : i32
        %get3A_1106 = arith.index_cast %add3A_1105 : i32 to index
        %get3A_1107 = tpu.vector_load %arg6[%get3A_1106] {strides = array<i32>} : memref<20480xf32, #tpu.memory_space<vmem>>, vector<16xf32>,
        %sub3A_1108 = arith.subf %get3A_1107, %get3A_23 : vector<16xf32>
        %mul3A_1109 = arith.mulf %get3A_1107, %sub3A_1108 : vector<16xf32>
        %add3A_1110 = arith.addf %add3A_1101, %mul3A_1109 : vector<16xf32>
        %reduce_sum3A_1111 = arith.constant true
        %reduce_sum3A_1112 = vector.broadcast %reduce_sum3A_1111 : i1 to vector<16xi1>
        %reduce_sum3A_1113 = tpu.scan <sum>, %add3A_1110 masked %reduce_sum3A_1112 : vector<16xf32>, vector<16xi1> -> vector<16xf32>
        %reduce_sum3A_1114 = vector.extract %reduce_sum3A_1113[15] : f32 from vector<16xf32>
        %eq3A_1115 = arith.constant 12 : i32
        %eq3A_1116 = vector.broadcast %eq3A_1115 : i32 to vector<16xi32>
        %eq3A_1117 = arith.cmpi eq, %iota3A, %eq3A_1116 : vector<16xi32>
        %broadcast_in_dim3A_1118 = vector.broadcast %reduce_sum3A_1114 : f32 to vector<16xf32>
        %select_n3A_1119 = arith.select %eq3A_1117, %broadcast_in_dim3A_1118, %select_n3A_1039 : vector<16xi1>, vector<16xf32>
        %add3A_1120 = arith.constant 1664 : i32
        %add3A_1121 = arith.addi %mul3A_81, %add3A_1120 : i32
        %add3A_1122 = arith.constant 0 : i32
        %add3A_1123 = arith.addi %add3A_1121, %add3A_1122 : i32
        %get3A_1124 = arith.index_cast %add3A_1123 : i32 to index
        %get3A_1125 = tpu.vector_load %arg6[%get3A_1124] {strides = array<i32>} : memref<20480xf32, #tpu.memory_space<vmem>>, vector<16xf32>,
        %sub3A_1126 = arith.subf %get3A_1125, %get3A_9 : vector<16xf32>
        %mul3A_1127 = arith.mulf %get3A_1125, %sub3A_1126 : vector<16xf32>
        %add3A_1128 = arith.constant 1664 : i32
        %add3A_1129 = arith.addi %mul3A_81, %add3A_1128 : i32
        %add3A_1130 = arith.constant 16 : i32
        %add3A_1131 = arith.addi %add3A_1129, %add3A_1130 : i32
        %get3A_1132 = arith.index_cast %add3A_1131 : i32 to index
        %get3A_1133 = tpu.vector_load %arg6[%get3A_1132] {strides = array<i32>} : memref<20480xf32, #tpu.memory_space<vmem>>, vector<16xf32>,
        %sub3A_1134 = arith.subf %get3A_1133, %get3A_11 : vector<16xf32>
        %mul3A_1135 = arith.mulf %get3A_1133, %sub3A_1134 : vector<16xf32>
        %add3A_1136 = arith.addf %mul3A_1127, %mul3A_1135 : vector<16xf32>
        %add3A_1137 = arith.constant 1664 : i32
        %add3A_1138 = arith.addi %mul3A_81, %add3A_1137 : i32
        %add3A_1139 = arith.constant 32 : i32
        %add3A_1140 = arith.addi %add3A_1138, %add3A_1139 : i32
        %get3A_1141 = arith.index_cast %add3A_1140 : i32 to index
        %get3A_1142 = tpu.vector_load %arg6[%get3A_1141] {strides = array<i32>} : memref<20480xf32, #tpu.memory_space<vmem>>, vector<16xf32>,
        %sub3A_1143 = arith.subf %get3A_1142, %get3A_13 : vector<16xf32>
        %mul3A_1144 = arith.mulf %get3A_1142, %sub3A_1143 : vector<16xf32>
        %add3A_1145 = arith.addf %add3A_1136, %mul3A_1144 : vector<16xf32>
        %add3A_1146 = arith.constant 1664 : i32
        %add3A_1147 = arith.addi %mul3A_81, %add3A_1146 : i32
        %add3A_1148 = arith.constant 48 : i32
        %add3A_1149 = arith.addi %add3A_1147, %add3A_1148 : i32
        %get3A_1150 = arith.index_cast %add3A_1149 : i32 to index
        %get3A_1151 = tpu.vector_load %arg6[%get3A_1150] {strides = array<i32>} : memref<20480xf32, #tpu.memory_space<vmem>>, vector<16xf32>,
        %sub3A_1152 = arith.subf %get3A_1151, %get3A_15 : vector<16xf32>
        %mul3A_1153 = arith.mulf %get3A_1151, %sub3A_1152 : vector<16xf32>
        %add3A_1154 = arith.addf %add3A_1145, %mul3A_1153 : vector<16xf32>
        %add3A_1155 = arith.constant 1664 : i32
        %add3A_1156 = arith.addi %mul3A_81, %add3A_1155 : i32
        %add3A_1157 = arith.constant 64 : i32
        %add3A_1158 = arith.addi %add3A_1156, %add3A_1157 : i32
        %get3A_1159 = arith.index_cast %add3A_1158 : i32 to index
        %get3A_1160 = tpu.vector_load %arg6[%get3A_1159] {strides = array<i32>} : memref<20480xf32, #tpu.memory_space<vmem>>, vector<16xf32>,
        %sub3A_1161 = arith.subf %get3A_1160, %get3A_17 : vector<16xf32>
        %mul3A_1162 = arith.mulf %get3A_1160, %sub3A_1161 : vector<16xf32>
        %add3A_1163 = arith.addf %add3A_1154, %mul3A_1162 : vector<16xf32>
        %add3A_1164 = arith.constant 1664 : i32
        %add3A_1165 = arith.addi %mul3A_81, %add3A_1164 : i32
        %add3A_1166 = arith.constant 80 : i32
        %add3A_1167 = arith.addi %add3A_1165, %add3A_1166 : i32
        %get3A_1168 = arith.index_cast %add3A_1167 : i32 to index
        %get3A_1169 = tpu.vector_load %arg6[%get3A_1168] {strides = array<i32>} : memref<20480xf32, #tpu.memory_space<vmem>>, vector<16xf32>,
        %sub3A_1170 = arith.subf %get3A_1169, %get3A_19 : vector<16xf32>
        %mul3A_1171 = arith.mulf %get3A_1169, %sub3A_1170 : vector<16xf32>
        %add3A_1172 = arith.addf %add3A_1163, %mul3A_1171 : vector<16xf32>
        %add3A_1173 = arith.constant 1664 : i32
        %add3A_1174 = arith.addi %mul3A_81, %add3A_1173 : i32
        %add3A_1175 = arith.constant 96 : i32
        %add3A_1176 = arith.addi %add3A_1174, %add3A_1175 : i32
        %get3A_1177 = arith.index_cast %add3A_1176 : i32 to index
        %get3A_1178 = tpu.vector_load %arg6[%get3A_1177] {strides = array<i32>} : memref<20480xf32, #tpu.memory_space<vmem>>, vector<16xf32>,
        %sub3A_1179 = arith.subf %get3A_1178, %get3A_21 : vector<16xf32>
        %mul3A_1180 = arith.mulf %get3A_1178, %sub3A_1179 : vector<16xf32>
        %add3A_1181 = arith.addf %add3A_1172, %mul3A_1180 : vector<16xf32>
        %add3A_1182 = arith.constant 1664 : i32
        %add3A_1183 = arith.addi %mul3A_81, %add3A_1182 : i32
        %add3A_1184 = arith.constant 112 : i32
        %add3A_1185 = arith.addi %add3A_1183, %add3A_1184 : i32
        %get3A_1186 = arith.index_cast %add3A_1185 : i32 to index
        %get3A_1187 = tpu.vector_load %arg6[%get3A_1186] {strides = array<i32>} : memref<20480xf32, #tpu.memory_space<vmem>>, vector<16xf32>,
        %sub3A_1188 = arith.subf %get3A_1187, %get3A_23 : vector<16xf32>
        %mul3A_1189 = arith.mulf %get3A_1187, %sub3A_1188 : vector<16xf32>
        %add3A_1190 = arith.addf %add3A_1181, %mul3A_1189 : vector<16xf32>
        %reduce_sum3A_1191 = arith.constant true
        %reduce_sum3A_1192 = vector.broadcast %reduce_sum3A_1191 : i1 to vector<16xi1>
        %reduce_sum3A_1193 = tpu.scan <sum>, %add3A_1190 masked %reduce_sum3A_1192 : vector<16xf32>, vector<16xi1> -> vector<16xf32>
        %reduce_sum3A_1194 = vector.extract %reduce_sum3A_1193[15] : f32 from vector<16xf32>
        %eq3A_1195 = arith.constant 13 : i32
        %eq3A_1196 = vector.broadcast %eq3A_1195 : i32 to vector<16xi32>
        %eq3A_1197 = arith.cmpi eq, %iota3A, %eq3A_1196 : vector<16xi32>
        %broadcast_in_dim3A_1198 = vector.broadcast %reduce_sum3A_1194 : f32 to vector<16xf32>
        %select_n3A_1199 = arith.select %eq3A_1197, %broadcast_in_dim3A_1198, %select_n3A_1119 : vector<16xi1>, vector<16xf32>
        %add3A_1200 = arith.constant 1792 : i32
        %add3A_1201 = arith.addi %mul3A_81, %add3A_1200 : i32
        %add3A_1202 = arith.constant 0 : i32
        %add3A_1203 = arith.addi %add3A_1201, %add3A_1202 : i32
        %get3A_1204 = arith.index_cast %add3A_1203 : i32 to index
        %get3A_1205 = tpu.vector_load %arg6[%get3A_1204] {strides = array<i32>} : memref<20480xf32, #tpu.memory_space<vmem>>, vector<16xf32>,
        %sub3A_1206 = arith.subf %get3A_1205, %get3A_9 : vector<16xf32>
        %mul3A_1207 = arith.mulf %get3A_1205, %sub3A_1206 : vector<16xf32>
        %add3A_1208 = arith.constant 1792 : i32
        %add3A_1209 = arith.addi %mul3A_81, %add3A_1208 : i32
        %add3A_1210 = arith.constant 16 : i32
        %add3A_1211 = arith.addi %add3A_1209, %add3A_1210 : i32
        %get3A_1212 = arith.index_cast %add3A_1211 : i32 to index
        %get3A_1213 = tpu.vector_load %arg6[%get3A_1212] {strides = array<i32>} : memref<20480xf32, #tpu.memory_space<vmem>>, vector<16xf32>,
        %sub3A_1214 = arith.subf %get3A_1213, %get3A_11 : vector<16xf32>
        %mul3A_1215 = arith.mulf %get3A_1213, %sub3A_1214 : vector<16xf32>
        %add3A_1216 = arith.addf %mul3A_1207, %mul3A_1215 : vector<16xf32>
        %add3A_1217 = arith.constant 1792 : i32
        %add3A_1218 = arith.addi %mul3A_81, %add3A_1217 : i32
        %add3A_1219 = arith.constant 32 : i32
        %add3A_1220 = arith.addi %add3A_1218, %add3A_1219 : i32
        %get3A_1221 = arith.index_cast %add3A_1220 : i32 to index
        %get3A_1222 = tpu.vector_load %arg6[%get3A_1221] {strides = array<i32>} : memref<20480xf32, #tpu.memory_space<vmem>>, vector<16xf32>,
        %sub3A_1223 = arith.subf %get3A_1222, %get3A_13 : vector<16xf32>
        %mul3A_1224 = arith.mulf %get3A_1222, %sub3A_1223 : vector<16xf32>
        %add3A_1225 = arith.addf %add3A_1216, %mul3A_1224 : vector<16xf32>
        %add3A_1226 = arith.constant 1792 : i32
        %add3A_1227 = arith.addi %mul3A_81, %add3A_1226 : i32
        %add3A_1228 = arith.constant 48 : i32
        %add3A_1229 = arith.addi %add3A_1227, %add3A_1228 : i32
        %get3A_1230 = arith.index_cast %add3A_1229 : i32 to index
        %get3A_1231 = tpu.vector_load %arg6[%get3A_1230] {strides = array<i32>} : memref<20480xf32, #tpu.memory_space<vmem>>, vector<16xf32>,
        %sub3A_1232 = arith.subf %get3A_1231, %get3A_15 : vector<16xf32>
        %mul3A_1233 = arith.mulf %get3A_1231, %sub3A_1232 : vector<16xf32>
        %add3A_1234 = arith.addf %add3A_1225, %mul3A_1233 : vector<16xf32>
        %add3A_1235 = arith.constant 1792 : i32
        %add3A_1236 = arith.addi %mul3A_81, %add3A_1235 : i32
        %add3A_1237 = arith.constant 64 : i32
        %add3A_1238 = arith.addi %add3A_1236, %add3A_1237 : i32
        %get3A_1239 = arith.index_cast %add3A_1238 : i32 to index
        %get3A_1240 = tpu.vector_load %arg6[%get3A_1239] {strides = array<i32>} : memref<20480xf32, #tpu.memory_space<vmem>>, vector<16xf32>,
        %sub3A_1241 = arith.subf %get3A_1240, %get3A_17 : vector<16xf32>
        %mul3A_1242 = arith.mulf %get3A_1240, %sub3A_1241 : vector<16xf32>
        %add3A_1243 = arith.addf %add3A_1234, %mul3A_1242 : vector<16xf32>
        %add3A_1244 = arith.constant 1792 : i32
        %add3A_1245 = arith.addi %mul3A_81, %add3A_1244 : i32
        %add3A_1246 = arith.constant 80 : i32
        %add3A_1247 = arith.addi %add3A_1245, %add3A_1246 : i32
        %get3A_1248 = arith.index_cast %add3A_1247 : i32 to index
        %get3A_1249 = tpu.vector_load %arg6[%get3A_1248] {strides = array<i32>} : memref<20480xf32, #tpu.memory_space<vmem>>, vector<16xf32>,
        %sub3A_1250 = arith.subf %get3A_1249, %get3A_19 : vector<16xf32>
        %mul3A_1251 = arith.mulf %get3A_1249, %sub3A_1250 : vector<16xf32>
        %add3A_1252 = arith.addf %add3A_1243, %mul3A_1251 : vector<16xf32>
        %add3A_1253 = arith.constant 1792 : i32
        %add3A_1254 = arith.addi %mul3A_81, %add3A_1253 : i32
        %add3A_1255 = arith.constant 96 : i32
        %add3A_1256 = arith.addi %add3A_1254, %add3A_1255 : i32
        %get3A_1257 = arith.index_cast %add3A_1256 : i32 to index
        %get3A_1258 = tpu.vector_load %arg6[%get3A_1257] {strides = array<i32>} : memref<20480xf32, #tpu.memory_space<vmem>>, vector<16xf32>,
        %sub3A_1259 = arith.subf %get3A_1258, %get3A_21 : vector<16xf32>
        %mul3A_1260 = arith.mulf %get3A_1258, %sub3A_1259 : vector<16xf32>
        %add3A_1261 = arith.addf %add3A_1252, %mul3A_1260 : vector<16xf32>
        %add3A_1262 = arith.constant 1792 : i32
        %add3A_1263 = arith.addi %mul3A_81, %add3A_1262 : i32
        %add3A_1264 = arith.constant 112 : i32
        %add3A_1265 = arith.addi %add3A_1263, %add3A_1264 : i32
        %get3A_1266 = arith.index_cast %add3A_1265 : i32 to index
        %get3A_1267 = tpu.vector_load %arg6[%get3A_1266] {strides = array<i32>} : memref<20480xf32, #tpu.memory_space<vmem>>, vector<16xf32>,
        %sub3A_1268 = arith.subf %get3A_1267, %get3A_23 : vector<16xf32>
        %mul3A_1269 = arith.mulf %get3A_1267, %sub3A_1268 : vector<16xf32>
        %add3A_1270 = arith.addf %add3A_1261, %mul3A_1269 : vector<16xf32>
        %reduce_sum3A_1271 = arith.constant true
        %reduce_sum3A_1272 = vector.broadcast %reduce_sum3A_1271 : i1 to vector<16xi1>
        %reduce_sum3A_1273 = tpu.scan <sum>, %add3A_1270 masked %reduce_sum3A_1272 : vector<16xf32>, vector<16xi1> -> vector<16xf32>
        %reduce_sum3A_1274 = vector.extract %reduce_sum3A_1273[15] : f32 from vector<16xf32>
        %eq3A_1275 = arith.constant 14 : i32
        %eq3A_1276 = vector.broadcast %eq3A_1275 : i32 to vector<16xi32>
        %eq3A_1277 = arith.cmpi eq, %iota3A, %eq3A_1276 : vector<16xi32>
        %broadcast_in_dim3A_1278 = vector.broadcast %reduce_sum3A_1274 : f32 to vector<16xf32>
        %select_n3A_1279 = arith.select %eq3A_1277, %broadcast_in_dim3A_1278, %select_n3A_1199 : vector<16xi1>, vector<16xf32>
        %add3A_1280 = arith.constant 1920 : i32
        %add3A_1281 = arith.addi %mul3A_81, %add3A_1280 : i32
        %add3A_1282 = arith.constant 0 : i32
        %add3A_1283 = arith.addi %add3A_1281, %add3A_1282 : i32
        %get3A_1284 = arith.index_cast %add3A_1283 : i32 to index
        %get3A_1285 = tpu.vector_load %arg6[%get3A_1284] {strides = array<i32>} : memref<20480xf32, #tpu.memory_space<vmem>>, vector<16xf32>,
        %sub3A_1286 = arith.subf %get3A_1285, %get3A_9 : vector<16xf32>
        %mul3A_1287 = arith.mulf %get3A_1285, %sub3A_1286 : vector<16xf32>
        %add3A_1288 = arith.constant 1920 : i32
        %add3A_1289 = arith.addi %mul3A_81, %add3A_1288 : i32
        %add3A_1290 = arith.constant 16 : i32
        %add3A_1291 = arith.addi %add3A_1289, %add3A_1290 : i32
        %get3A_1292 = arith.index_cast %add3A_1291 : i32 to index
        %get3A_1293 = tpu.vector_load %arg6[%get3A_1292] {strides = array<i32>} : memref<20480xf32, #tpu.memory_space<vmem>>, vector<16xf32>,
        %sub3A_1294 = arith.subf %get3A_1293, %get3A_11 : vector<16xf32>
        %mul3A_1295 = arith.mulf %get3A_1293, %sub3A_1294 : vector<16xf32>
        %add3A_1296 = arith.addf %mul3A_1287, %mul3A_1295 : vector<16xf32>
        %add3A_1297 = arith.constant 1920 : i32
        %add3A_1298 = arith.addi %mul3A_81, %add3A_1297 : i32
        %add3A_1299 = arith.constant 32 : i32
        %add3A_1300 = arith.addi %add3A_1298, %add3A_1299 : i32
        %get3A_1301 = arith.index_cast %add3A_1300 : i32 to index
        %get3A_1302 = tpu.vector_load %arg6[%get3A_1301] {strides = array<i32>} : memref<20480xf32, #tpu.memory_space<vmem>>, vector<16xf32>,
        %sub3A_1303 = arith.subf %get3A_1302, %get3A_13 : vector<16xf32>
        %mul3A_1304 = arith.mulf %get3A_1302, %sub3A_1303 : vector<16xf32>
        %add3A_1305 = arith.addf %add3A_1296, %mul3A_1304 : vector<16xf32>
        %add3A_1306 = arith.constant 1920 : i32
        %add3A_1307 = arith.addi %mul3A_81, %add3A_1306 : i32
        %add3A_1308 = arith.constant 48 : i32
        %add3A_1309 = arith.addi %add3A_1307, %add3A_1308 : i32
        %get3A_1310 = arith.index_cast %add3A_1309 : i32 to index
        %get3A_1311 = tpu.vector_load %arg6[%get3A_1310] {strides = array<i32>} : memref<20480xf32, #tpu.memory_space<vmem>>, vector<16xf32>,
        %sub3A_1312 = arith.subf %get3A_1311, %get3A_15 : vector<16xf32>
        %mul3A_1313 = arith.mulf %get3A_1311, %sub3A_1312 : vector<16xf32>
        %add3A_1314 = arith.addf %add3A_1305, %mul3A_1313 : vector<16xf32>
        %add3A_1315 = arith.constant 1920 : i32
        %add3A_1316 = arith.addi %mul3A_81, %add3A_1315 : i32
        %add3A_1317 = arith.constant 64 : i32
        %add3A_1318 = arith.addi %add3A_1316, %add3A_1317 : i32
        %get3A_1319 = arith.index_cast %add3A_1318 : i32 to index
        %get3A_1320 = tpu.vector_load %arg6[%get3A_1319] {strides = array<i32>} : memref<20480xf32, #tpu.memory_space<vmem>>, vector<16xf32>,
        %sub3A_1321 = arith.subf %get3A_1320, %get3A_17 : vector<16xf32>
        %mul3A_1322 = arith.mulf %get3A_1320, %sub3A_1321 : vector<16xf32>
        %add3A_1323 = arith.addf %add3A_1314, %mul3A_1322 : vector<16xf32>
        %add3A_1324 = arith.constant 1920 : i32
        %add3A_1325 = arith.addi %mul3A_81, %add3A_1324 : i32
        %add3A_1326 = arith.constant 80 : i32
        %add3A_1327 = arith.addi %add3A_1325, %add3A_1326 : i32
        %get3A_1328 = arith.index_cast %add3A_1327 : i32 to index
        %get3A_1329 = tpu.vector_load %arg6[%get3A_1328] {strides = array<i32>} : memref<20480xf32, #tpu.memory_space<vmem>>, vector<16xf32>,
        %sub3A_1330 = arith.subf %get3A_1329, %get3A_19 : vector<16xf32>
        %mul3A_1331 = arith.mulf %get3A_1329, %sub3A_1330 : vector<16xf32>
        %add3A_1332 = arith.addf %add3A_1323, %mul3A_1331 : vector<16xf32>
        %add3A_1333 = arith.constant 1920 : i32
        %add3A_1334 = arith.addi %mul3A_81, %add3A_1333 : i32
        %add3A_1335 = arith.constant 96 : i32
        %add3A_1336 = arith.addi %add3A_1334, %add3A_1335 : i32
        %get3A_1337 = arith.index_cast %add3A_1336 : i32 to index
        %get3A_1338 = tpu.vector_load %arg6[%get3A_1337] {strides = array<i32>} : memref<20480xf32, #tpu.memory_space<vmem>>, vector<16xf32>,
        %sub3A_1339 = arith.subf %get3A_1338, %get3A_21 : vector<16xf32>
        %mul3A_1340 = arith.mulf %get3A_1338, %sub3A_1339 : vector<16xf32>
        %add3A_1341 = arith.addf %add3A_1332, %mul3A_1340 : vector<16xf32>
        %add3A_1342 = arith.constant 1920 : i32
        %add3A_1343 = arith.addi %mul3A_81, %add3A_1342 : i32
        %add3A_1344 = arith.constant 112 : i32
        %add3A_1345 = arith.addi %add3A_1343, %add3A_1344 : i32
        %get3A_1346 = arith.index_cast %add3A_1345 : i32 to index
        %get3A_1347 = tpu.vector_load %arg6[%get3A_1346] {strides = array<i32>} : memref<20480xf32, #tpu.memory_space<vmem>>, vector<16xf32>,
        %sub3A_1348 = arith.subf %get3A_1347, %get3A_23 : vector<16xf32>
        %mul3A_1349 = arith.mulf %get3A_1347, %sub3A_1348 : vector<16xf32>
        %add3A_1350 = arith.addf %add3A_1341, %mul3A_1349 : vector<16xf32>
        %reduce_sum3A_1351 = arith.constant true
        %reduce_sum3A_1352 = vector.broadcast %reduce_sum3A_1351 : i1 to vector<16xi1>
        %reduce_sum3A_1353 = tpu.scan <sum>, %add3A_1350 masked %reduce_sum3A_1352 : vector<16xf32>, vector<16xi1> -> vector<16xf32>
        %reduce_sum3A_1354 = vector.extract %reduce_sum3A_1353[15] : f32 from vector<16xf32>
        %eq3A_1355 = arith.constant 15 : i32
        %eq3A_1356 = vector.broadcast %eq3A_1355 : i32 to vector<16xi32>
        %eq3A_1357 = arith.cmpi eq, %iota3A, %eq3A_1356 : vector<16xi32>
        %broadcast_in_dim3A_1358 = vector.broadcast %reduce_sum3A_1354 : f32 to vector<16xf32>
        %select_n3A_1359 = arith.select %eq3A_1357, %broadcast_in_dim3A_1358, %select_n3A_1279 : vector<16xi1>, vector<16xf32>
        %mul3A_1360 = arith.constant 160 : i32
        %mul3A_1361 = arith.muli %add3A_71, %mul3A_1360 : i32
        %mul3A_1362 = arith.constant 16 : i32
        %mul3A_1363 = arith.muli %scan3A_78, %mul3A_1362 : i32
        %add3A_1364 = arith.addi %mul3A_1361, %mul3A_1363 : i32
        %swap3A = arith.index_cast %add3A_1364 : i32 to index
        %swap3A_1365 = tpu.vector_load %arg8[%swap3A] {strides = array<i32>} : memref<3200xf32, #tpu.memory_space<vmem>>, vector<16xf32>,
        tpu.vector_store %arg8[%swap3A], %select_n3A_1359 {strides = array<i32>} : memref<3200xf32, #tpu.memory_space<vmem>>, vector<16xf32>,
      }
      %scan3A_77 = arith.constant 10 : i32
    }
    %scan3A_28 = arith.constant 10 : i32
    %dma_start3A_29 = tpu.memref_slice %arg4[%select_n3A] : memref<100000xf32, #tpu.memory_space<hbm>> -> memref<3200xf32, #tpu.memory_space<hbm>>
    %dma_start3A_30 = tpu.memref_slice %arg4[%select_n3A] : memref<100000xf32, #tpu.memory_space<hbm>> -> memref<3200xf32, #tpu.memory_space<hbm>>
    tpu.enqueue_dma source(%arg8 : memref<3200xf32, #tpu.memory_space<vmem>>) target(%dma_start3A_30 : memref<3200xf32, #tpu.memory_space<hbm>>) target_semaphore(%arg12 : memref<!tpu.dma_semaphore, #tpu.memory_space<semaphore_mem>>)
    %dma_wait3A = tpu.memref_slice %arg4[%select_n3A] : memref<100000xf32, #tpu.memory_space<hbm>> -> memref<3200xf32, #tpu.memory_space<hbm>>
    %dma_wait3A_31 = tpu.memref_slice %arg4[%select_n3A] : memref<100000xf32, #tpu.memory_space<hbm>> -> memref<3200xf32, #tpu.memory_space<hbm>>
    tpu.wait_dma2 semaphore(%arg12 : memref<!tpu.dma_semaphore, #tpu.memory_space<semaphore_mem>>) src(%arg8 : memref<3200xf32, #tpu.memory_space<vmem>>) dst(%dma_wait3A_31 : memref<3200xf32, #tpu.memory_space<hbm>>)
    return
  }
}

module attributes {stable_mosaic.version = 14 : i64} {
  func.func @_tc_finish(%arg0: memref<8x12500xf32, #tpu.memory_space<vmem>>, %arg1: memref<16x128xf32, #tpu.memory_space<vmem>>, %arg2: memref<2048x1xf32, #tpu.memory_space<vmem>>, %arg3: memref<2048x128xf32, #tpu.memory_space<vmem>>, %arg4: memref<100000x128xf32, #tpu.memory_space<any>>, %arg5: memref<100000x128xf32, #tpu.memory_space<any>>, %arg6: memref<16x128xf32, #tpu.memory_space<vmem>>, %arg7: memref<8x12500xf32, #tpu.memory_space<vmem>>, %arg8: memref<32x128xf32, #tpu.memory_space<vmem>>, %arg9: memref<32x128xf32, #tpu.memory_space<vmem>>, %arg10: memref<32xi32, #tpu.memory_space<smem>>, %arg11: memref<!tpu.dma_semaphore, #tpu.memory_space<semaphore_mem>>, %arg12: memref<!tpu.dma_semaphore, #tpu.memory_space<semaphore_mem>>) attributes {dimension_semantics = [], scalar_prefetch = 0 : i64, scratch_operands = 6 : i64, tpu.core_type = #tpu.core_type<tc>} {
    %get3A = arith.constant 0 : index
    %get3A_0 = arith.constant 0 : index
    %get3A_1 = vector.load %arg0[%get3A, %get3A_0] : memref<8x12500xf32, #tpu.memory_space<vmem>>, vector<8x12500xf32>
    %swap3A = arith.constant 0 : index
    %swap3A_2 = arith.constant 0 : index
    %swap3A_3 = vector.load %arg7[%swap3A, %swap3A_2] : memref<8x12500xf32, #tpu.memory_space<vmem>>, vector<8x12500xf32>
    tpu.vector_store %arg7[%swap3A, %swap3A_2], %get3A_1 {strides = array<i32>} : memref<8x12500xf32, #tpu.memory_space<vmem>>, vector<8x12500xf32>,
    %iota3A = tpu.iota {dimensions = array<i32: 0>} : vector<8x12500xi32>
    %iota3A_4 = tpu.iota {dimensions = array<i32: 1>} : vector<8x12500xi32>
    %mul3A = arith.constant 12500 : i32
    %mul3A_5 = vector.broadcast %mul3A : i32 to vector<8x12500xi32>
    %mul3A_6 = arith.muli %iota3A, %mul3A_5 : vector<8x12500xi32>
    %add3A = arith.addi %mul3A_6, %iota3A_4 : vector<8x12500xi32>
    %scan3A = arith.constant 0 : i32
    %scan3A_7 = arith.constant 32 : i32
    %scan3A_8 = arith.addi %scan3A, %scan3A_7 : i32
    %scan3A_9 = arith.constant 1 : i32
    scf.for %scan3A_121 = %scan3A to %scan3A_8 step %scan3A_9  : i32 {
      %get3A_122 = arith.constant 0 : index
      %get3A_123 = arith.constant 0 : index
      %get3A_124 = vector.load %arg7[%get3A_122, %get3A_123] : memref<8x12500xf32, #tpu.memory_space<vmem>>, vector<8x12500xf32>
      %reduce_min3A = vector.shape_cast %get3A_124 : vector<8x12500xf32> to vector<1x8x12500xf32>
      %reduce_min3A_125 = arith.constant dense<0x7F800000> : vector<1xf32>
      %reduce_min3A_126 = vector.multi_reduction <minimumf>, %reduce_min3A, %reduce_min3A_125 [1, 2] : vector<1x8x12500xf32> to vector<1xf32>
      %reduce_min3A_127 = vector.shape_cast %reduce_min3A_126 : vector<1xf32> to vector<1x1x1xf32>
      %reduce_min3A_128 = vector.extract %reduce_min3A_127[0, 0, 0] : f32 from vector<1x1x1xf32>
      %eq3A_129 = vector.broadcast %reduce_min3A_128 : f32 to vector<8x12500xf32>
      %eq3A_130 = arith.cmpf oeq, %get3A_124, %eq3A_129 : vector<8x12500xf32>
      %jit3A_131 = arith.constant 2147483647 : i32
      %broadcast_in_dim3A_132 = vector.broadcast %jit3A_131 : i32 to vector<8x12500xi32>
      %select_n3A_133 = arith.select %eq3A_130, %add3A, %broadcast_in_dim3A_132 : vector<8x12500xi1>, vector<8x12500xi32>
      %reduce_min3A_134 = vector.shape_cast %select_n3A_133 : vector<8x12500xi32> to vector<1x8x12500xi32>
      %reduce_min3A_135 = arith.constant dense<2147483647> : vector<1xi32>
      %reduce_min3A_136 = vector.multi_reduction <minsi>, %reduce_min3A_134, %reduce_min3A_135 [1, 2] : vector<1x8x12500xi32> to vector<1xi32>
      %reduce_min3A_137 = vector.shape_cast %reduce_min3A_136 : vector<1xi32> to vector<1x1x1xi32>
      %reduce_min3A_138 = vector.extract %reduce_min3A_137[0, 0, 0] : i32 from vector<1x1x1xi32>
      %eq3A_139 = vector.broadcast %reduce_min3A_138 : i32 to vector<8x12500xi32>
      %eq3A_140 = arith.cmpi eq, %add3A, %eq3A_139 : vector<8x12500xi32>
      %jit3A_141 = arith.constant 3.000000e+38 : f32
      %broadcast_in_dim3A_142 = vector.broadcast %jit3A_141 : f32 to vector<8x12500xf32>
      %select_n3A_143 = arith.select %eq3A_140, %broadcast_in_dim3A_142, %get3A_124 : vector<8x12500xi1>, vector<8x12500xf32>
      %swap3A_144 = arith.constant 0 : index
      %swap3A_145 = arith.constant 0 : index
      %swap3A_146 = vector.load %arg7[%swap3A_144, %swap3A_145] : memref<8x12500xf32, #tpu.memory_space<vmem>>, vector<8x12500xf32>
      tpu.vector_store %arg7[%swap3A_144, %swap3A_145], %select_n3A_143 {strides = array<i32>} : memref<8x12500xf32, #tpu.memory_space<vmem>>, vector<8x12500xf32>,
      %swap3A_147 = arith.index_cast %scan3A_121 : i32 to index
      %swap3A_148 = memref.load %arg10[%swap3A_147] : memref<32xi32, #tpu.memory_space<smem>>
      memref.store %reduce_min3A_138, %arg10[%swap3A_147] : memref<32xi32, #tpu.memory_space<smem>>
    }
    %scan3A_10 = arith.constant 32 : i32
    %scan3A_11 = arith.constant 0 : i32
    %scan3A_12 = arith.constant 32 : i32
    %scan3A_13 = arith.addi %scan3A_11, %scan3A_12 : i32
    %scan3A_14 = arith.constant 1 : i32
    scf.for %scan3A_121 = %scan3A_11 to %scan3A_13 step %scan3A_14  : i32 {
      %get3A_122 = arith.index_cast %scan3A_121 : i32 to index
      %get3A_123 = memref.load %arg10[%get3A_122] : memref<32xi32, #tpu.memory_space<smem>>
      %dma_start3A = arith.constant 0 : i32
      %dma_start3A_124 = tpu.memref_slice %arg8[%scan3A_121, %dma_start3A] : memref<32x128xf32, #tpu.memory_space<vmem>> -> memref<1x128xf32, #tpu.memory_space<vmem>>
      %dma_start3A_125 = arith.constant 0 : i32
      %dma_start3A_126 = tpu.memref_slice %arg4[%get3A_123, %dma_start3A_125] : memref<100000x128xf32, #tpu.memory_space<any>> -> memref<1x128xf32, #tpu.memory_space<any>>
      tpu.enqueue_dma source(%dma_start3A_126 : memref<1x128xf32, #tpu.memory_space<any>>) target(%dma_start3A_124 : memref<1x128xf32, #tpu.memory_space<vmem>>) target_semaphore(%arg11 : memref<!tpu.dma_semaphore, #tpu.memory_space<semaphore_mem>>)
      %dma_start3A_127 = arith.constant 0 : i32
      %dma_start3A_128 = tpu.memref_slice %arg9[%scan3A_121, %dma_start3A_127] : memref<32x128xf32, #tpu.memory_space<vmem>> -> memref<1x128xf32, #tpu.memory_space<vmem>>
      %dma_start3A_129 = arith.constant 0 : i32
      %dma_start3A_130 = tpu.memref_slice %arg5[%get3A_123, %dma_start3A_129] : memref<100000x128xf32, #tpu.memory_space<any>> -> memref<1x128xf32, #tpu.memory_space<any>>
      tpu.enqueue_dma source(%dma_start3A_130 : memref<1x128xf32, #tpu.memory_space<any>>) target(%dma_start3A_128 : memref<1x128xf32, #tpu.memory_space<vmem>>) target_semaphore(%arg12 : memref<!tpu.dma_semaphore, #tpu.memory_space<semaphore_mem>>)
    }
    %scan3A_15 = arith.constant 32 : i32
    %scan3A_16 = arith.constant 0 : i32
    %scan3A_17 = arith.constant 32 : i32
    %scan3A_18 = arith.addi %scan3A_16, %scan3A_17 : i32
    %scan3A_19 = arith.constant 1 : i32
    scf.for %scan3A_121 = %scan3A_16 to %scan3A_18 step %scan3A_19  : i32 {
      %get3A_122 = arith.index_cast %scan3A_121 : i32 to index
      %get3A_123 = memref.load %arg10[%get3A_122] : memref<32xi32, #tpu.memory_space<smem>>
      %dma_wait3A = arith.constant 0 : i32
      %dma_wait3A_124 = tpu.memref_slice %arg8[%scan3A_121, %dma_wait3A] : memref<32x128xf32, #tpu.memory_space<vmem>> -> memref<1x128xf32, #tpu.memory_space<vmem>>
      %dma_wait3A_125 = arith.constant 0 : i32
      %dma_wait3A_126 = tpu.memref_slice %arg4[%get3A_123, %dma_wait3A_125] : memref<100000x128xf32, #tpu.memory_space<any>> -> memref<1x128xf32, #tpu.memory_space<any>>
      tpu.wait_dma2 semaphore(%arg11 : memref<!tpu.dma_semaphore, #tpu.memory_space<semaphore_mem>>) src(%dma_wait3A_126 : memref<1x128xf32, #tpu.memory_space<any>>) dst(%dma_wait3A_124 : memref<1x128xf32, #tpu.memory_space<vmem>>)
      %dma_wait3A_127 = arith.constant 0 : i32
      %dma_wait3A_128 = tpu.memref_slice %arg9[%scan3A_121, %dma_wait3A_127] : memref<32x128xf32, #tpu.memory_space<vmem>> -> memref<1x128xf32, #tpu.memory_space<vmem>>
      %dma_wait3A_129 = arith.constant 0 : i32
      %dma_wait3A_130 = tpu.memref_slice %arg5[%get3A_123, %dma_wait3A_129] : memref<100000x128xf32, #tpu.memory_space<any>> -> memref<1x128xf32, #tpu.memory_space<any>>
      tpu.wait_dma2 semaphore(%arg12 : memref<!tpu.dma_semaphore, #tpu.memory_space<semaphore_mem>>) src(%dma_wait3A_130 : memref<1x128xf32, #tpu.memory_space<any>>) dst(%dma_wait3A_128 : memref<1x128xf32, #tpu.memory_space<vmem>>)
    }
    %scan3A_20 = arith.constant 32 : i32
    %get3A_21 = arith.constant 0 : index
    %get3A_22 = arith.constant 0 : index
    %get3A_23 = vector.load %arg8[%get3A_21, %get3A_22] : memref<32x128xf32, #tpu.memory_space<vmem>>, vector<32x128xf32>
    %get3A_24 = arith.constant 0 : index
    %get3A_25 = arith.constant 0 : index
    %get3A_26 = vector.load %arg9[%get3A_24, %get3A_25] : memref<32x128xf32, #tpu.memory_space<vmem>>, vector<32x128xf32>
    %get3A_27 = arith.constant 0 : index
    %get3A_28 = arith.constant 0 : index
    %get3A_29 = vector.load %arg1[%get3A_27, %get3A_28] : memref<16x128xf32, #tpu.memory_space<vmem>>, vector<16x128xf32>
    %get3A_30 = arith.constant 0 : index
    %get3A_31 = arith.constant 0 : index
    %get3A_32 = vector.load %arg2[%get3A_30, %get3A_31] : memref<2048x1xf32, #tpu.memory_space<vmem>>, vector<2048x1xf32>
    %get3A_33 = arith.constant 0 : index
    %get3A_34 = arith.constant 0 : index
    %get3A_35 = vector.load %arg3[%get3A_33, %get3A_34] : memref<2048x128xf32, #tpu.memory_space<vmem>>, vector<2048x128xf32>
    %dot_general3A = arith.constant dense<0.000000e+00> : vector<2048x32xf32>
    %dot_general3A_36 = tpu.matmul %get3A_35, %get3A_23, %dot_general3A {dimension_numbers = #tpu.dot_dimension_numbers<[1], [1], [0], [0], [0, 0, 1, 0], [], []>, precision = #tpu.contract_precision<fp32>, transpose_lhs_hint = false} : vector<2048x128xf32>, vector<32x128xf32>, vector<2048x32xf32> -> vector<2048x32xf32>
    %add3A_37 = vector.broadcast %get3A_32 : vector<2048x1xf32> to vector<2048x32xf32>
    %add3A_38 = arith.addf %add3A_37, %dot_general3A_36 : vector<2048x32xf32>
    %dot_general3A_39 = arith.constant dense<0.000000e+00> : vector<2048x16xf32>
    %dot_general3A_40 = tpu.matmul %get3A_35, %get3A_29, %dot_general3A_39 {dimension_numbers = #tpu.dot_dimension_numbers<[1], [1], [0], [0], [0, 0, 1, 0], [], []>, precision = #tpu.contract_precision<fp32>, transpose_lhs_hint = false} : vector<2048x128xf32>, vector<16x128xf32>, vector<2048x16xf32> -> vector<2048x16xf32>
    %add3A_41 = vector.broadcast %get3A_32 : vector<2048x1xf32> to vector<2048x16xf32>
    %add3A_42 = arith.addf %add3A_41, %dot_general3A_40 : vector<2048x16xf32>
    %neg3A = arith.constant 0.000000e+00 : f32
    %neg3A_43 = vector.broadcast %neg3A : f32 to vector<2048x32xf32>
    %neg3A_44 = arith.subf %neg3A_43, %add3A_38 : vector<2048x32xf32>
    %mul3A_45 = arith.mulf %neg3A_44, %add3A_38 : vector<2048x32xf32>
    %exp3A = math.exp %mul3A_45 : vector<2048x32xf32>
    %max3A = arith.constant 0.000000e+00 : f32
    %max3A_46 = vector.broadcast %max3A : f32 to vector<2048x32xf32>
    %max3A_47 = arith.maximumf %add3A_38, %max3A_46 : vector<2048x32xf32>
    %add3A_48 = arith.addf %exp3A, %max3A_47 : vector<2048x32xf32>
    %tanh3A = math.tanh %add3A_38 : vector<2048x32xf32>
    %add3A_49 = arith.addf %add3A_48, %tanh3A : vector<2048x32xf32>
    %div3A = arith.constant 3.000000e+00 : f32
    %div3A_50 = vector.broadcast %div3A : f32 to vector<2048x32xf32>
    %div3A_51 = arith.divf %add3A_49, %div3A_50 : vector<2048x32xf32>
    %neg3A_52 = arith.constant 0.000000e+00 : f32
    %neg3A_53 = vector.broadcast %neg3A_52 : f32 to vector<2048x16xf32>
    %neg3A_54 = arith.subf %neg3A_53, %add3A_42 : vector<2048x16xf32>
    %mul3A_55 = arith.mulf %neg3A_54, %add3A_42 : vector<2048x16xf32>
    %exp3A_56 = math.exp %mul3A_55 : vector<2048x16xf32>
    %max3A_57 = arith.constant 0.000000e+00 : f32
    %max3A_58 = vector.broadcast %max3A_57 : f32 to vector<2048x16xf32>
    %max3A_59 = arith.maximumf %add3A_42, %max3A_58 : vector<2048x16xf32>
    %add3A_60 = arith.addf %exp3A_56, %max3A_59 : vector<2048x16xf32>
    %tanh3A_61 = math.tanh %add3A_42 : vector<2048x16xf32>
    %add3A_62 = arith.addf %add3A_60, %tanh3A_61 : vector<2048x16xf32>
    %div3A_63 = arith.constant 3.000000e+00 : f32
    %div3A_64 = vector.broadcast %div3A_63 : f32 to vector<2048x16xf32>
    %div3A_65 = arith.divf %add3A_62, %div3A_64 : vector<2048x16xf32>
    %reduce_sum3A = arith.constant dense<0.000000e+00> : vector<2048xf32>
    %reduce_sum3A_66 = vector.multi_reduction <add>, %div3A_51, %reduce_sum3A [1] : vector<2048x32xf32> to vector<2048xf32>
    %broadcast_in_dim3A = vector.shape_cast %reduce_sum3A_66 : vector<2048xf32> to vector<2048x1xf32>
    %div3A_67 = arith.constant 3.200000e+01 : f32
    %div3A_68 = vector.broadcast %div3A_67 : f32 to vector<2048x1xf32>
    %div3A_69 = arith.divf %broadcast_in_dim3A, %div3A_68 : vector<2048x1xf32>
    %sub3A = vector.broadcast %div3A_69 : vector<2048x1xf32> to vector<2048x32xf32>
    %sub3A_70 = arith.subf %div3A_51, %sub3A : vector<2048x32xf32>
    %reduce_sum3A_71 = arith.constant dense<0.000000e+00> : vector<128xf32>
    %reduce_sum3A_72 = vector.multi_reduction <add>, %get3A_26, %reduce_sum3A_71 [0] : vector<32x128xf32> to vector<128xf32>
    %broadcast_in_dim3A_73 = vector.shape_cast %reduce_sum3A_72 : vector<128xf32> to vector<1x128xf32>
    %div3A_74 = arith.constant 3.200000e+01 : f32
    %div3A_75 = vector.broadcast %div3A_74 : f32 to vector<1x128xf32>
    %div3A_76 = arith.divf %broadcast_in_dim3A_73, %div3A_75 : vector<1x128xf32>
    %sub3A_77 = vector.broadcast %div3A_76 : vector<1x128xf32> to vector<32x128xf32>
    %sub3A_78 = arith.subf %get3A_26, %sub3A_77 : vector<32x128xf32>
    %dot_general3A_79 = arith.constant dense<0.000000e+00> : vector<32x32xf32>
    %dot_general3A_80 = tpu.matmul %sub3A_70, %sub3A_70, %dot_general3A_79 {dimension_numbers = #tpu.dot_dimension_numbers<[0], [0], [1], [1], [0, 1, 1, 1], [], []>, precision = #tpu.contract_precision<fp32>, transpose_lhs_hint = false} : vector<2048x32xf32>, vector<2048x32xf32>, vector<32x32xf32> -> vector<32x32xf32>
    %iota3A_81 = tpu.iota {dimensions = array<i32: 0>} : vector<32x32xi32>
    %iota3A_82 = tpu.iota {dimensions = array<i32: 1>} : vector<32x32xi32>
    %eq3A = arith.cmpi eq, %iota3A_81, %iota3A_82 : vector<32x32xi32>
    %jit3A = arith.constant 1.000000e-01 : f32
    %jit3A_83 = arith.constant 0.000000e+00 : f32
    %broadcast_in_dim3A_84 = vector.broadcast %jit3A : f32 to vector<32x32xf32>
    %broadcast_in_dim3A_85 = vector.broadcast %jit3A_83 : f32 to vector<32x32xf32>
    %select_n3A = arith.select %eq3A, %broadcast_in_dim3A_84, %broadcast_in_dim3A_85 : vector<32x32xi1>, vector<32x32xf32>
    %add3A_86 = arith.addf %dot_general3A_80, %select_n3A : vector<32x32xf32>
    %eq3A_87 = arith.cmpi eq, %iota3A_81, %iota3A_82 : vector<32x32xi32>
    %jit3A_88 = arith.constant 1.000000e+00 : f32
    %jit3A_89 = arith.constant 0.000000e+00 : f32
    %broadcast_in_dim3A_90 = vector.broadcast %jit3A_88 : f32 to vector<32x32xf32>
    %broadcast_in_dim3A_91 = vector.broadcast %jit3A_89 : f32 to vector<32x32xf32>
    %select_n3A_92 = arith.select %eq3A_87, %broadcast_in_dim3A_90, %broadcast_in_dim3A_91 : vector<32x32xi1>, vector<32x32xf32>
    %concatenate3A = tpu.concatenate %add3A_86, %sub3A_78, %select_n3A_92 in 1 : vector<32x32xf32>, vector<32x128xf32>, vector<32x32xf32> -> vector<32x192xf32>
    %iota3A_93 = tpu.iota {dimensions = array<i32: 0>} : vector<32x192xi32>
    %iota3A_94 = tpu.iota {dimensions = array<i32: 1>} : vector<32x192xi32>
    %scan3A_95 = arith.constant 0 : i32
    %scan3A_96 = arith.constant 32 : i32
    %scan3A_97 = arith.addi %scan3A_95, %scan3A_96 : i32
    %scan3A_98 = arith.constant 1 : i32
    %scan3A_99 = scf.for %scan3A_121 = %scan3A_95 to %scan3A_97 step %scan3A_98 iter_args(%scan3A_122 = %concatenate3A) -> (vector<32x192xf32>)  : i32 {
      %eq3A_123 = vector.broadcast %scan3A_121 : i32 to vector<32x192xi32>
      %eq3A_124 = arith.cmpi eq, %iota3A_93, %eq3A_123 : vector<32x192xi32>
      %eq3A_125 = vector.broadcast %scan3A_121 : i32 to vector<32x192xi32>
      %eq3A_126 = arith.cmpi eq, %iota3A_94, %eq3A_125 : vector<32x192xi32>
      %and3A = arith.andi %eq3A_124, %eq3A_126 : vector<32x192xi1>
      %jit3A_127 = arith.constant 0.000000e+00 : f32
      %broadcast_in_dim3A_128 = vector.broadcast %jit3A_127 : f32 to vector<32x192xf32>
      %select_n3A_129 = arith.select %and3A, %scan3A_122, %broadcast_in_dim3A_128 : vector<32x192xi1>, vector<32x192xf32>
      %reduce_sum3A_130 = vector.shape_cast %select_n3A_129 : vector<32x192xf32> to vector<1x32x192xf32>
      %reduce_sum3A_131 = arith.constant dense<0.000000e+00> : vector<1xf32>
      %reduce_sum3A_132 = vector.multi_reduction <add>, %reduce_sum3A_130, %reduce_sum3A_131 [1, 2] : vector<1x32x192xf32> to vector<1xf32>
      %reduce_sum3A_133 = vector.shape_cast %reduce_sum3A_132 : vector<1xf32> to vector<1x1x1xf32>
      %reduce_sum3A_134 = vector.extract %reduce_sum3A_133[0, 0, 0] : f32 from vector<1x1x1xf32>
      %eq3A_135 = vector.broadcast %scan3A_121 : i32 to vector<32x192xi32>
      %eq3A_136 = arith.cmpi eq, %iota3A_94, %eq3A_135 : vector<32x192xi32>
      %jit3A_137 = arith.constant 0.000000e+00 : f32
      %broadcast_in_dim3A_138 = vector.broadcast %jit3A_137 : f32 to vector<32x192xf32>
      %select_n3A_139 = arith.select %eq3A_136, %scan3A_122, %broadcast_in_dim3A_138 : vector<32x192xi1>, vector<32x192xf32>
      %reduce_sum3A_140 = arith.constant dense<0.000000e+00> : vector<32xf32>
      %reduce_sum3A_141 = vector.multi_reduction <add>, %select_n3A_139, %reduce_sum3A_140 [1] : vector<32x192xf32> to vector<32xf32>
      %broadcast_in_dim3A_142 = vector.shape_cast %reduce_sum3A_141 : vector<32xf32> to vector<32x1xf32>
      %eq3A_143 = vector.broadcast %scan3A_121 : i32 to vector<32x192xi32>
      %eq3A_144 = arith.cmpi eq, %iota3A_93, %eq3A_143 : vector<32x192xi32>
      %jit3A_145 = arith.constant 0.000000e+00 : f32
      %broadcast_in_dim3A_146 = vector.broadcast %jit3A_145 : f32 to vector<32x192xf32>
      %select_n3A_147 = arith.select %eq3A_144, %scan3A_122, %broadcast_in_dim3A_146 : vector<32x192xi1>, vector<32x192xf32>
      %reduce_sum3A_148 = arith.constant dense<0.000000e+00> : vector<192xf32>
      %reduce_sum3A_149 = vector.multi_reduction <add>, %select_n3A_147, %reduce_sum3A_148 [0] : vector<32x192xf32> to vector<192xf32>
      %broadcast_in_dim3A_150 = vector.shape_cast %reduce_sum3A_149 : vector<192xf32> to vector<1x192xf32>
      %div3A_151 = vector.broadcast %reduce_sum3A_134 : f32 to vector<1x192xf32>
      %div3A_152 = arith.divf %broadcast_in_dim3A_150, %div3A_151 : vector<1x192xf32>
      %mul3A_153 = vector.broadcast %broadcast_in_dim3A_142 : vector<32x1xf32> to vector<32x192xf32>
      %mul3A_154 = vector.broadcast %div3A_152 : vector<1x192xf32> to vector<32x192xf32>
      %mul3A_155 = arith.mulf %mul3A_153, %mul3A_154 : vector<32x192xf32>
      %sub3A_156 = arith.subf %scan3A_122, %mul3A_155 : vector<32x192xf32>
      %eq3A_157 = vector.broadcast %scan3A_121 : i32 to vector<32x192xi32>
      %eq3A_158 = arith.cmpi eq, %iota3A_93, %eq3A_157 : vector<32x192xi32>
      %broadcast_in_dim3A_159 = vector.shape_cast %div3A_152 : vector<1x192xf32> to vector<1x192xf32>
      %broadcast_in_dim3A_160 = vector.broadcast %broadcast_in_dim3A_159 : vector<1x192xf32> to vector<32x192xf32>
      %select_n3A_161 = arith.select %eq3A_158, %broadcast_in_dim3A_160, %sub3A_156 : vector<32x192xi1>, vector<32x192xf32>
      scf.yield %select_n3A_161 : vector<32x192xf32>
    }
    %scan3A_100 = arith.constant 32 : i32
    %slice3A = vector.extract_strided_slice %scan3A_99 {offsets = [0, 32], sizes = [32, 128], strides = [1, 1]} : vector<32x192xf32> to vector<32x128xf32>
    %slice3A_101 = vector.extract_strided_slice %scan3A_99 {offsets = [0, 160], sizes = [32, 32], strides = [1, 1]} : vector<32x192xf32> to vector<32x32xf32>
    %dot_general3A_102 = arith.constant dense<0.000000e+00> : vector<32x128xf32>
    %dot_general3A_103 = tpu.matmul %add3A_86, %slice3A, %dot_general3A_102 {dimension_numbers = #tpu.dot_dimension_numbers<[1], [0], [0], [1], [0, 0, 1, 1], [], []>, precision = #tpu.contract_precision<fp32>, transpose_lhs_hint = false} : vector<32x32xf32>, vector<32x128xf32>, vector<32x128xf32> -> vector<32x128xf32>
    %sub3A_104 = arith.subf %sub3A_78, %dot_general3A_103 : vector<32x128xf32>
    %dot_general3A_105 = arith.constant dense<0.000000e+00> : vector<32x128xf32>
    %dot_general3A_106 = tpu.matmul %slice3A_101, %sub3A_104, %dot_general3A_105 {dimension_numbers = #tpu.dot_dimension_numbers<[1], [0], [0], [1], [0, 0, 1, 1], [], []>, precision = #tpu.contract_precision<fp32>, transpose_lhs_hint = false} : vector<32x32xf32>, vector<32x128xf32>, vector<32x128xf32> -> vector<32x128xf32>
    %add3A_107 = arith.addf %slice3A, %dot_general3A_106 : vector<32x128xf32>
    %dot_general3A_108 = arith.constant dense<0.000000e+00> : vector<16x32xf32>
    %dot_general3A_109 = tpu.matmul %div3A_65, %sub3A_70, %dot_general3A_108 {dimension_numbers = #tpu.dot_dimension_numbers<[0], [0], [1], [1], [0, 1, 1, 1], [], []>, precision = #tpu.contract_precision<fp32>, transpose_lhs_hint = false} : vector<2048x16xf32>, vector<2048x32xf32>, vector<16x32xf32> -> vector<16x32xf32>
    %dot_general3A_110 = arith.constant dense<0.000000e+00> : vector<1x32xf32>
    %dot_general3A_111 = tpu.matmul %div3A_69, %sub3A_70, %dot_general3A_110 {dimension_numbers = #tpu.dot_dimension_numbers<[0], [0], [1], [1], [0, 1, 1, 1], [], []>, precision = #tpu.contract_precision<fp32>, transpose_lhs_hint = false} : vector<2048x1xf32>, vector<2048x32xf32>, vector<1x32xf32> -> vector<1x32xf32>
    %sub3A_112 = vector.broadcast %dot_general3A_111 : vector<1x32xf32> to vector<16x32xf32>
    %sub3A_113 = arith.subf %dot_general3A_109, %sub3A_112 : vector<16x32xf32>
    %dot_general3A_114 = arith.constant dense<0.000000e+00> : vector<16x128xf32>
    %dot_general3A_115 = tpu.matmul %sub3A_113, %add3A_107, %dot_general3A_114 {dimension_numbers = #tpu.dot_dimension_numbers<[1], [0], [0], [1], [0, 0, 1, 1], [], []>, precision = #tpu.contract_precision<fp32>, transpose_lhs_hint = false} : vector<16x32xf32>, vector<32x128xf32>, vector<16x128xf32> -> vector<16x128xf32>
    %add3A_116 = vector.broadcast %div3A_76 : vector<1x128xf32> to vector<16x128xf32>
    %add3A_117 = arith.addf %dot_general3A_115, %add3A_116 : vector<16x128xf32>
    %swap3A_118 = arith.constant 0 : index
    %swap3A_119 = arith.constant 0 : index
    %swap3A_120 = vector.load %arg6[%swap3A_118, %swap3A_119] : memref<16x128xf32, #tpu.memory_space<vmem>>, vector<16x128xf32>
    tpu.vector_store %arg6[%swap3A_118, %swap3A_119], %add3A_117 {strides = array<i32>} : memref<16x128xf32, #tpu.memory_space<vmem>>, vector<16x128xf32>,
    return
  }
}

</mosaic_0001>

<sc_bundles>
// kernel: kernel.4.cloned.1.call-start
scs
__scs_entry_jumppad:
0x0: {  	(pc) =	sbr.rel $0x88, $3  }
0x1: {  	(tag) =	ssettag $0x0;
	lr =	simm.s32 $0x1  }
0x2: {  	[smem:$0x3F9C] =	sst lr;
	_ =	strace $0xD0000000  }
0x3: {  	_ = 	snop  }
0x4: {  	_ = 	snop  }
0x5: {  	_ = 	snop  }
0x6: {  	_ = 	snop  }
0x7: {  	_ = 	snop  }
__scs_overlays_trampoline_lowered:
0x8: {  	[smem:$0x3FAB] =	sst s0  }
0x9: {  	[smem:$0x3FAC] =	sst s1  }
0xa: {  	[smem:$0x3FAD] =	sst s2  }
0xb: {  	[smem:$0x3FAE] =	sst s3  }
0xc: {  	[smem:$0x3FAF] =	sst s4  }
0xd: {  	[smem:$0x3FB0] =	sst s5  }
0xe: {  	[smem:$0x3FB1] =	sst s6  }
0xf: {  	[smem:$0x3FB2] =	sst s7  }
0x10: {  	[smem:$0x3FB3] =	sst s8  }
0x11: {  	[smem:$0x3FB4] =	sst s9;
	s0 =	simm.s32 @!p0 $0x0  }
0x12: {  	s1 =	sld [smem:$0x3F9A];
	s0 =	simm.s32 @p0 $0x1  }
0x13: {  	[smem:$0x3FB5] =	sst s0;
	s0 =	simm.s32 @!p1 $0x0  }
0x14: {  	s2 =	sld [smem:$0x3F99];
	s0 =	simm.s32 @p1 $0x1  }
0x15: {  	[smem:$0x3FB6] =	sst s0;
	s0 =	simm.s32 @!p2 $0x0  }
0x16: {  	s3 =	sld [smem:$0x3FDB];
	s0 =	simm.s32 @p2 $0x1  }
0x17: {  	s4 =	simm.s32 $0x1BF5;
	[smem:$0x3FB8] =	sst s0  }
0x18: {  	s0 =	sld [smem:$0x3F9B];
	_ =	swait.ge [sflag:s4], $0x0  }
0x19: {  	s7 =	sld [smem:$0x3F9C]  }
0x1a: {  	s8 =	sadd.s32 $0xFFFFE003, lr  }
0x1b: {  	s9 =	sadd.s32 $0xFFFFFEF7, lr;
	s5 =	simm.s32 $0xFFFFFFFF;
	p2 =	slt.u32 s8, $0xFFFFF086  }
0x1c: {  	p1 =	slt.u32 s9, $0xF7A;
	s5 =	simm.s32 @!p2 $0x0  }
0x1d: {  	s5 =	simm.s32 @p1 $0x1;
	p0 =	seq.s32 s7, s2  }
0x1e: {  	s7 =	smul.u32 @!p0 $0xF7A, s2;
	p2 =	seq.s32 @!p0 s5, $0x0  }
0x1f: {  	s9 =	smul.u32 $0xF7A, s1;
	s8 =	simm.s32 @!p0 $0x1BF5;
	p2 =	por !p2, p0  }
0x20: {  	[sflag:s8] =	ssyncset.s32 @!p0 $0xFFFFF086;
	s6 =	sadd.s32 @!p0 s3, s7;
	s7 =	simm.s32 @!p0 $0x108  }
0x21: {  	s3 =	sadd.s32 s3, s9;
	s6 =	sadd.s32 @!p0 $0x88, s6;
	s7 =	simm.s32 @p2 $0x1082  }
0x22: {  	[simem:s7], [sflag:s8] =	dma.local @!p0 [hbm:s6], $0xF7A  }
0x23: {  	s9 =	sor.u32 $0xD0000000, s2;
	s6 =	simm.s32 $0x108;
	_ =	swait.ge @!p0 [sflag:s8], $0x0  }
0x24: {  	s3 =	sadd.s32 $0x88, s3;
	s6 =	simm.s32 @!p1 $0x1082;
	[sflag:s4] =	ssyncset.s32 $0xFFFFF086  }
0x25: {  	[simem:s6], [sflag:s4] =	dma.local [hbm:s3], $0xF7A  }
0x26: {  	[smem:$0x3F9C] =	sst s1;
	(tag) =	ssettag s2;
	_ =	strace s9  }
0x27: {  	s1 =	sld [smem:$0x3FAC]  }
0x28: {  	s2 =	sld [smem:$0x3FAD]  }
0x29: {  	s4 =	sld [smem:$0x3FAF]  }
0x2a: {  	p0 =	seq.s32 s5, $0x0;
	s5 =	sld [smem:$0x3FB0]  }
0x2b: {  	s6 =	sld [smem:$0x3FB1]  }
0x2c: {  	s7 =	sld [smem:$0x3FB2]  }
0x2d: {  	s3 =	simm.s32 $0x108;
	s8 =	sld [smem:$0x3FB3]  }
0x2e: {  	s3 =	simm.s32 @!p0 $0x1082;
	s9 =	sld [smem:$0x3FB4]  }
0x2f: {  	lr =	sadd.s32 s0, s3;
	s0 =	sld [smem:$0x3FAB]  }
0x30: {  	s3 =	sld [smem:$0x3FAE]  }
0x31: {  	[smem:$0x3FB7] =	sst s10  }
0x32: {  	s10 =	sld [smem:$0x3FB5];
	_ =	sdelay $0x3  }
0x33: {  	p0 =	seq.s32 s10, $0x1;
	s10 =	sld [smem:$0x3FB7];
	_ =	sdelay $0x3  }
0x34: {  	[smem:$0x3FB7] =	sst s10  }
0x35: {  	s10 =	sld [smem:$0x3FB6];
	_ =	sdelay $0x3  }
0x36: {  	p1 =	seq.s32 s10, $0x1;
	s10 =	sld [smem:$0x3FB7];
	_ =	sdelay $0x3  }
0x37: {  	[smem:$0x3FB7] =	sst s10  }
0x38: {  	s10 =	sld [smem:$0x3FB8]  }
0x39: {  	_ = 	snop;
	(pc) =	sbr.ind lr, $3  }
0x3a: {  	_ = 	snop  }
0x3b: {  	_ = 	snop  }
0x3c: {  	p2 =	seq.s32 s10, $0x1;
	s10 =	sld [smem:$0x3FB7]  }
0x3d: {  	_ =	shalt  }
0x3e: {  	_ =	shalt  }
0x3f: {  	_ =	shalt  }
0x40: {  	_ =	shalt  }
0x41: {  	_ =	shalt  }
0x42: {  	_ =	shalt  }
0x43: {  	_ =	shalt  }
0x44: {  	_ =	shalt  }
0x45: {  	_ =	shalt  }
0x46: {  	_ =	shalt  }
0x47: {  	_ =	shalt  }
0x48: {  	_ =	shalt  }
0x49: {  	_ =	shalt  }
0x4a: {  	_ =	shalt  }
0x4b: {  	_ =	shalt  }
0x4c: {  	_ =	shalt  }
0x4d: {  	_ =	shalt  }
0x4e: {  	_ =	shalt  }
0x4f: {  	_ =	shalt  }
0x50: {  	_ =	shalt  }
0x51: {  	_ =	shalt  }
0x52: {  	_ =	shalt  }
0x53: {  	_ =	shalt  }
0x54: {  	_ =	shalt  }
0x55: {  	_ =	shalt  }
0x56: {  	_ =	shalt  }
0x57: {  	_ =	shalt  }
0x58: {  	_ =	shalt  }
0x59: {  	_ =	shalt  }
0x5a: {  	_ =	shalt  }
0x5b: {  	_ =	shalt  }
0x5c: {  	_ =	shalt  }
0x5d: {  	_ =	shalt  }
0x5e: {  	_ =	shalt  }
0x5f: {  	_ =	shalt  }
0x60: {  	_ =	shalt  }
0x61: {  	_ =	shalt  }
0x62: {  	_ =	shalt  }
0x63: {  	_ =	shalt  }
0x64: {  	_ =	shalt  }
0x65: {  	_ =	shalt  }
0x66: {  	_ =	shalt  }
0x67: {  	_ =	shalt  }
0x68: {  	_ =	shalt  }
0x69: {  	_ =	shalt  }
0x6a: {  	_ =	shalt  }
0x6b: {  	_ =	shalt  }
0x6c: {  	_ =	shalt  }
0x6d: {  	_ =	shalt  }
0x6e: {  	_ =	shalt  }
0x6f: {  	_ =	shalt  }
0x70: {  	_ =	shalt  }
0x71: {  	_ =	shalt  }
0x72: {  	_ =	shalt  }
0x73: {  	_ =	shalt  }
0x74: {  	_ =	shalt  }
0x75: {  	_ =	shalt  }
0x76: {  	_ =	shalt  }
0x77: {  	_ =	shalt  }
0x78: {  	_ =	shalt  }
0x79: {  	_ =	shalt  }
0x7a: {  	_ =	shalt  }
0x7b: {  	_ =	shalt  }
0x7c: {  	_ =	shalt  }
0x7d: {  	_ =	shalt  }
0x7e: {  	_ =	shalt  }
0x7f: {  	_ =	shalt  }
0x80: {  	_ =	shalt  }
0x81: {  	_ =	shalt  }
0x82: {  	_ =	shalt  }
0x83: {  	_ =	shalt  }
0x84: {  	_ =	shalt  }
0x85: {  	_ =	shalt  }
0x86: {  	_ =	shalt  }
0x87: {  	_ =	shalt  }
.Lfunc_end0:
.L_simem_size_0:
called_computation_lowered:
.L_overlay_start_0:
0x88: {  	s2 =	sld [smem:$0x3FD9]  }
0x89: {  	s3 =	sld [smem:$0x3FFE];
	_ =	sdelay $0x1  }
0x8a: {  	s1 =	srdreg.scid  }
0x8b: {  	s0 =	sand.u32 $0x1, s1  }
0x8c: {  	s17 =	sshll.u32 s0, $0xA;
	s2 =	sadd.s32 s3, s2  }
0x8d: {  	s2 =	sadd.s32 s2, s17  }
0x8e: {  	[smem:$0x3FC3] =	sst s2  }
0x8f: {  	_ = 	snop  }
0x90: {  	s2 =	sld [smem:$0x3FC9]  }
0x91: {  	s18 =	sld [smem:$0x3FD0];
	(tm) =	ssettm $0x1  }
0x92: {  	s4 =	sld [smem:$0x3FFB];
	_ =	sdelay $0x3  }
0x93: {  	_ =	strace s4  }
0x94: {  	s4 =	sld [smem:$0x3FFC];
	_ =	sdelay $0x3  }
0x95: {  	_ =	strace s4  }
0x96: {  	s4 =	sld [smem:$0x3FFD];
	_ =	sdelay $0x3  }
0x97: {  	_ =	strace s4  }
0x98: {  	_ =	strace $0x8FFFFFFF  }
0x99: {  	s19 =	sld [smem:$0x3FDB];
	_ =	sdelay $0x1  }
0x9a: {  	s5 =	simm.s32 $_scs_section_size  }
0x9b: {  	s6 =	simm.s32 $_size__tile_overlayer_lowered;
	s7 =	simm.s32 $_tile_overlayer_lowered  }
0x9c: {  	s22 =	simm.s32 $0x1BFF;
	s21 =	sshll.u32 s7, $0x1;
	s4 =	sadd.s32 s5, s19  }
0x9d: {  	s8 =	simm.s32 $0x0;
	s20 =	sshll.u32 s6, $0x1;
	s6 =	sadd.s32 s21, s4  }
0x9e: {  	[timem:s8], [sflag:s22] =	dma.local [hbm:s6], s20  }
0x9f: {  	_ =	swait.ge [sflag:s22], s20  }
0xa0: {  	s5 =	ssub.s32 $0x0, s20;
	[sflag:s22] =	ssyncset.done $0x0  }
0xa1: {  	[sflag:s22] =	ssyncadd.s32 s5;
	_ =	sdelay $0x1  }
0xa2: {  	s23 =	simm.s32 $0x1B8B  }
0xa3: {  	_ =	swait.ge [sflag:s23], $0x1  }
0xa4: {  	[sflag:s23] =	ssyncset.done $0x0  }
0xa5: {  	s25 =	simm.s32 $0x1B8E;
	s24 =	sld [smem:$0x3FFE];
	[sflag:s23] =	ssyncadd.s32 $0xFFFFFFFF  }
0xa6: {  	s26 =	simm.s32 $execute0_lowered;
	[smem:$0x3FD2] =	sst s25  }
0xa7: {  	s6 =	sshll.u32 s26, $0x1;
	_ =	strace $0x80000046;
	[dreg:$0x1] =	wrdreg $0xFFFFFFFF  }
0xa8: {  	s28 =	simm.s32 $_size_execute0_lowered;
	s4 =	sadd.s32 s4, s6;
	[dreg:$0x0] =	wrdreg $0x0  }
0xa9: {  	s6 =	sshll.u32 s28, $0x1;
	[dreg:$0x2] =	wrdreg s4  }
0xaa: {  	[dreg:$0x3] =	wrdreg s6  }
0xab: {  	[dreg:$0x4] =	wrdreg $0xC0  }
0xac: {  	_ =	task [dreg:s8], $0x5FFFF  }
0xad: {  	[dreg:$0x1] =	wrdreg $0xFFFFFFFF  }
0xae: {  	[dreg:$0x0] =	wrdreg $0x60  }
0xaf: {  	[dreg:$0x2] =	wrdreg s2  }
0xb0: {  	[dreg:$0x3] =	wrdreg s18  }
0xb1: {  	[dreg:$0x4] =	wrdreg s24  }
0xb2: {  	[dreg:$0x5] =	wrdreg $0x9  }
0xb3: {  	_ =	task.clear_ibuf [dreg:s8], $0x6FFFF;
	_ =	strace $0x90000046  }
0xb4: {  	s29 =	simm.s32 $0x9;
	_ =	strace $0x80000048  }
0xb5: {  	_ =	swait.ge [sflag:s29], $0x1  }
0xb6: {  	[sflag:s29] =	ssyncadd.s32 $0xFFFFFFFF  }
0xb7: {  	_ =	strace $0x90000048  }
0xb8: {  	_ =	sfence  }
0xb9: {  	s30 =	sld [smem:$0x0];
	_ =	sdelay $0x2  }
0xba: {  	s31 =	sshll.u32 s1, $0xD;
	s1 =	sshrl.u32 s1, $0x2  }
0xbb: {  	s3 =	sand.u32 $0x4000, s31;
	s1 =	sadd.s32 s1, s30  }
0xbc: {  	s0 =	sor.u32 s3, s0;
	s1 =	sshll.u32 s1, $0x11  }
0xbd: {  	s0 =	sor.u32 s1, s0  }
0xbe: {  	s0 =	sadd.s32 $0x8F2B, s0  }
0xbf: {  	[sflag:s0] =	ssyncadd.remote.s32 $0x1  }
0xc0: {  	_ =	sfence.sel $0xFFFF  }
0xc1: {  	[dreg:$0x0] =	wrdreg $0xFFFFFFFF;
	(pc) =	sbr.abs _section_cstart, $3  }
0xc2: {  	[dreg:$0x1] =	wrdreg $0xFFFFFFFF  }
0xc3: {  	_ =	task.clear_ibuf [dreg:s8], $0x2FFFF;
	_ =	strace $0x9FFFFFFF  }
0xc4: {  	(tm) =	ssettm $0x7FFFFFFF  }
0xc5: {  	_ =	shalt  }
tec
execute0_lowered:
.L_overlay_start_1:
0x0: {  	(tag) =	ssettag $0x1  }
0x1: {  	s1 =	rddreg [dreg:$0x0]  }
0x2: {  	s2 =	srdreg.scid;
	s3 =	rddreg [dreg:$0x1]  }
0x3: {  	s0 =	stileid.u32;
	s8 =	rddreg [dreg:$0x2];
	s5 =	simm.s32 $0x0  }
0x4: {  	s10 =	simm.s32 $0xA000;
	s11 =	simm.s32 $0x3;
	s12 =	simm.s32 $0x1  }
0x5: {  	s13 =	simm.s32 $0x5000;
	s6 =	sand.u32 $0x1, s2;
	s29 =	sshll.u32 s0, $0x1  }
0x6: {  	s14 =	simm.s32 $0x2;
	s15 =	simm.s32 $0xA080;
	s7 =	sor.u32 s6, s29  }
0x7: {  	s16 =	simm.s32 $0x4;
	s17 =	simm.s32 $0x0;
	s4 =	smul.u32 $0xC30, s7  }
0x8: {  	vm0 =	vmmov $0x1;
	vm1 =	vmmov $0x3;
	vm2 =	vmmov $0x7;
	s2 =	rddreg [dreg:$0x3];
	s6 =	ssub.s32 $0x2, s6;
	p0 =	seq.s32 s7, $0x1F  }
0x9: {  	vm3 =	vmmov $0xf;
	vm4 =	vmmov $0x1f;
	vm5 =	vmmov $0x3f;
	[smem:$0x7FF] =	sst s5;
	s9 =	sshrl.u32 s6, $0x1;
	s4 =	simm.s32 @p0 $0x17A20  }
0xa: {  	vm6 =	vmmov $0x7f;
	vm7 =	vmmov $0xff;
	vm8 =	vmmov $0x1ff;
	_ =	strace $0x80000047;
	s9 =	ssub.s32 s6, s9;
	s30 =	sshrl.u32 s4, $0x3  }
0xb: {  	vm9 =	vmmov $0x3ff;
	vm10 =	vmmov $0x7ff;
	vm11 =	vmmov $0xfff;
	s9 =	smax.u32 s9, $0x1;
	s31 =	sshll.u32 s4, $0x4;
	s8 =	sadd.s32 s30, s8  }
0xc: {  	vm12 =	vmmov $0x1fff;
	vm13 =	vmmov $0x3fff;
	vm14 =	vmmov $0x7fff;
	s7 =	sadd.s32 $0x140, s4;
	s6 =	sadd.s32 s1, s31;
	s8 =	sadd.s32 $0xA00, s8  }
.LBB2_1:
0xd: {  	[tilespmem:s10], [sflag:$0x3] =	stream.linear.gather [hbm4b:s3+s5], $0x80, $0x38;
	[tilespmem:$0xAD00] =	vst v63  }
0xe: {  	_ = 	snop  }
0xf: {  	[tilespmem:s5], [sflag:$0x1] =	stream.linear.gather [hbm4b:s6+s5], $0x5000, $0x38;
	[tilespmem:$0xAD00] =	vst v63  }
0x10: {  	_ =	swait.ge [sflag:s11], $0x80  }
0x11: {  	[sflag:s11] =	ssyncset.done $0x0  }
0x12: {  	[sflag:s11] =	ssyncadd.s32 $0xFFFFFF80  }
0x13: {  	v0 =	vld [tilespmem:$0xA000];
	_ =	sdelay $0x4  }
0x14: {  	[tilespmem:$0x1FF80] =	vst v0;
	v0 =	vld [tilespmem:$0xA010];
	_ =	sdelay $0x4  }
0x15: {  	[tilespmem:$0x1FF90] =	vst v0;
	v0 =	vld [tilespmem:$0xA020];
	_ =	sdelay $0x4  }
0x16: {  	[tilespmem:$0x1FFA0] =	vst v0;
	v0 =	vld [tilespmem:$0xA060];
	_ =	sdelay $0x1  }
0x17: {  	v3 =	vld [tilespmem:$0xA030]  }
0x18: {  	v4 =	vld [tilespmem:$0xA040]  }
0x19: {  	v5 =	vld [tilespmem:$0xA050]  }
0x1a: {  	[tilespmem:$0x1FFB0] =	vst v0;
	v0 =	vld [tilespmem:$0xA070];
	_ =	sdelay $0x1  }
0x1b: {  	[tilespmem:$0x1FFD0] =	vst v3  }
0x1c: {  	[tilespmem:$0x1FFE0] =	vst v4  }
0x1d: {  	[tilespmem:$0x1FFF0] =	vst v5  }
0x1e: {  	s18 =	simm.s32 $0xA120;
	s19 =	simm.s32 $0xA080;
	s20 =	simm.s32 $0x0;
	[tilespmem:$0x1FFC0] =	vst v0  }
.LBB2_2:
0x1f: {  	s21 =	smul.u32 $0x140, s20;
	_ =	sdelay $0x1  }
0x20: {  	s22 =	sadd.s32 s4, s21  }
0x21: {  	_ =	swait.ge [sflag:s12], $0x5000;
	s22 =	sshll.u32 s22, $0x4  }
0x22: {  	[sflag:s12] =	ssyncset.done $0x0;
	s22 =	sadd.s32 s1, s22  }
0x23: {  	[sflag:s12] =	ssyncadd.s32 $0xFFFFB000;
	s23 =	sadd.s32 $0xA00, s22;
	s22 =	simm.s32 $0x0  }
0x24: {  	v7 =	vld [tilespmem:$0x1FFC0];
	[tilespmem:s13], [sflag:$0x2] =	stream.linear.gather [hbm4b:s23+s22], $0x5000, $0x38  }
0x25: {  	v6 =	vld [tilespmem:$0x1FFB0];
	s23 =	simm.s32 $0x400  }
0x26: {  	v8 =	vld [tilespmem:s23+$0x370]  }
0x27: {  	v1 =	vld [tilespmem:s23+$0x3D0]  }
0x28: {  	v0 =	vld [tilespmem:s23+$0x2F0]  }
0x29: {  	v11 =	vld [tilespmem:s23+$0x360]  }
0x2a: {  	v2 =	vld [tilespmem:s23+$0x3C0]  }
0x2b: {  	v22 =	vld [tilespmem:s23+$0x270]  }
0x2c: {  	v15 =	vld [tilespmem:s23+$0x2E0]  }
0x2d: {  	v12 =	vld [tilespmem:s23+$0x350]  }
0x2e: {  	v19 =	vld [tilespmem:s23+$0x3B0]  }
0x2f: {  	v17 =	vld [tilespmem:s23+$0x1F0]  }
0x30: {  	v26 =	vld [tilespmem:s23+$0x260]  }
0x31: {  	v47 =	vld [tilespmem:s23+$0x2D0]  }
0x32: {  	v9 =	vld [tilespmem:s23+$0x340]  }
0x33: {  	v14 =	vld [tilespmem:s23+$0x3A0]  }
0x34: {  	v49 =	vld [tilespmem:s23+$0x170]  }
0x35: {  	v23 =	vld [tilespmem:s23+$0x1E0]  }
0x36: {  	v16 =	vld [tilespmem:s23+$0x250]  }
0x37: {  	v35 =	vld [tilespmem:s23+$0x2C0]  }
0x38: {  	v20 =	vld [tilespmem:s23+$0x330]  }
0x39: {  	v27 =	vld [tilespmem:s23+$0x380]  }
0x3a: {  	v28 =	vld [tilespmem:s23+$0x390]  }
0x3b: {  	v21 =	vld [tilespmem:s23+$0xF0]  }
0x3c: {  	v55 =	vld [tilespmem:s23+$0x160]  }
0x3d: {  	v29 =	vld [tilespmem:s23+$0x1D0]  }
0x3e: {  	v30 =	vld [tilespmem:s23+$0x240]  }
0x3f: {  	v36 =	vld [tilespmem:s23+$0x2B0]  }
0x40: {  	v18 =	vld [tilespmem:s23+$0x320]  }
0x41: {  	v10 =	vld [tilespmem:s23+$0x70]  }
0x42: {  	v13 =	vld [tilespmem:s23+$0xE0]  }
0x43: {  	v24 =	vld [tilespmem:s23+$0x300]  }
0x44: {  	v31 =	vld [tilespmem:s23+$0x310]  }
0x45: {  	v56 =	vld [tilespmem:s23+$0x150]  }
0x46: {  	v33 =	vld [tilespmem:s23+$0x1C0];
	[tilespmem:$0x1FCE0] =	vst v0;
	v0 =	vsub.f32 v0, v7  }
0x47: {  	v38 =	vld [tilespmem:s23+$0x230];
	[tilespmem:$0x1FCC0] =	vst v1;
	v1 =	vsub.f32 v1, v5  }
0x48: {  	[tilespmem:$0x1FCF0] =	vst v0;
	v0 =	vld [tilespmem:$0x1FF80]  }
0x49: {  	v32 =	vsub.f32 v8, v7;
	v34 =	vsub.f32 v11, v6;
	[tilespmem:$0x1FCD0] =	vst v1;
	v1 =	vld [tilespmem:$0x1FF90]  }
0x4a: {  	v40 =	vld [tilespmem:s23+$0x2A0];
	v37 =	vsub.f32 v22, v7;
	v57 =	vsub.f32 v2, v4  }
0x4b: {  	[tilespmem:$0x1FD00] =	vst v2;
	v58 =	vsub.f32 v15, v6;
	v42 =	vsub.f32 v12, v5;
	v2 =	vld [tilespmem:$0x1FFA0]  }
0x4c: {  	v25 =	vld [tilespmem:s23+$0xD0];
	v43 =	vsub.f32 v17, v7;
	v44 =	vsub.f32 v19, v3  }
0x4d: {  	v46 =	vld [tilespmem:s23+$0x1B0];
	v45 =	vsub.f32 v26, v6;
	v61 =	vsub.f32 v20, v3  }
0x4e: {  	v48 =	vld [tilespmem:s23+$0x200];
	v39 =	vsub.f32 v24, v0;
	v41 =	vsub.f32 v31, v1  }
0x4f: {  	v63 =	vld [tilespmem:s23+$0x210];
	v62 =	vsub.f32 v9, v4;
	v50 =	vsub.f32 v23, v6  }
0x50: {  	v51 =	vld [tilespmem:s23+$0x280];
	[tilespmem:$0x1FD20] =	vst v15;
	v59 =	vsub.f32 v18, v2;
	v39 =	vmul.f32 v39, v24;
	v31 =	vmul.f32 v41, v31  }
0x51: {  	v54 =	vld [tilespmem:s23+$0x290];
	v53 =	vsub.f32 v16, v5;
	[tilespmem:$0x1FD90] =	vst v55;
	v55 =	vsub.f32 v55, v6;
	v20 =	vmul.f32 v61, v20  }
0x52: {  	v15 =	vld [tilespmem:s23+$0x60];
	[tilespmem:$0x1FD10] =	vst v57;
	v12 =	vmul.f32 v42, v12;
	v60 =	vmul.f32 v59, v18;
	v31 =	vadd.f32 v31, v39  }
0x53: {  	v57 =	vld [tilespmem:s23+$0xFFFFFFF0];
	[tilespmem:$0x1FDA0] =	vst v55;
	v26 =	vmul.f32 v45, v26;
	v45 =	vsub.f32 v13, v6;
	v55 =	vsub.f32 v25, v5  }
0x54: {  	[tilespmem:$0x1FD30] =	vst v58;
	v58 =	vld [tilespmem:s23+$0xFFFFFFE0];
	v11 =	vmul.f32 v34, v11;
	v18 =	vsub.f32 v47, v5;
	v31 =	vadd.f32 v60, v31  }
0x55: {  	v34 =	vld [tilespmem:s23+$0x190];
	v25 =	vmul.f32 v55, v25;
	v59 =	vsub.f32 v49, v7;
	v52 =	vsub.f32 v28, v1  }
0x56: {  	[tilespmem:$0x1FD40] =	vst v47;
	v55 =	vld [tilespmem:s23+$0xFFFFFE60];
	v47 =	vmul.f32 v62, v9;
	v9 =	vsub.f32 v35, v4;
	v31 =	vadd.f32 v20, v31  }
0x57: {  	v17 =	vmul.f32 v43, v17;
	v61 =	vsub.f32 v48, v0;
	v41 =	vld [tilespmem:s23+$0x220];
	v60 =	vsub.f32 v27, v0  }
0x58: {  	v13 =	vmul.f32 v45, v13;
	v45 =	vld [tilespmem:s23+$0xFFFFFCF0];
	v62 =	vsub.f32 v63, v1;
	v31 =	vadd.f32 v47, v31  }
0x59: {  	[tilespmem:$0x1FD60] =	vst v49;
	v49 =	vsub.f32 v21, v7;
	v24 =	vld [tilespmem:s23+$0x140];
	v28 =	vmul.f32 v52, v28;
	v27 =	vmul.f32 v60, v27  }
0x5a: {  	[tilespmem:$0x1FD70] =	vst v59;
	v42 =	vmul.f32 v61, v48;
	v59 =	vsub.f32 v30, v4;
	v12 =	vadd.f32 v12, v31;
	v31 =	vld [tilespmem:s23+$0x180]  }
0x5b: {  	v61 =	vsub.f32 v34, v1;
	v39 =	vmul.f32 v62, v63;
	v27 =	vadd.f32 v28, v27;
	v28 =	vld [tilespmem:s23+$0x1A0]  }
0x5c: {  	v43 =	vmul.f32 v49, v21;
	v30 =	vmul.f32 v59, v30;
	v59 =	vld [tilespmem:s23+$0xFFFFFFD0];
	v63 =	vsub.f32 v41, v2  }
0x5d: {  	v34 =	vmul.f32 v61, v34;
	v61 =	vmul.f32 v53, v16;
	v53 =	vld [tilespmem:s23+$0xFFFFFE70];
	v48 =	vadd.f32 v39, v42  }
0x5e: {  	v49 =	vmovc v58;
	v58 =	vld [tilespmem:s23+$0xFFFFFF00];
	v52 =	vmul.f32 v63, v41;
	v11 =	vadd.f32 v11, v12;
	v12 =	vsub.f32 v38, v3  }
0x5f: {  	v8 =	vmul.f32 v32, v8;
	[tilespmem:$0x1FD50] =	vst v18;
	v18 =	vsub.f32 v14, v2;
	v42 =	vld [tilespmem:s23+$0xC0];
	v60 =	vsub.f32 v31, v0  }
0x60: {  	v20 =	vld [tilespmem:s23+$0xFFFFFF70];
	v32 =	vadd.f32 v52, v48;
	v63 =	vsub.f32 v28, v2;
	v38 =	vmul.f32 v12, v38  }
0x61: {  	v47 =	vld [tilespmem:s23+$0x40];
	v8 =	vadd.f32 v8, v11;
	v11 =	vsub.f32 v51, v0;
	v31 =	vmul.f32 v60, v31  }
0x62: {  	v62 =	vsub.f32 v54, v1;
	v48 =	vld [tilespmem:s23+$0xFFFFFF60];
	v28 =	vmul.f32 v63, v28;
	v32 =	vadd.f32 v38, v32  }
0x63: {  	v63 =	vld [tilespmem:s23+$0x90];
	v39 =	vmul.f32 v11, v51;
	v11 =	vadd.f32 v34, v31;
	v31 =	vsub.f32 v46, v3  }
0x64: {  	v41 =	vmul.f32 v62, v54;
	v62 =	vsub.f32 v33, v4;
	v38 =	vld [tilespmem:s23+$0x80];
	v30 =	vadd.f32 v30, v32  }
0x65: {  	v16 =	vsub.f32 v36, v3;
	v51 =	vld [tilespmem:s23+$0xB0];
	v28 =	vadd.f32 v28, v11;
	v31 =	vmul.f32 v31, v46  }
0x66: {  	v33 =	vmul.f32 v62, v33;
	v62 =	vld [tilespmem:s23+$0x10];
	v54 =	vsub.f32 v47, v4;
	v30 =	vadd.f32 v61, v30  }
0x67: {  	v22 =	vmul.f32 v37, v22;
	v60 =	vsub.f32 v29, v5;
	v28 =	vadd.f32 v31, v28;
	v31 =	vld [tilespmem:s23+$0xA0]  }
0x68: {  	v19 =	vmul.f32 v44, v19;
	v39 =	vadd.f32 v41, v39;
	v26 =	vadd.f32 v26, v30;
	v30 =	vld [tilespmem:s23+$0x0]  }
0x69: {  	[tilespmem:$0x1FD80] =	vst v27;
	v27 =	vld [tilespmem:s23+$0x50];
	v29 =	vmul.f32 v60, v29;
	v61 =	vsub.f32 v63, v1;
	v60 =	vsub.f32 v38, v0  }
0x6a: {  	v23 =	vmul.f32 v50, v23;
	v46 =	vld [tilespmem:s23+$0x20];
	v21 =	vsub.f32 v51, v3;
	v28 =	vadd.f32 v33, v28  }
0x6b: {  	[tilespmem:$0x1FDD0] =	vst v19;
	v12 =	vld [tilespmem:s23+$0xFFFFFEF0];
	v19 =	vadd.f32 v22, v26;
	v33 =	vmul.f32 v60, v38;
	v60 =	vsub.f32 v62, v1  }
0x6c: {  	v34 =	vmul.f32 v61, v63;
	v22 =	vld [tilespmem:s23+$0x30];
	v28 =	vadd.f32 v29, v28;
	v63 =	vsub.f32 v31, v2  }
0x6d: {  	v52 =	vmov v56;
	[tilespmem:$0x1FF50] =	vst v8;
	v8 =	vld [tilespmem:s23+$0x130];
	v29 =	vsub.f32 v56, v5;
	v56 =	vsub.f32 v30, v0  }
0x6e: {  	[tilespmem:$0x1FDB0] =	vst v39;
	v39 =	vld [tilespmem:s23+$0xFFFFFED0];
	v23 =	vadd.f32 v23, v28;
	v28 =	vadd.f32 v34, v33;
	v31 =	vmul.f32 v63, v31  }
0x6f: {  	v32 =	vsub.f32 v10, v7;
	v61 =	vmul.f32 v60, v62;
	v62 =	vsub.f32 v46, v2;
	v33 =	vld [tilespmem:s23+$0x100]  }
0x70: {  	v44 =	vmul.f32 v21, v51;
	v30 =	vmul.f32 v56, v30;
	v28 =	vadd.f32 v31, v28;
	v31 =	vld [tilespmem:s23+$0x110]  }
0x71: {  	v11 =	vld [tilespmem:s23+$0x120];
	v46 =	vmul.f32 v62, v46;
	v50 =	vsub.f32 v22, v3;
	v63 =	vsub.f32 v42, v4  }
0x72: {  	v21 =	vld [tilespmem:s23+$0xFFFFFDF0];
	v56 =	vsub.f32 v27, v5;
	v34 =	vmul.f32 v54, v47;
	v30 =	vadd.f32 v61, v30  }
0x73: {  	v26 =	vld [tilespmem:s23+$0xFFFFFF50];
	v47 =	vsub.f32 v57, v7;
	v38 =	vmul.f32 v63, v42;
	v28 =	vadd.f32 v44, v28  }
0x74: {  	[tilespmem:$0x1FF60] =	vst v19;
	v19 =	vld [tilespmem:s23+$0xFFFFFFC0];
	v37 =	vmul.f32 v50, v22;
	v30 =	vadd.f32 v46, v30;
	v51 =	vsub.f32 v33, v0  }
0x75: {  	[tilespmem:$0x1FDC0] =	vst v29;
	v29 =	vld [tilespmem:s23+$0xFFFFFEE0];
	v28 =	vadd.f32 v38, v28;
	v60 =	vsub.f32 v31, v1  }
0x76: {  	v14 =	vmul.f32 v18, v14;
	v62 =	vld [tilespmem:s23+$0xFFFFFE80];
	v61 =	vsub.f32 v15, v6;
	v30 =	vadd.f32 v37, v30  }
0x77: {  	v41 =	vmovc v57;
	v57 =	vld [tilespmem:s23+$0xFFFFFE30];
	v33 =	vmul.f32 v51, v33;
	v25 =	vadd.f32 v25, v28;
	v31 =	vmul.f32 v60, v31  }
0x78: {  	v63 =	vsub.f32 v20, v7;
	v30 =	vadd.f32 v34, v30;
	v28 =	vld [tilespmem:s23+$0xFFFFFF10]  }
0x79: {  	[tilespmem:$0x1FDE0] =	vst v14;
	v27 =	vmul.f32 v56, v27;
	v13 =	vadd.f32 v13, v25;
	v25 =	vld [tilespmem:s23+$0xFFFFFE90];
	v14 =	vadd.f32 v31, v33  }
0x7a: {  	v50 =	vsub.f32 v48, v6;
	v18 =	vmul.f32 v63, v20;
	v20 =	vsub.f32 v58, v0;
	v51 =	vld [tilespmem:s23+$0xFFFFFF20]  }
0x7b: {  	v15 =	vmul.f32 v61, v15;
	v27 =	vadd.f32 v27, v30;
	v13 =	vadd.f32 v43, v13;
	[tilespmem:$0x1FDF0] =	vst v14;
	v14 =	vld [tilespmem:s23+$0xFFFFFEA0]  }
0x7c: {  	v54 =	vsub.f32 v62, v0;
	v30 =	vadd.f32 v17, v23;
	v17 =	vld [tilespmem:s23+$0xFFFFFF30]  }
0x7d: {  	v23 =	vsub.f32 v28, v1;
	[tilespmem:$0x1FE00] =	vst v13;
	v13 =	vadd.f32 v15, v27;
	v15 =	vld [tilespmem:s23+$0xFFFFFEB0]  }
0x7e: {  	v10 =	vmul.f32 v32, v10;
	v42 =	vld [tilespmem:s23+$0xFFFFFF40];
	v63 =	vsub.f32 v26, v5;
	v56 =	vsub.f32 v25, v1  }
0x7f: {  	v20 =	vmul.f32 v20, v58;
	v58 =	vld [tilespmem:s23+$0xFFFFFEC0];
	v23 =	vmul.f32 v23, v28;
	v28 =	vsub.f32 v51, v2  }
0x80: {  	v22 =	vld [tilespmem:s23+$0xFFFFFFB0];
	v32 =	vmul.f32 v54, v62;
	v25 =	vmul.f32 v56, v25;
	v60 =	vsub.f32 v14, v2  }
0x81: {  	v46 =	vld [tilespmem:s23+$0xFFFFFD80];
	v20 =	vadd.f32 v23, v20;
	v23 =	vmul.f32 v28, v51;
	v28 =	vsub.f32 v17, v3  }
0x82: {  	v37 =	vld [tilespmem:s23+$0xFFFFFDE0];
	v25 =	vadd.f32 v25, v32;
	v61 =	vsub.f32 v15, v3;
	v14 =	vmul.f32 v60, v14  }
0x83: {  	v17 =	vmul.f32 v28, v17;
	v28 =	vsub.f32 v42, v4;
	v20 =	vadd.f32 v23, v20;
	v23 =	vld [tilespmem:s23+$0xFFFFFF80]  }
0x84: {  	v62 =	vld [tilespmem:s23+$0xFFFFFF90];
	v15 =	vmul.f32 v61, v15;
	v14 =	vadd.f32 v14, v25;
	v25 =	vsub.f32 v58, v4  }
0x85: {  	v34 =	vld [tilespmem:s23+$0xFFFFFD10];
	v31 =	vmul.f32 v50, v48;
	v28 =	vmul.f32 v28, v42;
	v17 =	vadd.f32 v17, v20  }
0x86: {  	v33 =	vld [tilespmem:s23+$0xFFFFFDD0];
	v20 =	vsub.f32 v39, v5;
	v14 =	vadd.f32 v15, v14;
	v15 =	vmul.f32 v25, v58  }
0x87: {  	v50 =	vld [tilespmem:s23+$0xFFFFFCE0];
	v17 =	vadd.f32 v28, v17;
	v25 =	vmul.f32 v63, v26;
	v26 =	vsub.f32 v29, v6  }
0x88: {  	v9 =	vmul.f32 v9, v35;
	v43 =	vld [tilespmem:s23+$0xFFFFFE50];
	v14 =	vadd.f32 v15, v14;
	v15 =	vsub.f32 v23, v0  }
0x89: {  	v27 =	vld [tilespmem:s23+$0xFFFFFD70];
	v20 =	vmul.f32 v20, v39;
	v26 =	vmul.f32 v26, v29;
	v29 =	vsub.f32 v62, v1  }
0x8a: {  	v54 =	vadd.f32 v10, v13;
	v10 =	vld [tilespmem:s23+$0xFFFFFC60];
	v17 =	vadd.f32 v25, v17;
	v15 =	vmul.f32 v15, v23  }
0x8b: {  	v25 =	vld [tilespmem:s23+$0xFFFFFD90];
	v23 =	vsub.f32 v12, v7;
	v14 =	vadd.f32 v20, v14;
	v29 =	vmul.f32 v29, v62  }
0x8c: {  	v44 =	vsub.f32 v40, v2;
	v20 =	vld [tilespmem:s23+$0xFFFFFE00];
	v17 =	vadd.f32 v31, v17  }
0x8d: {  	[tilespmem:$0x1FE20] =	vst v9;
	v31 =	vld [tilespmem:s23+$0xFFFFFE10];
	v12 =	vmul.f32 v23, v12;
	v14 =	vadd.f32 v26, v14;
	v9 =	vadd.f32 v29, v15  }
0x8e: {  	v32 =	vld [tilespmem:s23+$0xFFFFFFA0];
	v23 =	vsub.f32 v24, v4;
	v61 =	vadd.f32 v18, v17  }
0x8f: {  	v26 =	vld [tilespmem:s23+$0xFFFFFDA0];
	v18 =	vsub.f32 v11, v2;
	[tilespmem:$0x1FE30] =	vst v9;
	v9 =	vmul.f32 v16, v36;
	v63 =	vadd.f32 v12, v14  }
0x90: {  	v42 =	vld [tilespmem:s23+$0xFFFFFC70];
	v12 =	vsub.f32 v25, v1;
	v13 =	vmul.f32 v23, v24;
	v16 =	vsub.f32 v8, v3  }
0x91: {  	v29 =	vld [tilespmem:s23+$0xFFFFFE40];
	v11 =	vmul.f32 v18, v11;
	v23 =	vsub.f32 v33, v5;
	v24 =	vsub.f32 v50, v6;
	[tilespmem:$0x1FE40] =	vst v9  }
0x92: {  	v28 =	vld [tilespmem:s23+$0xFFFFFD60];
	v14 =	vsub.f32 v31, v1;
	v9 =	vmul.f32 v44, v40;
	[tilespmem:$0x1FE60] =	vst v13;
	v13 =	vsub.f32 v20, v0  }
0x93: {  	v58 =	vld [tilespmem:s23+$0xFFFFFCD0];
	v8 =	vmul.f32 v16, v8;
	[tilespmem:$0x1FE80] =	vst v11;
	v11 =	vsub.f32 v21, v7;
	v16 =	vsub.f32 v32, v2  }
0x94: {  	v17 =	vld [tilespmem:s23+$0xFFFFFD50];
	v12 =	vmul.f32 v12, v25;
	v15 =	vsub.f32 v26, v2;
	[tilespmem:$0x1FE50] =	vst v9;
	v9 =	vsub.f32 v46, v0  }
0x95: {  	v36 =	vld [tilespmem:s23+$0xFFFFFDC0];
	v14 =	vmul.f32 v14, v31;
	v13 =	vmul.f32 v13, v20;
	[tilespmem:$0x1FE70] =	vst v8;
	v8 =	vsub.f32 v19, v4  }
0x96: {  	v25 =	vld [tilespmem:s23+$0xFFFFFD00];
	v60 =	vsub.f32 v29, v4;
	v20 =	vmul.f32 v11, v21;
	v9 =	vmul.f32 v9, v46  }
0x97: {  	v51 =	vmovc v29;
	v29 =	vld [tilespmem:s23+$0xFFFFFCB0];
	v18 =	vmul.f32 v16, v32;
	v46 =	vmul.f32 v8, v19;
	v8 =	vsub.f32 v49, v6  }
0x98: {  	[tilespmem:$0x1FEF0] =	vst v55;
	v21 =	vld [tilespmem:s23+$0xFFFFFDB0];
	v16 =	vsub.f32 v28, v6;
	v15 =	vmul.f32 v15, v26;
	v9 =	vadd.f32 v12, v9  }
0x99: {  	v32 =	vld [tilespmem:s23+$0xFFFFFC30];
	v62 =	vadd.f32 v14, v13;
	[tilespmem:$0x1FEA0] =	vst v8;
	v8 =	vsub.f32 v22, v3  }
0x9a: {  	[tilespmem:$0x1FF30] =	vst v45;
	v13 =	vld [tilespmem:s23+$0xFFFFFD40];
	v35 =	vadd.f32 v15, v9;
	v9 =	vsub.f32 v59, v5  }
0x9b: {  	[tilespmem:$0x1FE90] =	vst v49;
	v14 =	vld [tilespmem:s23+$0xFFFFFE20];
	v19 =	vsub.f32 v42, v7;
	v49 =	vmul.f32 v8, v22;
	v8 =	vsub.f32 v53, v7  }
0x9c: {  	v31 =	vmul.f32 v23, v33;
	v26 =	vsub.f32 v10, v6;
	v12 =	vld [tilespmem:s23+$0xFFFFFC50];
	[tilespmem:$0x1FEC0] =	vst v9;
	v9 =	vsub.f32 v27, v7  }
0x9d: {  	v48 =	vsub.f32 v36, v4;
	v22 =	vmul.f32 v19, v42;
	v19 =	vld [tilespmem:s23+$0xFFFFFD30];
	[tilespmem:$0x1FEE0] =	vst v8;
	v8 =	vsub.f32 v37, v6  }
0x9e: {  	[tilespmem:$0x1FED0] =	vst v53;
	v26 =	vmul.f32 v26, v10;
	v53 =	vld [tilespmem:$0x1FF50];
	v15 =	vmul.f32 v9, v27;
	v9 =	vsub.f32 v55, v6  }
0x9f: {  	[tilespmem:$0x1FEB0] =	vst v59;
	v10 =	vsub.f32 v21, v3;
	v11 =	vmul.f32 v8, v37;
	v8 =	vsub.f32 v43, v5;
	v55 =	vld [tilespmem:$0x1FF60]  }
0xa0: {  	v23 =	vsub.f32 v57, v3;
	v16 =	vmul.f32 v16, v28;
	v27 =	vsub.f32 v17, v5;
	[tilespmem:$0x1FF00] =	vst v9;
	v9 =	vld [tilespmem:s23+$0xFFFFFC40]  }
0xa1: {  	v39 =	vmul.f32 v48, v36;
	v36 =	vsub.f32 v32, v3;
	v44 =	vmul.f32 v10, v21;
	[tilespmem:$0x1FF20] =	vst v8;
	v8 =	vld [tilespmem:s23+$0xFFFFFCC0]  }
0xa2: {  	[tilespmem:$0x1FE10] =	vst v47;
	v10 =	vsub.f32 v58, v5;
	v21 =	vsub.f32 v34, v1;
	v56 =	vmul.f32 v27, v17;
	v17 =	vld [tilespmem:s23+$0xFFFFFD20]  }
0xa3: {  	v38 =	vld [tilespmem:s23+$0xFFFFFC00];
	[tilespmem:$0x1FF10] =	vst v43;
	v59 =	vmov s19;
	v33 =	vsub.f32 v13, v4;
	v27 =	vsub.f32 v25, v0  }
0xa4: {  	v40 =	vld [tilespmem:s23+$0xFFFFFC80];
	[tilespmem:$0x1FF70] =	vst v59;
	v7 =	vsub.f32 v45, v7;
	v28 =	vsub.f32 v12, v5;
	(xrf2) =	vadd.scan.msk.f32 $0xffff, v53  }
0xa5: {  	v42 =	vld [tilespmem:s23+$0xFFFFFC10];
	v37 =	vsub.f32 v19, v3;
	v45 =	vmul.f32 v27, v25;
	v27 =	vsub.f32 v14, v2;
	(xrf2) =	vadd.scan.msk.f32 $0xffff, v55  }
0xa6: {  	v47 =	vmul.f32 v21, v34;
	v34 =	vld [tilespmem:s23+$0xFFFFFC20];
	(xrf2) =	vadd.scan.msk.f32 $0xffff, v30;
	v30 =	vsub.f32 v29, v3;
	v25 =	vsub.f32 v9, v4  }
0xa7: {  	s24 =	simm.s32 $0x40;
	[tilespmem:$0x1FF40] =	vst v7;
	v43 =	vld [tilespmem:s23+$0xFFFFFC90];
	v21 =	vsub.f32 v8, v4;
	v48 =	vsub.f32 v17, v2  }
.LBB2_3:
0xa8: {  	v55 =	vld [tilespmem:$0x1FF80]  }
0xa9: {  	v53 =	vld [tilespmem:$0x1FF90]  }
0xaa: {  	v0 =	vld [tilespmem:$0x1FE00]  }
0xab: {  	v59 =	vld [tilespmem:$0x1FFA0]  }
0xac: {  	v28 =	vmul.f32 v28, v12;
	v12 =	vld [tilespmem:s23+$0xFFFFFCA0]  }
0xad: {  	v32 =	vmul.f32 v36, v32;
	v36 =	vld [tilespmem:$0x1FF30]  }
0xae: {  	v19 =	vmul.f32 v37, v19;
	v37 =	vld [tilespmem:$0x1FF40]  }
0xaf: {  	v1 =	vadd.f32 v44, v35;
	v44 =	vld [tilespmem:$0x1FEB0]  }
0xb0: {  	v2 =	vmul.f32 v60, v51;
	v51 =	vld [tilespmem:$0x1FE90]  }
0xb1: {  	v45 =	vadd.f32 v47, v45;
	v17 =	vmul.f32 v48, v17;
	v10 =	vmul.f32 v10, v58;
	v58 =	vld [tilespmem:$0x1FDC0]  }
0xb2: {  	v14 =	vmul.f32 v27, v14;
	v60 =	vld [tilespmem:$0x1FE10]  }
0xb3: {  	v8 =	vmul.f32 v21, v8;
	v21 =	vld [tilespmem:s23+$0x3E0];
	v39 =	vadd.f32 v39, v1;
	v17 =	vadd.f32 v17, v45  }
0xb4: {  	v14 =	vadd.f32 v14, v62;
	v62 =	vld [tilespmem:$0x1FD90];
	v5 =	vsub.f32 v42, v53  }
0xb5: {  	v33 =	vmul.f32 v33, v13;
	v31 =	vadd.f32 v31, v39;
	v39 =	vld [tilespmem:$0x1FEF0];
	v47 =	vsub.f32 v12, v59  }
0xb6: {  	(xrf2) =	vadd.scan.msk.f32 $0xffff, v0;
	v48 =	vsub.f32 v34, v59;
	v3 =	vmul.f32 v5, v42;
	v5 =	vsub.f32 v43, v53;
	v42 =	vld [tilespmem:$0x1FDF0]  }
0xb7: {  	v4 =	vsub.f32 v38, v55;
	v35, _, _ =	vpop (xrf2);
	(xrf2) =	vadd.scan.msk.f32 $0xffff, v54;
	v54 =	vadd.f32 v19, v17;
	v12 =	vmul.f32 v47, v12;
	v47 =	vld [tilespmem:$0x1FEE0]  }
0xb8: {  	v34 =	vmul.f32 v48, v34;
	v11 =	vadd.f32 v11, v31;
	v48 =	vmul.f32 v5, v43;
	v43 =	vld [tilespmem:$0x1FE80]  }
0xb9: {  	v0 =	vmul.f32 v4, v38;
	v4 =	vsub.f32 v40, v55;
	v33 =	vadd.f32 v33, v54;
	v54 =	vld [tilespmem:$0x1FDB0]  }
0xba: {  	v13, _, _ =	vpop (xrf2);
	(xrf2) =	vadd.scan.msk.f32 $0xffff, v61;
	v11 =	vadd.f32 v20, v11;
	v20 =	vmul.f32 v23, v57;
	v57 =	vld [tilespmem:$0x1FE60]  }
0xbb: {  	v45 =	vadd.f32 v3, v0;
	v40 =	vmul.f32 v4, v40;
	v17, _, _ =	vpop (xrf2);
	(xrf2) =	vadd.scan.msk.f32 $0xffff, v63;
	v63 =	vld [tilespmem:$0x1FDA0]  }
0xbc: {  	v4 =	vmul.f32 v25, v9;
	v25 =	vmul.f32 v30, v29;
	v29 =	vadd.f32 v56, v33;
	v33 =	vld [tilespmem:$0x1FF10]  }
0xbd: {  	v19 =	vadd.f32 v34, v45;
	v34 =	vld [tilespmem:$0x1FF20]  }
0xbe: {  	v61 =	vadd.f32 v48, v40;
	v40 =	vld [tilespmem:$0x1FF00]  }
0xbf: {  	v45 =	vld [tilespmem:$0x1FEC0]  }
0xc0: {  	v48 =	vld [tilespmem:$0x1FE70]  }
0xc1: {  	v19 =	vadd.f32 v32, v19;
	v12 =	vadd.f32 v12, v61;
	v32 =	vld [tilespmem:$0x1FE30]  }
0xc2: {  	v56 =	vld [tilespmem:$0x1FE50]  }
0xc3: {  	v61 =	vld [tilespmem:$0x1FE40];
	v5 =	vadd.f32 v25, v12  }
0xc4: {  	v19 =	vadd.f32 v4, v19;
	v4 =	vld [tilespmem:$0x1FD80]  }
0xc5: {  	v16 =	vadd.f32 v16, v29;
	v8 =	vadd.f32 v8, v5;
	v5 =	vld [tilespmem:$0x1FDE0]  }
0xc6: {  	v19 =	vadd.f32 v28, v19;
	v18 =	vadd.f32 v18, v32;
	v32 =	vld [tilespmem:$0x1FE20]  }
0xc7: {  	v9, _, _ =	vpop (xrf2);
	(xrf2) =	vadd.scan.msk.f32 $0xffff, v11;
	v11 =	vadd.f32 v15, v16;
	v8 =	vadd.f32 v10, v8;
	v10 =	vmul.f32 v24, v50;
	v50 =	vld [tilespmem:$0x1FEA0]  }
0xc8: {  	v15 =	vadd.f32 v26, v19;
	v19 =	vadd.f32 v43, v42;
	v42 =	vld [tilespmem:$0x1FDD0]  }
0xc9: {  	v43 =	vld [tilespmem:$0x1FCC0]  }
0xca: {  	v12, _, _ =	vpop (xrf2);
	(xrf2) =	vadd.scan.msk.f32 $0xffff, v11;
	v11 =	vadd.f32 v22, v15;
	v15 =	vmul.f32 v34, v33;
	v33 =	vld [tilespmem:$0x1FD40]  }
0xcb: {  	v14 =	vadd.f32 v20, v14;
	v34 =	vld [tilespmem:$0x1FD50]  }
0xcc: {  	v38 =	vadd.f32 v49, v18;
	v8 =	vadd.f32 v10, v8;
	v10 =	vmul.f32 v37, v36;
	v36 =	vld [tilespmem:$0x1FD60]  }
0xcd: {  	v14 =	vadd.f32 v2, v14;
	v37 =	vld [tilespmem:$0x1FD70]  }
0xce: {  	v8 =	vadd.f32 v10, v8;
	v10 =	vadd.f32 v46, v38;
	v46 =	vld [tilespmem:$0x1FED0]  }
0xcf: {  	v38 =	vld [tilespmem:$0x1FD00]  }
0xd0: {  	v16, _, _ =	vpop (xrf2);
	v14 =	vadd.f32 v15, v14;
	v15 =	vmul.f32 v40, v39;
	(xrf2) =	vadd.scan.msk.f32 $0xffff, v11;
	v11 =	vmul.f32 v45, v44;
	v39 =	vld [tilespmem:$0x1FD10]  }
0xd1: {  	v40 =	vld [tilespmem:$0x1FD20]  }
0xd2: {  	v20 =	vadd.f32 v56, v54;
	v44 =	vld [tilespmem:$0x1FCD0];
	v10 =	vadd.f32 v11, v10;
	v11 =	vmul.f32 v50, v51  }
0xd3: {  	v49 =	vadd.f32 v48, v19;
	v14 =	vadd.f32 v15, v14;
	v51 =	vld [tilespmem:$0x1FFC0];
	v15 =	vmul.f32 v47, v46  }
0xd4: {  	v18, _, _ =	vpop (xrf2);
	v22 =	vadd.f32 v5, v4;
	(xrf2) =	vadd.scan.msk.f32 $0xffff, v8;
	v10 =	vadd.f32 v11, v10;
	v11 =	vmul.f32 v60, v41;
	v41 =	vld [tilespmem:$0x1FD30]  }
0xd5: {  	v46 =	vld [tilespmem:$0x1FCE0];
	v8 =	vadd.f32 v15, v14;
	v14 =	vadd.f32 v57, v49;
	v15 =	vmul.f32 v58, v52  }
0xd6: {  	v20 =	vadd.f32 v61, v20;
	v47 =	vld [tilespmem:$0x1FCF0]  }
0xd7: {  	v22 =	vadd.f32 v42, v22;
	v19, _, _ =	vpop (xrf2);
	v49 =	vld [tilespmem:$0x1FFB0];
	v14 =	vadd.f32 v15, v14;
	v15 =	vmul.f32 v63, v62;
	(xrf2) =	vadd.scan.msk.f32 $0xffff, v8  }
0xd8: {  	v8 =	vadd.f32 v11, v10;
	v10 =	vadd.f32 v32, v20;
	v11 =	vmul.f32 v34, v33;
	v20 =	vld [tilespmem:s23+$0x3F0]  }
0xd9: {  	v24 =	vmul.f32 v39, v38;
	v14 =	vadd.f32 v15, v14;
	v15 =	vmul.f32 v37, v36  }
0xda: {  	v23, _, _ =	vpop (xrf2);
	v10 =	vadd.f32 v11, v10;
	v11 =	vmul.f32 v41, v40;
	(xrf2) =	vadd.scan.msk.f32 $0xffff, v8  }
0xdb: {  	v45 =	vmul.f32 v44, v43;
	v22 =	vadd.f32 v24, v22;
	v8 =	vadd.f32 v15, v14  }
0xdc: {  	v15 =	vsub.f32 v21, v49;
	v10 =	vadd.f32 v11, v10;
	v11 =	vmul.f32 v47, v46  }
0xdd: {  	v25, _, _ =	vpop (xrf2);
	v24 =	vsub.f32 v20, v51;
	(xrf2) =	vadd.scan.msk.f32 $0xffff, v8  }
0xde: {  	v8 =	vadd.f32 v11, v10;
	v10 =	vadd.f32 v45, v22;
	v11 =	vmul.f32 v15, v21;
	v14, _, _ =	vpop (xrf2)  }
0xdf: {  	v48 =	vbroadcast v25, $0xF;
	v14 =	vbroadcast v14, $0xF  }
0xe0: {  	v21 =	vbroadcast v23, $0xF;
	v10 =	vadd.f32 v11, v10;
	v11 =	vmul.f32 v24, v20;
	(xrf2) =	vadd.scan.msk.f32 $0xffff, v8  }
0xe1: {  	v8 =	vsel vm0, v48, v14;
	v14 =	vbroadcast v19, $0xF;
	v15, _, _ =	vpop (xrf2)  }
0xe2: {  	v8 =	vsel vm1, v8, v21;
	v10 =	vadd.f32 v11, v10;
	v50 =	vbroadcast v15, $0xF  }
0xe3: {  	v11 =	vbroadcast v18, $0xF;
	v8 =	vsel vm2, v8, v14  }
0xe4: {  	v14 =	vbroadcast v16, $0xF;
	v15, _, _ =	vpop (xrf2);
	(xrf2) =	vadd.scan.msk.f32 $0xffff, v10;
	v8 =	vsel vm3, v8, v50  }
0xe5: {  	v52 =	vbroadcast v15, $0xF;
	v8 =	vsel vm4, v8, v11  }
0xe6: {  	v11 =	vbroadcast v12, $0xF;
	v8 =	vsel vm5, v8, v14  }
0xe7: {  	v9 =	vbroadcast v9, $0xF;
	v8 =	vsel vm6, v8, v52;
	v10, _, _ =	vpop (xrf2)  }
0xe8: {  	v56 =	vld [tilespmem:$0x1FF70];
	v8 =	vsel vm7, v8, v11;
	v10 =	vbroadcast v10, $0xF  }
0xe9: {  	v8 =	vsel vm8, v8, v9;
	v9 =	vbroadcast v17, $0xF  }
0xea: {  	v11, _, _ =	vpop (xrf2);
	v8 =	vsel vm9, v8, v10;
	v10 =	vbroadcast v13, $0xF  }
0xeb: {  	v54 =	vbroadcast v11, $0xF;
	v8 =	vsel vm10, v8, v9  }
0xec: {  	v8 =	vsel vm11, v8, v10;
	v10 =	vbroadcast v35, $0xF  }
0xed: {  	v8 =	vsel vm12, v8, v54  }
0xee: {  	v6 =	vld [tilespmem:$0x1FFE0];
	v9, _, _ =	vpop (xrf2);
	v8 =	vsel vm13, v8, v10  }
0xef: {  	s25 =	sshra.s32 s22, $0x2;
	v5 =	vld [tilespmem:$0x1FFF0];
	v8 =	vsel vm14, v8, v9  }
0xf0: {  	s23 =	sadd.s32 $0x800, s23;
	v52 =	vld [tilespmem:$0x1FFD0];
	[tilespmem:v56+s25+$0x0 ss:$0x1] =	vst.idx.msk $0xffff, v8  }
0xf1: {  	v13 =	vld [tilespmem:s23+$0x370]  }
0xf2: {  	v57 =	vld [tilespmem:s23+$0x3D0]  }
0xf3: {  	v0 =	vld [tilespmem:s23+$0x2F0]  }
0xf4: {  	v26 =	vld [tilespmem:s23+$0x360]  }
0xf5: {  	v58 =	vld [tilespmem:s23+$0x3C0]  }
0xf6: {  	v9 =	vld [tilespmem:s23+$0x270]  }
0xf7: {  	v4 =	vld [tilespmem:s23+$0x2E0]  }
0xf8: {  	v25 =	vld [tilespmem:s23+$0x350]  }
0xf9: {  	v29 =	vld [tilespmem:s23+$0x3B0]  }
0xfa: {  	v33 =	vld [tilespmem:s23+$0x1F0]  }
0xfb: {  	v17 =	vld [tilespmem:s23+$0x260]  }
0xfc: {  	v11 =	vld [tilespmem:s23+$0x2D0]  }
0xfd: {  	v27 =	vld [tilespmem:s23+$0x340]  }
0xfe: {  	v22 =	vld [tilespmem:s23+$0x3A0]  }
0xff: {  	v20 =	vld [tilespmem:s23+$0x170]  }
0x100: {  	v18 =	vld [tilespmem:s23+$0x1E0]  }
0x101: {  	v16 =	vld [tilespmem:s23+$0x250]  }
0x102: {  	v37 =	vld [tilespmem:s23+$0x2C0]  }
0x103: {  	v28 =	vld [tilespmem:s23+$0x330]  }
0x104: {  	v8 =	vld [tilespmem:s23+$0x380]  }
0x105: {  	v30 =	vld [tilespmem:s23+$0x390]  }
0x106: {  	v23 =	vld [tilespmem:s23+$0xF0]  }
0x107: {  	v44 =	vld [tilespmem:s23+$0x160]  }
0x108: {  	v15 =	vld [tilespmem:s23+$0x1D0]  }
0x109: {  	v31 =	vld [tilespmem:s23+$0x240]  }
0x10a: {  	v38 =	vld [tilespmem:s23+$0x2B0]  }
0x10b: {  	v32 =	vld [tilespmem:s23+$0x320]  }
0x10c: {  	v61 =	vld [tilespmem:s23+$0x150]  }
0x10d: {  	v14 =	vld [tilespmem:s23+$0x70]  }
0x10e: {  	v7 =	vld [tilespmem:s23+$0xE0]  }
0x10f: {  	v34 =	vld [tilespmem:s23+$0x1C0]  }
0x110: {  	v39 =	vld [tilespmem:s23+$0x300]  }
0x111: {  	v41 =	vld [tilespmem:s23+$0x310];
	[tilespmem:$0x1FCA0] =	vst v61  }
0x112: {  	v2 =	vld [tilespmem:s23+$0x140];
	[tilespmem:$0x1FCC0] =	vst v57  }
0x113: {  	v54 =	vld [tilespmem:s23+$0x230];
	[tilespmem:$0x1FCE0] =	vst v0  }
0x114: {  	v63 =	vld [tilespmem:s23+$0x2A0];
	[tilespmem:$0x1FD00] =	vst v58  }
0x115: {  	v24 =	vld [tilespmem:s23+$0xD0];
	[tilespmem:$0x1FD20] =	vst v4  }
0x116: {  	v1 =	vsub.f32 v57, v5;
	v48 =	vsub.f32 v4, v49;
	[tilespmem:$0x1FD40] =	vst v11;
	v4 =	vld [tilespmem:s23+$0x60]  }
0x117: {  	v50 =	vsub.f32 v11, v5;
	v57 =	vsub.f32 v39, v55;
	[tilespmem:$0x1FC60] =	vst v2;
	v11 =	vld [tilespmem:s23+$0x1B0]  }
0x118: {  	v47 =	vsub.f32 v58, v6;
	v58 =	vsub.f32 v41, v53;
	[tilespmem:$0x1FCD0] =	vst v1;
	v1 =	vld [tilespmem:s23+$0xFFFFFFF0]  }
0x119: {  	[tilespmem:$0x1FD60] =	vst v20;
	v60 =	vsub.f32 v20, v51;
	v39 =	vmul.f32 v57, v39;
	v57 =	vld [tilespmem:s23+$0x220]  }
0x11a: {  	v0 =	vsub.f32 v0, v51;
	v3 =	vsub.f32 v30, v53;
	[tilespmem:$0x1FD90] =	vst v44;
	v41 =	vmul.f32 v58, v41;
	v58 =	vld [tilespmem:s23+$0x280]  }
0x11b: {  	v21 =	vsub.f32 v29, v52;
	v46 =	vsub.f32 v27, v6;
	[tilespmem:$0x1FD70] =	vst v60;
	v60 =	vld [tilespmem:s23+$0x290]  }
0x11c: {  	v56 =	vsub.f32 v22, v59;
	v45 =	vsub.f32 v7, v49;
	[tilespmem:$0x1FCF0] =	vst v0;
	v30 =	vmul.f32 v3, v30;
	v3 =	vld [tilespmem:s23+$0xFFFFFFE0]  }
0x11d: {  	v62 =	vsub.f32 v32, v59;
	v20 =	vsub.f32 v31, v6;
	[tilespmem:$0x1FD30] =	vst v48;
	v48 =	vld [tilespmem:s23+$0x200]  }
0x11e: {  	v2 =	vsub.f32 v2, v6;
	v0 =	vsub.f32 v8, v55;
	[tilespmem:$0x1FC10] =	vst v45;
	v45 =	vld [tilespmem:s23+$0x130]  }
0x11f: {  	[tilespmem:$0x1FD50] =	vst v50;
	v32 =	vmul.f32 v62, v32;
	v50 =	vsub.f32 v28, v52;
	v31 =	vmul.f32 v20, v31;
	v20 =	vld [tilespmem:s23+$0xFFFFFEE0]  }
0x120: {  	[tilespmem:$0x1FD10] =	vst v47;
	v62 =	vsub.f32 v44, v49;
	v44 =	vsub.f32 v14, v51;
	v47 =	vmul.f32 v0, v8;
	v8 =	vld [tilespmem:s23+$0xFFFFFF70]  }
0x121: {  	[tilespmem:$0x1FC40] =	vst v63;
	v27 =	vmul.f32 v46, v27;
	v46 =	vsub.f32 v61, v5;
	v28 =	vmul.f32 v50, v28;
	v50 =	vld [tilespmem:s23+$0x210]  }
0x122: {  	v61 =	vsub.f32 v63, v59;
	v41 =	vadd.f32 v41, v39;
	[tilespmem:$0x1FC00] =	vst v44;
	v44 =	vld [tilespmem:s23+$0xFFFFFF60]  }
0x123: {  	[tilespmem:$0x1FC50] =	vst v2;
	v39 =	vsub.f32 v37, v6;
	v0 =	vld [tilespmem:s23+$0x190];
	v2 =	vsub.f32 v11, v52  }
0x124: {  	v41 =	vadd.f32 v32, v41;
	[tilespmem:$0x1FCB0] =	vst v1;
	v63 =	vsub.f32 v1, v51;
	v1 =	vld [tilespmem:s23+$0xFFFFFFD0]  }
0x125: {  	[tilespmem:$0x1FBF0] =	vst v56;
	v56 =	vadd.f32 v30, v47;
	v2 =	vmul.f32 v2, v11;
	v11 =	vmul.f32 v21, v29;
	v21 =	vld [tilespmem:s23+$0x90]  }
0x126: {  	v43 =	vsub.f32 v25, v5;
	v29 =	vld [tilespmem:s23+$0x110];
	v28 =	vadd.f32 v28, v41  }
0x127: {  	v37 =	vmul.f32 v39, v37;
	[tilespmem:$0x1FD80] =	vst v56;
	v56 =	vld [tilespmem:s23+$0x50]  }
0x128: {  	v42 =	vsub.f32 v26, v49;
	v41 =	vld [tilespmem:s23+$0xC0];
	v27 =	vadd.f32 v27, v28;
	v28 =	vmul.f32 v43, v25  }
0x129: {  	v36 =	vsub.f32 v13, v51;
	[tilespmem:$0x1FE20] =	vst v37;
	v37 =	vld [tilespmem:s23+$0x20]  }
0x12a: {  	v10 =	vsub.f32 v9, v51;
	v26 =	vmul.f32 v42, v26;
	[tilespmem:$0x1FE10] =	vst v63;
	v63 =	vld [tilespmem:s23+$0x180];
	v27 =	vadd.f32 v28, v27  }
0x12b: {  	v40 =	vsub.f32 v17, v49;
	v12 =	vsub.f32 v16, v5;
	[tilespmem:$0x1FDD0] =	vst v11;
	v11 =	vld [tilespmem:s23+$0xFFFFFEC0]  }
0x12c: {  	[tilespmem:$0x1FC20] =	vst v7;
	v13 =	vmul.f32 v36, v13;
	v7 =	vsub.f32 v48, v55;
	v28 =	vld [tilespmem:s23+$0x1A0];
	v26 =	vadd.f32 v26, v27  }
0x12d: {  	[tilespmem:$0x1FC30] =	vst v61;
	v61 =	vsub.f32 v57, v59;
	v36 =	vsub.f32 v50, v53;
	v43 =	vld [tilespmem:s23+$0xFFFFFEF0]  }
0x12e: {  	v42 =	vsub.f32 v34, v6;
	[tilespmem:$0x1FDC0] =	vst v46;
	v46 =	vadd.f32 v13, v26;
	v13 =	vmul.f32 v7, v48;
	v48 =	vld [tilespmem:s23+$0x40]  }
0x12f: {  	[tilespmem:$0x1FDA0] =	vst v62;
	v62 =	vsub.f32 v54, v52;
	v26 =	vmul.f32 v36, v50;
	v36 =	vmul.f32 v61, v57;
	v57 =	vld [tilespmem:s23+$0xB0]  }
0x130: {  	v32 =	vsub.f32 v23, v51;
	v50 =	vsub.f32 v4, v49;
	v7 =	vmul.f32 v10, v9;
	v61 =	vld [tilespmem:s23+$0xFFFFFE70]  }
0x131: {  	v27 =	vmovc v4;
	v9 =	vsub.f32 v58, v55;
	v10 =	vmul.f32 v40, v17;
	v17 =	vld [tilespmem:s23+$0x0];
	v4 =	vsub.f32 v28, v59  }
0x132: {  	[tilespmem:$0x1FC70] =	vst v46;
	v13 =	vadd.f32 v26, v13;
	v26 =	vld [tilespmem:s23+$0x120];
	v46 =	vsub.f32 v0, v53  }
0x133: {  	[tilespmem:$0x1FE90] =	vst v3;
	v58 =	vmul.f32 v9, v58;
	v9 =	vsub.f32 v3, v49;
	v3 =	vld [tilespmem:s23+$0xFFFFFE60];
	v4 =	vmul.f32 v4, v28  }
0x134: {  	v28 =	vld [tilespmem:s23+$0xA0];
	v13 =	vadd.f32 v36, v13;
	v36 =	vmul.f32 v62, v54;
	v54 =	vsub.f32 v60, v53  }
0x135: {  	v62 =	vsub.f32 v63, v55;
	[tilespmem:$0x1FED0] =	vst v61;
	v39 =	vsub.f32 v61, v51;
	v61 =	vld [tilespmem:s23+$0xFFFFFD70]  }
0x136: {  	v23 =	vmul.f32 v32, v23;
	v36 =	vadd.f32 v36, v13;
	v54 =	vmul.f32 v54, v60;
	v13 =	vld [tilespmem:s23+$0xFFFFFF50]  }
0x137: {  	v60 =	vmul.f32 v62, v63;
	v62 =	vld [tilespmem:s23+$0xFFFFFFC0];
	v63 =	vmul.f32 v42, v34;
	v34 =	vsub.f32 v43, v51  }
0x138: {  	v0 =	vmul.f32 v46, v0;
	v32 =	vsub.f32 v26, v59;
	v31 =	vadd.f32 v31, v36;
	v36 =	vld [tilespmem:s23+$0x30]  }
0x139: {  	v46 =	vmov v8;
	v58 =	vadd.f32 v54, v58;
	v54 =	vsub.f32 v8, v51;
	v8 =	vld [tilespmem:$0x1FC10]  }
0x13a: {  	v16 =	vmul.f32 v12, v16;
	v0 =	vadd.f32 v0, v60;
	v34 =	vmul.f32 v34, v43;
	v43 =	vld [tilespmem:s23+$0xFFFFFD50]  }
0x13b: {  	v27 =	vmul.f32 v50, v27;
	v50 =	vmul.f32 v32, v26;
	v26 =	vld [tilespmem:s23+$0xFFFFFC60]  }
0x13c: {  	v16 =	vadd.f32 v16, v31;
	v31 =	vld [tilespmem:s23+$0x100];
	v0 =	vadd.f32 v4, v0  }
0x13d: {  	v30 =	vsub.f32 v15, v5;
	v4 =	vld [tilespmem:s23+$0x80]  }
0x13e: {  	[tilespmem:$0x1FE80] =	vst v50;
	v50 =	vld [tilespmem:s23+$0xFFFFFCE0];
	v10 =	vadd.f32 v10, v16;
	v0 =	vadd.f32 v2, v0  }
0x13f: {  	v19 =	vsub.f32 v18, v49;
	[tilespmem:$0x1FDB0] =	vst v58;
	v58 =	vsub.f32 v45, v52;
	v2 =	vld [tilespmem:s23+$0x10]  }
0x140: {  	v16 =	vld [tilespmem:s23+$0xFFFFFED0];
	v42 =	vadd.f32 v7, v10;
	v0 =	vadd.f32 v63, v0;
	v63 =	vmul.f32 v30, v15  }
0x141: {  	v35 =	vsub.f32 v33, v51;
	v47 =	vsub.f32 v38, v52;
	v25 =	vmovc v14;
	v58 =	vmul.f32 v58, v45;
	v45 =	vld [tilespmem:s23+$0xFFFFFEA0]  }
0x142: {  	v14 =	vsub.f32 v24, v5;
	[tilespmem:$0x1FC80] =	vst v42;
	v42 =	vld [tilespmem:$0x1FBF0];
	v0 =	vadd.f32 v63, v0;
	v63 =	vmul.f32 v19, v18  }
0x143: {  	[tilespmem:$0x1FEB0] =	vst v1;
	v1 =	vsub.f32 v1, v5;
	v40 =	vsub.f32 v56, v5;
	v10 =	vld [tilespmem:s23+$0xFFFFFDF0]  }
0x144: {  	v30 =	vld [tilespmem:s23+$0xFFFFFE40];
	v0 =	vadd.f32 v63, v0;
	v63 =	vsub.f32 v2, v53  }
0x145: {  	v33 =	vmul.f32 v35, v33;
	[tilespmem:$0x1FEA0] =	vst v9;
	v9 =	vsub.f32 v44, v49;
	v12 =	vsub.f32 v48, v6;
	v19 =	vld [tilespmem:s23+$0xFFFFFF40]  }
0x146: {  	v35 =	vsub.f32 v57, v52;
	v18 =	vsub.f32 v4, v55;
	v2 =	vmul.f32 v63, v2;
	v63 =	vld [tilespmem:s23+$0xFFFFFFA0]  }
0x147: {  	[tilespmem:$0x1FEC0] =	vst v1;
	v1 =	vmul.f32 v42, v22;
	v22 =	vsub.f32 v21, v53;
	v42 =	vmul.f32 v47, v38;
	v47 =	vld [tilespmem:$0x1FC00]  }
0x148: {  	[tilespmem:$0x1FEE0] =	vst v39;
	v35 =	vmul.f32 v35, v57;
	v39 =	vsub.f32 v37, v59;
	v57 =	vsub.f32 v29, v53;
	v38 =	vld [tilespmem:s23+$0xFFFFFE50]  }
0x149: {  	[tilespmem:$0x1FEF0] =	vst v3;
	v3 =	vsub.f32 v3, v49;
	v4 =	vmul.f32 v18, v4;
	v18 =	vmul.f32 v22, v21;
	v22 =	vld [tilespmem:s23+$0xFFFFFFB0]  }
0x14a: {  	v60 =	vsub.f32 v41, v6;
	[tilespmem:$0x1FDE0] =	vst v1;
	v21 =	vsub.f32 v28, v59;
	v1 =	vmul.f32 v14, v24;
	v14 =	vld [tilespmem:$0x1FC20]  }
0x14b: {  	v7 =	vsub.f32 v62, v6;
	v0 =	vadd.f32 v33, v0;
	[tilespmem:$0x1FE40] =	vst v42;
	v42 =	vld [tilespmem:$0x1FC30]  }
0x14c: {  	v33 =	vsub.f32 v10, v51;
	v24 =	vld [tilespmem:s23+$0xFFFFFF20];
	v4 =	vadd.f32 v18, v4;
	v21 =	vmul.f32 v21, v28  }
0x14d: {  	[tilespmem:$0x1FC90] =	vst v0;
	v0 =	vsub.f32 v20, v49;
	v18 =	vld [tilespmem:s23+$0xFFFFFDE0];
	v15 =	vmul.f32 v47, v25;
	v25 =	vsub.f32 v17, v55  }
0x14e: {  	v47 =	vld [tilespmem:s23+$0xFFFFFF30];
	v4 =	vadd.f32 v21, v4;
	v21 =	vsub.f32 v31, v55  }
0x14f: {  	v29 =	vmul.f32 v57, v29;
	v28 =	vsub.f32 v13, v5;
	[tilespmem:$0x1FF10] =	vst v38;
	v57 =	vsub.f32 v38, v5;
	v38 =	vld [tilespmem:s23+$0xFFFFFF80]  }
0x150: {  	v17 =	vmul.f32 v25, v17;
	v25 =	vsub.f32 v36, v52;
	v31 =	vmul.f32 v21, v31;
	v21 =	vld [tilespmem:s23+$0xFFFFFC70]  }
0x151: {  	v41 =	vmul.f32 v60, v41;
	[tilespmem:$0x1FE70] =	vst v58;
	v58 =	vsub.f32 v24, v59;
	v4 =	vadd.f32 v35, v4;
	v35 =	vld [tilespmem:s23+$0xFFFFFF10]  }
0x152: {  	v2 =	vadd.f32 v2, v17;
	v17 =	vmul.f32 v39, v37;
	v39 =	vmul.f32 v8, v14;
	v14 =	vld [tilespmem:s23+$0xFFFFFF00]  }
0x153: {  	v24 =	vmul.f32 v58, v24;
	v58 =	vld [tilespmem:s23+$0xFFFFFCD0];
	v4 =	vadd.f32 v41, v4;
	v8 =	vadd.f32 v29, v31  }
0x154: {  	v41 =	vld [tilespmem:s23+$0xFFFFFCF0];
	v2 =	vadd.f32 v17, v2;
	v17 =	vmul.f32 v25, v36;
	v25 =	vsub.f32 v22, v52  }
0x155: {  	v31 =	vld [tilespmem:s23+$0xFFFFFD60];
	v36 =	vsub.f32 v18, v49;
	v1 =	vadd.f32 v1, v4  }
0x156: {  	v12 =	vmul.f32 v12, v48;
	v29 =	vld [tilespmem:s23+$0xFFFFFDD0];
	v4 =	vsub.f32 v16, v5;
	v2 =	vadd.f32 v17, v2  }
0x157: {  	v0 =	vmul.f32 v0, v20;
	[tilespmem:$0x1FDF0] =	vst v8;
	v8 =	vld [tilespmem:$0x1FC40];
	v17 =	vsub.f32 v19, v6;
	v48 =	vsub.f32 v35, v53  }
0x158: {  	v28 =	vmul.f32 v28, v13;
	v1 =	vadd.f32 v39, v1;
	v39 =	vld [tilespmem:s23+$0xFFFFFE80];
	v60 =	vsub.f32 v14, v55  }
0x159: {  	v2 =	vadd.f32 v12, v2;
	v12 =	vmul.f32 v40, v56;
	v56 =	vld [tilespmem:$0x1FC50];
	v40 =	vsub.f32 v63, v59  }
0x15a: {  	v32 =	vsub.f32 v31, v49;
	v17 =	vmul.f32 v17, v19;
	v1 =	vadd.f32 v23, v1;
	v23 =	vld [tilespmem:s23+$0xFFFFFEB0]  }
0x15b: {  	[tilespmem:$0x1FF20] =	vst v57;
	v57 =	vmul.f32 v60, v14;
	v14 =	vmul.f32 v48, v35;
	v35 =	vld [tilespmem:s23+$0xFFFFFDB0];
	v2 =	vadd.f32 v12, v2  }
0x15c: {  	[tilespmem:$0x1FF00] =	vst v3;
	v19 =	vsub.f32 v38, v55;
	v60 =	vsub.f32 v45, v59;
	v3 =	vmul.f32 v42, v8;
	v8 =	vld [tilespmem:$0x1FC60]  }
0x15d: {  	v4 =	vmul.f32 v4, v16;
	v12 =	vsub.f32 v47, v52;
	v2 =	vadd.f32 v27, v2;
	v27 =	vld [tilespmem:s23+$0xFFFFFE90]  }
0x15e: {  	v42 =	vsub.f32 v29, v5;
	v19 =	vmul.f32 v19, v38;
	v16 =	vmul.f32 v32, v31;
	v32 =	vld [tilespmem:s23+$0xFFFFFC30]  }
0x15f: {  	v38 =	vsub.f32 v43, v5;
	[tilespmem:$0x1FE00] =	vst v1;
	v1 =	vsub.f32 v61, v51;
	v47 =	vmul.f32 v12, v47;
	v12 =	vld [tilespmem:s23+$0xFFFFFC50]  }
0x160: {  	v37 =	vmul.f32 v54, v46;
	v54 =	vadd.f32 v15, v2;
	v15 =	vld [tilespmem:s23+$0xFFFFFF90];
	v2 =	vadd.f32 v14, v57  }
0x161: {  	v13 =	vsub.f32 v39, v55;
	v31 =	vmul.f32 v42, v29;
	v29 =	vld [tilespmem:s23+$0xFFFFFCB0];
	v48 =	vsub.f32 v23, v52  }
0x162: {  	[tilespmem:$0x1FE50] =	vst v3;
	v42 =	vld [tilespmem:s23+$0xFFFFFC10];
	v3 =	vmul.f32 v56, v8;
	v2 =	vadd.f32 v24, v2;
	v14 =	vsub.f32 v27, v53  }
0x163: {  	[tilespmem:$0x1FF30] =	vst v41;
	v57 =	vld [tilespmem:s23+$0xFFFFFE30];
	v13 =	vmul.f32 v13, v39;
	v8 =	vsub.f32 v11, v6;
	v56 =	vsub.f32 v41, v51  }
0x164: {  	v41 =	vld [tilespmem:s23+$0xFFFFFDC0];
	[tilespmem:$0x1FE60] =	vst v3;
	v3 =	vmul.f32 v9, v44;
	v2 =	vadd.f32 v47, v2;
	v14 =	vmul.f32 v14, v27  }
0x165: {  	v44 =	vsub.f32 v21, v51;
	v11 =	vmul.f32 v8, v11;
	v8 =	vld [tilespmem:s23+$0xFFFFFCC0];
	v24 =	vsub.f32 v15, v53  }
0x166: {  	v47 =	vld [tilespmem:$0x1FC70];
	v27 =	vmul.f32 v60, v45;
	v2 =	vadd.f32 v17, v2;
	v14 =	vadd.f32 v14, v13  }
0x167: {  	v60 =	vsub.f32 v30, v6;
	v45 =	vld [tilespmem:s23+$0xFFFFFD00];
	v17 =	vsub.f32 v26, v49;
	v15 =	vmul.f32 v24, v15  }
0x168: {  	v23 =	vmul.f32 v48, v23;
	v13 =	vld [tilespmem:s23+$0xFFFFFD40];
	v2 =	vadd.f32 v28, v2;
	v24 =	vadd.f32 v27, v14  }
0x169: {  	v39 =	vsub.f32 v41, v6;
	v26 =	vmul.f32 v17, v26;
	v17 =	vld [tilespmem:s23+$0xFFFFFD20];
	v9 =	vadd.f32 v15, v19  }
0x16a: {  	v20 =	vmul.f32 v33, v10;
	v14 =	vld [tilespmem:s23+$0xFFFFFE20];
	v2 =	vadd.f32 v3, v2;
	v15 =	vadd.f32 v23, v24  }
0x16b: {  	v51 =	vmovc v30;
	v30 =	vsub.f32 v29, v52;
	v28 =	vsub.f32 v12, v5;
	v39 =	vmul.f32 v39, v41;
	v3 =	vld [tilespmem:s23+$0xFFFFFD80]  }
0x16c: {  	v10 =	vadd.f32 v11, v15;
	v15 =	vmul.f32 v1, v61;
	v61 =	vadd.f32 v37, v2;
	v2 =	vld [tilespmem:s23+$0xFFFFFE00]  }
0x16d: {  	v24 =	vsub.f32 v50, v49;
	v23 =	vsub.f32 v57, v52;
	v11 =	vmul.f32 v36, v18;
	v36 =	vld [tilespmem:s23+$0xFFFFFE10]  }
0x16e: {  	v41 =	vld [tilespmem:$0x1FCB0];
	v49 =	vmul.f32 v25, v22;
	v22 =	vmul.f32 v44, v21;
	v21 =	vsub.f32 v8, v6  }
0x16f: {  	v33 =	vsub.f32 v13, v6;
	v1 =	vld [tilespmem:s23+$0xFFFFFD90];
	v4 =	vadd.f32 v4, v10  }
0x170: {  	v19 =	vld [tilespmem:s23+$0xFFFFFD30];
	v18 =	vmul.f32 v40, v63;
	v40 =	vsub.f32 v35, v52;
	v48 =	vsub.f32 v3, v55  }
0x171: {  	v46 =	vmul.f32 v7, v62;
	v27 =	vsub.f32 v14, v59;
	v0 =	vadd.f32 v0, v4;
	v4 =	vld [tilespmem:s23+$0xFFFFFDA0]  }
0x172: {  	[tilespmem:$0x1FE30] =	vst v9;
	v9 =	vld [tilespmem:s23+$0xFFFFFC40];
	v3 =	vmul.f32 v48, v3;
	v62 =	vsub.f32 v2, v55;
	v48 =	vsub.f32 v36, v53  }
0x173: {  	v55 =	vsub.f32 v45, v55;
	v63 =	vadd.f32 v34, v0;
	v0 =	vld [tilespmem:s23+$0xFFFFFD10]  }
0x174: {  	[tilespmem:$0x1FF40] =	vst v56;
	v56 =	vsub.f32 v1, v53;
	v2 =	vmul.f32 v62, v2;
	v62 =	vmul.f32 v48, v36;
	v48 =	vld [tilespmem:$0x1FC80]  }
0x175: {  	p0 =	sne.s32 s24, $0x240;
	v37 =	vsub.f32 v19, v52;
	v44 =	vmul.f32 v40, v35;
	v45 =	vmul.f32 v55, v45;
	v55 =	vld [tilespmem:$0x1FC90]  }
.Ltmp0:
0x176: {  	v40 =	vld [tilespmem:s23+$0xFFFFFC80];
	v1 =	vmul.f32 v56, v1;
	v56 =	vmul.f32 v38, v43;
	v43 =	vsub.f32 v4, v59;
	(pc) =	sbr.rel @p0 .LBB2_3-.Ltmp0, $4  }
0x177: {  	v10 =	vsub.f32 v58, v5;
	v25 =	vsub.f32 v9, v6;
	v34 =	vld [tilespmem:s23+$0xFFFFFC20]  }
0x178: {  	(xrf2) =	vadd.scan.msk.f32 $0xffff, v47;
	v38 =	vld [tilespmem:s23+$0xFFFFFC00];
	v1 =	vadd.f32 v1, v3;
	v53 =	vsub.f32 v0, v53;
	v4 =	vmul.f32 v43, v4  }
0x179: {  	v36 =	vsub.f32 v32, v52;
	v52 =	vld [tilespmem:$0x1FCA0];
	v62 =	vadd.f32 v62, v2;
	(xrf2) =	vadd.scan.msk.f32 $0xffff, v48  }
0x17a: {  	s22 =	smov.u32 s24;
	s24 =	sadd.s32 $0x40, s24;
	v43 =	vld [tilespmem:s23+$0xFFFFFC90];
	v48 =	vsub.f32 v17, v59;
	v47 =	vmul.f32 v53, v0;
	v35 =	vadd.f32 v4, v1;
	(xrf2) =	vadd.scan.msk.f32 $0xffff, v55  }
0x17b: {  	v5 =	vld [tilespmem:$0x1FF80]  }
0x17c: {  	v6 =	vld [tilespmem:$0x1FF90];
	_ =	sdelay $0x1  }
0x17d: {  	v1 =	vadd.f32 v44, v35;
	v35 =	vld [tilespmem:$0x1FFA0];
	_ =	sdelay $0x2  }
0x17e: {  	v4 =	vmul.f32 v48, v17;
	v2 =	vsub.f32 v38, v5;
	v17 =	vsub.f32 v42, v6  }
0x17f: {  	v0 =	vmul.f32 v28, v12;
	v3 =	vadd.f32 v47, v45  }
0x180: {  	v12 =	vld [tilespmem:s23+$0xFFFFFCA0];
	v28 =	vsub.f32 v34, v35;
	v2 =	vmul.f32 v2, v38;
	v17 =	vmul.f32 v17, v42  }
0x181: {  	v1 =	vadd.f32 v39, v1;
	v3 =	vadd.f32 v4, v3  }
0x182: {  	v4 =	vmul.f32 v37, v19;
	v2 =	vadd.f32 v17, v2;
	v17 =	vmul.f32 v28, v34  }
0x183: {  	v7 =	vld [tilespmem:$0x1FE00];
	v55 =	vsub.f32 v40, v5;
	v19 =	vsub.f32 v43, v6  }
0x184: {  	v3 =	vadd.f32 v4, v3;
	v2 =	vadd.f32 v17, v2;
	v17 =	vmul.f32 v36, v32  }
0x185: {  	v4 =	vsub.f32 v12, v35;
	v19 =	vmul.f32 v19, v43;
	v28 =	vmul.f32 v55, v40  }
0x186: {  	v9 =	vmul.f32 v25, v9;
	v2 =	vadd.f32 v17, v2  }
0x187: {  	v1 =	vadd.f32 v31, v1;
	v4 =	vmul.f32 v4, v12;
	v19 =	vadd.f32 v19, v28  }
0x188: {  	(xrf2) =	vadd.scan.msk.f32 $0xffff, v7;
	v7 =	vld [tilespmem:$0x1FE30];
	v2 =	vadd.f32 v9, v2;
	v9 =	vmul.f32 v27, v14  }
0x189: {  	v1 =	vadd.f32 v11, v1;
	v11 =	vmul.f32 v30, v29;
	v4 =	vadd.f32 v4, v19  }
0x18a: {  	v59 =	vadd.f32 v9, v62;
	v9 =	vmul.f32 v23, v57  }
0x18b: {  	v8 =	vmul.f32 v21, v8;
	v4 =	vadd.f32 v11, v4  }
0x18c: {  	v0 =	vadd.f32 v0, v2;
	v2 =	vadd.f32 v9, v59;
	v9 =	vmul.f32 v60, v51  }
0x18d: {  	v4 =	vadd.f32 v8, v4;
	v8 =	vmul.f32 v10, v58;
	v10 =	vadd.f32 v18, v7;
	v7 =	vld [tilespmem:$0x1FF10]  }
0x18e: {  	v2 =	vadd.f32 v9, v2;
	v9 =	vld [tilespmem:$0x1FF20];
	_ =	sdelay $0x1  }
0x18f: {  	v4 =	vadd.f32 v8, v4;
	v8 =	vmul.f32 v24, v50;
	_ =	sdelay $0x1  }
0x190: {  	v4 =	vadd.f32 v8, v4;
	v8 =	vld [tilespmem:$0x1FF40]  }
0x191: {  	v9 =	vmul.f32 v9, v7;
	v7 =	vld [tilespmem:$0x1FF30];
	_ =	sdelay $0x1  }
0x192: {  	(xrf2) =	vadd.scan.msk.f32 $0xffff, v54  }
0x193: {  	(xrf2) =	vadd.scan.msk.f32 $0xffff, v61  }
0x194: {  	(xrf2) =	vadd.scan.msk.f32 $0xffff, v63;
	v63 =	vld [tilespmem:$0x1FEF0]  }
0x195: {  	v8 =	vmul.f32 v8, v7;
	v7 =	vld [tilespmem:$0x1FF00];
	_ =	sdelay $0x3  }
0x196: {  	v62 =	vadd.f32 v9, v2;
	v9 =	vld [tilespmem:$0x1FE80]  }
0x197: {  	v2 =	vmul.f32 v7, v63;
	v7 =	vld [tilespmem:$0x1FDF0];
	_ =	sdelay $0x3  }
0x198: {  	v32 =	vadd.f32 v8, v4;
	v8 =	vld [tilespmem:$0x1FEC0]  }
0x199: {  	v9 =	vadd.f32 v9, v7;
	v7 =	vld [tilespmem:$0x1FEB0];
	_ =	sdelay $0x2  }
0x19a: {  	v10 =	vadd.f32 v49, v10;
	_ =	sdelay $0x1  }
0x19b: {  	v4 =	vadd.f32 v46, v10;
	v8 =	vmul.f32 v8, v7  }
0x19c: {  	v7 =	vld [tilespmem:$0x1FEA0]  }
0x19d: {  	v4 =	vadd.f32 v8, v4;
	v8 =	vld [tilespmem:$0x1FE90];
	_ =	sdelay $0x3  }
0x19e: {  	v10 =	vld [tilespmem:$0x1FE50]  }
0x19f: {  	v8 =	vmul.f32 v7, v8;
	v7 =	vld [tilespmem:$0x1FDB0];
	_ =	sdelay $0x4  }
0x1a0: {  	v10 =	vadd.f32 v10, v7;
	v7 =	vld [tilespmem:$0x1FE10]  }
0x1a1: {  	v13 =	vmul.f32 v33, v13;
	_ =	sdelay $0x1  }
0x1a2: {  	v37 =	vld [tilespmem:$0x1FE70];
	v3 =	vadd.f32 v13, v3  }
0x1a3: {  	v34 =	vld [tilespmem:$0x1FED0]  }
0x1a4: {  	v3 =	vadd.f32 v56, v3;
	v4 =	vadd.f32 v8, v4;
	v8 =	vmul.f32 v7, v41;
	v7 =	vld [tilespmem:$0x1FE40]  }
0x1a5: {  	v36 =	vld [tilespmem:$0x1FEE0]  }
0x1a6: {  	v39 =	vld [tilespmem:$0x1FE60];
	v3 =	vadd.f32 v16, v3  }
0x1a7: {  	v40 =	vld [tilespmem:$0x1FDC0];
	v0 =	vadd.f32 v26, v0  }
0x1a8: {  	v42 =	vld [tilespmem:$0x1FD90];
	v1 =	vadd.f32 v20, v1;
	v3 =	vadd.f32 v15, v3  }
0x1a9: {  	v0 =	vadd.f32 v22, v0;
	v10 =	vadd.f32 v7, v10;
	v7 =	vld [tilespmem:$0x1FDA0]  }
0x1aa: {  	(xrf2) =	vadd.scan.msk.f32 $0xffff, v1;
	v1 =	vmul.f32 v36, v34;
	v33 =	vadd.f32 v2, v62;
	v2 =	vadd.f32 v37, v9  }
0x1ab: {  	(xrf2) =	vadd.scan.msk.f32 $0xffff, v3  }
0x1ac: {  	(xrf2) =	vadd.scan.msk.f32 $0xffff, v0;
	v0 =	vadd.f32 v1, v33;
	v1 =	vadd.f32 v39, v2;
	v2 =	vmul.f32 v40, v52  }
0x1ad: {  	v14 =	vld [tilespmem:$0x1FD80]  }
0x1ae: {  	v1 =	vadd.f32 v2, v1;
	v2 =	vmul.f32 v7, v42;
	v7 =	vld [tilespmem:$0x1FDE0];
	_ =	sdelay $0x4  }
0x1af: {  	v14 =	vadd.f32 v7, v14;
	v7 =	vld [tilespmem:$0x1FE20];
	_ =	sdelay $0x3  }
0x1b0: {  	v15 =	vld [tilespmem:$0x1FD50]  }
0x1b1: {  	v4 =	vadd.f32 v8, v4;
	v8 =	vadd.f32 v7, v10;
	v10 =	vld [tilespmem:$0x1FD40];
	_ =	sdelay $0x4  }
0x1b2: {  	v44 =	vld [tilespmem:$0x1FD60];
	v10 =	vmul.f32 v15, v10  }
0x1b3: {  	v19 =	vld [tilespmem:$0x1FD30]  }
0x1b4: {  	v8 =	vadd.f32 v10, v8;
	v10 =	vld [tilespmem:$0x1FD20]  }
0x1b5: {  	v17 =	vld [tilespmem:$0x1FD70];
	_ =	sdelay $0x2  }
0x1b6: {  	v21 =	vld [tilespmem:$0x1FCF0]  }
0x1b7: {  	v18 =	vld [tilespmem:$0x1FD10];
	v10 =	vmul.f32 v19, v10  }
0x1b8: {  	v9, _, _ =	vpop (xrf2);
	(xrf2) =	vadd.scan.msk.f32 $0xffff, v32;
	v1 =	vadd.f32 v2, v1;
	v2 =	vmul.f32 v17, v44;
	v17 =	vld [tilespmem:$0x1FD00]  }
0x1b9: {  	v38, _, _ =	vpop (xrf2);
	v8 =	vadd.f32 v10, v8;
	v10 =	vld [tilespmem:$0x1FCE0]  }
0x1ba: {  	v11, _, _ =	vpop (xrf2);
	v7 =	vld [tilespmem:$0x1FDD0]  }
0x1bb: {  	v45 =	vld [tilespmem:$0x1FCC0];
	v13, _, _ =	vpop (xrf2)  }
0x1bc: {  	v12 =	vld [tilespmem:s23+$0x3E0];
	v43, _, _ =	vpop (xrf2)  }
0x1bd: {  	v49 =	vld [tilespmem:$0x1FFB0];
	(xrf2) =	vadd.scan.msk.f32 $0xffff, v0;
	v16, _, _ =	vpop (xrf2);
	v17 =	vmul.f32 v18, v17  }
0x1be: {  	v18, _, _ =	vpop (xrf2);
	v19 =	vld [tilespmem:$0x1FCD0];
	v10 =	vmul.f32 v21, v10  }
0x1bf: {  	(xrf2) =	vadd.scan.msk.f32 $0xffff, v4;
	v4, _, _ =	vpop (xrf2);
	v14 =	vadd.f32 v7, v14  }
0x1c0: {  	v56 =	vld [tilespmem:$0x1FFC0];
	v20, _, _ =	vpop (xrf2)  }
0x1c1: {  	v15 =	vld [tilespmem:s23+$0x3F0];
	v14 =	vadd.f32 v17, v14;
	v17, _, _ =	vpop (xrf2)  }
0x1c2: {  	v1 =	vadd.f32 v2, v1;
	v46 =	vadd.f32 v10, v8;
	v10, _, _ =	vpop (xrf2)  }
0x1c3: {  	v2 =	vmul.f32 v19, v45;
	v19 =	vsub.f32 v12, v49;
	v10 =	vbroadcast v10, $0xF;
	_ =	sdelay $0x1  }
0x1c4: {  	(xrf2) =	vadd.scan.msk.f32 $0xffff, v1;
	v8 =	vmul.f32 v19, v12;
	v12 =	vbroadcast v17, $0xF  }
0x1c5: {  	v21 =	vsub.f32 v15, v56;
	v2 =	vadd.f32 v2, v14  }
0x1c6: {  	v14 =	vbroadcast v20, $0xF;
	v47 =	vsel vm0, v12, v10;
	v10, _, _ =	vpop (xrf2)  }
0x1c7: {  	v2 =	vadd.f32 v8, v2;
	v8 =	vmul.f32 v21, v15;
	(xrf2) =	vadd.scan.msk.f32 $0xffff, v46;
	v10 =	vbroadcast v10, $0xF  }
0x1c8: {  	v4 =	vbroadcast v4, $0xF  }
0x1c9: {  	v2 =	vadd.f32 v8, v2;
	v1 =	vsel vm1, v47, v14  }
0x1ca: {  	v1 =	vsel vm2, v1, v4;
	v4 =	vbroadcast v18, $0xF  }
0x1cb: {  	v8 =	vbroadcast v16, $0xF;
	v1 =	vsel vm3, v1, v10;
	v10, _, _ =	vpop (xrf2);
	(xrf2) =	vadd.scan.msk.f32 $0xffff, v2  }
0x1cc: {  	v1 =	vsel vm4, v1, v4;
	v48 =	vbroadcast v10, $0xF  }
0x1cd: {  	v0 =	vbroadcast v43, $0xF;
	v1 =	vsel vm5, v1, v8  }
0x1ce: {  	v50 =	vbroadcast v13, $0xF;
	v4, _, _ =	vpop (xrf2);
	v1 =	vsel vm6, v1, v48  }
0x1cf: {  	v59 =	vld [tilespmem:$0x1FF70];
	v51 =	vbroadcast v4, $0xF;
	v0 =	vsel vm7, v1, v0  }
0x1d0: {  	v52 =	vbroadcast v11, $0xF;
	v0 =	vsel vm8, v0, v50  }
0x1d1: {  	v53 =	vbroadcast v38, $0xF;
	v54, _, _ =	vpop (xrf2);
	v0 =	vsel vm9, v0, v51  }
0x1d2: {  	v55 =	vbroadcast v54, $0xF;
	v0 =	vsel vm10, v0, v52  }
0x1d3: {  	v57 =	vbroadcast v9, $0xF;
	v0 =	vsel vm11, v0, v53  }
0x1d4: {  	v0 =	vsel vm12, v0, v55  }
0x1d5: {  	v0 =	vsel vm13, v0, v57;
	v58, _, _ =	vpop (xrf2)  }
0x1d6: {  	s22 =	sshra.s32 s22, $0x2;
	v0 =	vsel vm14, v0, v58  }
0x1d7: {  	p0 =	seq.s32 s20, $0x9;
	[tilespmem:v59+s22+$0x0 ss:$0x1] =	vst.idx.msk $0xffff, v0  }
0x1d8: {  	s21 =	sadd.s32 @!p0 s21, s7;
	_ =	swait.ge [sflag:s14], $0x5000  }
0x1d9: {  	s21 =	sshll.u32 @!p0 s21, $0x4;
	[sflag:s14] =	ssyncset.done $0x0  }
0x1da: {  	s21 =	sadd.s32 @!p0 s1, s21;
	s22 =	simm.s32 @!p0 $0x0;
	v45 =	vld [tilespmem:$0x1FFF0];
	[sflag:s14] =	ssyncadd.s32 $0xFFFFB000  }
0x1db: {  	v40 =	vld [tilespmem:$0x1FFE0];
	[tilespmem:s22], [sflag:$0x1] =	stream.linear.gather @!p0 [hbm4b:s21+s22], $0x5000, $0x38  }
0x1dc: {  	v52 =	vld [tilespmem:$0x1FFD0];
	s21 =	simm.s32 $0x5400  }
0x1dd: {  	v0 =	vld [tilespmem:s21+$0x370]  }
0x1de: {  	v15 =	vld [tilespmem:s21+$0x3D0]  }
0x1df: {  	v25 =	vld [tilespmem:s21+$0x2F0]  }
0x1e0: {  	v1 =	vld [tilespmem:s21+$0x360]  }
0x1e1: {  	v60 =	vld [tilespmem:s21+$0x3C0]  }
0x1e2: {  	v22 =	vld [tilespmem:s21+$0x270]  }
0x1e3: {  	v61 =	vld [tilespmem:s21+$0x2E0]  }
0x1e4: {  	v2 =	vld [tilespmem:s21+$0x350]  }
0x1e5: {  	v19 =	vld [tilespmem:s21+$0x3B0]  }
0x1e6: {  	v17 =	vld [tilespmem:s21+$0x1F0]  }
0x1e7: {  	v3 =	vld [tilespmem:s21+$0x260]  }
0x1e8: {  	v62 =	vld [tilespmem:s21+$0x2D0]  }
0x1e9: {  	v4 =	vld [tilespmem:s21+$0x340]  }
0x1ea: {  	v14 =	vld [tilespmem:s21+$0x3A0]  }
0x1eb: {  	v63 =	vld [tilespmem:s21+$0x170]  }
0x1ec: {  	v23 =	vld [tilespmem:s21+$0x1E0]  }
0x1ed: {  	v11 =	vld [tilespmem:s21+$0x250]  }
0x1ee: {  	v57 =	vld [tilespmem:s21+$0x2C0]  }
0x1ef: {  	v8 =	vld [tilespmem:s21+$0x330]  }
0x1f0: {  	v9 =	vld [tilespmem:s21+$0x380]  }
0x1f1: {  	v12 =	vld [tilespmem:s21+$0x390]  }
0x1f2: {  	v21 =	vld [tilespmem:s21+$0xF0]  }
0x1f3: {  	v53 =	vld [tilespmem:s21+$0x160]  }
0x1f4: {  	v26 =	vld [tilespmem:s21+$0x1D0]  }
0x1f5: {  	v16 =	vld [tilespmem:s21+$0x240]  }
0x1f6: {  	v36 =	vld [tilespmem:s21+$0x2B0]  }
0x1f7: {  	v18 =	vld [tilespmem:s21+$0x320]  }
0x1f8: {  	v20 =	vld [tilespmem:s21+$0x300]  }
0x1f9: {  	v24 =	vld [tilespmem:s21+$0x310]  }
0x1fa: {  	v10 =	vld [tilespmem:s21+$0x70]  }
0x1fb: {  	v13 =	vld [tilespmem:s21+$0xE0];
	v27 =	vsub.f32 v0, v56  }
0x1fc: {  	v54 =	vld [tilespmem:s21+$0x150];
	[tilespmem:$0x1F930] =	vst v15;
	v15 =	vsub.f32 v15, v45;
	v29 =	vsub.f32 v1, v49  }
0x1fd: {  	v28 =	vld [tilespmem:s21+$0x1C0];
	v30 =	vsub.f32 v22, v56;
	v43 =	vsub.f32 v20, v5  }
0x1fe: {  	v31 =	vld [tilespmem:s21+$0x230];
	v46 =	vsub.f32 v24, v6;
	v34 =	vsub.f32 v2, v45  }
0x1ff: {  	v50 =	vld [tilespmem:s21+$0x2A0];
	v37 =	vsub.f32 v17, v56;
	v48 =	vsub.f32 v18, v35  }
0x200: {  	v32 =	vld [tilespmem:s21+$0x210];
	v38 =	vsub.f32 v19, v52;
	v39 =	vsub.f32 v3, v49  }
0x201: {  	v55 =	vld [tilespmem:s21+$0xFFFFFFF0];
	[tilespmem:$0x1F950] =	vst v25;
	v58 =	vsub.f32 v8, v52;
	v59 =	vsub.f32 v4, v40  }
0x202: {  	v41 =	vld [tilespmem:s21+$0x1B0];
	[tilespmem:$0x1F9B0] =	vst v62;
	v42 =	vsub.f32 v21, v56;
	v7 =	vsub.f32 v53, v49;
	v20 =	vmul.f32 v43, v20  }
0x203: {  	v33 =	vld [tilespmem:s21+$0xB0];
	[tilespmem:$0x1F940] =	vst v15;
	v15 =	vsub.f32 v25, v56;
	v47 =	vmul.f32 v46, v24;
	v51 =	vmul.f32 v48, v18  }
0x204: {  	[tilespmem:$0x1FA00] =	vst v53;
	v53 =	vld [tilespmem:s21+$0x0];
	v18 =	vsub.f32 v62, v45;
	v8 =	vmul.f32 v58, v8;
	v62 =	vsub.f32 v9, v5  }
0x205: {  	[tilespmem:$0x1F970] =	vst v60;
	v25 =	vld [tilespmem:s21+$0xD0];
	v4 =	vmul.f32 v59, v4;
	v2 =	vmul.f32 v34, v2;
	v58 =	vsub.f32 v32, v6  }
0x206: {  	[tilespmem:$0x1F990] =	vst v61;
	v24 =	vld [tilespmem:s21+$0x140];
	v1 =	vmul.f32 v29, v1;
	v0 =	vmul.f32 v27, v0;
	v20 =	vadd.f32 v47, v20  }
0x207: {  	v43 =	vld [tilespmem:s21+$0x200];
	v27 =	vsub.f32 v31, v52;
	v3 =	vmul.f32 v39, v3;
	[tilespmem:$0x1F960] =	vst v15;
	v15 =	vsub.f32 v60, v40  }
0x208: {  	v46 =	vld [tilespmem:s21+$0x280];
	[tilespmem:$0x1FA10] =	vst v7;
	v39 =	vsub.f32 v10, v56;
	v22 =	vmul.f32 v30, v22;
	v20 =	vadd.f32 v51, v20  }
0x209: {  	v7 =	vmul.f32 v38, v19;
	v60 =	vsub.f32 v63, v56;
	[tilespmem:$0x1F980] =	vst v15;
	v15 =	vsub.f32 v61, v49;
	v61 =	vld [tilespmem:s21+$0x220]  }
0x20a: {  	[tilespmem:$0x1F9D0] =	vst v63;
	v48 =	vld [tilespmem:s21+$0x290];
	v17 =	vmul.f32 v37, v17;
	v63 =	vsub.f32 v12, v6;
	v8 =	vadd.f32 v8, v20  }
0x20b: {  	v59 =	vld [tilespmem:s21+$0xFFFFFFE0];
	v37 =	vmul.f32 v42, v21;
	v21 =	vsub.f32 v33, v52;
	[tilespmem:$0x1F9C0] =	vst v18;
	v18 =	vsub.f32 v14, v35  }
0x20c: {  	v29 =	vld [tilespmem:s21+$0x190];
	v4 =	vadd.f32 v4, v8;
	v8 =	vmul.f32 v63, v12;
	v12 =	vsub.f32 v43, v5  }
0x20d: {  	v34 =	vld [tilespmem:s21+$0xC0];
	v47 =	vsub.f32 v11, v45;
	v44 =	vmul.f32 v62, v9;
	v32 =	vmul.f32 v58, v32  }
0x20e: {  	[tilespmem:$0x1F9E0] =	vst v60;
	v60 =	vsub.f32 v61, v35;
	v2 =	vadd.f32 v2, v4;
	v4 =	vld [tilespmem:s21+$0x180];
	v12 =	vmul.f32 v12, v43  }
0x20f: {  	v30 =	vld [tilespmem:s21+$0x20];
	v9 =	vsub.f32 v57, v40;
	v62 =	vsub.f32 v16, v40;
	v27 =	vmul.f32 v27, v31  }
0x210: {  	v61 =	vmul.f32 v60, v61;
	v1 =	vadd.f32 v1, v2;
	v2 =	vld [tilespmem:s21+$0x1A0];
	v12 =	vadd.f32 v32, v12  }
0x211: {  	v19 =	vld [tilespmem:s21+$0xFFFFFFC0];
	v51 =	vsub.f32 v23, v49;
	v16 =	vmul.f32 v62, v16;
	v62 =	vsub.f32 v28, v40  }
0x212: {  	v42 =	vld [tilespmem:s21+$0xFFFFFE60];
	v10 =	vmul.f32 v39, v10;
	v58 =	vsub.f32 v48, v6;
	v63 =	vadd.f32 v61, v12  }
0x213: {  	v38 =	vld [tilespmem:s21+$0xFFFFFCF0];
	v11 =	vmul.f32 v47, v11;
	v32 =	vsub.f32 v29, v6;
	v31 =	vsub.f32 v4, v5  }
0x214: {  	[tilespmem:$0x1FA50] =	vst v7;
	v47 =	vld [tilespmem:s21+$0xFFFFFE70];
	v7 =	vmul.f32 v18, v14;
	v0 =	vadd.f32 v0, v1;
	v1 =	vadd.f32 v27, v63  }
0x215: {  	v14 =	vld [tilespmem:s21+$0xFFFFFF30];
	[tilespmem:$0x1F9A0] =	vst v15;
	v27 =	vmul.f32 v32, v29;
	v4 =	vmul.f32 v31, v4;
	v29 =	vsub.f32 v2, v35  }
0x216: {  	v39 =	vsub.f32 v59, v49;
	v15 =	vld [tilespmem:s21+$0x60];
	v28 =	vmul.f32 v62, v28;
	[tilespmem:$0x1FBD0] =	vst v0;
	v0 =	vsub.f32 v46, v5  }
0x217: {  	v43 =	vld [tilespmem:s21+$0x50];
	v4 =	vadd.f32 v27, v4;
	v27 =	vsub.f32 v41, v52;
	v2 =	vmul.f32 v29, v2  }
0x218: {  	v62 =	vsub.f32 v25, v45;
	[tilespmem:$0x1FA60] =	vst v7;
	v7 =	vsub.f32 v55, v56;
	v0 =	vmul.f32 v0, v46;
	v46 =	vld [tilespmem:s21+$0x80]  }
0x219: {  	v8 =	vadd.f32 v8, v44;
	v2 =	vadd.f32 v2, v4;
	v4 =	vmul.f32 v27, v41;
	v27 =	vld [tilespmem:s21+$0x90]  }
0x21a: {  	v20 =	vld [tilespmem:s21+$0xFFFFFF70];
	v61 =	vmul.f32 v58, v48;
	v58 =	vsub.f32 v54, v45;
	v1 =	vadd.f32 v16, v1  }
0x21b: {  	[tilespmem:$0x1FA30] =	vst v54;
	v25 =	vmul.f32 v62, v25;
	v29 =	vsub.f32 v26, v45;
	v2 =	vadd.f32 v4, v2;
	v4 =	vld [tilespmem:s21+$0xA0]  }
0x21c: {  	v62 =	vld [tilespmem:s21+$0xFFFFFF20];
	[tilespmem:$0x1FA90] =	vst v7;
	v7 =	vmul.f32 v9, v57;
	v54 =	vsub.f32 v43, v45;
	v16 =	vsub.f32 v36, v52  }
0x21d: {  	v44 =	vld [tilespmem:s21+$0xFFFFFF60];
	v1 =	vadd.f32 v11, v1;
	v48 =	vmul.f32 v29, v26;
	v26 =	vsub.f32 v46, v5  }
0x21e: {  	v29 =	vld [tilespmem:s21+$0x10];
	v32 =	vadd.f32 v28, v2;
	v28 =	vsub.f32 v27, v6  }
0x21f: {  	[tilespmem:$0x1FAA0] =	vst v7;
	v7 =	vld [tilespmem:s21+$0xFFFFFCE0];
	v0 =	vadd.f32 v61, v0;
	v63 =	vadd.f32 v3, v1  }
0x220: {  	v60 =	vld [tilespmem:s21+$0xFFFFFFD0];
	v26 =	vmul.f32 v26, v46;
	v27 =	vmul.f32 v28, v27;
	v28 =	vsub.f32 v4, v35  }
0x221: {  	[tilespmem:$0x1F9F0] =	vst v8;
	v8 =	vld [tilespmem:s21+$0x130];
	v61 =	vmul.f32 v51, v23;
	v41 =	vsub.f32 v13, v49;
	v1 =	vadd.f32 v48, v32  }
0x222: {  	v31 =	vld [tilespmem:s21+$0x40];
	v48 =	vadd.f32 v22, v63;
	v22 =	vadd.f32 v27, v26;
	v4 =	vmul.f32 v28, v4  }
0x223: {  	v63 =	vld [tilespmem:s21+$0x30];
	v27 =	vsub.f32 v53, v5;
	v28 =	vsub.f32 v29, v6  }
0x224: {  	v1 =	vadd.f32 v61, v1;
	v26 =	vld [tilespmem:s21+$0x100];
	v4 =	vadd.f32 v4, v22  }
0x225: {  	v12 =	vld [tilespmem:s21+$0xFFFFFEF0];
	v3 =	vmul.f32 v27, v53;
	v22 =	vmul.f32 v28, v29;
	v28 =	vsub.f32 v30, v35  }
0x226: {  	v46 =	vmul.f32 v21, v33;
	v61 =	vsub.f32 v20, v56;
	v27 =	vld [tilespmem:s21+$0x110];
	v29 =	vsub.f32 v34, v40  }
0x227: {  	[tilespmem:$0x1FA40] =	vst v58;
	v58 =	vld [tilespmem:s21+$0xFFFFFE80];
	v53 =	vsub.f32 v31, v40;
	v3 =	vadd.f32 v22, v3;
	v22 =	vmul.f32 v28, v30  }
0x228: {  	v11 =	vld [tilespmem:s21+$0x120];
	v28 =	vsub.f32 v63, v52;
	v29 =	vmul.f32 v29, v34;
	v4 =	vadd.f32 v46, v4  }
0x229: {  	v23 =	vld [tilespmem:s21+$0xFFFFFEE0];
	v57 =	vmul.f32 v16, v36;
	v34 =	vsub.f32 v50, v35;
	v30 =	vsub.f32 v26, v5  }
0x22a: {  	v51 =	vld [tilespmem:s21+$0xFFFFFED0];
	v3 =	vadd.f32 v22, v3;
	v2 =	vmul.f32 v28, v63;
	v4 =	vadd.f32 v29, v4  }
0x22b: {  	v29 =	vmul.f32 v53, v31;
	v31 =	vld [tilespmem:s21+$0xFFFFFF00];
	v26 =	vmul.f32 v30, v26;
	v30 =	vsub.f32 v27, v6  }
0x22c: {  	v16 =	vld [tilespmem:s21+$0xFFFFFE40];
	v13 =	vmul.f32 v41, v13;
	v53 =	vsub.f32 v47, v56;
	v2 =	vadd.f32 v2, v3  }
0x22d: {  	v4 =	vadd.f32 v25, v4;
	v25 =	vld [tilespmem:s21+$0xFFFFFF10];
	v27 =	vmul.f32 v30, v27;
	v30 =	vadd.f32 v17, v1  }
0x22e: {  	v36 =	vld [tilespmem:s21+$0xFFFFFDC0];
	v2 =	vadd.f32 v29, v2;
	v29 =	vsub.f32 v15, v49  }
0x22f: {  	v3 =	vmul.f32 v54, v43;
	v4 =	vadd.f32 v13, v4;
	v13 =	vld [tilespmem:s21+$0xFFFFFE90];
	v63 =	vadd.f32 v27, v26  }
0x230: {  	v21 =	vld [tilespmem:s21+$0xFFFFFDF0];
	v17 =	vsub.f32 v31, v5;
	v27 =	vsub.f32 v58, v5  }
0x231: {  	v43 =	vld [tilespmem:s21+$0xFFFFFEA0];
	v15 =	vmul.f32 v29, v15;
	v29 =	vsub.f32 v44, v49;
	v2 =	vadd.f32 v3, v2  }
0x232: {  	v28 =	vld [tilespmem:s21+$0xFFFFFF40];
	v4 =	vadd.f32 v37, v4;
	v18 =	vsub.f32 v25, v6  }
0x233: {  	v37 =	vld [tilespmem:s21+$0xFFFFFE50];
	v17 =	vmul.f32 v17, v31;
	v27 =	vmul.f32 v27, v58;
	v2 =	vadd.f32 v15, v2  }
0x234: {  	[tilespmem:$0x1FA80] =	vst v4;
	v4 =	vld [tilespmem:s21+$0xFFFFFEB0];
	v15 =	vmul.f32 v61, v20;
	v26 =	vmul.f32 v29, v44;
	v29 =	vsub.f32 v13, v6  }
0x235: {  	[tilespmem:$0x1FA20] =	vst v0;
	v0 =	vld [tilespmem:s21+$0xFFFFFF50];
	v44 =	vsub.f32 v21, v56;
	v18 =	vmul.f32 v18, v25;
	v25 =	vsub.f32 v62, v35  }
0x236: {  	v20 =	vld [tilespmem:s21+$0xFFFFFD70];
	v2 =	vadd.f32 v10, v2;
	v13 =	vmul.f32 v29, v13;
	v29 =	vsub.f32 v43, v35  }
0x237: {  	[tilespmem:$0x1FAC0] =	vst v57;
	v31 =	vld [tilespmem:s21+$0xFFFFFEC0];
	v17 =	vadd.f32 v18, v17;
	v3 =	vmul.f32 v25, v62;
	v18 =	vsub.f32 v14, v52  }
0x238: {  	v57 =	vld [tilespmem:s21+$0xFFFFFE30];
	[tilespmem:$0x1FB90] =	vst v37;
	v37 =	vsub.f32 v37, v45;
	v13 =	vadd.f32 v13, v27;
	v1 =	vmul.f32 v29, v43  }
0x239: {  	v32 =	vld [tilespmem:s21+$0xFFFFFDE0];
	v27 =	vsub.f32 v4, v52;
	v14 =	vmul.f32 v18, v14;
	v18 =	vsub.f32 v28, v40  }
0x23a: {  	v58 =	vmul.f32 v34, v50;
	v3 =	vadd.f32 v3, v17;
	v29 =	vld [tilespmem:s21+$0xFFFFFC70];
	v43 =	vsub.f32 v11, v35  }
0x23b: {  	v17 =	vld [tilespmem:s21+$0xFFFFFF80];
	v50 =	vsub.f32 v20, v56;
	v1 =	vadd.f32 v1, v13;
	v4 =	vmul.f32 v27, v4  }
0x23c: {  	v13 =	vsub.f32 v31, v40;
	v27 =	vld [tilespmem:s21+$0xFFFFFF90];
	v18 =	vmul.f32 v18, v28;
	v3 =	vadd.f32 v14, v3  }
0x23d: {  	v22 =	vld [tilespmem:s21+$0xFFFFFFB0];
	v28 =	vsub.f32 v0, v45;
	v1 =	vadd.f32 v4, v1  }
0x23e: {  	[tilespmem:$0x1FB20] =	vst v39;
	v4 =	vmul.f32 v13, v31;
	v13 =	vsub.f32 v51, v45;
	v3 =	vadd.f32 v18, v3;
	v18 =	vld [tilespmem:s21+$0xFFFFFD80]  }
0x23f: {  	[tilespmem:$0x1FAD0] =	vst v58;
	v58 =	vld [tilespmem:s21+$0xFFFFFCD0];
	v14 =	vsub.f32 v23, v49;
	v0 =	vmul.f32 v28, v0;
	v39 =	vsub.f32 v29, v56  }
0x240: {  	v10 =	vld [tilespmem:s21+$0xFFFFFD50];
	v1 =	vadd.f32 v4, v1;
	v4 =	vsub.f32 v17, v5;
	v13 =	vmul.f32 v13, v51  }
0x241: {  	v14 =	vmul.f32 v14, v23;
	v0 =	vadd.f32 v0, v3;
	v51 =	vld [tilespmem:s21+$0xFFFFFD90];
	v23 =	vsub.f32 v27, v6  }
0x242: {  	v25 =	vld [tilespmem:s21+$0xFFFFFFA0];
	v4 =	vmul.f32 v4, v17;
	v17 =	vsub.f32 v12, v56;
	v1 =	vadd.f32 v13, v1  }
0x243: {  	[tilespmem:$0x1FA70] =	vst v63;
	v28 =	vld [tilespmem:s21+$0xFFFFFD60];
	v0 =	vadd.f32 v26, v0;
	v23 =	vmul.f32 v23, v27;
	v63 =	vsub.f32 v18, v5  }
0x244: {  	v13 =	vld [tilespmem:s21+$0xFFFFFE00];
	v12 =	vmul.f32 v17, v12;
	v17 =	vsub.f32 v24, v40;
	v1 =	vadd.f32 v14, v1  }
0x245: {  	v26 =	vld [tilespmem:s21+$0xFFFFFE10];
	v61 =	vadd.f32 v15, v0;
	v15 =	vmul.f32 v50, v20;
	v50 =	vsub.f32 v36, v40  }
0x246: {  	v14 =	vld [tilespmem:s21+$0xFFFFFDA0];
	v54 =	vadd.f32 v23, v4;
	v33 =	vsub.f32 v51, v6  }
0x247: {  	[tilespmem:$0x1FB10] =	vst v59;
	v27 =	vld [tilespmem:s21+$0xFFFFFDD0];
	v23 =	vsub.f32 v57, v52;
	v62 =	vadd.f32 v12, v1;
	v1 =	vmul.f32 v63, v18  }
0x248: {  	[tilespmem:$0x1FB70] =	vst v42;
	v0 =	vld [tilespmem:s21+$0xFFFFFC60];
	v12 =	vsub.f32 v8, v52;
	v18 =	vmul.f32 v44, v21;
	v44 =	vsub.f32 v60, v45  }
0x249: {  	[tilespmem:$0x1FB30] =	vst v60;
	v20 =	vld [tilespmem:s21+$0xFFFFFD10];
	v4 =	vmul.f32 v17, v24;
	v60 =	vsub.f32 v32, v49;
	v24 =	vsub.f32 v7, v49  }
0x24a: {  	[tilespmem:$0x1FAB0] =	vst v2;
	v17 =	vld [tilespmem:s21+$0xFFFFFD20];
	v9 =	vsub.f32 v26, v6;
	v2 =	vmul.f32 v33, v51;
	v33 =	vsub.f32 v42, v49  }
0x24b: {  	v51 =	vld [tilespmem:s21+$0xFFFFFD40];
	[tilespmem:$0x1FAE0] =	vst v4;
	v4 =	vsub.f32 v13, v5;
	v8 =	vmul.f32 v12, v8;
	v34 =	vsub.f32 v14, v35  }
0x24c: {  	[tilespmem:$0x1FBB0] =	vst v38;
	v9 =	vmul.f32 v9, v26;
	v1 =	vadd.f32 v2, v1;
	v26 =	vld [tilespmem:s21+$0xFFFFFC50];
	v2 =	vmul.f32 v43, v11  }
0x24d: {  	v42 =	vsub.f32 v38, v56;
	[tilespmem:$0x1FB40] =	vst v44;
	v11 =	vmul.f32 v60, v32;
	v32 =	vld [tilespmem:s21+$0xFFFFFC30];
	v4 =	vmul.f32 v4, v13  }
0x24e: {  	v44 =	vsub.f32 v27, v45;
	[tilespmem:$0x1FAF0] =	vst v8;
	v8 =	vsub.f32 v19, v40;
	v3 =	vmul.f32 v34, v14;
	v14 =	vld [tilespmem:s21+$0xFFFFFE20]  }
0x24f: {  	[tilespmem:$0x1FB50] =	vst v47;
	v43 =	vsub.f32 v22, v52;
	v63 =	vadd.f32 v9, v4;
	v9 =	vld [tilespmem:s21+$0xFFFFFC40]  }
0x250: {  	v41 =	vmovc v55;
	v47 =	vsub.f32 v0, v49;
	v31 =	vmul.f32 v44, v27;
	v55 =	vmul.f32 v8, v19;
	v8 =	vld [tilespmem:s21+$0xFFFFFCC0]  }
0x251: {  	v46 =	vmovc v35;
	v59 =	vmul.f32 v43, v22;
	v43 =	vsub.f32 v28, v49;
	v49 =	vsub.f32 v10, v45;
	v4 =	vld [tilespmem:s21+$0xFFFFFD00]  }
0x252: {  	[tilespmem:$0x1FB60] =	vst v53;
	v34 =	vsub.f32 v25, v46;
	v22 =	vmul.f32 v39, v29;
	v35 =	vadd.f32 v3, v1;
	v3 =	vld [tilespmem:s21+$0xFFFFFDB0]  }
0x253: {  	v53 =	vmovc v16;
	v13 =	vmul.f32 v47, v0;
	v39 =	vsub.f32 v20, v6;
	v56 =	vmul.f32 v49, v10;
	v49 =	vld [tilespmem:$0x1FBD0]  }
0x254: {  	[tilespmem:$0x1FBA0] =	vst v37;
	v60 =	vsub.f32 v16, v40;
	v19 =	vld [tilespmem:s21+$0xFFFFFD30];
	v21 =	vmul.f32 v34, v25;
	v16 =	vmul.f32 v43, v28  }
0x255: {  	[tilespmem:$0x1FB80] =	vst v33;
	v29 =	vld [tilespmem:s21+$0xFFFFFCB0];
	v10 =	vsub.f32 v58, v45;
	v47 =	vmul.f32 v39, v20;
	v28 =	vsub.f32 v26, v45  }
0x256: {  	v38 =	vld [tilespmem:s21+$0xFFFFFC00];
	[tilespmem:$0x1FBC0] =	vst v42;
	v39 =	vmul.f32 v50, v36;
	v36 =	vsub.f32 v32, v52;
	v27 =	vsub.f32 v14, v46  }
0x257: {  	v42 =	vld [tilespmem:s21+$0xFFFFFC10];
	[tilespmem:$0x1FB00] =	vst v2;
	v50 =	vmov s18;
	v34 =	vsub.f32 v4, v5;
	v25 =	vsub.f32 v9, v40  }
0x258: {  	v43 =	vld [tilespmem:s21+$0xFFFFFC90];
	[tilespmem:$0x1FBE0] =	vst v50;
	v20 =	vsub.f32 v8, v40;
	v33 =	vsub.f32 v3, v52;
	(xrf2) =	vadd.scan.msk.f32 $0xffff, v49  }
0x259: {  	v37 =	vsub.f32 v19, v52;
	v45 =	vmul.f32 v34, v4;
	v34 =	vld [tilespmem:s21+$0xFFFFFC20];
	(xrf2) =	vadd.scan.msk.f32 $0xffff, v48;
	v48 =	vsub.f32 v17, v46  }
0x25a: {  	s23 =	simm.s32 $0x40;
	s22 =	simm.s32 $0x0;
	v44 =	vmul.f32 v33, v3;
	v33 =	vsub.f32 v51, v40;
	v40 =	vld [tilespmem:s21+$0xFFFFFC80];
	(xrf2) =	vadd.scan.msk.f32 $0xffff, v30;
	v30 =	vsub.f32 v29, v52  }
.LBB2_5:
0x25b: {  	v46 =	vld [tilespmem:$0x1FF80]  }
0x25c: {  	v12 =	vld [tilespmem:$0x1FF90];
	_ =	sdelay $0x1  }
0x25d: {  	v50 =	vld [tilespmem:$0x1FFA0];
	_ =	sdelay $0x2  }
0x25e: {  	v0 =	vmul.f32 v28, v26;
	v1 =	vld [tilespmem:s21+$0xFFFFFCA0];
	v4 =	vsub.f32 v38, v46;
	v26 =	vsub.f32 v42, v12  }
0x25f: {  	v3 =	vadd.f32 v44, v35;
	v33 =	vmul.f32 v33, v51  }
0x260: {  	v5 =	vld [tilespmem:$0x1FA80];
	v28 =	vsub.f32 v34, v50;
	v4 =	vmul.f32 v4, v38;
	v26 =	vmul.f32 v26, v42  }
0x261: {  	v6 =	vld [tilespmem:$0x1FAB0];
	v19 =	vmul.f32 v37, v19;
	v51 =	vsub.f32 v40, v46;
	v52 =	vsub.f32 v43, v12  }
0x262: {  	v3 =	vadd.f32 v39, v3;
	v4 =	vadd.f32 v26, v4;
	v26 =	vmul.f32 v28, v34  }
0x263: {  	v37 =	vmul.f32 v51, v40;
	v38 =	vmul.f32 v52, v43;
	v28 =	vsub.f32 v1, v50  }
0x264: {  	v4 =	vadd.f32 v26, v4;
	v26 =	vmul.f32 v36, v32  }
0x265: {  	(xrf2) =	vadd.scan.msk.f32 $0xffff, v5;
	v3 =	vadd.f32 v31, v3;
	v31 =	vadd.f32 v38, v37;
	v1 =	vmul.f32 v28, v1  }
0x266: {  	v5, _, _ =	vpop (xrf2);
	(xrf2) =	vadd.scan.msk.f32 $0xffff, v6;
	v6 =	vmul.f32 v25, v9;
	v4 =	vadd.f32 v26, v4  }
0x267: {  	v3 =	vadd.f32 v11, v3;
	v11 =	vmul.f32 v30, v29;
	v1 =	vadd.f32 v1, v31  }
0x268: {  	v14 =	vmul.f32 v27, v14;
	v4 =	vadd.f32 v6, v4  }
0x269: {  	v2 =	vadd.f32 v47, v45;
	v17 =	vmul.f32 v48, v17;
	v1 =	vadd.f32 v11, v1  }
0x26a: {  	v11 =	vmul.f32 v23, v57;
	v0 =	vadd.f32 v0, v4;
	v4 =	vadd.f32 v14, v63  }
0x26b: {  	v2 =	vadd.f32 v17, v2;
	v6 =	vmul.f32 v20, v8  }
0x26c: {  	v0 =	vadd.f32 v13, v0;
	v4 =	vadd.f32 v11, v4;
	v13 =	vmul.f32 v60, v53  }
0x26d: {  	v2 =	vadd.f32 v19, v2;
	v1 =	vadd.f32 v6, v1;
	v6 =	vld [tilespmem:$0x1FBA0]  }
0x26e: {  	v42 =	vadd.f32 v13, v4;
	v4 =	vld [tilespmem:$0x1FB90]  }
0x26f: {  	v2 =	vadd.f32 v33, v2;
	_ =	sdelay $0x1  }
0x270: {  	v2 =	vadd.f32 v56, v2  }
0x271: {  	v43 =	vld [tilespmem:$0x1FBB0]  }
0x272: {  	v2 =	vadd.f32 v16, v2;
	v4 =	vmul.f32 v6, v4;
	v6 =	vld [tilespmem:$0x1FBC0]  }
0x273: {  	v17, _, _ =	vpop (xrf2);
	(xrf2) =	vadd.scan.msk.f32 $0xffff, v61;
	v3 =	vadd.f32 v18, v3  }
0x274: {  	v19, _, _ =	vpop (xrf2);
	(xrf2) =	vadd.scan.msk.f32 $0xffff, v62;
	v2 =	vadd.f32 v15, v2  }
0x275: {  	v9, _, _ =	vpop (xrf2);
	(xrf2) =	vadd.scan.msk.f32 $0xffff, v3  }
0x276: {  	v8, _, _ =	vpop (xrf2);
	(xrf2) =	vadd.scan.msk.f32 $0xffff, v2;
	v2 =	vadd.f32 v4, v42;
	v4 =	vld [tilespmem:$0x1FB70]  }
0x277: {  	v3 =	vmul.f32 v6, v43;
	v6 =	vld [tilespmem:$0x1FB80];
	_ =	sdelay $0x3  }
0x278: {  	v40 =	vmul.f32 v24, v7;
	v7 =	vld [tilespmem:$0x1FB00]  }
0x279: {  	v4 =	vmul.f32 v6, v4;
	v6 =	vld [tilespmem:$0x1FA70];
	_ =	sdelay $0x3  }
0x27a: {  	v47 =	vld [tilespmem:$0x1FB30];
	v39 =	vmul.f32 v10, v58  }
0x27b: {  	v13 =	vadd.f32 v7, v6;
	v6 =	vld [tilespmem:$0x1FB40]  }
0x27c: {  	v1 =	vadd.f32 v39, v1;
	_ =	sdelay $0x1  }
0x27d: {  	v1 =	vadd.f32 v40, v1  }
0x27e: {  	v2 =	vadd.f32 v4, v2;
	v4 =	vld [tilespmem:$0x1FB50]  }
0x27f: {  	v44 =	vadd.f32 v3, v1;
	v3 =	vmul.f32 v6, v47;
	v6 =	vld [tilespmem:$0x1FB60];
	_ =	sdelay $0x4  }
0x280: {  	v4 =	vmul.f32 v6, v4;
	v6 =	vld [tilespmem:$0x1FAF0];
	_ =	sdelay $0x3  }
0x281: {  	v48 =	vld [tilespmem:$0x1FB10];
	v11 =	vadd.f32 v21, v54  }
0x282: {  	v15 =	vadd.f32 v6, v13;
	v6 =	vld [tilespmem:$0x1FB20]  }
0x283: {  	v14 =	vadd.f32 v59, v11;
	_ =	sdelay $0x1  }
0x284: {  	v45 =	vadd.f32 v55, v14  }
0x285: {  	v7 =	vld [tilespmem:$0x1FAD0]  }
0x286: {  	v1 =	vadd.f32 v3, v45;
	v3 =	vmul.f32 v6, v48;
	v6 =	vld [tilespmem:$0x1FA20];
	_ =	sdelay $0x3  }
0x287: {  	v49 =	vadd.f32 v4, v2;
	v4 =	vld [tilespmem:$0x1FA30]  }
0x288: {  	v14 =	vadd.f32 v7, v6;
	v6 =	vld [tilespmem:$0x1FA40];
	_ =	sdelay $0x1  }
0x289: {  	v51 =	vld [tilespmem:$0x1FAE0];
	_ =	sdelay $0x2  }
0x28a: {  	v4 =	vmul.f32 v6, v4;
	v6 =	vld [tilespmem:$0x1FAC0];
	_ =	sdelay $0x1  }
0x28b: {  	v2 =	vadd.f32 v51, v15;
	_ =	sdelay $0x1  }
0x28c: {  	v2 =	vadd.f32 v4, v2;
	v4 =	vld [tilespmem:$0x1FA00]  }
0x28d: {  	v14 =	vadd.f32 v6, v14;
	v6 =	vld [tilespmem:$0x1FA10];
	_ =	sdelay $0x3  }
0x28e: {  	v7 =	vld [tilespmem:$0x1FA60]  }
0x28f: {  	v4 =	vmul.f32 v6, v4;
	v6 =	vld [tilespmem:$0x1F9F0];
	_ =	sdelay $0x2  }
0x290: {  	v52 =	vld [tilespmem:$0x1FA90]  }
0x291: {  	v55 =	vld [tilespmem:$0x1F9B0]  }
0x292: {  	v16 =	vadd.f32 v7, v6;
	v6 =	vld [tilespmem:$0x1F9C0];
	_ =	sdelay $0x2  }
0x293: {  	v1 =	vadd.f32 v3, v1;
	v3 =	vmul.f32 v52, v41  }
0x294: {  	v2 =	vadd.f32 v4, v2;
	v4 =	vld [tilespmem:$0x1F9D0]  }
0x295: {  	v53 =	vadd.f32 v3, v1;
	v3 =	vmul.f32 v6, v55;
	v6 =	vld [tilespmem:$0x1F9E0];
	_ =	sdelay $0x3  }
0x296: {  	v20 =	vld [tilespmem:$0x1F980]  }
0x297: {  	v4 =	vmul.f32 v6, v4;
	v6 =	vld [tilespmem:$0x1F970];
	_ =	sdelay $0x2  }
0x298: {  	v54 =	vld [tilespmem:$0x1FAA0]  }
0x299: {  	v56 =	vld [tilespmem:$0x1F990]  }
0x29a: {  	v20 =	vmul.f32 v20, v6;
	v6 =	vld [tilespmem:$0x1F9A0];
	_ =	sdelay $0x1  }
0x29b: {  	v0 =	vadd.f32 v22, v0  }
0x29c: {  	v58 =	vld [tilespmem:$0x1F930];
	v1 =	vadd.f32 v54, v14  }
0x29d: {  	v10, _, _ =	vpop (xrf2);
	v59 =	vld [tilespmem:$0x1F950];
	(xrf2) =	vadd.scan.msk.f32 $0xffff, v0  }
0x29e: {  	v11, _, _ =	vpop (xrf2);
	(xrf2) =	vadd.scan.msk.f32 $0xffff, v44;
	v1 =	vadd.f32 v3, v1;
	v3 =	vmul.f32 v6, v56;
	v6 =	vld [tilespmem:$0x1FA50]  }
0x29f: {  	v13, _, _ =	vpop (xrf2);
	(xrf2) =	vadd.scan.msk.f32 $0xffff, v49;
	v49 =	vld [tilespmem:$0x1FFB0]  }
0x2a0: {  	v15 =	vld [tilespmem:s21+$0x3E0]  }
0x2a1: {  	v51 =	vld [tilespmem:$0x1FFC0]  }
0x2a2: {  	v57 =	vadd.f32 v4, v2;
	v4 =	vld [tilespmem:$0x1F940]  }
0x2a3: {  	v16 =	vadd.f32 v6, v16;
	v6 =	vld [tilespmem:$0x1F960]  }
0x2a4: {  	v14 =	vld [tilespmem:s21+$0x3F0];
	_ =	sdelay $0x1  }
0x2a5: {  	v18, _, _ =	vpop (xrf2);
	(xrf2) =	vadd.scan.msk.f32 $0xffff, v53  }
0x2a6: {  	v2 =	vmul.f32 v4, v58;
	v4 =	vsub.f32 v15, v49  }
0x2a7: {  	v1 =	vadd.f32 v3, v1;
	v16 =	vadd.f32 v20, v16;
	v6 =	vmul.f32 v6, v59  }
0x2a8: {  	v21, _, _ =	vpop (xrf2);
	(xrf2) =	vadd.scan.msk.f32 $0xffff, v57;
	v20 =	vsub.f32 v14, v51  }
0x2a9: {  	v63, _, _ =	vpop (xrf2);
	v62 =	vmul.f32 v4, v15;
	v61 =	vadd.f32 v2, v16;
	v60 =	vadd.f32 v6, v1  }
0x2aa: {  	v3 =	vbroadcast v63, $0xF;
	v6 =	vbroadcast v21, $0xF  }
0x2ab: {  	v15 =	vbroadcast v18, $0xF;
	v32 =	vmul.f32 v20, v14;
	v1 =	vadd.f32 v62, v61;
	(xrf2) =	vadd.scan.msk.f32 $0xffff, v60  }
0x2ac: {  	v34 =	vbroadcast v13, $0xF;
	v4, _, _ =	vpop (xrf2);
	v33 =	vsel vm0, v6, v3  }
0x2ad: {  	v6 =	vbroadcast v4, $0xF;
	v1 =	vadd.f32 v32, v1;
	v0 =	vsel vm1, v33, v15  }
0x2ae: {  	v35 =	vbroadcast v11, $0xF;
	v0 =	vsel vm2, v0, v34  }
0x2af: {  	v4, _, _ =	vpop (xrf2);
	(xrf2) =	vadd.scan.msk.f32 $0xffff, v1;
	v0 =	vsel vm3, v0, v6;
	v6 =	vbroadcast v10, $0xF  }
0x2b0: {  	v36 =	vbroadcast v4, $0xF;
	v0 =	vsel vm4, v0, v35  }
0x2b1: {  	v37 =	vbroadcast v8, $0xF;
	v0 =	vsel vm5, v0, v6  }
0x2b2: {  	v38 =	vbroadcast v9, $0xF;
	v39, _, _ =	vpop (xrf2);
	v0 =	vsel vm6, v0, v36  }
0x2b3: {  	v47 =	vld [tilespmem:$0x1FBE0];
	v40 =	vbroadcast v39, $0xF;
	v0 =	vsel vm7, v0, v37  }
0x2b4: {  	v41 =	vbroadcast v19, $0xF;
	v0 =	vsel vm8, v0, v38  }
0x2b5: {  	v42 =	vbroadcast v17, $0xF;
	v0 =	vsel vm9, v0, v40;
	v43, _, _ =	vpop (xrf2)  }
0x2b6: {  	v0 =	vsel vm10, v0, v41;
	v3 =	vbroadcast v43, $0xF  }
0x2b7: {  	v44 =	vbroadcast v5, $0xF;
	v0 =	vsel vm11, v0, v42  }
0x2b8: {  	v0 =	vsel vm12, v0, v3  }
0x2b9: {  	v45, _, _ =	vpop (xrf2);
	v0 =	vsel vm13, v0, v44  }
0x2ba: {  	s24 =	sshra.s32 s22, $0x2;
	v5 =	vld [tilespmem:$0x1FFF0];
	v0 =	vsel vm14, v0, v45  }
0x2bb: {  	v52 =	vld [tilespmem:$0x1FFD0];
	s21 =	sadd.s32 $0x800, s21;
	[tilespmem:v47+s24+$0x0 ss:$0x1] =	vst.idx.msk $0xffff, v0  }
0x2bc: {  	v16 =	vld [tilespmem:s21+$0x370]  }
0x2bd: {  	v6 =	vld [tilespmem:s21+$0x3D0]  }
0x2be: {  	v14 =	vld [tilespmem:s21+$0x2F0]  }
0x2bf: {  	v26 =	vld [tilespmem:s21+$0x360]  }
0x2c0: {  	v19 =	vld [tilespmem:s21+$0x3C0]  }
0x2c1: {  	v9 =	vld [tilespmem:s21+$0x270]  }
0x2c2: {  	v24 =	vld [tilespmem:s21+$0x2E0]  }
0x2c3: {  	v0 =	vld [tilespmem:s21+$0x350]  }
0x2c4: {  	v29 =	vld [tilespmem:s21+$0x3B0]  }
0x2c5: {  	v33 =	vld [tilespmem:s21+$0x1F0]  }
0x2c6: {  	v10 =	vld [tilespmem:s21+$0x260]  }
0x2c7: {  	v32 =	vld [tilespmem:s21+$0x2D0]  }
0x2c8: {  	v1 =	vld [tilespmem:s21+$0x340]  }
0x2c9: {  	v22 =	vld [tilespmem:s21+$0x3A0]  }
0x2ca: {  	v48 =	vld [tilespmem:s21+$0x170]  }
0x2cb: {  	v18 =	vld [tilespmem:s21+$0x1E0]  }
0x2cc: {  	v13 =	vld [tilespmem:s21+$0x250]  }
0x2cd: {  	v17 =	vld [tilespmem:s21+$0x2C0]  }
0x2ce: {  	v2 =	vld [tilespmem:s21+$0x330]  }
0x2cf: {  	v3 =	vld [tilespmem:s21+$0x380]  }
0x2d0: {  	v4 =	vld [tilespmem:s21+$0x390]  }
0x2d1: {  	v23 =	vld [tilespmem:s21+$0xF0]  }
0x2d2: {  	v44 =	vld [tilespmem:s21+$0x160]  }
0x2d3: {  	v11 =	vld [tilespmem:s21+$0x1D0]  }
0x2d4: {  	v36 =	vld [tilespmem:s21+$0x240]  }
0x2d5: {  	v21 =	vld [tilespmem:s21+$0x2B0]  }
0x2d6: {  	v8 =	vld [tilespmem:s21+$0x320]  }
0x2d7: {  	v15 =	vld [tilespmem:s21+$0x70]  }
0x2d8: {  	v60 =	vld [tilespmem:s21+$0xE0]  }
0x2d9: {  	v59 =	vld [tilespmem:s21+$0x150]  }
0x2da: {  	v34 =	vld [tilespmem:s21+$0x1C0]  }
0x2db: {  	v20 =	vld [tilespmem:s21+$0x300]  }
0x2dc: {  	v25 =	vld [tilespmem:s21+$0x310]  }
0x2dd: {  	v42 =	vld [tilespmem:s21+$0x230]  }
0x2de: {  	v38 =	vld [tilespmem:s21+$0x2A0]  }
0x2df: {  	v7 =	vld [tilespmem:s21+$0xFFFFFFF0]  }
0x2e0: {  	v62 =	vld [tilespmem:s21+$0x60];
	[tilespmem:$0x1F8B0] =	vst v60  }
0x2e1: {  	v61 =	vld [tilespmem:s21+$0x140];
	[tilespmem:$0x1F930] =	vst v6  }
0x2e2: {  	v53 =	vld [tilespmem:s21+$0x220];
	v6 =	vsub.f32 v6, v5;
	[tilespmem:$0x1F950] =	vst v14  }
0x2e3: {  	v55 =	vld [tilespmem:s21+$0x280];
	[tilespmem:$0x1F970] =	vst v19;
	v43 =	vsub.f32 v0, v5;
	v56 =	vsub.f32 v20, v46  }
0x2e4: {  	v47 =	vsub.f32 v2, v52;
	[tilespmem:$0x1FA00] =	vst v44;
	v54 =	vsub.f32 v44, v49;
	v44 =	vld [tilespmem:s21+$0x130]  }
0x2e5: {  	[tilespmem:$0x1F990] =	vst v24;
	v57 =	vsub.f32 v25, v12;
	v63 =	vsub.f32 v4, v12;
	v20 =	vmul.f32 v56, v20;
	v56 =	vld [tilespmem:s21+$0xFFFFFF70]  }
0x2e6: {  	[tilespmem:$0x1F920] =	vst v7;
	v39 =	vsub.f32 v3, v46;
	v7 =	vsub.f32 v7, v51;
	v2 =	vmul.f32 v47, v2;
	v47 =	vld [tilespmem:s21+$0x210]  }
0x2e7: {  	[tilespmem:$0x1F940] =	vst v6;
	v6 =	vsub.f32 v14, v51;
	v4 =	vmul.f32 v63, v4;
	v63 =	vsub.f32 v60, v49;
	v60 =	vld [tilespmem:s21+$0x180]  }
0x2e8: {  	v58 =	vsub.f32 v8, v50;
	v25 =	vmul.f32 v57, v25;
	[tilespmem:$0x1FA90] =	vst v7;
	v7 =	vld [tilespmem:s21+$0xFFFFFFD0]  }
0x2e9: {  	v27 =	vsub.f32 v16, v51;
	v3 =	vmul.f32 v39, v3;
	v0 =	vmul.f32 v43, v0;
	[tilespmem:$0x1F960] =	vst v6;
	v6 =	vld [tilespmem:$0x1FFE0]  }
0x2ea: {  	[tilespmem:$0x1F9D0] =	vst v48;
	v43 =	vsub.f32 v59, v5;
	v20 =	vadd.f32 v25, v20;
	v25 =	vmul.f32 v58, v8;
	v58 =	vld [tilespmem:s21+$0x290]  }
0x2eb: {  	v28 =	vsub.f32 v26, v49;
	[tilespmem:$0x1FA30] =	vst v59;
	v8 =	vld [tilespmem:s21+$0xFFFFFFE0];
	v3 =	vadd.f32 v4, v3  }
0x2ec: {  	v30 =	vsub.f32 v9, v51;
	v31 =	vsub.f32 v29, v52;
	v4 =	vld [tilespmem:s21+$0x200];
	[tilespmem:$0x1FA40] =	vst v43  }
0x2ed: {  	v43 =	vld [tilespmem:s21+$0xFFFFFEF0];
	v20 =	vadd.f32 v25, v20;
	[tilespmem:$0x1F9F0] =	vst v3;
	v3 =	vsub.f32 v11, v5  }
0x2ee: {  	v45 =	vmul.f32 v28, v26;
	v26 =	vsub.f32 v38, v50;
	[tilespmem:$0x1F8A0] =	vst v63;
	v63 =	vld [tilespmem:s21+$0xB0];
	v41 =	vsub.f32 v1, v6  }
0x2ef: {  	[tilespmem:$0x1FA10] =	vst v54;
	v2 =	vadd.f32 v2, v20;
	v20 =	vld [tilespmem:s21+$0xC0];
	v3 =	vmul.f32 v3, v11;
	v14 =	vsub.f32 v19, v6  }
0x2f0: {  	v11 =	vld [tilespmem:s21+$0xFFFFFEC0];
	v54 =	vsub.f32 v36, v6;
	[tilespmem:$0x1FB10] =	vst v8;
	v8 =	vsub.f32 v8, v49;
	v1 =	vmul.f32 v41, v1  }
0x2f1: {  	[tilespmem:$0x1F980] =	vst v14;
	v14 =	vsub.f32 v24, v49;
	v24 =	vsub.f32 v48, v51;
	v48 =	vld [tilespmem:s21+$0x1B0]  }
0x2f2: {  	v35 =	vsub.f32 v33, v51;
	[tilespmem:$0x1F8C0] =	vst v26;
	v36 =	vmul.f32 v54, v36;
	v54 =	vld [tilespmem:s21+$0xFFFFFEE0];
	v1 =	vadd.f32 v1, v2  }
0x2f3: {  	v40 =	vsub.f32 v10, v49;
	v37 =	vsub.f32 v18, v49;
	[tilespmem:$0x1FB20] =	vst v8;
	v8 =	vmul.f32 v31, v29;
	v29 =	vld [tilespmem:s21+$0x90]  }
0x2f4: {  	v59 =	vsub.f32 v42, v52;
	v31 =	vld [tilespmem:s21+$0x110];
	[tilespmem:$0x1F9A0] =	vst v14;
	v0 =	vadd.f32 v0, v1  }
0x2f5: {  	v33 =	vmul.f32 v35, v33;
	v26 =	vsub.f32 v47, v12;
	v19 =	vsub.f32 v22, v50;
	[tilespmem:$0x1FA50] =	vst v8;
	v8 =	vld [tilespmem:s21+$0xFFFFFE60]  }
0x2f6: {  	v14 =	vsub.f32 v32, v5;
	[tilespmem:$0x1F9E0] =	vst v24;
	v24 =	vld [tilespmem:s21+$0x50];
	v1 =	vmul.f32 v27, v16;
	v0 =	vadd.f32 v45, v0  }
0x2f7: {  	v35 =	vmul.f32 v19, v22;
	v19 =	vsub.f32 v63, v52;
	v2 =	vld [tilespmem:s21+$0x1A0];
	v16 =	vsub.f32 v4, v46  }
0x2f8: {  	[tilespmem:$0x1F9C0] =	vst v14;
	v14 =	vld [tilespmem:s21+$0xD0];
	v22 =	vsub.f32 v29, v12;
	v0 =	vadd.f32 v1, v0  }
0x2f9: {  	[tilespmem:$0x1F8F0] =	vst v61;
	v45 =	vld [tilespmem:s21+$0xFFFFFF60];
	v1 =	vmul.f32 v16, v4;
	v4 =	vmul.f32 v26, v47;
	v16 =	vsub.f32 v53, v50  }
0x2fa: {  	v19 =	vmul.f32 v19, v63;
	v29 =	vmul.f32 v22, v29;
	v22 =	vld [tilespmem:s21+$0xFFFFFFB0];
	[tilespmem:$0x1FB70] =	vst v8;
	v26 =	vsub.f32 v62, v49  }
0x2fb: {  	v63 =	vsub.f32 v8, v49;
	v8 =	vld [tilespmem:$0x1F8F0];
	[tilespmem:$0x1F900] =	vst v0;
	v1 =	vadd.f32 v4, v1;
	v4 =	vmul.f32 v16, v53  }
0x2fc: {  	v57 =	vsub.f32 v13, v5;
	v30 =	vmul.f32 v30, v9;
	v0 =	vld [tilespmem:s21+$0x190];
	[tilespmem:$0x1F8D0] =	vst v26;
	v26 =	vsub.f32 v61, v6  }
0x2fd: {  	v9 =	vsub.f32 v55, v46;
	v47 =	vld [tilespmem:s21+$0x40];
	v1 =	vadd.f32 v4, v1;
	v4 =	vmul.f32 v59, v42  }
0x2fe: {  	v13 =	vmul.f32 v57, v13;
	v16 =	vsub.f32 v58, v12;
	[tilespmem:$0x1F8E0] =	vst v26;
	v26 =	vld [tilespmem:s21+$0x120];
	v42 =	vsub.f32 v60, v46  }
0x2ff: {  	v57 =	vsub.f32 v44, v52;
	v59 =	vld [tilespmem:s21+$0xFFFFFE70];
	v1 =	vadd.f32 v4, v1;
	v4 =	vmul.f32 v9, v55  }
0x300: {  	v55 =	vmul.f32 v16, v58;
	v16 =	vld [tilespmem:s21+$0xFFFFFF50];
	v42 =	vmul.f32 v42, v60;
	v60 =	vsub.f32 v2, v50  }
0x301: {  	v61 =	vsub.f32 v48, v52;
	v9 =	vld [tilespmem:s21+$0xFFFFFFC0];
	v53 =	vsub.f32 v0, v12  }
0x302: {  	v25 =	vsub.f32 v15, v51;
	v58 =	vld [tilespmem:s21+$0xFFFFFF40];
	v1 =	vadd.f32 v36, v1;
	v2 =	vmul.f32 v60, v2  }
0x303: {  	v4 =	vadd.f32 v55, v4;
	v60 =	vmul.f32 v61, v48;
	v48 =	vld [tilespmem:s21+$0x80];
	v0 =	vmul.f32 v53, v0  }
0x304: {  	v39 =	vsub.f32 v17, v6;
	v28 =	vsub.f32 v34, v6;
	v36 =	vld [tilespmem:s21+$0xA0]  }
0x305: {  	v10 =	vmul.f32 v40, v10;
	[tilespmem:$0x1FA20] =	vst v4;
	v4 =	vld [tilespmem:s21+$0x30];
	v1 =	vadd.f32 v13, v1;
	v0 =	vadd.f32 v0, v42  }
0x306: {  	[tilespmem:$0x1FB30] =	vst v7;
	v41 =	vsub.f32 v21, v52;
	v13 =	vmul.f32 v28, v34;
	v34 =	vsub.f32 v7, v5;
	v7 =	vld [tilespmem:s21+$0xFFFFFE50]  }
0x307: {  	v42 =	vld [tilespmem:s21+$0x100];
	v1 =	vadd.f32 v10, v1;
	v0 =	vadd.f32 v2, v0  }
0x308: {  	[tilespmem:$0x1F9B0] =	vst v32;
	v37 =	vmul.f32 v37, v18;
	v32 =	vsub.f32 v23, v51;
	v10 =	vld [tilespmem:s21+$0xFFFFFDF0];
	v18 =	vsub.f32 v48, v46  }
0x309: {  	v61 =	vadd.f32 v30, v1;
	v2 =	vadd.f32 v60, v0;
	v60 =	vmul.f32 v39, v17;
	v17 =	vld [tilespmem:s21+$0x0]  }
0x30a: {  	v18 =	vmul.f32 v18, v48;
	v39 =	vsub.f32 v59, v51;
	v48 =	vmul.f32 v41, v21;
	v21 =	vld [tilespmem:s21+$0xFFFFFDE0]  }
0x30b: {  	v15 =	vmul.f32 v25, v15;
	[tilespmem:$0x1F910] =	vst v61;
	v61 =	vsub.f32 v36, v50;
	v2 =	vadd.f32 v13, v2;
	v13 =	vld [tilespmem:s21+$0xFFFFFED0]  }
0x30c: {  	v27 =	vmov v62;
	v40 =	vsub.f32 v24, v5;
	v62 =	vsub.f32 v14, v5;
	[tilespmem:$0x1FB60] =	vst v39;
	v39 =	vld [tilespmem:$0x1F8D0]  }
0x30d: {  	v55 =	vsub.f32 v20, v6;
	[tilespmem:$0x1FB50] =	vst v59;
	v29 =	vadd.f32 v29, v18;
	v59 =	vmul.f32 v61, v36;
	v61 =	vld [tilespmem:s21+$0xFFFFFD70]  }
0x30e: {  	v23 =	vmul.f32 v32, v23;
	v53 =	vsub.f32 v56, v51;
	v2 =	vadd.f32 v3, v2;
	v3 =	vld [tilespmem:s21+$0x10]  }
0x30f: {  	v32 =	vsub.f32 v26, v50;
	v25 =	vadd.f32 v59, v29;
	v59 =	vmul.f32 v55, v20;
	v55 =	vld [tilespmem:s21+$0xFFFFFF30]  }
0x310: {  	v29 =	vmul.f32 v62, v14;
	v62 =	vsub.f32 v17, v46;
	v2 =	vadd.f32 v37, v2;
	v37 =	vld [tilespmem:s21+$0x20]  }
0x311: {  	v28 =	vsub.f32 v43, v51;
	v20 =	vsub.f32 v31, v12;
	v14 =	vld [tilespmem:$0x1F8B0]  }
0x312: {  	v17 =	vmul.f32 v62, v17;
	v62 =	vld [tilespmem:s21+$0xFFFFFFA0];
	v30 =	vadd.f32 v33, v2;
	v33 =	vsub.f32 v42, v46  }
0x313: {  	[tilespmem:$0x1FA60] =	vst v35;
	v19 =	vadd.f32 v19, v25;
	v31 =	vmul.f32 v20, v31;
	v20 =	vld [tilespmem:s21+$0xFFFFFC70];
	v0 =	vsub.f32 v3, v12  }
0x314: {  	v35 =	vsub.f32 v16, v5;
	[tilespmem:$0x1FB40] =	vst v34;
	v34 =	vsub.f32 v47, v6;
	v33 =	vmul.f32 v33, v42;
	v42 =	vld [tilespmem:$0x1F8A0]  }
0x315: {  	v19 =	vadd.f32 v59, v19;
	v59 =	vld [tilespmem:s21+$0xFFFFFE40];
	v41 =	vsub.f32 v37, v50;
	v3 =	vmul.f32 v0, v3  }
0x316: {  	v1 =	vsub.f32 v45, v49;
	[tilespmem:$0x1FAA0] =	vst v60;
	v60 =	vadd.f32 v31, v33;
	v31 =	vld [tilespmem:s21+$0xFFFFFD60]  }
0x317: {  	v18 =	vsub.f32 v9, v6;
	v33 =	vld [tilespmem:$0x1F8C0];
	v3 =	vadd.f32 v3, v17;
	v17 =	vmul.f32 v41, v37  }
0x318: {  	v36 =	vsub.f32 v10, v51;
	v25 =	vsub.f32 v4, v52;
	v41 =	vld [tilespmem:s21+$0xFFFFFCF0]  }
0x319: {  	[tilespmem:$0x1FAC0] =	vst v48;
	v48 =	vmul.f32 v42, v14;
	v3 =	vadd.f32 v17, v3;
	v17 =	vadd.f32 v29, v19;
	v29 =	vld [tilespmem:s21+$0xFFFFFDD0]  }
0x31a: {  	v2 =	vsub.f32 v54, v49;
	v4 =	vmul.f32 v25, v4;
	v25 =	vsub.f32 v13, v5;
	v42 =	vld [tilespmem:$0x1F8E0]  }
0x31b: {  	v1 =	vmul.f32 v1, v45;
	v45 =	vsub.f32 v20, v51;
	v14 =	vadd.f32 v48, v17;
	v17 =	vld [tilespmem:s21+$0xFFFFFF00]  }
0x31c: {  	v19 =	vsub.f32 v58, v6;
	v3 =	vadd.f32 v4, v3;
	v4 =	vmul.f32 v34, v47;
	v34 =	vld [tilespmem:s21+$0xFFFFFF10]  }
0x31d: {  	[tilespmem:$0x1FB90] =	vst v7;
	v27 =	vmul.f32 v39, v27;
	v37 =	vsub.f32 v61, v51;
	v47 =	vsub.f32 v7, v5;
	v7 =	vld [tilespmem:s21+$0xFFFFFCE0]  }
0x31e: {  	v0 =	vmul.f32 v33, v38;
	v33 =	vsub.f32 v22, v52;
	v19 =	vmul.f32 v19, v58;
	v58 =	vld [tilespmem:s21+$0xFFFFFCD0]  }
0x31f: {  	[tilespmem:$0x1FA70] =	vst v60;
	v38 =	vsub.f32 v21, v49;
	v48 =	vmul.f32 v57, v44;
	v60 =	vsub.f32 v41, v51;
	v51 =	vld [tilespmem:s21+$0xFFFFFD40]  }
0x320: {  	v3 =	vadd.f32 v4, v3;
	v4 =	vmul.f32 v40, v24;
	v40 =	vadd.f32 v23, v14;
	v14 =	vld [tilespmem:s21+$0xFFFFFEB0]  }
0x321: {  	v57 =	vmul.f32 v32, v26;
	v32 =	vsub.f32 v31, v49;
	[tilespmem:$0x1FAD0] =	vst v0;
	v23 =	vld [tilespmem:s21+$0xFFFFFF20];
	v0 =	vmul.f32 v42, v8  }
0x322: {  	v24 =	vld [tilespmem:s21+$0xFFFFFF80];
	v8 =	vsub.f32 v55, v52;
	v42 =	vmul.f32 v28, v43;
	v43 =	vsub.f32 v62, v50  }
0x323: {  	v39 =	vmul.f32 v53, v56;
	[tilespmem:$0x1FBA0] =	vst v47;
	v47 =	vld [tilespmem:s21+$0xFFFFFEA0];
	v44 =	vsub.f32 v29, v5;
	v3 =	vadd.f32 v4, v3  }
0x324: {  	v2 =	vmul.f32 v2, v54;
	[tilespmem:$0x1FA80] =	vst v40;
	v40 =	vld [tilespmem:s21+$0xFFFFFE80];
	v28 =	vsub.f32 v17, v46;
	v53 =	vsub.f32 v34, v12  }
0x325: {  	[tilespmem:$0x1FB80] =	vst v63;
	v8 =	vmul.f32 v8, v55;
	v55 =	vmul.f32 v18, v9;
	v3 =	vadd.f32 v27, v3;
	v27 =	vld [tilespmem:s21+$0xFFFFFE90]  }
0x326: {  	[tilespmem:$0x1FB00] =	vst v57;
	v57 =	vld [tilespmem:s21+$0xFFFFFE30];
	v4 =	vsub.f32 v11, v6;
	v18 =	vmul.f32 v36, v10;
	v63 =	vmul.f32 v28, v17  }
0x327: {  	[tilespmem:$0x1FAE0] =	vst v0;
	v0 =	vld [tilespmem:s21+$0xFFFFFDC0];
	v26 =	vsub.f32 v23, v50;
	v56 =	vadd.f32 v15, v3;
	v15 =	vmul.f32 v53, v34  }
0x328: {  	[tilespmem:$0x1FBC0] =	vst v60;
	v60 =	vsub.f32 v59, v6;
	v9 =	vld [tilespmem:s21+$0xFFFFFC40];
	v10 =	vmul.f32 v25, v13;
	v4 =	vmul.f32 v4, v11  }
0x329: {  	v36 =	vld [tilespmem:s21+$0xFFFFFE10];
	v11 =	vmul.f32 v38, v21;
	v23 =	vmul.f32 v26, v23;
	v3 =	vadd.f32 v15, v63  }
0x32a: {  	v17 =	vld [tilespmem:s21+$0xFFFFFF90];
	v15 =	vmul.f32 v35, v16;
	v16 =	vsub.f32 v40, v46;
	v28 =	vsub.f32 v27, v12  }
0x32b: {  	[tilespmem:$0x1FBB0] =	vst v41;
	v21 =	vmul.f32 v43, v62;
	v43 =	vld [tilespmem:s21+$0xFFFFFD00];
	v41 =	vsub.f32 v47, v50;
	v54 =	vsub.f32 v14, v52  }
0x32c: {  	v34 =	vld [tilespmem:s21+$0xFFFFFC60];
	v16 =	vmul.f32 v16, v40;
	v3 =	vadd.f32 v23, v3;
	v27 =	vmul.f32 v28, v27  }
0x32d: {  	v38 =	vld [tilespmem:s21+$0xFFFFFC00];
	v53 =	vmovc v59;
	v59 =	vmul.f32 v33, v22;
	v33 =	vsub.f32 v51, v6;
	v23 =	vsub.f32 v24, v46  }
0x32e: {  	v35 =	vld [tilespmem:s21+$0xFFFFFD50];
	v3 =	vadd.f32 v8, v3;
	v16 =	vadd.f32 v27, v16;
	v27 =	vmul.f32 v41, v47  }
0x32f: {  	v26 =	vld [tilespmem:s21+$0xFFFFFC50];
	v25 =	vsub.f32 v9, v6;
	v28 =	vsub.f32 v17, v12;
	v8 =	vmul.f32 v23, v24  }
0x330: {  	v40 =	vld [tilespmem:s21+$0xFFFFFDB0];
	v23 =	vmul.f32 v54, v14;
	v3 =	vadd.f32 v19, v3;
	v16 =	vadd.f32 v27, v16  }
0x331: {  	v14 =	vld [tilespmem:s21+$0xFFFFFE20];
	v24 =	vsub.f32 v7, v49;
	v17 =	vmul.f32 v28, v17;
	v47 =	vsub.f32 v34, v49  }
0x332: {  	v19 =	vld [tilespmem:s21+$0xFFFFFD30];
	v3 =	vadd.f32 v15, v3;
	v16 =	vadd.f32 v23, v16  }
0x333: {  	[tilespmem:$0x1FAF0] =	vst v48;
	v48 =	vsub.f32 v35, v5;
	v54 =	vadd.f32 v17, v8;
	v8 =	vld [tilespmem:s21+$0xFFFFFCC0]  }
0x334: {  	v17 =	vld [tilespmem:s21+$0xFFFFFD90];
	v1 =	vadd.f32 v1, v3;
	v4 =	vadd.f32 v4, v16  }
0x335: {  	v41 =	vsub.f32 v0, v6;
	v28 =	vsub.f32 v26, v5;
	v3 =	vld [tilespmem:s21+$0xFFFFFD80]  }
0x336: {  	v15 =	vmul.f32 v37, v61;
	v61 =	vadd.f32 v39, v1;
	v1 =	vld [tilespmem:s21+$0xFFFFFE00];
	v4 =	vadd.f32 v10, v4  }
0x337: {  	v13 =	vmul.f32 v47, v34;
	v47 =	vsub.f32 v43, v46;
	v10 =	vsub.f32 v58, v5;
	v5 =	vld [tilespmem:$0x1F900]  }
0x338: {  	v22 =	vmul.f32 v45, v20;
	v23 =	vsub.f32 v57, v52;
	v2 =	vadd.f32 v2, v4;
	v4 =	vld [tilespmem:s21+$0xFFFFFDA0]  }
0x339: {  	v27 =	vsub.f32 v14, v50;
	v16 =	vmul.f32 v32, v31;
	v32 =	vld [tilespmem:s21+$0xFFFFFC30];
	v37 =	vsub.f32 v19, v52  }
0x33a: {  	[tilespmem:$0x1FAB0] =	vst v56;
	v31 =	vmul.f32 v44, v29;
	v29 =	vld [tilespmem:s21+$0xFFFFFCB0];
	v39 =	vsub.f32 v40, v52;
	v56 =	vsub.f32 v17, v12  }
0x33b: {  	v45 =	vmul.f32 v47, v43;
	v49 =	vsub.f32 v3, v46;
	v62 =	vadd.f32 v42, v2;
	v2 =	vld [tilespmem:s21+$0xFFFFFD10]  }
0x33c: {  	v63 =	vmul.f32 v56, v17;
	v56 =	vmul.f32 v48, v35;
	v34 =	vsub.f32 v1, v46;
	(xrf2) =	vadd.scan.msk.f32 $0xffff, v5;
	v5 =	vld [tilespmem:$0x1F910]  }
0x33d: {  	p0 =	sne.s32 s23, $0x240;
	v17 =	vld [tilespmem:s21+$0xFFFFFD20];
	v3 =	vmul.f32 v49, v3;
	v49 =	vsub.f32 v36, v12;
	v35 =	vsub.f32 v4, v50  }
.Ltmp1:
0x33e: {  	v43 =	vld [tilespmem:s21+$0xFFFFFC90];
	v20 =	vsub.f32 v8, v6;
	v44 =	vmul.f32 v39, v40;
	v1 =	vmul.f32 v34, v1;
	(pc) =	sbr.rel @p0 .LBB2_5-.Ltmp1, $4  }
0x33f: {  	v40 =	vld [tilespmem:s21+$0xFFFFFC80];
	v3 =	vadd.f32 v63, v3;
	v63 =	vmul.f32 v49, v36;
	v4 =	vmul.f32 v35, v4  }
0x340: {  	v39 =	vmul.f32 v41, v0;
	v41 =	vld [tilespmem:$0x1F920];
	v36 =	vsub.f32 v32, v52;
	v48 =	vsub.f32 v2, v12  }
0x341: {  	v42 =	vld [tilespmem:s21+$0xFFFFFC10];
	v63 =	vadd.f32 v63, v1;
	(xrf2) =	vadd.scan.msk.f32 $0xffff, v5;
	v35 =	vadd.f32 v4, v3  }
0x342: {  	s22 =	smov.u32 s23;
	s23 =	sadd.s32 $0x40, s23;
	v34 =	vld [tilespmem:s21+$0xFFFFFC20];
	v47 =	vmul.f32 v48, v2;
	(xrf2) =	vadd.scan.msk.f32 $0xffff, v30;
	v30 =	vsub.f32 v29, v52;
	v48 =	vsub.f32 v17, v50  }
0x343: {  	v5 =	vld [tilespmem:$0x1FF80];
	_ =	sdelay $0x4  }
0x344: {  	v4 =	vmul.f32 v48, v17;
	v2 =	vsub.f32 v38, v5;
	v48 =	vsub.f32 v40, v5;
	v5 =	vld [tilespmem:$0x1FA80];
	_ =	sdelay $0x3  }
0x345: {  	v6 =	vld [tilespmem:$0x1FF90]  }
0x346: {  	(xrf2) =	vadd.scan.msk.f32 $0xffff, v5;
	v5 =	vld [tilespmem:$0x1FAB0];
	_ =	sdelay $0x2  }
0x347: {  	v3 =	vadd.f32 v47, v45  }
0x348: {  	v45 =	vsub.f32 v42, v6;
	v49 =	vsub.f32 v43, v6;
	v6 =	vld [tilespmem:$0x1FBA0]  }
0x349: {  	(xrf2) =	vadd.scan.msk.f32 $0xffff, v5;
	v5 =	vld [tilespmem:$0x1FB90];
	_ =	sdelay $0x4  }
0x34a: {  	v52 =	vmul.f32 v36, v32;
	v32 =	vmul.f32 v6, v5;
	v5 =	vld [tilespmem:$0x1FBB0]  }
0x34b: {  	v6 =	vld [tilespmem:$0x1FBC0];
	_ =	sdelay $0x3  }
0x34c: {  	v46 =	vld [tilespmem:$0x1FFA0]  }
0x34d: {  	v12 =	vmul.f32 v33, v51;
	v33 =	vmul.f32 v6, v5;
	v5 =	vld [tilespmem:$0x1FB70]  }
0x34e: {  	v6 =	vld [tilespmem:$0x1FB80];
	_ =	sdelay $0x2  }
0x34f: {  	v1 =	vadd.f32 v44, v35;
	v44 =	vld [tilespmem:s21+$0xFFFFFCA0];
	v47 =	vsub.f32 v34, v46  }
0x350: {  	v3 =	vadd.f32 v4, v3;
	v4 =	vmul.f32 v37, v19  }
0x351: {  	v1 =	vadd.f32 v39, v1;
	v50 =	vmul.f32 v47, v34;
	v34 =	vmul.f32 v6, v5;
	v5 =	vld [tilespmem:$0x1FA70]  }
0x352: {  	v3 =	vadd.f32 v4, v3;
	v6 =	vld [tilespmem:$0x1FB00]  }
0x353: {  	v1 =	vadd.f32 v31, v1  }
0x354: {  	v0 =	vmul.f32 v28, v26;
	v4 =	vsub.f32 v44, v46;
	v3 =	vadd.f32 v12, v3  }
0x355: {  	v1 =	vadd.f32 v11, v1;
	v2 =	vmul.f32 v2, v38;
	v26 =	vmul.f32 v45, v42  }
0x356: {  	v51 =	vmul.f32 v48, v40;
	v19 =	vmul.f32 v49, v43;
	v3 =	vadd.f32 v56, v3  }
0x357: {  	v2 =	vadd.f32 v26, v2;
	v35 =	vadd.f32 v6, v5;
	v5 =	vld [tilespmem:$0x1FB30]  }
0x358: {  	v4 =	vmul.f32 v4, v44;
	v19 =	vadd.f32 v19, v51;
	v3 =	vadd.f32 v16, v3;
	v6 =	vld [tilespmem:$0x1FB40]  }
0x359: {  	v9 =	vmul.f32 v25, v9;
	v1 =	vadd.f32 v18, v1;
	v2 =	vadd.f32 v50, v2;
	(xrf2) =	vadd.scan.msk.f32 $0xffff, v61  }
0x35a: {  	v25 =	vmul.f32 v30, v29;
	v4 =	vadd.f32 v4, v19;
	v3 =	vadd.f32 v15, v3;
	(xrf2) =	vadd.scan.msk.f32 $0xffff, v62  }
0x35b: {  	v2 =	vadd.f32 v52, v2;
	(xrf2) =	vadd.scan.msk.f32 $0xffff, v1  }
0x35c: {  	v8 =	vmul.f32 v20, v8;
	v4 =	vadd.f32 v25, v4;
	(xrf2) =	vadd.scan.msk.f32 $0xffff, v3;
	v3 =	vld [tilespmem:$0x1FB50]  }
0x35d: {  	v2 =	vadd.f32 v9, v2;
	v36 =	vmul.f32 v6, v5;
	v5 =	vld [tilespmem:$0x1FB60]  }
0x35e: {  	v28 =	vmul.f32 v10, v58;
	v4 =	vadd.f32 v8, v4  }
0x35f: {  	v0 =	vadd.f32 v0, v2  }
0x360: {  	v30 =	vmul.f32 v24, v7;
	v31 =	vadd.f32 v21, v54;
	v4 =	vadd.f32 v28, v4  }
0x361: {  	v0 =	vadd.f32 v13, v0  }
0x362: {  	v10 =	vadd.f32 v59, v31;
	v4 =	vadd.f32 v30, v4;
	v3 =	vmul.f32 v5, v3;
	v5 =	vld [tilespmem:$0x1FAF0]  }
0x363: {  	v0 =	vadd.f32 v22, v0  }
0x364: {  	v26 =	vmul.f32 v27, v14;
	v1 =	vadd.f32 v33, v4;
	v4 =	vadd.f32 v55, v10;
	_ =	sdelay $0x1  }
0x365: {  	v27 =	vmul.f32 v23, v57;
	v2 =	vadd.f32 v26, v63;
	(xrf2) =	vadd.scan.msk.f32 $0xffff, v0;
	v0 =	vadd.f32 v36, v4;
	v4 =	vld [tilespmem:$0x1FB10]  }
0x366: {  	v37 =	vadd.f32 v5, v35;
	v5 =	vld [tilespmem:$0x1FB20]  }
0x367: {  	v29 =	vmul.f32 v60, v53;
	v2 =	vadd.f32 v27, v2;
	_ =	sdelay $0x1  }
0x368: {  	v2 =	vadd.f32 v29, v2  }
0x369: {  	v6 =	vld [tilespmem:$0x1FAD0]  }
0x36a: {  	v2 =	vadd.f32 v32, v2;
	v4 =	vmul.f32 v5, v4;
	v5 =	vld [tilespmem:$0x1FA20];
	_ =	sdelay $0x1  }
0x36b: {  	v2 =	vadd.f32 v34, v2;
	_ =	sdelay $0x1  }
0x36c: {  	(xrf2) =	vadd.scan.msk.f32 $0xffff, v1;
	v1 =	vadd.f32 v3, v2;
	v3 =	vld [tilespmem:$0x1FA30]  }
0x36d: {  	v38 =	vadd.f32 v6, v5;
	v5 =	vld [tilespmem:$0x1FA40];
	_ =	sdelay $0x1  }
0x36e: {  	v2 =	vld [tilespmem:$0x1FAE0];
	_ =	sdelay $0x2  }
0x36f: {  	v3 =	vmul.f32 v5, v3;
	v5 =	vld [tilespmem:$0x1FA90];
	_ =	sdelay $0x1  }
0x370: {  	v2 =	vadd.f32 v2, v37;
	_ =	sdelay $0x1  }
0x371: {  	v2 =	vadd.f32 v3, v2;
	v3 =	vld [tilespmem:$0x1FA00]  }
0x372: {  	v42 =	vmul.f32 v5, v41;
	v5 =	vld [tilespmem:$0x1FA10];
	_ =	sdelay $0x3  }
0x373: {  	v6 =	vld [tilespmem:$0x1FA60]  }
0x374: {  	v3 =	vmul.f32 v5, v3;
	v5 =	vld [tilespmem:$0x1F9F0];
	_ =	sdelay $0x4  }
0x375: {  	v44 =	vadd.f32 v6, v5;
	v5 =	vld [tilespmem:$0x1F9B0]  }
0x376: {  	v6 =	vld [tilespmem:$0x1F9C0];
	_ =	sdelay $0x4  }
0x377: {  	v45 =	vmul.f32 v6, v5;
	v5 =	vld [tilespmem:$0x1F9D0]  }
0x378: {  	v6 =	vld [tilespmem:$0x1F9E0];
	_ =	sdelay $0x4  }
0x379: {  	v47 =	vmul.f32 v6, v5;
	v5 =	vld [tilespmem:$0x1F990]  }
0x37a: {  	v6 =	vld [tilespmem:$0x1F9A0];
	_ =	sdelay $0x4  }
0x37b: {  	v49 =	vmul.f32 v6, v5;
	v5 =	vld [tilespmem:$0x1F970]  }
0x37c: {  	v6 =	vld [tilespmem:$0x1F980];
	_ =	sdelay $0x4  }
0x37d: {  	v51 =	vmul.f32 v6, v5;
	v5 =	vld [tilespmem:$0x1FA50];
	_ =	sdelay $0x3  }
0x37e: {  	v6 =	vld [tilespmem:$0x1F960]  }
0x37f: {  	v12 =	vadd.f32 v5, v44;
	v5 =	vld [tilespmem:$0x1F950];
	_ =	sdelay $0x3  }
0x380: {  	v0 =	vadd.f32 v4, v0;
	v4 =	vld [tilespmem:$0x1FAC0]  }
0x381: {  	v52 =	vmul.f32 v6, v5;
	v5 =	vld [tilespmem:$0x1F930]  }
0x382: {  	v6 =	vld [tilespmem:$0x1F940];
	_ =	sdelay $0x1  }
0x383: {  	v39, _, _ =	vpop (xrf2);
	(xrf2) =	vadd.scan.msk.f32 $0xffff, v1;
	v1 =	vld [tilespmem:$0x1FAA0];
	_ =	sdelay $0x1  }
0x384: {  	v46 =	vld [tilespmem:s21+$0x3E0];
	v4 =	vadd.f32 v4, v38  }
0x385: {  	v54 =	vmul.f32 v6, v5;
	v5 =	vld [tilespmem:$0x1FFB0]  }
0x386: {  	v40, _, _ =	vpop (xrf2)  }
0x387: {  	v43, _, _ =	vpop (xrf2);
	v1 =	vadd.f32 v1, v4;
	v0 =	vadd.f32 v42, v0  }
0x388: {  	v4, _, _ =	vpop (xrf2);
	v2 =	vadd.f32 v3, v2  }
0x389: {  	v50 =	vld [tilespmem:s21+$0x3F0];
	v3, _, _ =	vpop (xrf2);
	v1 =	vadd.f32 v45, v1  }
0x38a: {  	v48, _, _ =	vpop (xrf2);
	v2 =	vadd.f32 v47, v2;
	v56 =	vsub.f32 v46, v5;
	v5 =	vld [tilespmem:$0x1FFC0]  }
0x38b: {  	(xrf2) =	vadd.scan.msk.f32 $0xffff, v0;
	v0, _, _ =	vpop (xrf2)  }
0x38c: {  	v53, _, _ =	vpop (xrf2);
	v1 =	vadd.f32 v49, v1  }
0x38d: {  	v55, _, _ =	vpop (xrf2);
	v12 =	vadd.f32 v51, v12  }
0x38e: {  	(xrf2) =	vadd.scan.msk.f32 $0xffff, v2;
	v2, _, _ =	vpop (xrf2);
	v1 =	vadd.f32 v52, v1  }
0x38f: {  	v59, _, _ =	vpop (xrf2);
	v57 =	vadd.f32 v54, v12;
	v14 =	vmul.f32 v56, v46;
	v58 =	vsub.f32 v50, v5  }
0x390: {  	v2 =	vbroadcast v2, $0xF;
	v17 =	vbroadcast v59, $0xF  }
0x391: {  	(xrf2) =	vadd.scan.msk.f32 $0xffff, v1;
	v1 =	vbroadcast v55, $0xF;
	v10 =	vadd.f32 v14, v57;
	v12 =	vmul.f32 v58, v50  }
0x392: {  	v2 =	vsel vm0, v2, v17  }
0x393: {  	v1 =	vsel vm1, v2, v1;
	v2 =	vadd.f32 v12, v10  }
0x394: {  	v60 =	vbroadcast v53, $0xF;
	v61, _, _ =	vpop (xrf2)  }
0x395: {  	v62 =	vbroadcast v61, $0xF  }
0x396: {  	v0 =	vbroadcast v0, $0xF;
	v1 =	vsel vm2, v1, v60  }
0x397: {  	v63 =	vbroadcast v48, $0xF;
	v1 =	vsel vm3, v1, v62;
	(xrf2) =	vadd.scan.msk.f32 $0xffff, v2;
	v2, _, _ =	vpop (xrf2)  }
0x398: {  	v0 =	vsel vm4, v1, v0;
	v1 =	vbroadcast v2, $0xF  }
0x399: {  	v0 =	vsel vm5, v0, v63;
	v2 =	vbroadcast v3, $0xF  }
0x39a: {  	v3, _, _ =	vpop (xrf2);
	v0 =	vsel vm6, v0, v1;
	v1 =	vbroadcast v4, $0xF  }
0x39b: {  	v0 =	vsel vm7, v0, v2;
	v2 =	vbroadcast v3, $0xF  }
0x39c: {  	v0 =	vsel vm8, v0, v1;
	v1 =	vbroadcast v43, $0xF  }
0x39d: {  	v3, _, _ =	vpop (xrf2);
	v0 =	vsel vm9, v0, v2  }
0x39e: {  	v2 =	vbroadcast v40, $0xF;
	v0 =	vsel vm10, v0, v1;
	v1 =	vbroadcast v3, $0xF;
	_ =	sdelay $0x1  }
0x39f: {  	v0 =	vsel vm11, v0, v2;
	v2 =	vbroadcast v39, $0xF  }
0x3a0: {  	v0 =	vsel vm12, v0, v1  }
0x3a1: {  	v0 =	vsel vm13, v0, v2;
	v1, _, _ =	vpop (xrf2)  }
0x3a2: {  	v0 =	vsel vm14, v0, v1;
	v1 =	vld [tilespmem:$0x1FBE0];
	_ =	sdelay $0x1  }
0x3a3: {  	s20 =	sadd.s32 $0x1, s20  }
0x3a4: {  	p0 =	sne.s32 s20, $0xA  }
.Ltmp2:
0x3a5: {  	_ = 	snop;
	(pc) =	sbr.rel @p0 .LBB2_2-.Ltmp2, $4  }
0x3a6: {  	_ = 	snop  }
0x3a7: {  	v5 =	vld [tilespmem:$0x1FFF0]  }
0x3a8: {  	s31 =	sshra.s32 s22, $0x2;
	v4 =	vld [tilespmem:$0x1FFE0]  }
0x3a9: {  	s19 =	sadd.s32 $0x140, s19;
	s18 =	sadd.s32 $0x140, s18;
	v3 =	vld [tilespmem:$0x1FFD0];
	[tilespmem:v1+s31+$0x0 ss:$0x1] =	vst.idx.msk $0xffff, v0  }
0x3aa: {  	s17 =	sadd.s32 $0x1, s17  }
0x3ab: {  	p0 =	sne.s32 s17, s9  }
.Ltmp3:
0x3ac: {  	_ = 	snop;
	(pc) =	sbr.rel @p0 .LBB2_1-.Ltmp3, $4  }
0x3ad: {  	[hbm4b:s8+s5] =	stream.linear.scatter [tilespmem:s15], [sflag:$0x4], $0xC80, $0x38;
	[tilespmem:$0xAD00] =	vst v63  }
0x3ae: {  	_ =	swait.ge [sflag:s16], $0xC80  }
0x3af: {  	[sflag:s16] =	ssyncset.done $0x0  }
0x3b0: {  	[sflag:s16] =	ssyncadd.s32 $0xFFFFF380  }
0x3b1: {  	_ =	sfence.sel $0x180000  }
0x3b2: {  	[bflag:$0x0] =	sbarrier.arrive $0xFFFF  }
0x3b3: {  	p0 =	sne.s32 s0, $0x0;
	_ =	strace $0x90000047  }
0x3b4: {  	s0 =	sadd.s32 @!p0 $0x100000, s2;
	[bflag:$0x2] =	sbarrier.arrive $0xFFFF  }
0x3b5: {  	[sflag:s0] =	ssyncadd.tile.s32 @!p0 $0x1;
	_ =	shalt  }
.Lfunc_end2:
_tile_overlayer_lowered:
.L_overlay_start_2:
0x3b6: {  	(tag) =	ssettag $0x2  }
0x3b7: {  	s0 =	rddreg [dreg:$0x0];
	s2 =	stileid.u32  }
0x3b8: {  	s1 =	rddreg [dreg:$0x1];
	p0 =	sne.s32 s2, $0x0  }
0x3b9: {  	s3 =	rddreg [dreg:$0x2];
	[bflag:$0x3] =	sbarrier.arrive $0xFFFF;
	s2 =	simm.s32 @!p0 $0x1C05  }
0x3ba: {  	[timem:s3], [sflag:s2] =	dma.local @!p0 [hbm:s0], s1  }
0x3bb: {  	s0 =	simm.s32 @!p0 $0x5  }
0x3bc: {  	_ =	swait.ge @!p0 [sflag:s0], s1  }
0x3bd: {  	s1 =	ssub.s32 @!p0 $0x0, s1;
	[sflag:s0] =	ssyncset.done @!p0 $0x0  }
0x3be: {  	[sflag:s0] =	ssyncadd.s32 @!p0 s1  }
0x3bf: {  	[bflag:$0x3] =	sbarrier.arrive $0xFFFF  }
0x3c0: {  	_ =	shalt  }

</sc_bundles>
